<compile_context>
chip_gen: v7x
topology: tpu7x:2x2x1
jax: 0.10.2.dev20260603
libtpu: 0.0.44.dev20260713+nightly
codegen_flags: <defaults>
</compile_context>

<pallas_src>
import functools

import jax
import jax.numpy as jnp
from jax import lax
from jax.experimental import pallas as pl
from jax.experimental.pallas import tpu as pltpu
from jax.experimental.pallas import tpu_sc as plsc

_L = 16
_K = 128
_NC = 2
_NS = 16
_NW = _NC * _NS



_NBUF = 4


def _deg_kernel(n, np_rows, ns0, ns1):
  mesh = plsc.VectorSubcoreMesh(core_axis_name="c", subcore_axis_name="s")
  nc0, nc1 = ns0 * _NBUF, ns1 * _NBUF
  nc_max = max(nc0, nc1)

  @functools.partial(
      pl.kernel, mesh=mesh,
      out_type=jax.ShapeDtypeStruct((_NC, n), jnp.float32),
      compiler_params=pltpu.CompilerParams(use_tc_tiling_on_sc=False),
      scratch_types=[
          pltpu.VMEM((nc_max, _K), jnp.int32),
          pltpu.VMEM((_K,), jnp.float32),
          pltpu.VMEM((np_rows,), jnp.float32),
          pltpu.VMEM_SHARED((np_rows,), jnp.float32),
          pltpu.SemaphoreType.DMA,
      ] + [pltpu.SemaphoreType.DMA] * _NBUF)
  def degk(dst_hbm, out_hbm, idx_d, ones_v, zbuf, acc, sem_i, *sem_sc):
    c = lax.axis_index("c")
    s = lax.axis_index("s")

    @pl.when(c == 0)
    def _stage0():
      pltpu.async_copy(dst_hbm.at[pl.ds(s * nc0, nc0), :],
                       idx_d.at[pl.ds(0, nc0), :], sem_i)

    @pl.when(c == 1)
    def _stage1():
      pltpu.async_copy(dst_hbm.at[pl.ds(_NS * nc0 + s * nc1, nc1), :],
                       idx_d.at[pl.ds(0, nc1), :], sem_i)

    for j in range(_K // _L):
      ones_v[pl.ds(j * _L, _L)] = jnp.ones((_L,), jnp.float32)

    @pl.when(s == 0)
    def _zero():
      def zi(i, carry):
        zbuf[pl.ds(i * _L, _L)] = jnp.zeros((_L,), jnp.float32)
        return carry
      lax.fori_loop(0, np_rows // _L, zi, 0)
      pltpu.sync_copy(zbuf, acc)

    @pl.when(c == 0)
    def _wait0():
      pltpu.make_async_copy(dst_hbm.at[pl.ds(s * nc0, nc0), :],
                            idx_d.at[pl.ds(0, nc0), :], sem_i).wait()

    @pl.when(c == 1)
    def _wait1():
      pltpu.make_async_copy(dst_hbm.at[pl.ds(0, nc1), :],
                            idx_d.at[pl.ds(0, nc1), :], sem_i).wait()
    plsc.subcore_barrier()

    n_super = jnp.where(c == 0, ns0, ns1)

    def body(gs, carry):
      for b in range(_NBUF):
        g = gs * _NBUF + b

        @pl.when(gs > 0)
        def _drain():
          pltpu.make_async_copy(ones_v, acc.at[idx_d.at[g]],
                                sem_sc[b]).wait()
        pltpu.async_copy(ones_v, acc.at[idx_d.at[g]], sem_sc[b], add=True)
      return carry
    lax.fori_loop(0, n_super, body, 0)
    for b in range(_NBUF):
      g = (n_super - 1) * _NBUF + b
      pltpu.make_async_copy(ones_v, acc.at[idx_d.at[g]], sem_sc[b]).wait()

    plsc.subcore_barrier()

    @pl.when(s == 0)
    def _out():
      pltpu.sync_copy(acc.at[pl.ds(0, n)], out_hbm.at[c])

  return degk


def _msg_kernel(n, np_rows, d, sup0, sup1):
  mesh = plsc.VectorSubcoreMesh(core_axis_name="c", subcore_axis_name="s")
  zrows = np_rows // _NS
  orows = n // _NS
  zspan = _NBUF * _K

  @functools.partial(
      pl.kernel, mesh=mesh,
      out_type=jax.ShapeDtypeStruct((_NC, n, d), jnp.float32),
      compiler_params=pltpu.CompilerParams(use_tc_tiling_on_sc=False),
      scratch_types=[
          pltpu.VMEM((2, _NBUF, _K), jnp.int32),
          pltpu.VMEM((2, _NBUF, _K), jnp.int32),
          pltpu.VMEM((2, _NBUF, _K, d), jnp.float32),
          pltpu.VMEM_SHARED((np_rows, d), jnp.float32),
          pltpu.SMEM((1,), jnp.int32),
          pltpu.SemaphoreType.DMA,
          pltpu.SemaphoreType.DMA,
      ] + [pltpu.SemaphoreType.DMA] * (4 * _NBUF))
  def msgk(y_hbm, src_hbm, dst_hbm, out_hbm, idx_s, idx_d, rows_v, acc, cnt,
           *sems):
    sem_i = sems[:2]
    sem_g = (sems[2:2 + _NBUF], sems[2 + _NBUF:2 + 2 * _NBUF])
    sem_sc = (sems[2 + 2 * _NBUF:2 + 3 * _NBUF], sems[2 + 3 * _NBUF:])
    c = lax.axis_index("c")
    s = lax.axis_index("s")
    n_sup = jnp.where(c == 0, sup0, sup1)
    shard0 = jnp.where(c == 0, 0, sup0)

    @pl.when(s == 0)
    def _cinit():
      cnt[0] = 0

    with jax.named_scope("zfill"):
      def zi(i, carry):
        for j in range(d // _L):
          rows_v[0, i // _K, i % _K, pl.ds(j * _L, _L)] = (
              jnp.zeros((_L,), jnp.float32))
        return carry
      lax.fori_loop(0, min(zspan, zrows), zi, 0)
    with jax.named_scope("zdma"):
      done = 0
      while done < zrows:
        step = min(_K, zrows - done)
        pltpu.sync_copy(
            rows_v.at[0, done // _K % _NBUF, pl.ds(0, step), :],
            acc.at[pl.ds(s * zrows + done, step), :])
        done += step
    plsc.subcore_barrier()

    def fire_idx(p, sup):
      chunk0 = (shard0 + sup) * _NBUF
      pltpu.async_copy(src_hbm.at[pl.ds(chunk0, _NBUF), :], idx_s.at[p],
                       sem_i[p])
      pltpu.async_copy(dst_hbm.at[pl.ds(chunk0, _NBUF), :], idx_d.at[p],
                       sem_i[p])

    def wait_idx(p):
      pltpu.make_async_copy(src_hbm.at[pl.ds(0, _NBUF), :], idx_s.at[p],
                            sem_i[p]).wait()
      pltpu.make_async_copy(dst_hbm.at[pl.ds(0, _NBUF), :], idx_d.at[p],
                            sem_i[p]).wait()

    with jax.named_scope("edges"):
      s_init = []
      for p in range(2):
        sp = plsc.fetch_and_add(cnt.at[0], 1, subcore_id=0)

        @pl.when(sp < n_sup)
        def _prime(p=p, sp=sp):
          fire_idx(p, sp)
        s_init.append(sp)

      def body(_, carry):
        new = []
        for p in range(2):
          sp = carry[p]
          active = sp < n_sup

          @pl.when(active)
          def _visit(p=p):
            wait_idx(p)
            for b in range(_NBUF):
              pltpu.async_copy(y_hbm.at[idx_s.at[p, b]], rows_v.at[p, b],
                               sem_g[p][b])
            for b in range(_NBUF):
              pltpu.make_async_copy(y_hbm.at[idx_s.at[p, b]],
                                    rows_v.at[p, b], sem_g[p][b]).wait()
              pltpu.async_copy(rows_v.at[p, b], acc.at[idx_d.at[p, b]],
                               sem_sc[p][b], add=True)
            for b in range(_NBUF):
              pltpu.make_async_copy(rows_v.at[p, b], acc.at[idx_d.at[p, b]],
                                    sem_sc[p][b]).wait()
          nxt = lax.cond(
              active,
              lambda: plsc.fetch_and_add(cnt.at[0], 1, subcore_id=0),
              lambda sp=sp: sp)

          @pl.when(active & (nxt < n_sup))
          def _prefetch(p=p, nxt=nxt):
            fire_idx(p, nxt)
          new.append(nxt)
        return tuple(new)
      lax.fori_loop(0, n_sup // 2 + 2, body, tuple(s_init))

    with jax.named_scope("endbar"):
      plsc.subcore_barrier()
    with jax.named_scope("copyout"):
      pltpu.sync_copy(acc.at[pl.ds(s * orows, orows), :],
                      out_hbm.at[c, pl.ds(s * orows, orows), :])

  return msgk



def _dis(deg_parts, n):
  def body(p_ref, dis_ref):
    dis_ref[...] = lax.rsqrt(1.0 + p_ref[0:1, :] + p_ref[1:2, :])
  return pl.pallas_call(
      body, out_shape=jax.ShapeDtypeStruct((1, n), jnp.float32))(deg_parts)


def _scale_matmul(x, w, dis_col, bn):
  n, k = x.shape
  d = w.shape[1]

  def body(x_ref, w_ref, dis_ref, y_ref):
    y_ref[...] = dis_ref[...] * jnp.dot(
        x_ref[...], w_ref[...], preferred_element_type=jnp.float32)

  return pl.pallas_call(
      body,
      grid=(n // bn,),
      in_specs=[
          pl.BlockSpec((bn, k), lambda i: (i, 0)),
          pl.BlockSpec((k, d), lambda i: (0, 0)),
          pl.BlockSpec((bn, 1), lambda i: (i, 0)),
      ],
      out_specs=pl.BlockSpec((bn, d), lambda i: (i, 0)),
      out_shape=jax.ShapeDtypeStruct((n, d), jnp.float32),
  )(x, w, dis_col)


def _mid_layer(s_parts, y1, dis_col, b1, w2, bn):
  n, d1 = y1.shape
  d2 = w2.shape[1]

  def body(s_ref, y1_ref, dis_ref, b1_ref, w2_ref, y2_ref):
    t = s_ref[0] + s_ref[1] + y1_ref[...]
    h = jnp.maximum(dis_ref[...] * t + b1_ref[...], 0.0)
    y2_ref[...] = dis_ref[...] * jnp.dot(
        h, w2_ref[...], preferred_element_type=jnp.float32)

  return pl.pallas_call(
      body,
      grid=(n // bn,),
      in_specs=[
          pl.BlockSpec((_NC, bn, d1), lambda i: (0, i, 0)),
          pl.BlockSpec((bn, d1), lambda i: (i, 0)),
          pl.BlockSpec((bn, 1), lambda i: (i, 0)),
          pl.BlockSpec((1, d1), lambda i: (0, 0)),
          pl.BlockSpec((d1, d2), lambda i: (0, 0)),
      ],
      out_specs=pl.BlockSpec((bn, d2), lambda i: (i, 0)),
      out_shape=jax.ShapeDtypeStruct((n, d2), jnp.float32),
  )(s_parts, y1, dis_col, b1, w2)


def _final_layer(s_parts, y2, dis_col, b2, bn):
  n, d2 = y2.shape

  def body(s_ref, y2_ref, dis_ref, b2_ref, z_ref):
    z_ref[...] = dis_ref[...] * (s_ref[0] + s_ref[1] + y2_ref[...]) \
        + b2_ref[...]

  return pl.pallas_call(
      body,
      grid=(n // bn,),
      in_specs=[
          pl.BlockSpec((_NC, bn, d2), lambda i: (0, i, 0)),
          pl.BlockSpec((bn, d2), lambda i: (i, 0)),
          pl.BlockSpec((bn, 1), lambda i: (i, 0)),
          pl.BlockSpec((1, d2), lambda i: (0, 0)),
      ],
      out_specs=pl.BlockSpec((bn, d2), lambda i: (i, 0)),
      out_shape=jax.ShapeDtypeStruct((n, d2), jnp.float32),
  )(s_parts, y2, dis_col, b2)



@jax.jit
def kernel(x, edge_index, W1, b1, W2, b2):
  n = x.shape[0]
  e = edge_index.shape[1]
  src = edge_index[0].astype(jnp.int32)
  dst = edge_index[1].astype(jnp.int32)

  align = _NS * _K * _NBUF
  n_super_tot = -(-e // align)
  e_pad = n_super_tot * align
  np_rows = n + _L
  if e_pad > e:
    src = jnp.concatenate([src, jnp.zeros((e_pad - e,), jnp.int32)])
    dst = jnp.concatenate([dst, jnp.full((e_pad - e,), n, jnp.int32)])
  src = src.reshape(e_pad // _K, _K)
  dst = dst.reshape(e_pad // _K, _K)

  sp_deg = (-(-n_super_tot * 31) // 40, None)
  sp_deg = (sp_deg[0], n_super_tot - sp_deg[0])
  sup_tot = n_super_tot * _NS
  sup0_d1 = (sup_tot * 78 + 50) // 100
  sup0_d2 = (sup_tot * 74 + 50) // 100
  sp_d1 = (sup0_d1, sup_tot - sup0_d1)
  sp_d2 = (sup0_d2, sup_tot - sup0_d2)

  bn = 2000
  deg_parts = _deg_kernel(n, np_rows, *sp_deg)(dst)
  dis_col = _dis(deg_parts, n).reshape(n, 1)

  y1 = _scale_matmul(x, W1, dis_col, bn)
  s1 = _msg_kernel(n, np_rows, y1.shape[1], *sp_d1)(y1, src, dst)
  y2 = _mid_layer(s1, y1, dis_col, b1.reshape(1, -1), W2, bn)
  s2 = _msg_kernel(n, np_rows, y2.shape[1], *sp_d2)(y2, src, dst)
  return _final_layer(s2, y2, dis_col, b2.reshape(1, -1), bn)

# --- scband reference (transcript-rebuilt; emitter-appended) ---
"""Pipeline reference for scband-simple-gcn-42417097015621 (READ-ONLY COPY).

The authoritative reference and input builder live on the scoring server;
editing this copy changes nothing except your own understanding.
"""

import jax, jax.numpy as jnp
import numpy as np

N_NODES = 10000
N_EDGES = 320000
D_IN, D_HID, D_OUT = 128, 64, 32


def setup_inputs(seed: int = 0) -> dict:
    key = jax.random.key(seed)
    k1, k2, k3, k4, k5, k6 = jax.random.split(key, 6)
    x = jax.random.normal(k1, (N_NODES, D_IN), dtype=jnp.float32)
    edge_index = jax.random.randint(k2, (2, N_EDGES), 0, N_NODES, dtype=jnp.int64)
    # Glorot-style init for GCNConv weights, zero bias (PyG defaults)
    s1 = float(np.sqrt(6.0 / (D_IN + D_HID)))
    s2 = float(np.sqrt(6.0 / (D_HID + D_OUT)))
    W1 = jax.random.uniform(k3, (D_IN, D_HID), dtype=jnp.float32, minval=-s1, maxval=s1)
    b1 = jnp.zeros((D_HID,), dtype=jnp.float32)
    W2 = jax.random.uniform(k4, (D_HID, D_OUT), dtype=jnp.float32, minval=-s2, maxval=s2)
    b2 = jnp.zeros((D_OUT,), dtype=jnp.float32)
    return {"x": x, "edge_index": edge_index, "W1": W1, "b1": b1, "W2": W2, "b2": b2}


def _gcn_conv(x, edge_index, W, b):
    # Faithful PyG GCNConv: add self-loops, symmetric normalization,
    # linear transform, scatter-add aggregation at target nodes, bias.
    N = x.shape[0]
    loop = jnp.arange(N, dtype=edge_index.dtype)
    src = jnp.concatenate([edge_index[0], loop])
    dst = jnp.concatenate([edge_index[1], loop])
    deg = jnp.zeros((N,), dtype=x.dtype).at[dst].add(1.0)
    deg_inv_sqrt = jnp.where(deg > 0, jax.lax.rsqrt(jnp.maximum(deg, 1e-12)), 0.0)
    norm = deg_inv_sqrt[src] * deg_inv_sqrt[dst]
    xw = x @ W
    msg = xw[src] * norm[:, None]
    out = jnp.zeros((N, W.shape[1]), dtype=x.dtype).at[dst].add(msg)
    return out + b


def reference(x, edge_index, W1, b1, W2, b2):
    h = jax.nn.relu(_gcn_conv(x, edge_index, W1, b1))
    z = _gcn_conv(h, edge_index, W2, b2)
    return z

if __name__ == "__main__":
    import jax
    _d = setup_inputs()
    print(jax.jit(kernel)(*tuple(_d.values())))

</pallas_src>

<mosaic_0001>
#map = affine_map<(d0, d1) -> (0, 0)>
#map1 = affine_map<(d0, d1) -> (0, 0, 0)>
module attributes {stable_mosaic.version = 14 : i64} {
  func.func @msgk(%arg0: i32, %arg1: i32, %arg2: memref<10000x64xf32, #tpu.memory_space<hbm>>, %arg3: memref<2560x128xi32, #tpu.memory_space<hbm>>, %arg4: memref<2560x128xi32, #tpu.memory_space<hbm>>, %arg5: memref<2x10000x64xf32, #tpu.memory_space<hbm>>, %arg6: memref<2x4x128xi32, #tpu.memory_space<vmem>>, %arg7: memref<2x4x128xi32, #tpu.memory_space<vmem>>, %arg8: memref<2x4x128x64xf32, #tpu.memory_space<vmem>>, %arg9: memref<10016x64xf32, #tpu.memory_space<vmem_shared>>, %arg10: memref<1xi32, #tpu.memory_space<smem>>, %arg11: memref<!tpu.dma_semaphore, #tpu.memory_space<semaphore_mem>>, %arg12: memref<!tpu.dma_semaphore, #tpu.memory_space<semaphore_mem>>, %arg13: memref<!tpu.dma_semaphore, #tpu.memory_space<semaphore_mem>>, %arg14: memref<!tpu.dma_semaphore, #tpu.memory_space<semaphore_mem>>, %arg15: memref<!tpu.dma_semaphore, #tpu.memory_space<semaphore_mem>>, %arg16: memref<!tpu.dma_semaphore, #tpu.memory_space<semaphore_mem>>, %arg17: memref<!tpu.dma_semaphore, #tpu.memory_space<semaphore_mem>>, %arg18: memref<!tpu.dma_semaphore, #tpu.memory_space<semaphore_mem>>, %arg19: memref<!tpu.dma_semaphore, #tpu.memory_space<semaphore_mem>>, %arg20: memref<!tpu.dma_semaphore, #tpu.memory_space<semaphore_mem>>, %arg21: memref<!tpu.dma_semaphore, #tpu.memory_space<semaphore_mem>>, %arg22: memref<!tpu.dma_semaphore, #tpu.memory_space<semaphore_mem>>, %arg23: memref<!tpu.dma_semaphore, #tpu.memory_space<semaphore_mem>>, %arg24: memref<!tpu.dma_semaphore, #tpu.memory_space<semaphore_mem>>, %arg25: memref<!tpu.dma_semaphore, #tpu.memory_space<semaphore_mem>>, %arg26: memref<!tpu.dma_semaphore, #tpu.memory_space<semaphore_mem>>, %arg27: memref<!tpu.dma_semaphore, #tpu.memory_space<semaphore_mem>>, %arg28: memref<!tpu.dma_semaphore, #tpu.memory_space<semaphore_mem>>) attributes {dimension_semantics = [#tpu.dimension_semantics<core_parallel>, #tpu.dimension_semantics<subcore_parallel>], iteration_bounds = array<i64: 2, 16>, scalar_prefetch = 0 : i64, scratch_operands = 23 : i64, tpu.core_type = #tpu.core_type<sc_vector_subcore>, window_params = [{transform_indices = #map}, {transform_indices = #map}, {transform_indices = #map}, {transform_indices = #map1}]} {
    %eq3A = arith.constant 0 : i32
    %eq3A_0 = arith.cmpi eq, %arg0, %eq3A : i32
    %jit3A = arith.constant 499 : i32
    %jit3A_1 = arith.constant 141 : i32
    %select_n3A = arith.select %eq3A_0, %jit3A, %jit3A_1 : i32
    %eq3A_2 = arith.constant 0 : i32
    %eq3A_3 = arith.cmpi eq, %arg0, %eq3A_2 : i32
    %jit3A_4 = arith.constant 0 : i32
    %jit3A_5 = arith.constant 499 : i32
    %select_n3A_6 = arith.select %eq3A_3, %jit3A_4, %jit3A_5 : i32
    %eq3A_7 = arith.constant 0 : i32
    %eq3A_8 = arith.cmpi eq, %arg1, %eq3A_7 : i32
    %convert_element_type3A = arith.extui %eq3A_8 : i1 to i32
    %cond3A = arith.constant 0 : i32
    %cond3A_9 = arith.cmpi ne, %convert_element_type3A, %cond3A : i32
    scf.if %cond3A_9 {
      %swap3A = arith.constant 0 : i32
      %swap3A_91 = arith.constant 0 : i32
      %swap3A_92 = arith.index_cast %swap3A_91 : i32 to index
      %swap3A_93 = memref.load %arg10[%swap3A_92] : memref<1xi32, #tpu.memory_space<smem>>
      memref.store %swap3A, %arg10[%swap3A_92] : memref<1xi32, #tpu.memory_space<smem>>
    } else {
    }
    "tpu.trace_start"() <{level = 10 : i32, message = "zfill"}> : () -> ()
    %scan3A = arith.constant 0 : i32
    %scan3A_10 = arith.constant 0 : i32
    %scan3A_11 = arith.constant 512 : i32
    %scan3A_12 = arith.addi %scan3A_10, %scan3A_11 : i32
    %scan3A_13 = arith.constant 1 : i32
    scf.for %scan3A_91 = %scan3A_10 to %scan3A_12 step %scan3A_13  : i32 {
      %broadcast_in_dim3A = arith.constant 0.000000e+00 : f32
      %broadcast_in_dim3A_92 = vector.broadcast %broadcast_in_dim3A : f32 to vector<16xf32>
      %jit3A_93 = arith.constant 128 : i32
      %div3A_94 = arith.divsi %scan3A_91, %jit3A_93 : i32
      %sign3A_95 = arith.constant 0 : i32
      %sign3A_96 = arith.cmpi sgt, %scan3A_91, %sign3A_95 : i32
      %sign3A_97 = arith.extui %sign3A_96 : i1 to i32
      %sign3A_98 = arith.constant 0 : i32
      %sign3A_99 = arith.cmpi slt, %scan3A_91, %sign3A_98 : i32
      %sign3A_100 = arith.extui %sign3A_99 : i1 to i32
      %sign3A_101 = arith.subi %sign3A_97, %sign3A_100 : i32
      %sign3A_102 = arith.constant 0 : i32
      %sign3A_103 = arith.cmpi sgt, %jit3A_93, %sign3A_102 : i32
      %sign3A_104 = arith.extui %sign3A_103 : i1 to i32
      %sign3A_105 = arith.constant 0 : i32
      %sign3A_106 = arith.cmpi slt, %jit3A_93, %sign3A_105 : i32
      %sign3A_107 = arith.extui %sign3A_106 : i1 to i32
      %sign3A_108 = arith.subi %sign3A_104, %sign3A_107 : i32
      %ne3A_109 = arith.cmpi ne, %sign3A_101, %sign3A_108 : i32
      %rem3A_110 = arith.remsi %scan3A_91, %jit3A_93 : i32
      %ne3A_111 = arith.constant 0 : i32
      %ne3A_112 = arith.cmpi ne, %rem3A_110, %ne3A_111 : i32
      %and3A_113 = arith.andi %ne3A_109, %ne3A_112 : i1
      %sub3A_114 = arith.constant 1 : i32
      %sub3A_115 = arith.subi %div3A_94, %sub3A_114 : i32
      %select_n3A_116 = arith.select %and3A_113, %sub3A_115, %div3A_94 : i32
      %jit3A_117 = arith.constant 128 : i32
      %eq3A_118 = arith.constant 0 : i32
      %eq3A_119 = arith.cmpi eq, %jit3A_117, %eq3A_118 : i32
      %jit3A_120 = arith.constant 1 : i32
      %select_n3A_121 = arith.select %eq3A_119, %jit3A_120, %jit3A_117 : i32
      %rem3A_122 = arith.remsi %scan3A_91, %select_n3A_121 : i32
      %ne3A_123 = arith.constant 0 : i32
      %ne3A_124 = arith.cmpi ne, %rem3A_122, %ne3A_123 : i32
      %lt3A_125 = arith.constant 0 : i32
      %lt3A_126 = arith.cmpi slt, %rem3A_122, %lt3A_125 : i32
      %lt3A_127 = arith.constant 0 : i32
      %lt3A_128 = arith.cmpi slt, %select_n3A_121, %lt3A_127 : i32
      %ne3A_129 = arith.xori %lt3A_126, %lt3A_128 : i1
      %and3A_130 = arith.andi %ne3A_129, %ne3A_124 : i1
      %add3A_131 = arith.addi %rem3A_122, %select_n3A_121 : i32
      %select_n3A_132 = arith.select %and3A_130, %add3A_131, %rem3A_122 : i32
      %swap3A = arith.constant 0 : i32
      %swap3A_133 = arith.index_cast %swap3A : i32 to index
      %swap3A_134 = arith.index_cast %select_n3A_116 : i32 to index
      %swap3A_135 = arith.index_cast %select_n3A_132 : i32 to index
      %swap3A_136 = arith.constant 0 : index
      %swap3A_137 = tpu.vector_load %arg8[%swap3A_133, %swap3A_134, %swap3A_135, %swap3A_136] {strides = array<i32>} : memref<2x4x128x64xf32, #tpu.memory_space<vmem>>, vector<1x1x1x16xf32>,
      %swap3A_138 = vector.shape_cast %swap3A_137 : vector<1x1x1x16xf32> to vector<16xf32>
      %swap3A_139 = vector.shape_cast %broadcast_in_dim3A_92 : vector<16xf32> to vector<1x1x1x16xf32>
      tpu.vector_store %arg8[%swap3A_133, %swap3A_134, %swap3A_135, %swap3A_136], %swap3A_139 {strides = array<i32>} : memref<2x4x128x64xf32, #tpu.memory_space<vmem>>, vector<1x1x1x16xf32>,
      %broadcast_in_dim3A_140 = arith.constant 0.000000e+00 : f32
      %broadcast_in_dim3A_141 = vector.broadcast %broadcast_in_dim3A_140 : f32 to vector<16xf32>
      %jit3A_142 = arith.constant 128 : i32
      %div3A_143 = arith.divsi %scan3A_91, %jit3A_142 : i32
      %sign3A_144 = arith.constant 0 : i32
      %sign3A_145 = arith.cmpi sgt, %scan3A_91, %sign3A_144 : i32
      %sign3A_146 = arith.extui %sign3A_145 : i1 to i32
      %sign3A_147 = arith.constant 0 : i32
      %sign3A_148 = arith.cmpi slt, %scan3A_91, %sign3A_147 : i32
      %sign3A_149 = arith.extui %sign3A_148 : i1 to i32
      %sign3A_150 = arith.subi %sign3A_146, %sign3A_149 : i32
      %sign3A_151 = arith.constant 0 : i32
      %sign3A_152 = arith.cmpi sgt, %jit3A_142, %sign3A_151 : i32
      %sign3A_153 = arith.extui %sign3A_152 : i1 to i32
      %sign3A_154 = arith.constant 0 : i32
      %sign3A_155 = arith.cmpi slt, %jit3A_142, %sign3A_154 : i32
      %sign3A_156 = arith.extui %sign3A_155 : i1 to i32
      %sign3A_157 = arith.subi %sign3A_153, %sign3A_156 : i32
      %ne3A_158 = arith.cmpi ne, %sign3A_150, %sign3A_157 : i32
      %rem3A_159 = arith.remsi %scan3A_91, %jit3A_142 : i32
      %ne3A_160 = arith.constant 0 : i32
      %ne3A_161 = arith.cmpi ne, %rem3A_159, %ne3A_160 : i32
      %and3A_162 = arith.andi %ne3A_158, %ne3A_161 : i1
      %sub3A_163 = arith.constant 1 : i32
      %sub3A_164 = arith.subi %div3A_143, %sub3A_163 : i32
      %select_n3A_165 = arith.select %and3A_162, %sub3A_164, %div3A_143 : i32
      %jit3A_166 = arith.constant 128 : i32
      %eq3A_167 = arith.constant 0 : i32
      %eq3A_168 = arith.cmpi eq, %jit3A_166, %eq3A_167 : i32
      %jit3A_169 = arith.constant 1 : i32
      %select_n3A_170 = arith.select %eq3A_168, %jit3A_169, %jit3A_166 : i32
      %rem3A_171 = arith.remsi %scan3A_91, %select_n3A_170 : i32
      %ne3A_172 = arith.constant 0 : i32
      %ne3A_173 = arith.cmpi ne, %rem3A_171, %ne3A_172 : i32
      %lt3A_174 = arith.constant 0 : i32
      %lt3A_175 = arith.cmpi slt, %rem3A_171, %lt3A_174 : i32
      %lt3A_176 = arith.constant 0 : i32
      %lt3A_177 = arith.cmpi slt, %select_n3A_170, %lt3A_176 : i32
      %ne3A_178 = arith.xori %lt3A_175, %lt3A_177 : i1
      %and3A_179 = arith.andi %ne3A_178, %ne3A_173 : i1
      %add3A_180 = arith.addi %rem3A_171, %select_n3A_170 : i32
      %select_n3A_181 = arith.select %and3A_179, %add3A_180, %rem3A_171 : i32
      %swap3A_182 = arith.constant 0 : i32
      %swap3A_183 = arith.index_cast %swap3A_182 : i32 to index
      %swap3A_184 = arith.index_cast %select_n3A_165 : i32 to index
      %swap3A_185 = arith.index_cast %select_n3A_181 : i32 to index
      %swap3A_186 = arith.constant 16 : index
      %swap3A_187 = tpu.vector_load %arg8[%swap3A_183, %swap3A_184, %swap3A_185, %swap3A_186] {strides = array<i32>} : memref<2x4x128x64xf32, #tpu.memory_space<vmem>>, vector<1x1x1x16xf32>,
      %swap3A_188 = vector.shape_cast %swap3A_187 : vector<1x1x1x16xf32> to vector<16xf32>
      %swap3A_189 = vector.shape_cast %broadcast_in_dim3A_141 : vector<16xf32> to vector<1x1x1x16xf32>
      tpu.vector_store %arg8[%swap3A_183, %swap3A_184, %swap3A_185, %swap3A_186], %swap3A_189 {strides = array<i32>} : memref<2x4x128x64xf32, #tpu.memory_space<vmem>>, vector<1x1x1x16xf32>,
      %broadcast_in_dim3A_190 = arith.constant 0.000000e+00 : f32
      %broadcast_in_dim3A_191 = vector.broadcast %broadcast_in_dim3A_190 : f32 to vector<16xf32>
      %jit3A_192 = arith.constant 128 : i32
      %div3A_193 = arith.divsi %scan3A_91, %jit3A_192 : i32
      %sign3A_194 = arith.constant 0 : i32
      %sign3A_195 = arith.cmpi sgt, %scan3A_91, %sign3A_194 : i32
      %sign3A_196 = arith.extui %sign3A_195 : i1 to i32
      %sign3A_197 = arith.constant 0 : i32
      %sign3A_198 = arith.cmpi slt, %scan3A_91, %sign3A_197 : i32
      %sign3A_199 = arith.extui %sign3A_198 : i1 to i32
      %sign3A_200 = arith.subi %sign3A_196, %sign3A_199 : i32
      %sign3A_201 = arith.constant 0 : i32
      %sign3A_202 = arith.cmpi sgt, %jit3A_192, %sign3A_201 : i32
      %sign3A_203 = arith.extui %sign3A_202 : i1 to i32
      %sign3A_204 = arith.constant 0 : i32
      %sign3A_205 = arith.cmpi slt, %jit3A_192, %sign3A_204 : i32
      %sign3A_206 = arith.extui %sign3A_205 : i1 to i32
      %sign3A_207 = arith.subi %sign3A_203, %sign3A_206 : i32
      %ne3A_208 = arith.cmpi ne, %sign3A_200, %sign3A_207 : i32
      %rem3A_209 = arith.remsi %scan3A_91, %jit3A_192 : i32
      %ne3A_210 = arith.constant 0 : i32
      %ne3A_211 = arith.cmpi ne, %rem3A_209, %ne3A_210 : i32
      %and3A_212 = arith.andi %ne3A_208, %ne3A_211 : i1
      %sub3A_213 = arith.constant 1 : i32
      %sub3A_214 = arith.subi %div3A_193, %sub3A_213 : i32
      %select_n3A_215 = arith.select %and3A_212, %sub3A_214, %div3A_193 : i32
      %jit3A_216 = arith.constant 128 : i32
      %eq3A_217 = arith.constant 0 : i32
      %eq3A_218 = arith.cmpi eq, %jit3A_216, %eq3A_217 : i32
      %jit3A_219 = arith.constant 1 : i32
      %select_n3A_220 = arith.select %eq3A_218, %jit3A_219, %jit3A_216 : i32
      %rem3A_221 = arith.remsi %scan3A_91, %select_n3A_220 : i32
      %ne3A_222 = arith.constant 0 : i32
      %ne3A_223 = arith.cmpi ne, %rem3A_221, %ne3A_222 : i32
      %lt3A_224 = arith.constant 0 : i32
      %lt3A_225 = arith.cmpi slt, %rem3A_221, %lt3A_224 : i32
      %lt3A_226 = arith.constant 0 : i32
      %lt3A_227 = arith.cmpi slt, %select_n3A_220, %lt3A_226 : i32
      %ne3A_228 = arith.xori %lt3A_225, %lt3A_227 : i1
      %and3A_229 = arith.andi %ne3A_228, %ne3A_223 : i1
      %add3A_230 = arith.addi %rem3A_221, %select_n3A_220 : i32
      %select_n3A_231 = arith.select %and3A_229, %add3A_230, %rem3A_221 : i32
      %swap3A_232 = arith.constant 0 : i32
      %swap3A_233 = arith.index_cast %swap3A_232 : i32 to index
      %swap3A_234 = arith.index_cast %select_n3A_215 : i32 to index
      %swap3A_235 = arith.index_cast %select_n3A_231 : i32 to index
      %swap3A_236 = arith.constant 32 : index
      %swap3A_237 = tpu.vector_load %arg8[%swap3A_233, %swap3A_234, %swap3A_235, %swap3A_236] {strides = array<i32>} : memref<2x4x128x64xf32, #tpu.memory_space<vmem>>, vector<1x1x1x16xf32>,
      %swap3A_238 = vector.shape_cast %swap3A_237 : vector<1x1x1x16xf32> to vector<16xf32>
      %swap3A_239 = vector.shape_cast %broadcast_in_dim3A_191 : vector<16xf32> to vector<1x1x1x16xf32>
      tpu.vector_store %arg8[%swap3A_233, %swap3A_234, %swap3A_235, %swap3A_236], %swap3A_239 {strides = array<i32>} : memref<2x4x128x64xf32, #tpu.memory_space<vmem>>, vector<1x1x1x16xf32>,
      %broadcast_in_dim3A_240 = arith.constant 0.000000e+00 : f32
      %broadcast_in_dim3A_241 = vector.broadcast %broadcast_in_dim3A_240 : f32 to vector<16xf32>
      %jit3A_242 = arith.constant 128 : i32
      %div3A_243 = arith.divsi %scan3A_91, %jit3A_242 : i32
      %sign3A_244 = arith.constant 0 : i32
      %sign3A_245 = arith.cmpi sgt, %scan3A_91, %sign3A_244 : i32
      %sign3A_246 = arith.extui %sign3A_245 : i1 to i32
      %sign3A_247 = arith.constant 0 : i32
      %sign3A_248 = arith.cmpi slt, %scan3A_91, %sign3A_247 : i32
      %sign3A_249 = arith.extui %sign3A_248 : i1 to i32
      %sign3A_250 = arith.subi %sign3A_246, %sign3A_249 : i32
      %sign3A_251 = arith.constant 0 : i32
      %sign3A_252 = arith.cmpi sgt, %jit3A_242, %sign3A_251 : i32
      %sign3A_253 = arith.extui %sign3A_252 : i1 to i32
      %sign3A_254 = arith.constant 0 : i32
      %sign3A_255 = arith.cmpi slt, %jit3A_242, %sign3A_254 : i32
      %sign3A_256 = arith.extui %sign3A_255 : i1 to i32
      %sign3A_257 = arith.subi %sign3A_253, %sign3A_256 : i32
      %ne3A_258 = arith.cmpi ne, %sign3A_250, %sign3A_257 : i32
      %rem3A_259 = arith.remsi %scan3A_91, %jit3A_242 : i32
      %ne3A_260 = arith.constant 0 : i32
      %ne3A_261 = arith.cmpi ne, %rem3A_259, %ne3A_260 : i32
      %and3A_262 = arith.andi %ne3A_258, %ne3A_261 : i1
      %sub3A_263 = arith.constant 1 : i32
      %sub3A_264 = arith.subi %div3A_243, %sub3A_263 : i32
      %select_n3A_265 = arith.select %and3A_262, %sub3A_264, %div3A_243 : i32
      %jit3A_266 = arith.constant 128 : i32
      %eq3A_267 = arith.constant 0 : i32
      %eq3A_268 = arith.cmpi eq, %jit3A_266, %eq3A_267 : i32
      %jit3A_269 = arith.constant 1 : i32
      %select_n3A_270 = arith.select %eq3A_268, %jit3A_269, %jit3A_266 : i32
      %rem3A_271 = arith.remsi %scan3A_91, %select_n3A_270 : i32
      %ne3A_272 = arith.constant 0 : i32
      %ne3A_273 = arith.cmpi ne, %rem3A_271, %ne3A_272 : i32
      %lt3A_274 = arith.constant 0 : i32
      %lt3A_275 = arith.cmpi slt, %rem3A_271, %lt3A_274 : i32
      %lt3A_276 = arith.constant 0 : i32
      %lt3A_277 = arith.cmpi slt, %select_n3A_270, %lt3A_276 : i32
      %ne3A_278 = arith.xori %lt3A_275, %lt3A_277 : i1
      %and3A_279 = arith.andi %ne3A_278, %ne3A_273 : i1
      %add3A_280 = arith.addi %rem3A_271, %select_n3A_270 : i32
      %select_n3A_281 = arith.select %and3A_279, %add3A_280, %rem3A_271 : i32
      %swap3A_282 = arith.constant 0 : i32
      %swap3A_283 = arith.index_cast %swap3A_282 : i32 to index
      %swap3A_284 = arith.index_cast %select_n3A_265 : i32 to index
      %swap3A_285 = arith.index_cast %select_n3A_281 : i32 to index
      %swap3A_286 = arith.constant 48 : index
      %swap3A_287 = tpu.vector_load %arg8[%swap3A_283, %swap3A_284, %swap3A_285, %swap3A_286] {strides = array<i32>} : memref<2x4x128x64xf32, #tpu.memory_space<vmem>>, vector<1x1x1x16xf32>,
      %swap3A_288 = vector.shape_cast %swap3A_287 : vector<1x1x1x16xf32> to vector<16xf32>
      %swap3A_289 = vector.shape_cast %broadcast_in_dim3A_241 : vector<16xf32> to vector<1x1x1x16xf32>
      tpu.vector_store %arg8[%swap3A_283, %swap3A_284, %swap3A_285, %swap3A_286], %swap3A_289 {strides = array<i32>} : memref<2x4x128x64xf32, #tpu.memory_space<vmem>>, vector<1x1x1x16xf32>,
    }
    %scan3A_14 = arith.constant 512 : i32
    "tpu.trace_stop"() : () -> ()
    "tpu.trace_start"() <{level = 10 : i32, message = "zdma"}> : () -> ()
    %mul3A = arith.constant 626 : i32
    %mul3A_15 = arith.muli %arg1, %mul3A : i32
    %add3A = arith.constant 0 : i32
    %add3A_16 = arith.addi %mul3A_15, %add3A : i32
    %run_scoped3A = arith.constant 0 : i32
    %run_scoped3A_17 = arith.constant 0 : i32
    "tpu.region"() ({
      %run_scoped3A_91 = tpu.sem_alloc : memref<!tpu.dma_semaphore, #tpu.memory_space<semaphore_mem>>
      %dma_start3A = arith.constant 0 : i32
      %dma_start3A_92 = arith.constant 0 : i32
      %dma_start3A_93 = tpu.memref_slice %arg8[%run_scoped3A, %run_scoped3A_17, %dma_start3A, %dma_start3A_92] : memref<2x4x128x64xf32, #tpu.memory_space<vmem>> -> memref<1x1x128x64xf32, #tpu.memory_space<vmem>>
      %dma_start3A_94 = tpu.memref_squeeze %dma_start3A_93 : memref<1x1x128x64xf32, #tpu.memory_space<vmem>> -> memref<128x64xf32, #tpu.memory_space<vmem>>
      %dma_start3A_95 = arith.constant 0 : i32
      %dma_start3A_96 = tpu.memref_slice %arg9[%add3A_16, %dma_start3A_95] : memref<10016x64xf32, #tpu.memory_space<vmem_shared>> -> memref<128x64xf32, #tpu.memory_space<vmem_shared>>
      %dma_start3A_97 = arith.constant 0 : i32
      %dma_start3A_98 = tpu.memref_slice %arg9[%add3A_16, %dma_start3A_97] : memref<10016x64xf32, #tpu.memory_space<vmem_shared>> -> memref<128x64xf32, #tpu.memory_space<vmem_shared>>
      %dma_start3A_99 = arith.constant 0 : i32
      %dma_start3A_100 = arith.constant 0 : i32
      %dma_start3A_101 = tpu.memref_slice %arg8[%run_scoped3A, %run_scoped3A_17, %dma_start3A_99, %dma_start3A_100] : memref<2x4x128x64xf32, #tpu.memory_space<vmem>> -> memref<1x1x128x64xf32, #tpu.memory_space<vmem>>
      %dma_start3A_102 = tpu.memref_squeeze %dma_start3A_101 : memref<1x1x128x64xf32, #tpu.memory_space<vmem>> -> memref<128x64xf32, #tpu.memory_space<vmem>>
      tpu.enqueue_dma source(%dma_start3A_102 : memref<128x64xf32, #tpu.memory_space<vmem>>) target(%dma_start3A_98 : memref<128x64xf32, #tpu.memory_space<vmem_shared>>) target_semaphore(%run_scoped3A_91 : memref<!tpu.dma_semaphore, #tpu.memory_space<semaphore_mem>>)
      %dma_wait3A = arith.constant 0 : i32
      %dma_wait3A_103 = arith.constant 0 : i32
      %dma_wait3A_104 = tpu.memref_slice %arg8[%run_scoped3A, %run_scoped3A_17, %dma_wait3A, %dma_wait3A_103] : memref<2x4x128x64xf32, #tpu.memory_space<vmem>> -> memref<1x1x128x64xf32, #tpu.memory_space<vmem>>
      %dma_wait3A_105 = tpu.memref_squeeze %dma_wait3A_104 : memref<1x1x128x64xf32, #tpu.memory_space<vmem>> -> memref<128x64xf32, #tpu.memory_space<vmem>>
      %dma_wait3A_106 = arith.constant 0 : i32
      %dma_wait3A_107 = tpu.memref_slice %arg9[%add3A_16, %dma_wait3A_106] : memref<10016x64xf32, #tpu.memory_space<vmem_shared>> -> memref<128x64xf32, #tpu.memory_space<vmem_shared>>
      %dma_wait3A_108 = arith.constant 0 : i32
      %dma_wait3A_109 = tpu.memref_slice %arg9[%add3A_16, %dma_wait3A_108] : memref<10016x64xf32, #tpu.memory_space<vmem_shared>> -> memref<128x64xf32, #tpu.memory_space<vmem_shared>>
      %dma_wait3A_110 = arith.constant 0 : i32
      %dma_wait3A_111 = arith.constant 0 : i32
      %dma_wait3A_112 = tpu.memref_slice %arg8[%run_scoped3A, %run_scoped3A_17, %dma_wait3A_110, %dma_wait3A_111] : memref<2x4x128x64xf32, #tpu.memory_space<vmem>> -> memref<1x1x128x64xf32, #tpu.memory_space<vmem>>
      %dma_wait3A_113 = tpu.memref_squeeze %dma_wait3A_112 : memref<1x1x128x64xf32, #tpu.memory_space<vmem>> -> memref<128x64xf32, #tpu.memory_space<vmem>>
      tpu.wait_dma2 semaphore(%run_scoped3A_91 : memref<!tpu.dma_semaphore, #tpu.memory_space<semaphore_mem>>) src(%dma_wait3A_113 : memref<128x64xf32, #tpu.memory_space<vmem>>) dst(%dma_wait3A_109 : memref<128x64xf32, #tpu.memory_space<vmem_shared>>)
      tpu.yield
    }) : () -> ()
    %mul3A_18 = arith.constant 626 : i32
    %mul3A_19 = arith.muli %arg1, %mul3A_18 : i32
    %add3A_20 = arith.constant 128 : i32
    %add3A_21 = arith.addi %mul3A_19, %add3A_20 : i32
    %run_scoped3A_22 = arith.constant 0 : i32
    %run_scoped3A_23 = arith.constant 1 : i32
    "tpu.region"() ({
      %run_scoped3A_91 = tpu.sem_alloc : memref<!tpu.dma_semaphore, #tpu.memory_space<semaphore_mem>>
      %dma_start3A = arith.constant 0 : i32
      %dma_start3A_92 = arith.constant 0 : i32
      %dma_start3A_93 = tpu.memref_slice %arg8[%run_scoped3A_22, %run_scoped3A_23, %dma_start3A, %dma_start3A_92] : memref<2x4x128x64xf32, #tpu.memory_space<vmem>> -> memref<1x1x128x64xf32, #tpu.memory_space<vmem>>
      %dma_start3A_94 = tpu.memref_squeeze %dma_start3A_93 : memref<1x1x128x64xf32, #tpu.memory_space<vmem>> -> memref<128x64xf32, #tpu.memory_space<vmem>>
      %dma_start3A_95 = arith.constant 0 : i32
      %dma_start3A_96 = tpu.memref_slice %arg9[%add3A_21, %dma_start3A_95] : memref<10016x64xf32, #tpu.memory_space<vmem_shared>> -> memref<128x64xf32, #tpu.memory_space<vmem_shared>>
      %dma_start3A_97 = arith.constant 0 : i32
      %dma_start3A_98 = tpu.memref_slice %arg9[%add3A_21, %dma_start3A_97] : memref<10016x64xf32, #tpu.memory_space<vmem_shared>> -> memref<128x64xf32, #tpu.memory_space<vmem_shared>>
      %dma_start3A_99 = arith.constant 0 : i32
      %dma_start3A_100 = arith.constant 0 : i32
      %dma_start3A_101 = tpu.memref_slice %arg8[%run_scoped3A_22, %run_scoped3A_23, %dma_start3A_99, %dma_start3A_100] : memref<2x4x128x64xf32, #tpu.memory_space<vmem>> -> memref<1x1x128x64xf32, #tpu.memory_space<vmem>>
      %dma_start3A_102 = tpu.memref_squeeze %dma_start3A_101 : memref<1x1x128x64xf32, #tpu.memory_space<vmem>> -> memref<128x64xf32, #tpu.memory_space<vmem>>
      tpu.enqueue_dma source(%dma_start3A_102 : memref<128x64xf32, #tpu.memory_space<vmem>>) target(%dma_start3A_98 : memref<128x64xf32, #tpu.memory_space<vmem_shared>>) target_semaphore(%run_scoped3A_91 : memref<!tpu.dma_semaphore, #tpu.memory_space<semaphore_mem>>)
      %dma_wait3A = arith.constant 0 : i32
      %dma_wait3A_103 = arith.constant 0 : i32
      %dma_wait3A_104 = tpu.memref_slice %arg8[%run_scoped3A_22, %run_scoped3A_23, %dma_wait3A, %dma_wait3A_103] : memref<2x4x128x64xf32, #tpu.memory_space<vmem>> -> memref<1x1x128x64xf32, #tpu.memory_space<vmem>>
      %dma_wait3A_105 = tpu.memref_squeeze %dma_wait3A_104 : memref<1x1x128x64xf32, #tpu.memory_space<vmem>> -> memref<128x64xf32, #tpu.memory_space<vmem>>
      %dma_wait3A_106 = arith.constant 0 : i32
      %dma_wait3A_107 = tpu.memref_slice %arg9[%add3A_21, %dma_wait3A_106] : memref<10016x64xf32, #tpu.memory_space<vmem_shared>> -> memref<128x64xf32, #tpu.memory_space<vmem_shared>>
      %dma_wait3A_108 = arith.constant 0 : i32
      %dma_wait3A_109 = tpu.memref_slice %arg9[%add3A_21, %dma_wait3A_108] : memref<10016x64xf32, #tpu.memory_space<vmem_shared>> -> memref<128x64xf32, #tpu.memory_space<vmem_shared>>
      %dma_wait3A_110 = arith.constant 0 : i32
      %dma_wait3A_111 = arith.constant 0 : i32
      %dma_wait3A_112 = tpu.memref_slice %arg8[%run_scoped3A_22, %run_scoped3A_23, %dma_wait3A_110, %dma_wait3A_111] : memref<2x4x128x64xf32, #tpu.memory_space<vmem>> -> memref<1x1x128x64xf32, #tpu.memory_space<vmem>>
      %dma_wait3A_113 = tpu.memref_squeeze %dma_wait3A_112 : memref<1x1x128x64xf32, #tpu.memory_space<vmem>> -> memref<128x64xf32, #tpu.memory_space<vmem>>
      tpu.wait_dma2 semaphore(%run_scoped3A_91 : memref<!tpu.dma_semaphore, #tpu.memory_space<semaphore_mem>>) src(%dma_wait3A_113 : memref<128x64xf32, #tpu.memory_space<vmem>>) dst(%dma_wait3A_109 : memref<128x64xf32, #tpu.memory_space<vmem_shared>>)
      tpu.yield
    }) : () -> ()
    %mul3A_24 = arith.constant 626 : i32
    %mul3A_25 = arith.muli %arg1, %mul3A_24 : i32
    %add3A_26 = arith.constant 256 : i32
    %add3A_27 = arith.addi %mul3A_25, %add3A_26 : i32
    %run_scoped3A_28 = arith.constant 0 : i32
    %run_scoped3A_29 = arith.constant 2 : i32
    "tpu.region"() ({
      %run_scoped3A_91 = tpu.sem_alloc : memref<!tpu.dma_semaphore, #tpu.memory_space<semaphore_mem>>
      %dma_start3A = arith.constant 0 : i32
      %dma_start3A_92 = arith.constant 0 : i32
      %dma_start3A_93 = tpu.memref_slice %arg8[%run_scoped3A_28, %run_scoped3A_29, %dma_start3A, %dma_start3A_92] : memref<2x4x128x64xf32, #tpu.memory_space<vmem>> -> memref<1x1x128x64xf32, #tpu.memory_space<vmem>>
      %dma_start3A_94 = tpu.memref_squeeze %dma_start3A_93 : memref<1x1x128x64xf32, #tpu.memory_space<vmem>> -> memref<128x64xf32, #tpu.memory_space<vmem>>
      %dma_start3A_95 = arith.constant 0 : i32
      %dma_start3A_96 = tpu.memref_slice %arg9[%add3A_27, %dma_start3A_95] : memref<10016x64xf32, #tpu.memory_space<vmem_shared>> -> memref<128x64xf32, #tpu.memory_space<vmem_shared>>
      %dma_start3A_97 = arith.constant 0 : i32
      %dma_start3A_98 = tpu.memref_slice %arg9[%add3A_27, %dma_start3A_97] : memref<10016x64xf32, #tpu.memory_space<vmem_shared>> -> memref<128x64xf32, #tpu.memory_space<vmem_shared>>
      %dma_start3A_99 = arith.constant 0 : i32
      %dma_start3A_100 = arith.constant 0 : i32
      %dma_start3A_101 = tpu.memref_slice %arg8[%run_scoped3A_28, %run_scoped3A_29, %dma_start3A_99, %dma_start3A_100] : memref<2x4x128x64xf32, #tpu.memory_space<vmem>> -> memref<1x1x128x64xf32, #tpu.memory_space<vmem>>
      %dma_start3A_102 = tpu.memref_squeeze %dma_start3A_101 : memref<1x1x128x64xf32, #tpu.memory_space<vmem>> -> memref<128x64xf32, #tpu.memory_space<vmem>>
      tpu.enqueue_dma source(%dma_start3A_102 : memref<128x64xf32, #tpu.memory_space<vmem>>) target(%dma_start3A_98 : memref<128x64xf32, #tpu.memory_space<vmem_shared>>) target_semaphore(%run_scoped3A_91 : memref<!tpu.dma_semaphore, #tpu.memory_space<semaphore_mem>>)
      %dma_wait3A = arith.constant 0 : i32
      %dma_wait3A_103 = arith.constant 0 : i32
      %dma_wait3A_104 = tpu.memref_slice %arg8[%run_scoped3A_28, %run_scoped3A_29, %dma_wait3A, %dma_wait3A_103] : memref<2x4x128x64xf32, #tpu.memory_space<vmem>> -> memref<1x1x128x64xf32, #tpu.memory_space<vmem>>
      %dma_wait3A_105 = tpu.memref_squeeze %dma_wait3A_104 : memref<1x1x128x64xf32, #tpu.memory_space<vmem>> -> memref<128x64xf32, #tpu.memory_space<vmem>>
      %dma_wait3A_106 = arith.constant 0 : i32
      %dma_wait3A_107 = tpu.memref_slice %arg9[%add3A_27, %dma_wait3A_106] : memref<10016x64xf32, #tpu.memory_space<vmem_shared>> -> memref<128x64xf32, #tpu.memory_space<vmem_shared>>
      %dma_wait3A_108 = arith.constant 0 : i32
      %dma_wait3A_109 = tpu.memref_slice %arg9[%add3A_27, %dma_wait3A_108] : memref<10016x64xf32, #tpu.memory_space<vmem_shared>> -> memref<128x64xf32, #tpu.memory_space<vmem_shared>>
      %dma_wait3A_110 = arith.constant 0 : i32
      %dma_wait3A_111 = arith.constant 0 : i32
      %dma_wait3A_112 = tpu.memref_slice %arg8[%run_scoped3A_28, %run_scoped3A_29, %dma_wait3A_110, %dma_wait3A_111] : memref<2x4x128x64xf32, #tpu.memory_space<vmem>> -> memref<1x1x128x64xf32, #tpu.memory_space<vmem>>
      %dma_wait3A_113 = tpu.memref_squeeze %dma_wait3A_112 : memref<1x1x128x64xf32, #tpu.memory_space<vmem>> -> memref<128x64xf32, #tpu.memory_space<vmem>>
      tpu.wait_dma2 semaphore(%run_scoped3A_91 : memref<!tpu.dma_semaphore, #tpu.memory_space<semaphore_mem>>) src(%dma_wait3A_113 : memref<128x64xf32, #tpu.memory_space<vmem>>) dst(%dma_wait3A_109 : memref<128x64xf32, #tpu.memory_space<vmem_shared>>)
      tpu.yield
    }) : () -> ()
    %mul3A_30 = arith.constant 626 : i32
    %mul3A_31 = arith.muli %arg1, %mul3A_30 : i32
    %add3A_32 = arith.constant 384 : i32
    %add3A_33 = arith.addi %mul3A_31, %add3A_32 : i32
    %run_scoped3A_34 = arith.constant 0 : i32
    %run_scoped3A_35 = arith.constant 3 : i32
    "tpu.region"() ({
      %run_scoped3A_91 = tpu.sem_alloc : memref<!tpu.dma_semaphore, #tpu.memory_space<semaphore_mem>>
      %dma_start3A = arith.constant 0 : i32
      %dma_start3A_92 = arith.constant 0 : i32
      %dma_start3A_93 = tpu.memref_slice %arg8[%run_scoped3A_34, %run_scoped3A_35, %dma_start3A, %dma_start3A_92] : memref<2x4x128x64xf32, #tpu.memory_space<vmem>> -> memref<1x1x128x64xf32, #tpu.memory_space<vmem>>
      %dma_start3A_94 = tpu.memref_squeeze %dma_start3A_93 : memref<1x1x128x64xf32, #tpu.memory_space<vmem>> -> memref<128x64xf32, #tpu.memory_space<vmem>>
      %dma_start3A_95 = arith.constant 0 : i32
      %dma_start3A_96 = tpu.memref_slice %arg9[%add3A_33, %dma_start3A_95] : memref<10016x64xf32, #tpu.memory_space<vmem_shared>> -> memref<128x64xf32, #tpu.memory_space<vmem_shared>>
      %dma_start3A_97 = arith.constant 0 : i32
      %dma_start3A_98 = tpu.memref_slice %arg9[%add3A_33, %dma_start3A_97] : memref<10016x64xf32, #tpu.memory_space<vmem_shared>> -> memref<128x64xf32, #tpu.memory_space<vmem_shared>>
      %dma_start3A_99 = arith.constant 0 : i32
      %dma_start3A_100 = arith.constant 0 : i32
      %dma_start3A_101 = tpu.memref_slice %arg8[%run_scoped3A_34, %run_scoped3A_35, %dma_start3A_99, %dma_start3A_100] : memref<2x4x128x64xf32, #tpu.memory_space<vmem>> -> memref<1x1x128x64xf32, #tpu.memory_space<vmem>>
      %dma_start3A_102 = tpu.memref_squeeze %dma_start3A_101 : memref<1x1x128x64xf32, #tpu.memory_space<vmem>> -> memref<128x64xf32, #tpu.memory_space<vmem>>
      tpu.enqueue_dma source(%dma_start3A_102 : memref<128x64xf32, #tpu.memory_space<vmem>>) target(%dma_start3A_98 : memref<128x64xf32, #tpu.memory_space<vmem_shared>>) target_semaphore(%run_scoped3A_91 : memref<!tpu.dma_semaphore, #tpu.memory_space<semaphore_mem>>)
      %dma_wait3A = arith.constant 0 : i32
      %dma_wait3A_103 = arith.constant 0 : i32
      %dma_wait3A_104 = tpu.memref_slice %arg8[%run_scoped3A_34, %run_scoped3A_35, %dma_wait3A, %dma_wait3A_103] : memref<2x4x128x64xf32, #tpu.memory_space<vmem>> -> memref<1x1x128x64xf32, #tpu.memory_space<vmem>>
      %dma_wait3A_105 = tpu.memref_squeeze %dma_wait3A_104 : memref<1x1x128x64xf32, #tpu.memory_space<vmem>> -> memref<128x64xf32, #tpu.memory_space<vmem>>
      %dma_wait3A_106 = arith.constant 0 : i32
      %dma_wait3A_107 = tpu.memref_slice %arg9[%add3A_33, %dma_wait3A_106] : memref<10016x64xf32, #tpu.memory_space<vmem_shared>> -> memref<128x64xf32, #tpu.memory_space<vmem_shared>>
      %dma_wait3A_108 = arith.constant 0 : i32
      %dma_wait3A_109 = tpu.memref_slice %arg9[%add3A_33, %dma_wait3A_108] : memref<10016x64xf32, #tpu.memory_space<vmem_shared>> -> memref<128x64xf32, #tpu.memory_space<vmem_shared>>
      %dma_wait3A_110 = arith.constant 0 : i32
      %dma_wait3A_111 = arith.constant 0 : i32
      %dma_wait3A_112 = tpu.memref_slice %arg8[%run_scoped3A_34, %run_scoped3A_35, %dma_wait3A_110, %dma_wait3A_111] : memref<2x4x128x64xf32, #tpu.memory_space<vmem>> -> memref<1x1x128x64xf32, #tpu.memory_space<vmem>>
      %dma_wait3A_113 = tpu.memref_squeeze %dma_wait3A_112 : memref<1x1x128x64xf32, #tpu.memory_space<vmem>> -> memref<128x64xf32, #tpu.memory_space<vmem>>
      tpu.wait_dma2 semaphore(%run_scoped3A_91 : memref<!tpu.dma_semaphore, #tpu.memory_space<semaphore_mem>>) src(%dma_wait3A_113 : memref<128x64xf32, #tpu.memory_space<vmem>>) dst(%dma_wait3A_109 : memref<128x64xf32, #tpu.memory_space<vmem_shared>>)
      tpu.yield
    }) : () -> ()
    %mul3A_36 = arith.constant 626 : i32
    %mul3A_37 = arith.muli %arg1, %mul3A_36 : i32
    %add3A_38 = arith.constant 512 : i32
    %add3A_39 = arith.addi %mul3A_37, %add3A_38 : i32
    %run_scoped3A_40 = arith.constant 0 : i32
    %run_scoped3A_41 = arith.constant 0 : i32
    "tpu.region"() ({
      %run_scoped3A_91 = tpu.sem_alloc : memref<!tpu.dma_semaphore, #tpu.memory_space<semaphore_mem>>
      %dma_start3A = arith.constant 0 : i32
      %dma_start3A_92 = arith.constant 0 : i32
      %dma_start3A_93 = tpu.memref_slice %arg8[%run_scoped3A_40, %run_scoped3A_41, %dma_start3A, %dma_start3A_92] : memref<2x4x128x64xf32, #tpu.memory_space<vmem>> -> memref<1x1x114x64xf32, #tpu.memory_space<vmem>>
      %dma_start3A_94 = tpu.memref_squeeze %dma_start3A_93 : memref<1x1x114x64xf32, #tpu.memory_space<vmem>> -> memref<114x64xf32, #tpu.memory_space<vmem>>
      %dma_start3A_95 = arith.constant 0 : i32
      %dma_start3A_96 = tpu.memref_slice %arg9[%add3A_39, %dma_start3A_95] : memref<10016x64xf32, #tpu.memory_space<vmem_shared>> -> memref<114x64xf32, #tpu.memory_space<vmem_shared>>
      %dma_start3A_97 = arith.constant 0 : i32
      %dma_start3A_98 = tpu.memref_slice %arg9[%add3A_39, %dma_start3A_97] : memref<10016x64xf32, #tpu.memory_space<vmem_shared>> -> memref<114x64xf32, #tpu.memory_space<vmem_shared>>
      %dma_start3A_99 = arith.constant 0 : i32
      %dma_start3A_100 = arith.constant 0 : i32
      %dma_start3A_101 = tpu.memref_slice %arg8[%run_scoped3A_40, %run_scoped3A_41, %dma_start3A_99, %dma_start3A_100] : memref<2x4x128x64xf32, #tpu.memory_space<vmem>> -> memref<1x1x114x64xf32, #tpu.memory_space<vmem>>
      %dma_start3A_102 = tpu.memref_squeeze %dma_start3A_101 : memref<1x1x114x64xf32, #tpu.memory_space<vmem>> -> memref<114x64xf32, #tpu.memory_space<vmem>>
      tpu.enqueue_dma source(%dma_start3A_102 : memref<114x64xf32, #tpu.memory_space<vmem>>) target(%dma_start3A_98 : memref<114x64xf32, #tpu.memory_space<vmem_shared>>) target_semaphore(%run_scoped3A_91 : memref<!tpu.dma_semaphore, #tpu.memory_space<semaphore_mem>>)
      %dma_wait3A = arith.constant 0 : i32
      %dma_wait3A_103 = arith.constant 0 : i32
      %dma_wait3A_104 = tpu.memref_slice %arg8[%run_scoped3A_40, %run_scoped3A_41, %dma_wait3A, %dma_wait3A_103] : memref<2x4x128x64xf32, #tpu.memory_space<vmem>> -> memref<1x1x114x64xf32, #tpu.memory_space<vmem>>
      %dma_wait3A_105 = tpu.memref_squeeze %dma_wait3A_104 : memref<1x1x114x64xf32, #tpu.memory_space<vmem>> -> memref<114x64xf32, #tpu.memory_space<vmem>>
      %dma_wait3A_106 = arith.constant 0 : i32
      %dma_wait3A_107 = tpu.memref_slice %arg9[%add3A_39, %dma_wait3A_106] : memref<10016x64xf32, #tpu.memory_space<vmem_shared>> -> memref<114x64xf32, #tpu.memory_space<vmem_shared>>
      %dma_wait3A_108 = arith.constant 0 : i32
      %dma_wait3A_109 = tpu.memref_slice %arg9[%add3A_39, %dma_wait3A_108] : memref<10016x64xf32, #tpu.memory_space<vmem_shared>> -> memref<114x64xf32, #tpu.memory_space<vmem_shared>>
      %dma_wait3A_110 = arith.constant 0 : i32
      %dma_wait3A_111 = arith.constant 0 : i32
      %dma_wait3A_112 = tpu.memref_slice %arg8[%run_scoped3A_40, %run_scoped3A_41, %dma_wait3A_110, %dma_wait3A_111] : memref<2x4x128x64xf32, #tpu.memory_space<vmem>> -> memref<1x1x114x64xf32, #tpu.memory_space<vmem>>
      %dma_wait3A_113 = tpu.memref_squeeze %dma_wait3A_112 : memref<1x1x114x64xf32, #tpu.memory_space<vmem>> -> memref<114x64xf32, #tpu.memory_space<vmem>>
      tpu.wait_dma2 semaphore(%run_scoped3A_91 : memref<!tpu.dma_semaphore, #tpu.memory_space<semaphore_mem>>) src(%dma_wait3A_113 : memref<114x64xf32, #tpu.memory_space<vmem>>) dst(%dma_wait3A_109 : memref<114x64xf32, #tpu.memory_space<vmem_shared>>)
      tpu.yield
    }) : () -> ()
    "tpu.trace_stop"() : () -> ()
    %barrier3A = arith.constant 0 : index
    tpu.barrier barrier_id(%barrier3A)
    %sc_fetch_and_add3A = arith.constant 1 : i32
    %sc_fetch_and_add3A_42 = arith.constant 0 : i32
    %sc_fetch_and_add3A_43 = arith.constant 0 : i32
    "tpu.trace_start"() <{level = 10 : i32, message = "edges"}> : () -> ()
    %sc_fetch_and_add3A_44 = tpu.fetch_and_add_sync %arg10[%sc_fetch_and_add3A_42], %sc_fetch_and_add3A, %sc_fetch_and_add3A_43 : memref<1xi32, #tpu.memory_space<smem>>, i32 -> i32
    %lt3A = arith.cmpi slt, %sc_fetch_and_add3A_44, %select_n3A : i32
    %convert_element_type3A_45 = arith.extui %lt3A : i1 to i32
    %cond3A_46 = arith.constant 0 : i32
    %cond3A_47 = arith.cmpi ne, %convert_element_type3A_45, %cond3A_46 : i32
    scf.if %cond3A_47 {
      %add3A_91 = arith.addi %select_n3A_6, %sc_fetch_and_add3A_44 : i32
      %mul3A_92 = arith.constant 4 : i32
      %mul3A_93 = arith.muli %add3A_91, %mul3A_92 : i32
      %dma_start3A = arith.constant 0 : i32
      %dma_start3A_94 = arith.constant 0 : i32
      %dma_start3A_95 = arith.constant 0 : i32
      %dma_start3A_96 = tpu.memref_slice %arg6[%dma_start3A, %dma_start3A_94, %dma_start3A_95] : memref<2x4x128xi32, #tpu.memory_space<vmem>> -> memref<1x4x128xi32, #tpu.memory_space<vmem>>
      %dma_start3A_97 = tpu.memref_squeeze %dma_start3A_96 : memref<1x4x128xi32, #tpu.memory_space<vmem>> -> memref<4x128xi32, #tpu.memory_space<vmem>>
      %dma_start3A_98 = arith.constant 0 : i32
      %dma_start3A_99 = tpu.memref_slice %arg3[%mul3A_93, %dma_start3A_98] : memref<2560x128xi32, #tpu.memory_space<hbm>> -> memref<4x128xi32, #tpu.memory_space<hbm>>
      %dma_start3A_100 = arith.constant 0 : i32
      %dma_start3A_101 = arith.constant 0 : i32
      %dma_start3A_102 = tpu.memref_slice %arg6[%dma_start3A, %dma_start3A_100, %dma_start3A_101] : memref<2x4x128xi32, #tpu.memory_space<vmem>> -> memref<1x4x128xi32, #tpu.memory_space<vmem>>
      %dma_start3A_103 = tpu.memref_squeeze %dma_start3A_102 : memref<1x4x128xi32, #tpu.memory_space<vmem>> -> memref<4x128xi32, #tpu.memory_space<vmem>>
      %dma_start3A_104 = arith.constant 0 : i32
      %dma_start3A_105 = tpu.memref_slice %arg3[%mul3A_93, %dma_start3A_104] : memref<2560x128xi32, #tpu.memory_space<hbm>> -> memref<4x128xi32, #tpu.memory_space<hbm>>
      tpu.enqueue_dma source(%dma_start3A_105 : memref<4x128xi32, #tpu.memory_space<hbm>>) target(%dma_start3A_103 : memref<4x128xi32, #tpu.memory_space<vmem>>) target_semaphore(%arg11 : memref<!tpu.dma_semaphore, #tpu.memory_space<semaphore_mem>>)
      %dma_start3A_106 = arith.constant 0 : i32
      %dma_start3A_107 = arith.constant 0 : i32
      %dma_start3A_108 = arith.constant 0 : i32
      %dma_start3A_109 = tpu.memref_slice %arg7[%dma_start3A_106, %dma_start3A_107, %dma_start3A_108] : memref<2x4x128xi32, #tpu.memory_space<vmem>> -> memref<1x4x128xi32, #tpu.memory_space<vmem>>
      %dma_start3A_110 = tpu.memref_squeeze %dma_start3A_109 : memref<1x4x128xi32, #tpu.memory_space<vmem>> -> memref<4x128xi32, #tpu.memory_space<vmem>>
      %dma_start3A_111 = arith.constant 0 : i32
      %dma_start3A_112 = tpu.memref_slice %arg4[%mul3A_93, %dma_start3A_111] : memref<2560x128xi32, #tpu.memory_space<hbm>> -> memref<4x128xi32, #tpu.memory_space<hbm>>
      %dma_start3A_113 = arith.constant 0 : i32
      %dma_start3A_114 = arith.constant 0 : i32
      %dma_start3A_115 = tpu.memref_slice %arg7[%dma_start3A_106, %dma_start3A_113, %dma_start3A_114] : memref<2x4x128xi32, #tpu.memory_space<vmem>> -> memref<1x4x128xi32, #tpu.memory_space<vmem>>
      %dma_start3A_116 = tpu.memref_squeeze %dma_start3A_115 : memref<1x4x128xi32, #tpu.memory_space<vmem>> -> memref<4x128xi32, #tpu.memory_space<vmem>>
      %dma_start3A_117 = arith.constant 0 : i32
      %dma_start3A_118 = tpu.memref_slice %arg4[%mul3A_93, %dma_start3A_117] : memref<2560x128xi32, #tpu.memory_space<hbm>> -> memref<4x128xi32, #tpu.memory_space<hbm>>
      tpu.enqueue_dma source(%dma_start3A_118 : memref<4x128xi32, #tpu.memory_space<hbm>>) target(%dma_start3A_116 : memref<4x128xi32, #tpu.memory_space<vmem>>) target_semaphore(%arg11 : memref<!tpu.dma_semaphore, #tpu.memory_space<semaphore_mem>>)
    } else {
    }
    %sc_fetch_and_add3A_48 = arith.constant 1 : i32
    %sc_fetch_and_add3A_49 = arith.constant 0 : i32
    %sc_fetch_and_add3A_50 = arith.constant 0 : i32
    %sc_fetch_and_add3A_51 = tpu.fetch_and_add_sync %arg10[%sc_fetch_and_add3A_49], %sc_fetch_and_add3A_48, %sc_fetch_and_add3A_50 : memref<1xi32, #tpu.memory_space<smem>>, i32 -> i32
    %lt3A_52 = arith.cmpi slt, %sc_fetch_and_add3A_51, %select_n3A : i32
    %convert_element_type3A_53 = arith.extui %lt3A_52 : i1 to i32
    %cond3A_54 = arith.constant 0 : i32
    %cond3A_55 = arith.cmpi ne, %convert_element_type3A_53, %cond3A_54 : i32
    scf.if %cond3A_55 {
      %add3A_91 = arith.addi %select_n3A_6, %sc_fetch_and_add3A_51 : i32
      %mul3A_92 = arith.constant 4 : i32
      %mul3A_93 = arith.muli %add3A_91, %mul3A_92 : i32
      %dma_start3A = arith.constant 1 : i32
      %dma_start3A_94 = arith.constant 0 : i32
      %dma_start3A_95 = arith.constant 0 : i32
      %dma_start3A_96 = tpu.memref_slice %arg6[%dma_start3A, %dma_start3A_94, %dma_start3A_95] : memref<2x4x128xi32, #tpu.memory_space<vmem>> -> memref<1x4x128xi32, #tpu.memory_space<vmem>>
      %dma_start3A_97 = tpu.memref_squeeze %dma_start3A_96 : memref<1x4x128xi32, #tpu.memory_space<vmem>> -> memref<4x128xi32, #tpu.memory_space<vmem>>
      %dma_start3A_98 = arith.constant 0 : i32
      %dma_start3A_99 = tpu.memref_slice %arg3[%mul3A_93, %dma_start3A_98] : memref<2560x128xi32, #tpu.memory_space<hbm>> -> memref<4x128xi32, #tpu.memory_space<hbm>>
      %dma_start3A_100 = arith.constant 0 : i32
      %dma_start3A_101 = arith.constant 0 : i32
      %dma_start3A_102 = tpu.memref_slice %arg6[%dma_start3A, %dma_start3A_100, %dma_start3A_101] : memref<2x4x128xi32, #tpu.memory_space<vmem>> -> memref<1x4x128xi32, #tpu.memory_space<vmem>>
      %dma_start3A_103 = tpu.memref_squeeze %dma_start3A_102 : memref<1x4x128xi32, #tpu.memory_space<vmem>> -> memref<4x128xi32, #tpu.memory_space<vmem>>
      %dma_start3A_104 = arith.constant 0 : i32
      %dma_start3A_105 = tpu.memref_slice %arg3[%mul3A_93, %dma_start3A_104] : memref<2560x128xi32, #tpu.memory_space<hbm>> -> memref<4x128xi32, #tpu.memory_space<hbm>>
      tpu.enqueue_dma source(%dma_start3A_105 : memref<4x128xi32, #tpu.memory_space<hbm>>) target(%dma_start3A_103 : memref<4x128xi32, #tpu.memory_space<vmem>>) target_semaphore(%arg12 : memref<!tpu.dma_semaphore, #tpu.memory_space<semaphore_mem>>)
      %dma_start3A_106 = arith.constant 1 : i32
      %dma_start3A_107 = arith.constant 0 : i32
      %dma_start3A_108 = arith.constant 0 : i32
      %dma_start3A_109 = tpu.memref_slice %arg7[%dma_start3A_106, %dma_start3A_107, %dma_start3A_108] : memref<2x4x128xi32, #tpu.memory_space<vmem>> -> memref<1x4x128xi32, #tpu.memory_space<vmem>>
      %dma_start3A_110 = tpu.memref_squeeze %dma_start3A_109 : memref<1x4x128xi32, #tpu.memory_space<vmem>> -> memref<4x128xi32, #tpu.memory_space<vmem>>
      %dma_start3A_111 = arith.constant 0 : i32
      %dma_start3A_112 = tpu.memref_slice %arg4[%mul3A_93, %dma_start3A_111] : memref<2560x128xi32, #tpu.memory_space<hbm>> -> memref<4x128xi32, #tpu.memory_space<hbm>>
      %dma_start3A_113 = arith.constant 0 : i32
      %dma_start3A_114 = arith.constant 0 : i32
      %dma_start3A_115 = tpu.memref_slice %arg7[%dma_start3A_106, %dma_start3A_113, %dma_start3A_114] : memref<2x4x128xi32, #tpu.memory_space<vmem>> -> memref<1x4x128xi32, #tpu.memory_space<vmem>>
      %dma_start3A_116 = tpu.memref_squeeze %dma_start3A_115 : memref<1x4x128xi32, #tpu.memory_space<vmem>> -> memref<4x128xi32, #tpu.memory_space<vmem>>
      %dma_start3A_117 = arith.constant 0 : i32
      %dma_start3A_118 = tpu.memref_slice %arg4[%mul3A_93, %dma_start3A_117] : memref<2560x128xi32, #tpu.memory_space<hbm>> -> memref<4x128xi32, #tpu.memory_space<hbm>>
      tpu.enqueue_dma source(%dma_start3A_118 : memref<4x128xi32, #tpu.memory_space<hbm>>) target(%dma_start3A_116 : memref<4x128xi32, #tpu.memory_space<vmem>>) target_semaphore(%arg12 : memref<!tpu.dma_semaphore, #tpu.memory_space<semaphore_mem>>)
    } else {
    }
    %jit3A_56 = arith.constant 2 : i32
    %div3A = arith.divsi %select_n3A, %jit3A_56 : i32
    %sign3A = arith.constant 0 : i32
    %sign3A_57 = arith.cmpi sgt, %select_n3A, %sign3A : i32
    %sign3A_58 = arith.extui %sign3A_57 : i1 to i32
    %sign3A_59 = arith.constant 0 : i32
    %sign3A_60 = arith.cmpi slt, %select_n3A, %sign3A_59 : i32
    %sign3A_61 = arith.extui %sign3A_60 : i1 to i32
    %sign3A_62 = arith.subi %sign3A_58, %sign3A_61 : i32
    %sign3A_63 = arith.constant 0 : i32
    %sign3A_64 = arith.cmpi sgt, %jit3A_56, %sign3A_63 : i32
    %sign3A_65 = arith.extui %sign3A_64 : i1 to i32
    %sign3A_66 = arith.constant 0 : i32
    %sign3A_67 = arith.cmpi slt, %jit3A_56, %sign3A_66 : i32
    %sign3A_68 = arith.extui %sign3A_67 : i1 to i32
    %sign3A_69 = arith.subi %sign3A_65, %sign3A_68 : i32
    %ne3A = arith.cmpi ne, %sign3A_62, %sign3A_69 : i32
    %rem3A = arith.remsi %select_n3A, %jit3A_56 : i32
    %ne3A_70 = arith.constant 0 : i32
    %ne3A_71 = arith.cmpi ne, %rem3A, %ne3A_70 : i32
    %and3A = arith.andi %ne3A, %ne3A_71 : i1
    %sub3A = arith.constant 1 : i32
    %sub3A_72 = arith.subi %div3A, %sub3A : i32
    %select_n3A_73 = arith.select %and3A, %sub3A_72, %div3A : i32
    %add3A_74 = arith.constant 2 : i32
    %add3A_75 = arith.addi %select_n3A_73, %add3A_74 : i32
    %while3A = arith.constant 0 : i32
    %while3A_76 = arith.subi %add3A_75, %while3A : i32
    %while3A_77 = arith.addi %while3A, %while3A_76 : i32
    %while3A_78 = arith.constant 1 : i32
    %while3A_79 = arith.divsi %while3A_76, %while3A_78 : i32
    %while3A_80 = arith.muli %while3A_79, %while3A_78 : i32
    %while3A_81 = arith.addi %while3A, %while3A_80 : i32
    %while3A_82 = arith.constant 1 : i32
    %while3A_83:2 = scf.for %while3A_91 = %while3A to %while3A_81 step %while3A_82 iter_args(%while3A_92 = %sc_fetch_and_add3A_44, %while3A_93 = %sc_fetch_and_add3A_51) -> (i32, i32)  : i32 {
      %lt3A_94 = arith.cmpi slt, %while3A_92, %select_n3A : i32
      %convert_element_type3A_95 = arith.extui %lt3A_94 : i1 to i32
      %cond3A_96 = arith.constant 0 : i32
      %cond3A_97 = arith.cmpi ne, %convert_element_type3A_95, %cond3A_96 : i32
      scf.if %cond3A_97 {
        %dma_wait3A = arith.constant 0 : i32
        %dma_wait3A_120 = arith.constant 0 : i32
        %dma_wait3A_121 = arith.constant 0 : i32
        %dma_wait3A_122 = tpu.memref_slice %arg6[%dma_wait3A, %dma_wait3A_120, %dma_wait3A_121] : memref<2x4x128xi32, #tpu.memory_space<vmem>> -> memref<1x4x128xi32, #tpu.memory_space<vmem>>
        %dma_wait3A_123 = tpu.memref_squeeze %dma_wait3A_122 : memref<1x4x128xi32, #tpu.memory_space<vmem>> -> memref<4x128xi32, #tpu.memory_space<vmem>>
        %dma_wait3A_124 = arith.constant 0 : i32
        %dma_wait3A_125 = arith.constant 0 : i32
        %dma_wait3A_126 = tpu.memref_slice %arg3[%dma_wait3A_124, %dma_wait3A_125] : memref<2560x128xi32, #tpu.memory_space<hbm>> -> memref<4x128xi32, #tpu.memory_space<hbm>>
        %dma_wait3A_127 = arith.constant 0 : i32
        %dma_wait3A_128 = arith.constant 0 : i32
        %dma_wait3A_129 = tpu.memref_slice %arg6[%dma_wait3A, %dma_wait3A_127, %dma_wait3A_128] : memref<2x4x128xi32, #tpu.memory_space<vmem>> -> memref<1x4x128xi32, #tpu.memory_space<vmem>>
        %dma_wait3A_130 = tpu.memref_squeeze %dma_wait3A_129 : memref<1x4x128xi32, #tpu.memory_space<vmem>> -> memref<4x128xi32, #tpu.memory_space<vmem>>
        %dma_wait3A_131 = arith.constant 0 : i32
        %dma_wait3A_132 = arith.constant 0 : i32
        %dma_wait3A_133 = tpu.memref_slice %arg3[%dma_wait3A_131, %dma_wait3A_132] : memref<2560x128xi32, #tpu.memory_space<hbm>> -> memref<4x128xi32, #tpu.memory_space<hbm>>
        tpu.wait_dma2 semaphore(%arg11 : memref<!tpu.dma_semaphore, #tpu.memory_space<semaphore_mem>>) src(%dma_wait3A_133 : memref<4x128xi32, #tpu.memory_space<hbm>>) dst(%dma_wait3A_130 : memref<4x128xi32, #tpu.memory_space<vmem>>)
        %dma_wait3A_134 = arith.constant 0 : i32
        %dma_wait3A_135 = arith.constant 0 : i32
        %dma_wait3A_136 = arith.constant 0 : i32
        %dma_wait3A_137 = tpu.memref_slice %arg7[%dma_wait3A_134, %dma_wait3A_135, %dma_wait3A_136] : memref<2x4x128xi32, #tpu.memory_space<vmem>> -> memref<1x4x128xi32, #tpu.memory_space<vmem>>
        %dma_wait3A_138 = tpu.memref_squeeze %dma_wait3A_137 : memref<1x4x128xi32, #tpu.memory_space<vmem>> -> memref<4x128xi32, #tpu.memory_space<vmem>>
        %dma_wait3A_139 = arith.constant 0 : i32
        %dma_wait3A_140 = arith.constant 0 : i32
        %dma_wait3A_141 = tpu.memref_slice %arg4[%dma_wait3A_139, %dma_wait3A_140] : memref<2560x128xi32, #tpu.memory_space<hbm>> -> memref<4x128xi32, #tpu.memory_space<hbm>>
        %dma_wait3A_142 = arith.constant 0 : i32
        %dma_wait3A_143 = arith.constant 0 : i32
        %dma_wait3A_144 = tpu.memref_slice %arg7[%dma_wait3A_134, %dma_wait3A_142, %dma_wait3A_143] : memref<2x4x128xi32, #tpu.memory_space<vmem>> -> memref<1x4x128xi32, #tpu.memory_space<vmem>>
        %dma_wait3A_145 = tpu.memref_squeeze %dma_wait3A_144 : memref<1x4x128xi32, #tpu.memory_space<vmem>> -> memref<4x128xi32, #tpu.memory_space<vmem>>
        %dma_wait3A_146 = arith.constant 0 : i32
        %dma_wait3A_147 = arith.constant 0 : i32
        %dma_wait3A_148 = tpu.memref_slice %arg4[%dma_wait3A_146, %dma_wait3A_147] : memref<2560x128xi32, #tpu.memory_space<hbm>> -> memref<4x128xi32, #tpu.memory_space<hbm>>
        tpu.wait_dma2 semaphore(%arg11 : memref<!tpu.dma_semaphore, #tpu.memory_space<semaphore_mem>>) src(%dma_wait3A_148 : memref<4x128xi32, #tpu.memory_space<hbm>>) dst(%dma_wait3A_145 : memref<4x128xi32, #tpu.memory_space<vmem>>)
        %dma_start3A = arith.constant 0 : i32
        %dma_start3A_149 = arith.constant 0 : i32
        %dma_start3A_150 = arith.constant 0 : i32
        %dma_start3A_151 = arith.constant 0 : i32
        %dma_start3A_152 = arith.constant 0 : i32
        %dma_start3A_153 = arith.constant 0 : i32
        %dma_start3A_154 = tpu.memref_slice %arg8[%dma_start3A_150, %dma_start3A_151, %dma_start3A_152, %dma_start3A_153] : memref<2x4x128x64xf32, #tpu.memory_space<vmem>> -> memref<1x1x128x64xf32, #tpu.memory_space<vmem>>
        %dma_start3A_155 = tpu.memref_squeeze %dma_start3A_154 : memref<1x1x128x64xf32, #tpu.memory_space<vmem>> -> memref<128x64xf32, #tpu.memory_space<vmem>>
        %dma_start3A_156 = arith.constant 0 : i32
        %dma_start3A_157 = tpu.memref_slice %arg6[%dma_start3A, %dma_start3A_149, %dma_start3A_156] : memref<2x4x128xi32, #tpu.memory_space<vmem>> -> memref<1x1x128xi32, #tpu.memory_space<vmem>>
        %dma_start3A_158 = tpu.memref_squeeze %dma_start3A_157 : memref<1x1x128xi32, #tpu.memory_space<vmem>> -> memref<128xi32, #tpu.memory_space<vmem>>
        %dma_start3A_159 = arith.constant 0 : i32
        %dma_start3A_160 = arith.constant 0 : i32
        %dma_start3A_161 = tpu.memref_slice %arg2[%dma_start3A_159, %dma_start3A_160] : memref<10000x64xf32, #tpu.memory_space<hbm>> -> memref<10000x64xf32, #tpu.memory_space<hbm>>
        tpu.enqueue_indirect_dma source(%dma_start3A_161 : memref<10000x64xf32, #tpu.memory_space<hbm>>) target(%dma_start3A_155 : memref<128x64xf32, #tpu.memory_space<vmem>>) offsets(%dma_start3A_158 : memref<128xi32, #tpu.memory_space<vmem>>) semaphore(%arg13 : memref<!tpu.dma_semaphore, #tpu.memory_space<semaphore_mem>>)
        %dma_start3A_162 = arith.constant 0 : i32
        %dma_start3A_163 = arith.constant 1 : i32
        %dma_start3A_164 = arith.constant 0 : i32
        %dma_start3A_165 = arith.constant 1 : i32
        %dma_start3A_166 = arith.constant 0 : i32
        %dma_start3A_167 = arith.constant 0 : i32
        %dma_start3A_168 = tpu.memref_slice %arg8[%dma_start3A_164, %dma_start3A_165, %dma_start3A_166, %dma_start3A_167] : memref<2x4x128x64xf32, #tpu.memory_space<vmem>> -> memref<1x1x128x64xf32, #tpu.memory_space<vmem>>
        %dma_start3A_169 = tpu.memref_squeeze %dma_start3A_168 : memref<1x1x128x64xf32, #tpu.memory_space<vmem>> -> memref<128x64xf32, #tpu.memory_space<vmem>>
        %dma_start3A_170 = arith.constant 0 : i32
        %dma_start3A_171 = tpu.memref_slice %arg6[%dma_start3A_162, %dma_start3A_163, %dma_start3A_170] : memref<2x4x128xi32, #tpu.memory_space<vmem>> -> memref<1x1x128xi32, #tpu.memory_space<vmem>>
        %dma_start3A_172 = tpu.memref_squeeze %dma_start3A_171 : memref<1x1x128xi32, #tpu.memory_space<vmem>> -> memref<128xi32, #tpu.memory_space<vmem>>
        %dma_start3A_173 = arith.constant 0 : i32
        %dma_start3A_174 = arith.constant 0 : i32
        %dma_start3A_175 = tpu.memref_slice %arg2[%dma_start3A_173, %dma_start3A_174] : memref<10000x64xf32, #tpu.memory_space<hbm>> -> memref<10000x64xf32, #tpu.memory_space<hbm>>
        tpu.enqueue_indirect_dma source(%dma_start3A_175 : memref<10000x64xf32, #tpu.memory_space<hbm>>) target(%dma_start3A_169 : memref<128x64xf32, #tpu.memory_space<vmem>>) offsets(%dma_start3A_172 : memref<128xi32, #tpu.memory_space<vmem>>) semaphore(%arg14 : memref<!tpu.dma_semaphore, #tpu.memory_space<semaphore_mem>>)
        %dma_start3A_176 = arith.constant 0 : i32
        %dma_start3A_177 = arith.constant 2 : i32
        %dma_start3A_178 = arith.constant 0 : i32
        %dma_start3A_179 = arith.constant 2 : i32
        %dma_start3A_180 = arith.constant 0 : i32
        %dma_start3A_181 = arith.constant 0 : i32
        %dma_start3A_182 = tpu.memref_slice %arg8[%dma_start3A_178, %dma_start3A_179, %dma_start3A_180, %dma_start3A_181] : memref<2x4x128x64xf32, #tpu.memory_space<vmem>> -> memref<1x1x128x64xf32, #tpu.memory_space<vmem>>
        %dma_start3A_183 = tpu.memref_squeeze %dma_start3A_182 : memref<1x1x128x64xf32, #tpu.memory_space<vmem>> -> memref<128x64xf32, #tpu.memory_space<vmem>>
        %dma_start3A_184 = arith.constant 0 : i32
        %dma_start3A_185 = tpu.memref_slice %arg6[%dma_start3A_176, %dma_start3A_177, %dma_start3A_184] : memref<2x4x128xi32, #tpu.memory_space<vmem>> -> memref<1x1x128xi32, #tpu.memory_space<vmem>>
        %dma_start3A_186 = tpu.memref_squeeze %dma_start3A_185 : memref<1x1x128xi32, #tpu.memory_space<vmem>> -> memref<128xi32, #tpu.memory_space<vmem>>
        %dma_start3A_187 = arith.constant 0 : i32
        %dma_start3A_188 = arith.constant 0 : i32
        %dma_start3A_189 = tpu.memref_slice %arg2[%dma_start3A_187, %dma_start3A_188] : memref<10000x64xf32, #tpu.memory_space<hbm>> -> memref<10000x64xf32, #tpu.memory_space<hbm>>
        tpu.enqueue_indirect_dma source(%dma_start3A_189 : memref<10000x64xf32, #tpu.memory_space<hbm>>) target(%dma_start3A_183 : memref<128x64xf32, #tpu.memory_space<vmem>>) offsets(%dma_start3A_186 : memref<128xi32, #tpu.memory_space<vmem>>) semaphore(%arg15 : memref<!tpu.dma_semaphore, #tpu.memory_space<semaphore_mem>>)
        %dma_start3A_190 = arith.constant 0 : i32
        %dma_start3A_191 = arith.constant 3 : i32
        %dma_start3A_192 = arith.constant 0 : i32
        %dma_start3A_193 = arith.constant 3 : i32
        %dma_start3A_194 = arith.constant 0 : i32
        %dma_start3A_195 = arith.constant 0 : i32
        %dma_start3A_196 = tpu.memref_slice %arg8[%dma_start3A_192, %dma_start3A_193, %dma_start3A_194, %dma_start3A_195] : memref<2x4x128x64xf32, #tpu.memory_space<vmem>> -> memref<1x1x128x64xf32, #tpu.memory_space<vmem>>
        %dma_start3A_197 = tpu.memref_squeeze %dma_start3A_196 : memref<1x1x128x64xf32, #tpu.memory_space<vmem>> -> memref<128x64xf32, #tpu.memory_space<vmem>>
        %dma_start3A_198 = arith.constant 0 : i32
        %dma_start3A_199 = tpu.memref_slice %arg6[%dma_start3A_190, %dma_start3A_191, %dma_start3A_198] : memref<2x4x128xi32, #tpu.memory_space<vmem>> -> memref<1x1x128xi32, #tpu.memory_space<vmem>>
        %dma_start3A_200 = tpu.memref_squeeze %dma_start3A_199 : memref<1x1x128xi32, #tpu.memory_space<vmem>> -> memref<128xi32, #tpu.memory_space<vmem>>
        %dma_start3A_201 = arith.constant 0 : i32
        %dma_start3A_202 = arith.constant 0 : i32
        %dma_start3A_203 = tpu.memref_slice %arg2[%dma_start3A_201, %dma_start3A_202] : memref<10000x64xf32, #tpu.memory_space<hbm>> -> memref<10000x64xf32, #tpu.memory_space<hbm>>
        tpu.enqueue_indirect_dma source(%dma_start3A_203 : memref<10000x64xf32, #tpu.memory_space<hbm>>) target(%dma_start3A_197 : memref<128x64xf32, #tpu.memory_space<vmem>>) offsets(%dma_start3A_200 : memref<128xi32, #tpu.memory_space<vmem>>) semaphore(%arg16 : memref<!tpu.dma_semaphore, #tpu.memory_space<semaphore_mem>>)
        %dma_wait3A_204 = arith.constant 0 : i32
        %dma_wait3A_205 = arith.constant 0 : i32
        %dma_wait3A_206 = arith.constant 0 : i32
        %dma_wait3A_207 = arith.constant 0 : i32
        %dma_wait3A_208 = arith.constant 0 : i32
        %dma_wait3A_209 = arith.constant 0 : i32
        %dma_wait3A_210 = tpu.memref_slice %arg8[%dma_wait3A_206, %dma_wait3A_207, %dma_wait3A_208, %dma_wait3A_209] : memref<2x4x128x64xf32, #tpu.memory_space<vmem>> -> memref<1x1x128x64xf32, #tpu.memory_space<vmem>>
        %dma_wait3A_211 = tpu.memref_squeeze %dma_wait3A_210 : memref<1x1x128x64xf32, #tpu.memory_space<vmem>> -> memref<128x64xf32, #tpu.memory_space<vmem>>
        %dma_wait3A_212 = arith.constant 0 : i32
        %dma_wait3A_213 = tpu.memref_slice %arg6[%dma_wait3A_204, %dma_wait3A_205, %dma_wait3A_212] : memref<2x4x128xi32, #tpu.memory_space<vmem>> -> memref<1x1x128xi32, #tpu.memory_space<vmem>>
        %dma_wait3A_214 = tpu.memref_squeeze %dma_wait3A_213 : memref<1x1x128xi32, #tpu.memory_space<vmem>> -> memref<128xi32, #tpu.memory_space<vmem>>
        %dma_wait3A_215 = arith.constant 0 : i32
        %dma_wait3A_216 = arith.constant 0 : i32
        %dma_wait3A_217 = tpu.memref_slice %arg2[%dma_wait3A_215, %dma_wait3A_216] : memref<10000x64xf32, #tpu.memory_space<hbm>> -> memref<10000x64xf32, #tpu.memory_space<hbm>>
        tpu.wait_indirect_dma semaphore(%arg13 : memref<!tpu.dma_semaphore, #tpu.memory_space<semaphore_mem>>) src(%dma_wait3A_217 : memref<10000x64xf32, #tpu.memory_space<hbm>>) dst(%dma_wait3A_211 : memref<128x64xf32, #tpu.memory_space<vmem>>)
        %dma_start3A_218 = arith.constant 0 : i32
        %dma_start3A_219 = arith.constant 0 : i32
        %dma_start3A_220 = arith.constant 0 : i32
        %dma_start3A_221 = arith.constant 0 : i32
        %dma_start3A_222 = arith.constant 0 : i32
        %dma_start3A_223 = arith.constant 0 : i32
        %dma_start3A_224 = tpu.memref_slice %arg8[%dma_start3A_218, %dma_start3A_219, %dma_start3A_222, %dma_start3A_223] : memref<2x4x128x64xf32, #tpu.memory_space<vmem>> -> memref<1x1x128x64xf32, #tpu.memory_space<vmem>>
        %dma_start3A_225 = tpu.memref_squeeze %dma_start3A_224 : memref<1x1x128x64xf32, #tpu.memory_space<vmem>> -> memref<128x64xf32, #tpu.memory_space<vmem>>
        %dma_start3A_226 = arith.constant 0 : i32
        %dma_start3A_227 = tpu.memref_slice %arg7[%dma_start3A_220, %dma_start3A_221, %dma_start3A_226] : memref<2x4x128xi32, #tpu.memory_space<vmem>> -> memref<1x1x128xi32, #tpu.memory_space<vmem>>
        %dma_start3A_228 = tpu.memref_squeeze %dma_start3A_227 : memref<1x1x128xi32, #tpu.memory_space<vmem>> -> memref<128xi32, #tpu.memory_space<vmem>>
        %dma_start3A_229 = arith.constant 0 : i32
        %dma_start3A_230 = arith.constant 0 : i32
        %dma_start3A_231 = tpu.memref_slice %arg9[%dma_start3A_229, %dma_start3A_230] : memref<10016x64xf32, #tpu.memory_space<vmem_shared>> -> memref<10016x64xf32, #tpu.memory_space<vmem_shared>>
        tpu.enqueue_indirect_dma source(%dma_start3A_225 : memref<128x64xf32, #tpu.memory_space<vmem>>) target(%dma_start3A_231 : memref<10016x64xf32, #tpu.memory_space<vmem_shared>>) offsets(%dma_start3A_228 : memref<128xi32, #tpu.memory_space<vmem>>) semaphore(%arg21 : memref<!tpu.dma_semaphore, #tpu.memory_space<semaphore_mem>>) {add = true}
        %dma_wait3A_232 = arith.constant 0 : i32
        %dma_wait3A_233 = arith.constant 1 : i32
        %dma_wait3A_234 = arith.constant 0 : i32
        %dma_wait3A_235 = arith.constant 1 : i32
        %dma_wait3A_236 = arith.constant 0 : i32
        %dma_wait3A_237 = arith.constant 0 : i32
        %dma_wait3A_238 = tpu.memref_slice %arg8[%dma_wait3A_234, %dma_wait3A_235, %dma_wait3A_236, %dma_wait3A_237] : memref<2x4x128x64xf32, #tpu.memory_space<vmem>> -> memref<1x1x128x64xf32, #tpu.memory_space<vmem>>
        %dma_wait3A_239 = tpu.memref_squeeze %dma_wait3A_238 : memref<1x1x128x64xf32, #tpu.memory_space<vmem>> -> memref<128x64xf32, #tpu.memory_space<vmem>>
        %dma_wait3A_240 = arith.constant 0 : i32
        %dma_wait3A_241 = tpu.memref_slice %arg6[%dma_wait3A_232, %dma_wait3A_233, %dma_wait3A_240] : memref<2x4x128xi32, #tpu.memory_space<vmem>> -> memref<1x1x128xi32, #tpu.memory_space<vmem>>
        %dma_wait3A_242 = tpu.memref_squeeze %dma_wait3A_241 : memref<1x1x128xi32, #tpu.memory_space<vmem>> -> memref<128xi32, #tpu.memory_space<vmem>>
        %dma_wait3A_243 = arith.constant 0 : i32
        %dma_wait3A_244 = arith.constant 0 : i32
        %dma_wait3A_245 = tpu.memref_slice %arg2[%dma_wait3A_243, %dma_wait3A_244] : memref<10000x64xf32, #tpu.memory_space<hbm>> -> memref<10000x64xf32, #tpu.memory_space<hbm>>
        tpu.wait_indirect_dma semaphore(%arg14 : memref<!tpu.dma_semaphore, #tpu.memory_space<semaphore_mem>>) src(%dma_wait3A_245 : memref<10000x64xf32, #tpu.memory_space<hbm>>) dst(%dma_wait3A_239 : memref<128x64xf32, #tpu.memory_space<vmem>>)
        %dma_start3A_246 = arith.constant 0 : i32
        %dma_start3A_247 = arith.constant 1 : i32
        %dma_start3A_248 = arith.constant 0 : i32
        %dma_start3A_249 = arith.constant 1 : i32
        %dma_start3A_250 = arith.constant 0 : i32
        %dma_start3A_251 = arith.constant 0 : i32
        %dma_start3A_252 = tpu.memref_slice %arg8[%dma_start3A_246, %dma_start3A_247, %dma_start3A_250, %dma_start3A_251] : memref<2x4x128x64xf32, #tpu.memory_space<vmem>> -> memref<1x1x128x64xf32, #tpu.memory_space<vmem>>
        %dma_start3A_253 = tpu.memref_squeeze %dma_start3A_252 : memref<1x1x128x64xf32, #tpu.memory_space<vmem>> -> memref<128x64xf32, #tpu.memory_space<vmem>>
        %dma_start3A_254 = arith.constant 0 : i32
        %dma_start3A_255 = tpu.memref_slice %arg7[%dma_start3A_248, %dma_start3A_249, %dma_start3A_254] : memref<2x4x128xi32, #tpu.memory_space<vmem>> -> memref<1x1x128xi32, #tpu.memory_space<vmem>>
        %dma_start3A_256 = tpu.memref_squeeze %dma_start3A_255 : memref<1x1x128xi32, #tpu.memory_space<vmem>> -> memref<128xi32, #tpu.memory_space<vmem>>
        %dma_start3A_257 = arith.constant 0 : i32
        %dma_start3A_258 = arith.constant 0 : i32
        %dma_start3A_259 = tpu.memref_slice %arg9[%dma_start3A_257, %dma_start3A_258] : memref<10016x64xf32, #tpu.memory_space<vmem_shared>> -> memref<10016x64xf32, #tpu.memory_space<vmem_shared>>
        tpu.enqueue_indirect_dma source(%dma_start3A_253 : memref<128x64xf32, #tpu.memory_space<vmem>>) target(%dma_start3A_259 : memref<10016x64xf32, #tpu.memory_space<vmem_shared>>) offsets(%dma_start3A_256 : memref<128xi32, #tpu.memory_space<vmem>>) semaphore(%arg22 : memref<!tpu.dma_semaphore, #tpu.memory_space<semaphore_mem>>) {add = true}
        %dma_wait3A_260 = arith.constant 0 : i32
        %dma_wait3A_261 = arith.constant 2 : i32
        %dma_wait3A_262 = arith.constant 0 : i32
        %dma_wait3A_263 = arith.constant 2 : i32
        %dma_wait3A_264 = arith.constant 0 : i32
        %dma_wait3A_265 = arith.constant 0 : i32
        %dma_wait3A_266 = tpu.memref_slice %arg8[%dma_wait3A_262, %dma_wait3A_263, %dma_wait3A_264, %dma_wait3A_265] : memref<2x4x128x64xf32, #tpu.memory_space<vmem>> -> memref<1x1x128x64xf32, #tpu.memory_space<vmem>>
        %dma_wait3A_267 = tpu.memref_squeeze %dma_wait3A_266 : memref<1x1x128x64xf32, #tpu.memory_space<vmem>> -> memref<128x64xf32, #tpu.memory_space<vmem>>
        %dma_wait3A_268 = arith.constant 0 : i32
        %dma_wait3A_269 = tpu.memref_slice %arg6[%dma_wait3A_260, %dma_wait3A_261, %dma_wait3A_268] : memref<2x4x128xi32, #tpu.memory_space<vmem>> -> memref<1x1x128xi32, #tpu.memory_space<vmem>>
        %dma_wait3A_270 = tpu.memref_squeeze %dma_wait3A_269 : memref<1x1x128xi32, #tpu.memory_space<vmem>> -> memref<128xi32, #tpu.memory_space<vmem>>
        %dma_wait3A_271 = arith.constant 0 : i32
        %dma_wait3A_272 = arith.constant 0 : i32
        %dma_wait3A_273 = tpu.memref_slice %arg2[%dma_wait3A_271, %dma_wait3A_272] : memref<10000x64xf32, #tpu.memory_space<hbm>> -> memref<10000x64xf32, #tpu.memory_space<hbm>>
        tpu.wait_indirect_dma semaphore(%arg15 : memref<!tpu.dma_semaphore, #tpu.memory_space<semaphore_mem>>) src(%dma_wait3A_273 : memref<10000x64xf32, #tpu.memory_space<hbm>>) dst(%dma_wait3A_267 : memref<128x64xf32, #tpu.memory_space<vmem>>)
        %dma_start3A_274 = arith.constant 0 : i32
        %dma_start3A_275 = arith.constant 2 : i32
        %dma_start3A_276 = arith.constant 0 : i32
        %dma_start3A_277 = arith.constant 2 : i32
        %dma_start3A_278 = arith.constant 0 : i32
        %dma_start3A_279 = arith.constant 0 : i32
        %dma_start3A_280 = tpu.memref_slice %arg8[%dma_start3A_274, %dma_start3A_275, %dma_start3A_278, %dma_start3A_279] : memref<2x4x128x64xf32, #tpu.memory_space<vmem>> -> memref<1x1x128x64xf32, #tpu.memory_space<vmem>>
        %dma_start3A_281 = tpu.memref_squeeze %dma_start3A_280 : memref<1x1x128x64xf32, #tpu.memory_space<vmem>> -> memref<128x64xf32, #tpu.memory_space<vmem>>
        %dma_start3A_282 = arith.constant 0 : i32
        %dma_start3A_283 = tpu.memref_slice %arg7[%dma_start3A_276, %dma_start3A_277, %dma_start3A_282] : memref<2x4x128xi32, #tpu.memory_space<vmem>> -> memref<1x1x128xi32, #tpu.memory_space<vmem>>
        %dma_start3A_284 = tpu.memref_squeeze %dma_start3A_283 : memref<1x1x128xi32, #tpu.memory_space<vmem>> -> memref<128xi32, #tpu.memory_space<vmem>>
        %dma_start3A_285 = arith.constant 0 : i32
        %dma_start3A_286 = arith.constant 0 : i32
        %dma_start3A_287 = tpu.memref_slice %arg9[%dma_start3A_285, %dma_start3A_286] : memref<10016x64xf32, #tpu.memory_space<vmem_shared>> -> memref<10016x64xf32, #tpu.memory_space<vmem_shared>>
        tpu.enqueue_indirect_dma source(%dma_start3A_281 : memref<128x64xf32, #tpu.memory_space<vmem>>) target(%dma_start3A_287 : memref<10016x64xf32, #tpu.memory_space<vmem_shared>>) offsets(%dma_start3A_284 : memref<128xi32, #tpu.memory_space<vmem>>) semaphore(%arg23 : memref<!tpu.dma_semaphore, #tpu.memory_space<semaphore_mem>>) {add = true}
        %dma_wait3A_288 = arith.constant 0 : i32
        %dma_wait3A_289 = arith.constant 3 : i32
        %dma_wait3A_290 = arith.constant 0 : i32
        %dma_wait3A_291 = arith.constant 3 : i32
        %dma_wait3A_292 = arith.constant 0 : i32
        %dma_wait3A_293 = arith.constant 0 : i32
        %dma_wait3A_294 = tpu.memref_slice %arg8[%dma_wait3A_290, %dma_wait3A_291, %dma_wait3A_292, %dma_wait3A_293] : memref<2x4x128x64xf32, #tpu.memory_space<vmem>> -> memref<1x1x128x64xf32, #tpu.memory_space<vmem>>
        %dma_wait3A_295 = tpu.memref_squeeze %dma_wait3A_294 : memref<1x1x128x64xf32, #tpu.memory_space<vmem>> -> memref<128x64xf32, #tpu.memory_space<vmem>>
        %dma_wait3A_296 = arith.constant 0 : i32
        %dma_wait3A_297 = tpu.memref_slice %arg6[%dma_wait3A_288, %dma_wait3A_289, %dma_wait3A_296] : memref<2x4x128xi32, #tpu.memory_space<vmem>> -> memref<1x1x128xi32, #tpu.memory_space<vmem>>
        %dma_wait3A_298 = tpu.memref_squeeze %dma_wait3A_297 : memref<1x1x128xi32, #tpu.memory_space<vmem>> -> memref<128xi32, #tpu.memory_space<vmem>>
        %dma_wait3A_299 = arith.constant 0 : i32
        %dma_wait3A_300 = arith.constant 0 : i32
        %dma_wait3A_301 = tpu.memref_slice %arg2[%dma_wait3A_299, %dma_wait3A_300] : memref<10000x64xf32, #tpu.memory_space<hbm>> -> memref<10000x64xf32, #tpu.memory_space<hbm>>
        tpu.wait_indirect_dma semaphore(%arg16 : memref<!tpu.dma_semaphore, #tpu.memory_space<semaphore_mem>>) src(%dma_wait3A_301 : memref<10000x64xf32, #tpu.memory_space<hbm>>) dst(%dma_wait3A_295 : memref<128x64xf32, #tpu.memory_space<vmem>>)
        %dma_start3A_302 = arith.constant 0 : i32
        %dma_start3A_303 = arith.constant 3 : i32
        %dma_start3A_304 = arith.constant 0 : i32
        %dma_start3A_305 = arith.constant 3 : i32
        %dma_start3A_306 = arith.constant 0 : i32
        %dma_start3A_307 = arith.constant 0 : i32
        %dma_start3A_308 = tpu.memref_slice %arg8[%dma_start3A_302, %dma_start3A_303, %dma_start3A_306, %dma_start3A_307] : memref<2x4x128x64xf32, #tpu.memory_space<vmem>> -> memref<1x1x128x64xf32, #tpu.memory_space<vmem>>
        %dma_start3A_309 = tpu.memref_squeeze %dma_start3A_308 : memref<1x1x128x64xf32, #tpu.memory_space<vmem>> -> memref<128x64xf32, #tpu.memory_space<vmem>>
        %dma_start3A_310 = arith.constant 0 : i32
        %dma_start3A_311 = tpu.memref_slice %arg7[%dma_start3A_304, %dma_start3A_305, %dma_start3A_310] : memref<2x4x128xi32, #tpu.memory_space<vmem>> -> memref<1x1x128xi32, #tpu.memory_space<vmem>>
        %dma_start3A_312 = tpu.memref_squeeze %dma_start3A_311 : memref<1x1x128xi32, #tpu.memory_space<vmem>> -> memref<128xi32, #tpu.memory_space<vmem>>
        %dma_start3A_313 = arith.constant 0 : i32
        %dma_start3A_314 = arith.constant 0 : i32
        %dma_start3A_315 = tpu.memref_slice %arg9[%dma_start3A_313, %dma_start3A_314] : memref<10016x64xf32, #tpu.memory_space<vmem_shared>> -> memref<10016x64xf32, #tpu.memory_space<vmem_shared>>
        tpu.enqueue_indirect_dma source(%dma_start3A_309 : memref<128x64xf32, #tpu.memory_space<vmem>>) target(%dma_start3A_315 : memref<10016x64xf32, #tpu.memory_space<vmem_shared>>) offsets(%dma_start3A_312 : memref<128xi32, #tpu.memory_space<vmem>>) semaphore(%arg24 : memref<!tpu.dma_semaphore, #tpu.memory_space<semaphore_mem>>) {add = true}
        %dma_wait3A_316 = arith.constant 0 : i32
        %dma_wait3A_317 = arith.constant 0 : i32
        %dma_wait3A_318 = arith.constant 0 : i32
        %dma_wait3A_319 = arith.constant 0 : i32
        %dma_wait3A_320 = arith.constant 0 : i32
        %dma_wait3A_321 = arith.constant 0 : i32
        %dma_wait3A_322 = tpu.memref_slice %arg8[%dma_wait3A_316, %dma_wait3A_317, %dma_wait3A_320, %dma_wait3A_321] : memref<2x4x128x64xf32, #tpu.memory_space<vmem>> -> memref<1x1x128x64xf32, #tpu.memory_space<vmem>>
        %dma_wait3A_323 = tpu.memref_squeeze %dma_wait3A_322 : memref<1x1x128x64xf32, #tpu.memory_space<vmem>> -> memref<128x64xf32, #tpu.memory_space<vmem>>
        %dma_wait3A_324 = arith.constant 0 : i32
        %dma_wait3A_325 = tpu.memref_slice %arg7[%dma_wait3A_318, %dma_wait3A_319, %dma_wait3A_324] : memref<2x4x128xi32, #tpu.memory_space<vmem>> -> memref<1x1x128xi32, #tpu.memory_space<vmem>>
        %dma_wait3A_326 = tpu.memref_squeeze %dma_wait3A_325 : memref<1x1x128xi32, #tpu.memory_space<vmem>> -> memref<128xi32, #tpu.memory_space<vmem>>
        %dma_wait3A_327 = arith.constant 0 : i32
        %dma_wait3A_328 = arith.constant 0 : i32
        %dma_wait3A_329 = tpu.memref_slice %arg9[%dma_wait3A_327, %dma_wait3A_328] : memref<10016x64xf32, #tpu.memory_space<vmem_shared>> -> memref<10016x64xf32, #tpu.memory_space<vmem_shared>>
        tpu.wait_indirect_dma semaphore(%arg21 : memref<!tpu.dma_semaphore, #tpu.memory_space<semaphore_mem>>) src(%dma_wait3A_323 : memref<128x64xf32, #tpu.memory_space<vmem>>) dst(%dma_wait3A_329 : memref<10016x64xf32, #tpu.memory_space<vmem_shared>>)
        %dma_wait3A_330 = arith.constant 0 : i32
        %dma_wait3A_331 = arith.constant 1 : i32
        %dma_wait3A_332 = arith.constant 0 : i32
        %dma_wait3A_333 = arith.constant 1 : i32
        %dma_wait3A_334 = arith.constant 0 : i32
        %dma_wait3A_335 = arith.constant 0 : i32
        %dma_wait3A_336 = tpu.memref_slice %arg8[%dma_wait3A_330, %dma_wait3A_331, %dma_wait3A_334, %dma_wait3A_335] : memref<2x4x128x64xf32, #tpu.memory_space<vmem>> -> memref<1x1x128x64xf32, #tpu.memory_space<vmem>>
        %dma_wait3A_337 = tpu.memref_squeeze %dma_wait3A_336 : memref<1x1x128x64xf32, #tpu.memory_space<vmem>> -> memref<128x64xf32, #tpu.memory_space<vmem>>
        %dma_wait3A_338 = arith.constant 0 : i32
        %dma_wait3A_339 = tpu.memref_slice %arg7[%dma_wait3A_332, %dma_wait3A_333, %dma_wait3A_338] : memref<2x4x128xi32, #tpu.memory_space<vmem>> -> memref<1x1x128xi32, #tpu.memory_space<vmem>>
        %dma_wait3A_340 = tpu.memref_squeeze %dma_wait3A_339 : memref<1x1x128xi32, #tpu.memory_space<vmem>> -> memref<128xi32, #tpu.memory_space<vmem>>
        %dma_wait3A_341 = arith.constant 0 : i32
        %dma_wait3A_342 = arith.constant 0 : i32
        %dma_wait3A_343 = tpu.memref_slice %arg9[%dma_wait3A_341, %dma_wait3A_342] : memref<10016x64xf32, #tpu.memory_space<vmem_shared>> -> memref<10016x64xf32, #tpu.memory_space<vmem_shared>>
        tpu.wait_indirect_dma semaphore(%arg22 : memref<!tpu.dma_semaphore, #tpu.memory_space<semaphore_mem>>) src(%dma_wait3A_337 : memref<128x64xf32, #tpu.memory_space<vmem>>) dst(%dma_wait3A_343 : memref<10016x64xf32, #tpu.memory_space<vmem_shared>>)
        %dma_wait3A_344 = arith.constant 0 : i32
        %dma_wait3A_345 = arith.constant 2 : i32
        %dma_wait3A_346 = arith.constant 0 : i32
        %dma_wait3A_347 = arith.constant 2 : i32
        %dma_wait3A_348 = arith.constant 0 : i32
        %dma_wait3A_349 = arith.constant 0 : i32
        %dma_wait3A_350 = tpu.memref_slice %arg8[%dma_wait3A_344, %dma_wait3A_345, %dma_wait3A_348, %dma_wait3A_349] : memref<2x4x128x64xf32, #tpu.memory_space<vmem>> -> memref<1x1x128x64xf32, #tpu.memory_space<vmem>>
        %dma_wait3A_351 = tpu.memref_squeeze %dma_wait3A_350 : memref<1x1x128x64xf32, #tpu.memory_space<vmem>> -> memref<128x64xf32, #tpu.memory_space<vmem>>
        %dma_wait3A_352 = arith.constant 0 : i32
        %dma_wait3A_353 = tpu.memref_slice %arg7[%dma_wait3A_346, %dma_wait3A_347, %dma_wait3A_352] : memref<2x4x128xi32, #tpu.memory_space<vmem>> -> memref<1x1x128xi32, #tpu.memory_space<vmem>>
        %dma_wait3A_354 = tpu.memref_squeeze %dma_wait3A_353 : memref<1x1x128xi32, #tpu.memory_space<vmem>> -> memref<128xi32, #tpu.memory_space<vmem>>
        %dma_wait3A_355 = arith.constant 0 : i32
        %dma_wait3A_356 = arith.constant 0 : i32
        %dma_wait3A_357 = tpu.memref_slice %arg9[%dma_wait3A_355, %dma_wait3A_356] : memref<10016x64xf32, #tpu.memory_space<vmem_shared>> -> memref<10016x64xf32, #tpu.memory_space<vmem_shared>>
        tpu.wait_indirect_dma semaphore(%arg23 : memref<!tpu.dma_semaphore, #tpu.memory_space<semaphore_mem>>) src(%dma_wait3A_351 : memref<128x64xf32, #tpu.memory_space<vmem>>) dst(%dma_wait3A_357 : memref<10016x64xf32, #tpu.memory_space<vmem_shared>>)
        %dma_wait3A_358 = arith.constant 0 : i32
        %dma_wait3A_359 = arith.constant 3 : i32
        %dma_wait3A_360 = arith.constant 0 : i32
        %dma_wait3A_361 = arith.constant 3 : i32
        %dma_wait3A_362 = arith.constant 0 : i32
        %dma_wait3A_363 = arith.constant 0 : i32
        %dma_wait3A_364 = tpu.memref_slice %arg8[%dma_wait3A_358, %dma_wait3A_359, %dma_wait3A_362, %dma_wait3A_363] : memref<2x4x128x64xf32, #tpu.memory_space<vmem>> -> memref<1x1x128x64xf32, #tpu.memory_space<vmem>>
        %dma_wait3A_365 = tpu.memref_squeeze %dma_wait3A_364 : memref<1x1x128x64xf32, #tpu.memory_space<vmem>> -> memref<128x64xf32, #tpu.memory_space<vmem>>
        %dma_wait3A_366 = arith.constant 0 : i32
        %dma_wait3A_367 = tpu.memref_slice %arg7[%dma_wait3A_360, %dma_wait3A_361, %dma_wait3A_366] : memref<2x4x128xi32, #tpu.memory_space<vmem>> -> memref<1x1x128xi32, #tpu.memory_space<vmem>>
        %dma_wait3A_368 = tpu.memref_squeeze %dma_wait3A_367 : memref<1x1x128xi32, #tpu.memory_space<vmem>> -> memref<128xi32, #tpu.memory_space<vmem>>
        %dma_wait3A_369 = arith.constant 0 : i32
        %dma_wait3A_370 = arith.constant 0 : i32
        %dma_wait3A_371 = tpu.memref_slice %arg9[%dma_wait3A_369, %dma_wait3A_370] : memref<10016x64xf32, #tpu.memory_space<vmem_shared>> -> memref<10016x64xf32, #tpu.memory_space<vmem_shared>>
        tpu.wait_indirect_dma semaphore(%arg24 : memref<!tpu.dma_semaphore, #tpu.memory_space<semaphore_mem>>) src(%dma_wait3A_365 : memref<128x64xf32, #tpu.memory_space<vmem>>) dst(%dma_wait3A_371 : memref<10016x64xf32, #tpu.memory_space<vmem_shared>>)
      } else {
      }
      %convert_element_type3A_98 = arith.extui %lt3A_94 : i1 to i32
      %cond3A_99 = arith.constant 0 : i32
      %cond3A_100 = arith.cmpi ne, %convert_element_type3A_98, %cond3A_99 : i32
      %cond3A_101 = scf.if %cond3A_100 -> (i32) {
        %sc_fetch_and_add3A_120 = arith.constant 1 : i32
        %sc_fetch_and_add3A_121 = arith.constant 0 : i32
        %sc_fetch_and_add3A_122 = arith.constant 0 : i32
        %sc_fetch_and_add3A_123 = tpu.fetch_and_add_sync %arg10[%sc_fetch_and_add3A_121], %sc_fetch_and_add3A_120, %sc_fetch_and_add3A_122 : memref<1xi32, #tpu.memory_space<smem>>, i32 -> i32
        scf.yield %sc_fetch_and_add3A_123 : i32
      } else {
        scf.yield %while3A_92 : i32
      }
      %lt3A_102 = arith.cmpi slt, %cond3A_101, %select_n3A : i32
      %and3A_103 = arith.andi %lt3A_94, %lt3A_102 : i1
      %convert_element_type3A_104 = arith.extui %and3A_103 : i1 to i32
      %cond3A_105 = arith.constant 0 : i32
      %cond3A_106 = arith.cmpi ne, %convert_element_type3A_104, %cond3A_105 : i32
      scf.if %cond3A_106 {
        %add3A_120 = arith.addi %select_n3A_6, %cond3A_101 : i32
        %mul3A_121 = arith.constant 4 : i32
        %mul3A_122 = arith.muli %add3A_120, %mul3A_121 : i32
        %dma_start3A = arith.constant 0 : i32
        %dma_start3A_123 = arith.constant 0 : i32
        %dma_start3A_124 = arith.constant 0 : i32
        %dma_start3A_125 = tpu.memref_slice %arg6[%dma_start3A, %dma_start3A_123, %dma_start3A_124] : memref<2x4x128xi32, #tpu.memory_space<vmem>> -> memref<1x4x128xi32, #tpu.memory_space<vmem>>
        %dma_start3A_126 = tpu.memref_squeeze %dma_start3A_125 : memref<1x4x128xi32, #tpu.memory_space<vmem>> -> memref<4x128xi32, #tpu.memory_space<vmem>>
        %dma_start3A_127 = arith.constant 0 : i32
        %dma_start3A_128 = tpu.memref_slice %arg3[%mul3A_122, %dma_start3A_127] : memref<2560x128xi32, #tpu.memory_space<hbm>> -> memref<4x128xi32, #tpu.memory_space<hbm>>
        %dma_start3A_129 = arith.constant 0 : i32
        %dma_start3A_130 = arith.constant 0 : i32
        %dma_start3A_131 = tpu.memref_slice %arg6[%dma_start3A, %dma_start3A_129, %dma_start3A_130] : memref<2x4x128xi32, #tpu.memory_space<vmem>> -> memref<1x4x128xi32, #tpu.memory_space<vmem>>
        %dma_start3A_132 = tpu.memref_squeeze %dma_start3A_131 : memref<1x4x128xi32, #tpu.memory_space<vmem>> -> memref<4x128xi32, #tpu.memory_space<vmem>>
        %dma_start3A_133 = arith.constant 0 : i32
        %dma_start3A_134 = tpu.memref_slice %arg3[%mul3A_122, %dma_start3A_133] : memref<2560x128xi32, #tpu.memory_space<hbm>> -> memref<4x128xi32, #tpu.memory_space<hbm>>
        tpu.enqueue_dma source(%dma_start3A_134 : memref<4x128xi32, #tpu.memory_space<hbm>>) target(%dma_start3A_132 : memref<4x128xi32, #tpu.memory_space<vmem>>) target_semaphore(%arg11 : memref<!tpu.dma_semaphore, #tpu.memory_space<semaphore_mem>>)
        %dma_start3A_135 = arith.constant 0 : i32
        %dma_start3A_136 = arith.constant 0 : i32
        %dma_start3A_137 = arith.constant 0 : i32
        %dma_start3A_138 = tpu.memref_slice %arg7[%dma_start3A_135, %dma_start3A_136, %dma_start3A_137] : memref<2x4x128xi32, #tpu.memory_space<vmem>> -> memref<1x4x128xi32, #tpu.memory_space<vmem>>
        %dma_start3A_139 = tpu.memref_squeeze %dma_start3A_138 : memref<1x4x128xi32, #tpu.memory_space<vmem>> -> memref<4x128xi32, #tpu.memory_space<vmem>>
        %dma_start3A_140 = arith.constant 0 : i32
        %dma_start3A_141 = tpu.memref_slice %arg4[%mul3A_122, %dma_start3A_140] : memref<2560x128xi32, #tpu.memory_space<hbm>> -> memref<4x128xi32, #tpu.memory_space<hbm>>
        %dma_start3A_142 = arith.constant 0 : i32
        %dma_start3A_143 = arith.constant 0 : i32
        %dma_start3A_144 = tpu.memref_slice %arg7[%dma_start3A_135, %dma_start3A_142, %dma_start3A_143] : memref<2x4x128xi32, #tpu.memory_space<vmem>> -> memref<1x4x128xi32, #tpu.memory_space<vmem>>
        %dma_start3A_145 = tpu.memref_squeeze %dma_start3A_144 : memref<1x4x128xi32, #tpu.memory_space<vmem>> -> memref<4x128xi32, #tpu.memory_space<vmem>>
        %dma_start3A_146 = arith.constant 0 : i32
        %dma_start3A_147 = tpu.memref_slice %arg4[%mul3A_122, %dma_start3A_146] : memref<2560x128xi32, #tpu.memory_space<hbm>> -> memref<4x128xi32, #tpu.memory_space<hbm>>
        tpu.enqueue_dma source(%dma_start3A_147 : memref<4x128xi32, #tpu.memory_space<hbm>>) target(%dma_start3A_145 : memref<4x128xi32, #tpu.memory_space<vmem>>) target_semaphore(%arg11 : memref<!tpu.dma_semaphore, #tpu.memory_space<semaphore_mem>>)
      } else {
      }
      %lt3A_107 = arith.cmpi slt, %while3A_93, %select_n3A : i32
      %convert_element_type3A_108 = arith.extui %lt3A_107 : i1 to i32
      %cond3A_109 = arith.constant 0 : i32
      %cond3A_110 = arith.cmpi ne, %convert_element_type3A_108, %cond3A_109 : i32
      scf.if %cond3A_110 {
        %dma_wait3A = arith.constant 1 : i32
        %dma_wait3A_120 = arith.constant 0 : i32
        %dma_wait3A_121 = arith.constant 0 : i32
        %dma_wait3A_122 = tpu.memref_slice %arg6[%dma_wait3A, %dma_wait3A_120, %dma_wait3A_121] : memref<2x4x128xi32, #tpu.memory_space<vmem>> -> memref<1x4x128xi32, #tpu.memory_space<vmem>>
        %dma_wait3A_123 = tpu.memref_squeeze %dma_wait3A_122 : memref<1x4x128xi32, #tpu.memory_space<vmem>> -> memref<4x128xi32, #tpu.memory_space<vmem>>
        %dma_wait3A_124 = arith.constant 0 : i32
        %dma_wait3A_125 = arith.constant 0 : i32
        %dma_wait3A_126 = tpu.memref_slice %arg3[%dma_wait3A_124, %dma_wait3A_125] : memref<2560x128xi32, #tpu.memory_space<hbm>> -> memref<4x128xi32, #tpu.memory_space<hbm>>
        %dma_wait3A_127 = arith.constant 0 : i32
        %dma_wait3A_128 = arith.constant 0 : i32
        %dma_wait3A_129 = tpu.memref_slice %arg6[%dma_wait3A, %dma_wait3A_127, %dma_wait3A_128] : memref<2x4x128xi32, #tpu.memory_space<vmem>> -> memref<1x4x128xi32, #tpu.memory_space<vmem>>
        %dma_wait3A_130 = tpu.memref_squeeze %dma_wait3A_129 : memref<1x4x128xi32, #tpu.memory_space<vmem>> -> memref<4x128xi32, #tpu.memory_space<vmem>>
        %dma_wait3A_131 = arith.constant 0 : i32
        %dma_wait3A_132 = arith.constant 0 : i32
        %dma_wait3A_133 = tpu.memref_slice %arg3[%dma_wait3A_131, %dma_wait3A_132] : memref<2560x128xi32, #tpu.memory_space<hbm>> -> memref<4x128xi32, #tpu.memory_space<hbm>>
        tpu.wait_dma2 semaphore(%arg12 : memref<!tpu.dma_semaphore, #tpu.memory_space<semaphore_mem>>) src(%dma_wait3A_133 : memref<4x128xi32, #tpu.memory_space<hbm>>) dst(%dma_wait3A_130 : memref<4x128xi32, #tpu.memory_space<vmem>>)
        %dma_wait3A_134 = arith.constant 1 : i32
        %dma_wait3A_135 = arith.constant 0 : i32
        %dma_wait3A_136 = arith.constant 0 : i32
        %dma_wait3A_137 = tpu.memref_slice %arg7[%dma_wait3A_134, %dma_wait3A_135, %dma_wait3A_136] : memref<2x4x128xi32, #tpu.memory_space<vmem>> -> memref<1x4x128xi32, #tpu.memory_space<vmem>>
        %dma_wait3A_138 = tpu.memref_squeeze %dma_wait3A_137 : memref<1x4x128xi32, #tpu.memory_space<vmem>> -> memref<4x128xi32, #tpu.memory_space<vmem>>
        %dma_wait3A_139 = arith.constant 0 : i32
        %dma_wait3A_140 = arith.constant 0 : i32
        %dma_wait3A_141 = tpu.memref_slice %arg4[%dma_wait3A_139, %dma_wait3A_140] : memref<2560x128xi32, #tpu.memory_space<hbm>> -> memref<4x128xi32, #tpu.memory_space<hbm>>
        %dma_wait3A_142 = arith.constant 0 : i32
        %dma_wait3A_143 = arith.constant 0 : i32
        %dma_wait3A_144 = tpu.memref_slice %arg7[%dma_wait3A_134, %dma_wait3A_142, %dma_wait3A_143] : memref<2x4x128xi32, #tpu.memory_space<vmem>> -> memref<1x4x128xi32, #tpu.memory_space<vmem>>
        %dma_wait3A_145 = tpu.memref_squeeze %dma_wait3A_144 : memref<1x4x128xi32, #tpu.memory_space<vmem>> -> memref<4x128xi32, #tpu.memory_space<vmem>>
        %dma_wait3A_146 = arith.constant 0 : i32
        %dma_wait3A_147 = arith.constant 0 : i32
        %dma_wait3A_148 = tpu.memref_slice %arg4[%dma_wait3A_146, %dma_wait3A_147] : memref<2560x128xi32, #tpu.memory_space<hbm>> -> memref<4x128xi32, #tpu.memory_space<hbm>>
        tpu.wait_dma2 semaphore(%arg12 : memref<!tpu.dma_semaphore, #tpu.memory_space<semaphore_mem>>) src(%dma_wait3A_148 : memref<4x128xi32, #tpu.memory_space<hbm>>) dst(%dma_wait3A_145 : memref<4x128xi32, #tpu.memory_space<vmem>>)
        %dma_start3A = arith.constant 1 : i32
        %dma_start3A_149 = arith.constant 0 : i32
        %dma_start3A_150 = arith.constant 1 : i32
        %dma_start3A_151 = arith.constant 0 : i32
        %dma_start3A_152 = arith.constant 0 : i32
        %dma_start3A_153 = arith.constant 0 : i32
        %dma_start3A_154 = tpu.memref_slice %arg8[%dma_start3A_150, %dma_start3A_151, %dma_start3A_152, %dma_start3A_153] : memref<2x4x128x64xf32, #tpu.memory_space<vmem>> -> memref<1x1x128x64xf32, #tpu.memory_space<vmem>>
        %dma_start3A_155 = tpu.memref_squeeze %dma_start3A_154 : memref<1x1x128x64xf32, #tpu.memory_space<vmem>> -> memref<128x64xf32, #tpu.memory_space<vmem>>
        %dma_start3A_156 = arith.constant 0 : i32
        %dma_start3A_157 = tpu.memref_slice %arg6[%dma_start3A, %dma_start3A_149, %dma_start3A_156] : memref<2x4x128xi32, #tpu.memory_space<vmem>> -> memref<1x1x128xi32, #tpu.memory_space<vmem>>
        %dma_start3A_158 = tpu.memref_squeeze %dma_start3A_157 : memref<1x1x128xi32, #tpu.memory_space<vmem>> -> memref<128xi32, #tpu.memory_space<vmem>>
        %dma_start3A_159 = arith.constant 0 : i32
        %dma_start3A_160 = arith.constant 0 : i32
        %dma_start3A_161 = tpu.memref_slice %arg2[%dma_start3A_159, %dma_start3A_160] : memref<10000x64xf32, #tpu.memory_space<hbm>> -> memref<10000x64xf32, #tpu.memory_space<hbm>>
        tpu.enqueue_indirect_dma source(%dma_start3A_161 : memref<10000x64xf32, #tpu.memory_space<hbm>>) target(%dma_start3A_155 : memref<128x64xf32, #tpu.memory_space<vmem>>) offsets(%dma_start3A_158 : memref<128xi32, #tpu.memory_space<vmem>>) semaphore(%arg17 : memref<!tpu.dma_semaphore, #tpu.memory_space<semaphore_mem>>)
        %dma_start3A_162 = arith.constant 1 : i32
        %dma_start3A_163 = arith.constant 1 : i32
        %dma_start3A_164 = arith.constant 1 : i32
        %dma_start3A_165 = arith.constant 1 : i32
        %dma_start3A_166 = arith.constant 0 : i32
        %dma_start3A_167 = arith.constant 0 : i32
        %dma_start3A_168 = tpu.memref_slice %arg8[%dma_start3A_164, %dma_start3A_165, %dma_start3A_166, %dma_start3A_167] : memref<2x4x128x64xf32, #tpu.memory_space<vmem>> -> memref<1x1x128x64xf32, #tpu.memory_space<vmem>>
        %dma_start3A_169 = tpu.memref_squeeze %dma_start3A_168 : memref<1x1x128x64xf32, #tpu.memory_space<vmem>> -> memref<128x64xf32, #tpu.memory_space<vmem>>
        %dma_start3A_170 = arith.constant 0 : i32
        %dma_start3A_171 = tpu.memref_slice %arg6[%dma_start3A_162, %dma_start3A_163, %dma_start3A_170] : memref<2x4x128xi32, #tpu.memory_space<vmem>> -> memref<1x1x128xi32, #tpu.memory_space<vmem>>
        %dma_start3A_172 = tpu.memref_squeeze %dma_start3A_171 : memref<1x1x128xi32, #tpu.memory_space<vmem>> -> memref<128xi32, #tpu.memory_space<vmem>>
        %dma_start3A_173 = arith.constant 0 : i32
        %dma_start3A_174 = arith.constant 0 : i32
        %dma_start3A_175 = tpu.memref_slice %arg2[%dma_start3A_173, %dma_start3A_174] : memref<10000x64xf32, #tpu.memory_space<hbm>> -> memref<10000x64xf32, #tpu.memory_space<hbm>>
        tpu.enqueue_indirect_dma source(%dma_start3A_175 : memref<10000x64xf32, #tpu.memory_space<hbm>>) target(%dma_start3A_169 : memref<128x64xf32, #tpu.memory_space<vmem>>) offsets(%dma_start3A_172 : memref<128xi32, #tpu.memory_space<vmem>>) semaphore(%arg18 : memref<!tpu.dma_semaphore, #tpu.memory_space<semaphore_mem>>)
        %dma_start3A_176 = arith.constant 1 : i32
        %dma_start3A_177 = arith.constant 2 : i32
        %dma_start3A_178 = arith.constant 1 : i32
        %dma_start3A_179 = arith.constant 2 : i32
        %dma_start3A_180 = arith.constant 0 : i32
        %dma_start3A_181 = arith.constant 0 : i32
        %dma_start3A_182 = tpu.memref_slice %arg8[%dma_start3A_178, %dma_start3A_179, %dma_start3A_180, %dma_start3A_181] : memref<2x4x128x64xf32, #tpu.memory_space<vmem>> -> memref<1x1x128x64xf32, #tpu.memory_space<vmem>>
        %dma_start3A_183 = tpu.memref_squeeze %dma_start3A_182 : memref<1x1x128x64xf32, #tpu.memory_space<vmem>> -> memref<128x64xf32, #tpu.memory_space<vmem>>
        %dma_start3A_184 = arith.constant 0 : i32
        %dma_start3A_185 = tpu.memref_slice %arg6[%dma_start3A_176, %dma_start3A_177, %dma_start3A_184] : memref<2x4x128xi32, #tpu.memory_space<vmem>> -> memref<1x1x128xi32, #tpu.memory_space<vmem>>
        %dma_start3A_186 = tpu.memref_squeeze %dma_start3A_185 : memref<1x1x128xi32, #tpu.memory_space<vmem>> -> memref<128xi32, #tpu.memory_space<vmem>>
        %dma_start3A_187 = arith.constant 0 : i32
        %dma_start3A_188 = arith.constant 0 : i32
        %dma_start3A_189 = tpu.memref_slice %arg2[%dma_start3A_187, %dma_start3A_188] : memref<10000x64xf32, #tpu.memory_space<hbm>> -> memref<10000x64xf32, #tpu.memory_space<hbm>>
        tpu.enqueue_indirect_dma source(%dma_start3A_189 : memref<10000x64xf32, #tpu.memory_space<hbm>>) target(%dma_start3A_183 : memref<128x64xf32, #tpu.memory_space<vmem>>) offsets(%dma_start3A_186 : memref<128xi32, #tpu.memory_space<vmem>>) semaphore(%arg19 : memref<!tpu.dma_semaphore, #tpu.memory_space<semaphore_mem>>)
        %dma_start3A_190 = arith.constant 1 : i32
        %dma_start3A_191 = arith.constant 3 : i32
        %dma_start3A_192 = arith.constant 1 : i32
        %dma_start3A_193 = arith.constant 3 : i32
        %dma_start3A_194 = arith.constant 0 : i32
        %dma_start3A_195 = arith.constant 0 : i32
        %dma_start3A_196 = tpu.memref_slice %arg8[%dma_start3A_192, %dma_start3A_193, %dma_start3A_194, %dma_start3A_195] : memref<2x4x128x64xf32, #tpu.memory_space<vmem>> -> memref<1x1x128x64xf32, #tpu.memory_space<vmem>>
        %dma_start3A_197 = tpu.memref_squeeze %dma_start3A_196 : memref<1x1x128x64xf32, #tpu.memory_space<vmem>> -> memref<128x64xf32, #tpu.memory_space<vmem>>
        %dma_start3A_198 = arith.constant 0 : i32
        %dma_start3A_199 = tpu.memref_slice %arg6[%dma_start3A_190, %dma_start3A_191, %dma_start3A_198] : memref<2x4x128xi32, #tpu.memory_space<vmem>> -> memref<1x1x128xi32, #tpu.memory_space<vmem>>
        %dma_start3A_200 = tpu.memref_squeeze %dma_start3A_199 : memref<1x1x128xi32, #tpu.memory_space<vmem>> -> memref<128xi32, #tpu.memory_space<vmem>>
        %dma_start3A_201 = arith.constant 0 : i32
        %dma_start3A_202 = arith.constant 0 : i32
        %dma_start3A_203 = tpu.memref_slice %arg2[%dma_start3A_201, %dma_start3A_202] : memref<10000x64xf32, #tpu.memory_space<hbm>> -> memref<10000x64xf32, #tpu.memory_space<hbm>>
        tpu.enqueue_indirect_dma source(%dma_start3A_203 : memref<10000x64xf32, #tpu.memory_space<hbm>>) target(%dma_start3A_197 : memref<128x64xf32, #tpu.memory_space<vmem>>) offsets(%dma_start3A_200 : memref<128xi32, #tpu.memory_space<vmem>>) semaphore(%arg20 : memref<!tpu.dma_semaphore, #tpu.memory_space<semaphore_mem>>)
        %dma_wait3A_204 = arith.constant 1 : i32
        %dma_wait3A_205 = arith.constant 0 : i32
        %dma_wait3A_206 = arith.constant 1 : i32
        %dma_wait3A_207 = arith.constant 0 : i32
        %dma_wait3A_208 = arith.constant 0 : i32
        %dma_wait3A_209 = arith.constant 0 : i32
        %dma_wait3A_210 = tpu.memref_slice %arg8[%dma_wait3A_206, %dma_wait3A_207, %dma_wait3A_208, %dma_wait3A_209] : memref<2x4x128x64xf32, #tpu.memory_space<vmem>> -> memref<1x1x128x64xf32, #tpu.memory_space<vmem>>
        %dma_wait3A_211 = tpu.memref_squeeze %dma_wait3A_210 : memref<1x1x128x64xf32, #tpu.memory_space<vmem>> -> memref<128x64xf32, #tpu.memory_space<vmem>>
        %dma_wait3A_212 = arith.constant 0 : i32
        %dma_wait3A_213 = tpu.memref_slice %arg6[%dma_wait3A_204, %dma_wait3A_205, %dma_wait3A_212] : memref<2x4x128xi32, #tpu.memory_space<vmem>> -> memref<1x1x128xi32, #tpu.memory_space<vmem>>
        %dma_wait3A_214 = tpu.memref_squeeze %dma_wait3A_213 : memref<1x1x128xi32, #tpu.memory_space<vmem>> -> memref<128xi32, #tpu.memory_space<vmem>>
        %dma_wait3A_215 = arith.constant 0 : i32
        %dma_wait3A_216 = arith.constant 0 : i32
        %dma_wait3A_217 = tpu.memref_slice %arg2[%dma_wait3A_215, %dma_wait3A_216] : memref<10000x64xf32, #tpu.memory_space<hbm>> -> memref<10000x64xf32, #tpu.memory_space<hbm>>
        tpu.wait_indirect_dma semaphore(%arg17 : memref<!tpu.dma_semaphore, #tpu.memory_space<semaphore_mem>>) src(%dma_wait3A_217 : memref<10000x64xf32, #tpu.memory_space<hbm>>) dst(%dma_wait3A_211 : memref<128x64xf32, #tpu.memory_space<vmem>>)
        %dma_start3A_218 = arith.constant 1 : i32
        %dma_start3A_219 = arith.constant 0 : i32
        %dma_start3A_220 = arith.constant 1 : i32
        %dma_start3A_221 = arith.constant 0 : i32
        %dma_start3A_222 = arith.constant 0 : i32
        %dma_start3A_223 = arith.constant 0 : i32
        %dma_start3A_224 = tpu.memref_slice %arg8[%dma_start3A_218, %dma_start3A_219, %dma_start3A_222, %dma_start3A_223] : memref<2x4x128x64xf32, #tpu.memory_space<vmem>> -> memref<1x1x128x64xf32, #tpu.memory_space<vmem>>
        %dma_start3A_225 = tpu.memref_squeeze %dma_start3A_224 : memref<1x1x128x64xf32, #tpu.memory_space<vmem>> -> memref<128x64xf32, #tpu.memory_space<vmem>>
        %dma_start3A_226 = arith.constant 0 : i32
        %dma_start3A_227 = tpu.memref_slice %arg7[%dma_start3A_220, %dma_start3A_221, %dma_start3A_226] : memref<2x4x128xi32, #tpu.memory_space<vmem>> -> memref<1x1x128xi32, #tpu.memory_space<vmem>>
        %dma_start3A_228 = tpu.memref_squeeze %dma_start3A_227 : memref<1x1x128xi32, #tpu.memory_space<vmem>> -> memref<128xi32, #tpu.memory_space<vmem>>
        %dma_start3A_229 = arith.constant 0 : i32
        %dma_start3A_230 = arith.constant 0 : i32
        %dma_start3A_231 = tpu.memref_slice %arg9[%dma_start3A_229, %dma_start3A_230] : memref<10016x64xf32, #tpu.memory_space<vmem_shared>> -> memref<10016x64xf32, #tpu.memory_space<vmem_shared>>
        tpu.enqueue_indirect_dma source(%dma_start3A_225 : memref<128x64xf32, #tpu.memory_space<vmem>>) target(%dma_start3A_231 : memref<10016x64xf32, #tpu.memory_space<vmem_shared>>) offsets(%dma_start3A_228 : memref<128xi32, #tpu.memory_space<vmem>>) semaphore(%arg25 : memref<!tpu.dma_semaphore, #tpu.memory_space<semaphore_mem>>) {add = true}
        %dma_wait3A_232 = arith.constant 1 : i32
        %dma_wait3A_233 = arith.constant 1 : i32
        %dma_wait3A_234 = arith.constant 1 : i32
        %dma_wait3A_235 = arith.constant 1 : i32
        %dma_wait3A_236 = arith.constant 0 : i32
        %dma_wait3A_237 = arith.constant 0 : i32
        %dma_wait3A_238 = tpu.memref_slice %arg8[%dma_wait3A_234, %dma_wait3A_235, %dma_wait3A_236, %dma_wait3A_237] : memref<2x4x128x64xf32, #tpu.memory_space<vmem>> -> memref<1x1x128x64xf32, #tpu.memory_space<vmem>>
        %dma_wait3A_239 = tpu.memref_squeeze %dma_wait3A_238 : memref<1x1x128x64xf32, #tpu.memory_space<vmem>> -> memref<128x64xf32, #tpu.memory_space<vmem>>
        %dma_wait3A_240 = arith.constant 0 : i32
        %dma_wait3A_241 = tpu.memref_slice %arg6[%dma_wait3A_232, %dma_wait3A_233, %dma_wait3A_240] : memref<2x4x128xi32, #tpu.memory_space<vmem>> -> memref<1x1x128xi32, #tpu.memory_space<vmem>>
        %dma_wait3A_242 = tpu.memref_squeeze %dma_wait3A_241 : memref<1x1x128xi32, #tpu.memory_space<vmem>> -> memref<128xi32, #tpu.memory_space<vmem>>
        %dma_wait3A_243 = arith.constant 0 : i32
        %dma_wait3A_244 = arith.constant 0 : i32
        %dma_wait3A_245 = tpu.memref_slice %arg2[%dma_wait3A_243, %dma_wait3A_244] : memref<10000x64xf32, #tpu.memory_space<hbm>> -> memref<10000x64xf32, #tpu.memory_space<hbm>>
        tpu.wait_indirect_dma semaphore(%arg18 : memref<!tpu.dma_semaphore, #tpu.memory_space<semaphore_mem>>) src(%dma_wait3A_245 : memref<10000x64xf32, #tpu.memory_space<hbm>>) dst(%dma_wait3A_239 : memref<128x64xf32, #tpu.memory_space<vmem>>)
        %dma_start3A_246 = arith.constant 1 : i32
        %dma_start3A_247 = arith.constant 1 : i32
        %dma_start3A_248 = arith.constant 1 : i32
        %dma_start3A_249 = arith.constant 1 : i32
        %dma_start3A_250 = arith.constant 0 : i32
        %dma_start3A_251 = arith.constant 0 : i32
        %dma_start3A_252 = tpu.memref_slice %arg8[%dma_start3A_246, %dma_start3A_247, %dma_start3A_250, %dma_start3A_251] : memref<2x4x128x64xf32, #tpu.memory_space<vmem>> -> memref<1x1x128x64xf32, #tpu.memory_space<vmem>>
        %dma_start3A_253 = tpu.memref_squeeze %dma_start3A_252 : memref<1x1x128x64xf32, #tpu.memory_space<vmem>> -> memref<128x64xf32, #tpu.memory_space<vmem>>
        %dma_start3A_254 = arith.constant 0 : i32
        %dma_start3A_255 = tpu.memref_slice %arg7[%dma_start3A_248, %dma_start3A_249, %dma_start3A_254] : memref<2x4x128xi32, #tpu.memory_space<vmem>> -> memref<1x1x128xi32, #tpu.memory_space<vmem>>
        %dma_start3A_256 = tpu.memref_squeeze %dma_start3A_255 : memref<1x1x128xi32, #tpu.memory_space<vmem>> -> memref<128xi32, #tpu.memory_space<vmem>>
        %dma_start3A_257 = arith.constant 0 : i32
        %dma_start3A_258 = arith.constant 0 : i32
        %dma_start3A_259 = tpu.memref_slice %arg9[%dma_start3A_257, %dma_start3A_258] : memref<10016x64xf32, #tpu.memory_space<vmem_shared>> -> memref<10016x64xf32, #tpu.memory_space<vmem_shared>>
        tpu.enqueue_indirect_dma source(%dma_start3A_253 : memref<128x64xf32, #tpu.memory_space<vmem>>) target(%dma_start3A_259 : memref<10016x64xf32, #tpu.memory_space<vmem_shared>>) offsets(%dma_start3A_256 : memref<128xi32, #tpu.memory_space<vmem>>) semaphore(%arg26 : memref<!tpu.dma_semaphore, #tpu.memory_space<semaphore_mem>>) {add = true}
        %dma_wait3A_260 = arith.constant 1 : i32
        %dma_wait3A_261 = arith.constant 2 : i32
        %dma_wait3A_262 = arith.constant 1 : i32
        %dma_wait3A_263 = arith.constant 2 : i32
        %dma_wait3A_264 = arith.constant 0 : i32
        %dma_wait3A_265 = arith.constant 0 : i32
        %dma_wait3A_266 = tpu.memref_slice %arg8[%dma_wait3A_262, %dma_wait3A_263, %dma_wait3A_264, %dma_wait3A_265] : memref<2x4x128x64xf32, #tpu.memory_space<vmem>> -> memref<1x1x128x64xf32, #tpu.memory_space<vmem>>
        %dma_wait3A_267 = tpu.memref_squeeze %dma_wait3A_266 : memref<1x1x128x64xf32, #tpu.memory_space<vmem>> -> memref<128x64xf32, #tpu.memory_space<vmem>>
        %dma_wait3A_268 = arith.constant 0 : i32
        %dma_wait3A_269 = tpu.memref_slice %arg6[%dma_wait3A_260, %dma_wait3A_261, %dma_wait3A_268] : memref<2x4x128xi32, #tpu.memory_space<vmem>> -> memref<1x1x128xi32, #tpu.memory_space<vmem>>
        %dma_wait3A_270 = tpu.memref_squeeze %dma_wait3A_269 : memref<1x1x128xi32, #tpu.memory_space<vmem>> -> memref<128xi32, #tpu.memory_space<vmem>>
        %dma_wait3A_271 = arith.constant 0 : i32
        %dma_wait3A_272 = arith.constant 0 : i32
        %dma_wait3A_273 = tpu.memref_slice %arg2[%dma_wait3A_271, %dma_wait3A_272] : memref<10000x64xf32, #tpu.memory_space<hbm>> -> memref<10000x64xf32, #tpu.memory_space<hbm>>
        tpu.wait_indirect_dma semaphore(%arg19 : memref<!tpu.dma_semaphore, #tpu.memory_space<semaphore_mem>>) src(%dma_wait3A_273 : memref<10000x64xf32, #tpu.memory_space<hbm>>) dst(%dma_wait3A_267 : memref<128x64xf32, #tpu.memory_space<vmem>>)
        %dma_start3A_274 = arith.constant 1 : i32
        %dma_start3A_275 = arith.constant 2 : i32
        %dma_start3A_276 = arith.constant 1 : i32
        %dma_start3A_277 = arith.constant 2 : i32
        %dma_start3A_278 = arith.constant 0 : i32
        %dma_start3A_279 = arith.constant 0 : i32
        %dma_start3A_280 = tpu.memref_slice %arg8[%dma_start3A_274, %dma_start3A_275, %dma_start3A_278, %dma_start3A_279] : memref<2x4x128x64xf32, #tpu.memory_space<vmem>> -> memref<1x1x128x64xf32, #tpu.memory_space<vmem>>
        %dma_start3A_281 = tpu.memref_squeeze %dma_start3A_280 : memref<1x1x128x64xf32, #tpu.memory_space<vmem>> -> memref<128x64xf32, #tpu.memory_space<vmem>>
        %dma_start3A_282 = arith.constant 0 : i32
        %dma_start3A_283 = tpu.memref_slice %arg7[%dma_start3A_276, %dma_start3A_277, %dma_start3A_282] : memref<2x4x128xi32, #tpu.memory_space<vmem>> -> memref<1x1x128xi32, #tpu.memory_space<vmem>>
        %dma_start3A_284 = tpu.memref_squeeze %dma_start3A_283 : memref<1x1x128xi32, #tpu.memory_space<vmem>> -> memref<128xi32, #tpu.memory_space<vmem>>
        %dma_start3A_285 = arith.constant 0 : i32
        %dma_start3A_286 = arith.constant 0 : i32
        %dma_start3A_287 = tpu.memref_slice %arg9[%dma_start3A_285, %dma_start3A_286] : memref<10016x64xf32, #tpu.memory_space<vmem_shared>> -> memref<10016x64xf32, #tpu.memory_space<vmem_shared>>
        tpu.enqueue_indirect_dma source(%dma_start3A_281 : memref<128x64xf32, #tpu.memory_space<vmem>>) target(%dma_start3A_287 : memref<10016x64xf32, #tpu.memory_space<vmem_shared>>) offsets(%dma_start3A_284 : memref<128xi32, #tpu.memory_space<vmem>>) semaphore(%arg27 : memref<!tpu.dma_semaphore, #tpu.memory_space<semaphore_mem>>) {add = true}
        %dma_wait3A_288 = arith.constant 1 : i32
        %dma_wait3A_289 = arith.constant 3 : i32
        %dma_wait3A_290 = arith.constant 1 : i32
        %dma_wait3A_291 = arith.constant 3 : i32
        %dma_wait3A_292 = arith.constant 0 : i32
        %dma_wait3A_293 = arith.constant 0 : i32
        %dma_wait3A_294 = tpu.memref_slice %arg8[%dma_wait3A_290, %dma_wait3A_291, %dma_wait3A_292, %dma_wait3A_293] : memref<2x4x128x64xf32, #tpu.memory_space<vmem>> -> memref<1x1x128x64xf32, #tpu.memory_space<vmem>>
        %dma_wait3A_295 = tpu.memref_squeeze %dma_wait3A_294 : memref<1x1x128x64xf32, #tpu.memory_space<vmem>> -> memref<128x64xf32, #tpu.memory_space<vmem>>
        %dma_wait3A_296 = arith.constant 0 : i32
        %dma_wait3A_297 = tpu.memref_slice %arg6[%dma_wait3A_288, %dma_wait3A_289, %dma_wait3A_296] : memref<2x4x128xi32, #tpu.memory_space<vmem>> -> memref<1x1x128xi32, #tpu.memory_space<vmem>>
        %dma_wait3A_298 = tpu.memref_squeeze %dma_wait3A_297 : memref<1x1x128xi32, #tpu.memory_space<vmem>> -> memref<128xi32, #tpu.memory_space<vmem>>
        %dma_wait3A_299 = arith.constant 0 : i32
        %dma_wait3A_300 = arith.constant 0 : i32
        %dma_wait3A_301 = tpu.memref_slice %arg2[%dma_wait3A_299, %dma_wait3A_300] : memref<10000x64xf32, #tpu.memory_space<hbm>> -> memref<10000x64xf32, #tpu.memory_space<hbm>>
        tpu.wait_indirect_dma semaphore(%arg20 : memref<!tpu.dma_semaphore, #tpu.memory_space<semaphore_mem>>) src(%dma_wait3A_301 : memref<10000x64xf32, #tpu.memory_space<hbm>>) dst(%dma_wait3A_295 : memref<128x64xf32, #tpu.memory_space<vmem>>)
        %dma_start3A_302 = arith.constant 1 : i32
        %dma_start3A_303 = arith.constant 3 : i32
        %dma_start3A_304 = arith.constant 1 : i32
        %dma_start3A_305 = arith.constant 3 : i32
        %dma_start3A_306 = arith.constant 0 : i32
        %dma_start3A_307 = arith.constant 0 : i32
        %dma_start3A_308 = tpu.memref_slice %arg8[%dma_start3A_302, %dma_start3A_303, %dma_start3A_306, %dma_start3A_307] : memref<2x4x128x64xf32, #tpu.memory_space<vmem>> -> memref<1x1x128x64xf32, #tpu.memory_space<vmem>>
        %dma_start3A_309 = tpu.memref_squeeze %dma_start3A_308 : memref<1x1x128x64xf32, #tpu.memory_space<vmem>> -> memref<128x64xf32, #tpu.memory_space<vmem>>
        %dma_start3A_310 = arith.constant 0 : i32
        %dma_start3A_311 = tpu.memref_slice %arg7[%dma_start3A_304, %dma_start3A_305, %dma_start3A_310] : memref<2x4x128xi32, #tpu.memory_space<vmem>> -> memref<1x1x128xi32, #tpu.memory_space<vmem>>
        %dma_start3A_312 = tpu.memref_squeeze %dma_start3A_311 : memref<1x1x128xi32, #tpu.memory_space<vmem>> -> memref<128xi32, #tpu.memory_space<vmem>>
        %dma_start3A_313 = arith.constant 0 : i32
        %dma_start3A_314 = arith.constant 0 : i32
        %dma_start3A_315 = tpu.memref_slice %arg9[%dma_start3A_313, %dma_start3A_314] : memref<10016x64xf32, #tpu.memory_space<vmem_shared>> -> memref<10016x64xf32, #tpu.memory_space<vmem_shared>>
        tpu.enqueue_indirect_dma source(%dma_start3A_309 : memref<128x64xf32, #tpu.memory_space<vmem>>) target(%dma_start3A_315 : memref<10016x64xf32, #tpu.memory_space<vmem_shared>>) offsets(%dma_start3A_312 : memref<128xi32, #tpu.memory_space<vmem>>) semaphore(%arg28 : memref<!tpu.dma_semaphore, #tpu.memory_space<semaphore_mem>>) {add = true}
        %dma_wait3A_316 = arith.constant 1 : i32
        %dma_wait3A_317 = arith.constant 0 : i32
        %dma_wait3A_318 = arith.constant 1 : i32
        %dma_wait3A_319 = arith.constant 0 : i32
        %dma_wait3A_320 = arith.constant 0 : i32
        %dma_wait3A_321 = arith.constant 0 : i32
        %dma_wait3A_322 = tpu.memref_slice %arg8[%dma_wait3A_316, %dma_wait3A_317, %dma_wait3A_320, %dma_wait3A_321] : memref<2x4x128x64xf32, #tpu.memory_space<vmem>> -> memref<1x1x128x64xf32, #tpu.memory_space<vmem>>
        %dma_wait3A_323 = tpu.memref_squeeze %dma_wait3A_322 : memref<1x1x128x64xf32, #tpu.memory_space<vmem>> -> memref<128x64xf32, #tpu.memory_space<vmem>>
        %dma_wait3A_324 = arith.constant 0 : i32
        %dma_wait3A_325 = tpu.memref_slice %arg7[%dma_wait3A_318, %dma_wait3A_319, %dma_wait3A_324] : memref<2x4x128xi32, #tpu.memory_space<vmem>> -> memref<1x1x128xi32, #tpu.memory_space<vmem>>
        %dma_wait3A_326 = tpu.memref_squeeze %dma_wait3A_325 : memref<1x1x128xi32, #tpu.memory_space<vmem>> -> memref<128xi32, #tpu.memory_space<vmem>>
        %dma_wait3A_327 = arith.constant 0 : i32
        %dma_wait3A_328 = arith.constant 0 : i32
        %dma_wait3A_329 = tpu.memref_slice %arg9[%dma_wait3A_327, %dma_wait3A_328] : memref<10016x64xf32, #tpu.memory_space<vmem_shared>> -> memref<10016x64xf32, #tpu.memory_space<vmem_shared>>
        tpu.wait_indirect_dma semaphore(%arg25 : memref<!tpu.dma_semaphore, #tpu.memory_space<semaphore_mem>>) src(%dma_wait3A_323 : memref<128x64xf32, #tpu.memory_space<vmem>>) dst(%dma_wait3A_329 : memref<10016x64xf32, #tpu.memory_space<vmem_shared>>)
        %dma_wait3A_330 = arith.constant 1 : i32
        %dma_wait3A_331 = arith.constant 1 : i32
        %dma_wait3A_332 = arith.constant 1 : i32
        %dma_wait3A_333 = arith.constant 1 : i32
        %dma_wait3A_334 = arith.constant 0 : i32
        %dma_wait3A_335 = arith.constant 0 : i32
        %dma_wait3A_336 = tpu.memref_slice %arg8[%dma_wait3A_330, %dma_wait3A_331, %dma_wait3A_334, %dma_wait3A_335] : memref<2x4x128x64xf32, #tpu.memory_space<vmem>> -> memref<1x1x128x64xf32, #tpu.memory_space<vmem>>
        %dma_wait3A_337 = tpu.memref_squeeze %dma_wait3A_336 : memref<1x1x128x64xf32, #tpu.memory_space<vmem>> -> memref<128x64xf32, #tpu.memory_space<vmem>>
        %dma_wait3A_338 = arith.constant 0 : i32
        %dma_wait3A_339 = tpu.memref_slice %arg7[%dma_wait3A_332, %dma_wait3A_333, %dma_wait3A_338] : memref<2x4x128xi32, #tpu.memory_space<vmem>> -> memref<1x1x128xi32, #tpu.memory_space<vmem>>
        %dma_wait3A_340 = tpu.memref_squeeze %dma_wait3A_339 : memref<1x1x128xi32, #tpu.memory_space<vmem>> -> memref<128xi32, #tpu.memory_space<vmem>>
        %dma_wait3A_341 = arith.constant 0 : i32
        %dma_wait3A_342 = arith.constant 0 : i32
        %dma_wait3A_343 = tpu.memref_slice %arg9[%dma_wait3A_341, %dma_wait3A_342] : memref<10016x64xf32, #tpu.memory_space<vmem_shared>> -> memref<10016x64xf32, #tpu.memory_space<vmem_shared>>
        tpu.wait_indirect_dma semaphore(%arg26 : memref<!tpu.dma_semaphore, #tpu.memory_space<semaphore_mem>>) src(%dma_wait3A_337 : memref<128x64xf32, #tpu.memory_space<vmem>>) dst(%dma_wait3A_343 : memref<10016x64xf32, #tpu.memory_space<vmem_shared>>)
        %dma_wait3A_344 = arith.constant 1 : i32
        %dma_wait3A_345 = arith.constant 2 : i32
        %dma_wait3A_346 = arith.constant 1 : i32
        %dma_wait3A_347 = arith.constant 2 : i32
        %dma_wait3A_348 = arith.constant 0 : i32
        %dma_wait3A_349 = arith.constant 0 : i32
        %dma_wait3A_350 = tpu.memref_slice %arg8[%dma_wait3A_344, %dma_wait3A_345, %dma_wait3A_348, %dma_wait3A_349] : memref<2x4x128x64xf32, #tpu.memory_space<vmem>> -> memref<1x1x128x64xf32, #tpu.memory_space<vmem>>
        %dma_wait3A_351 = tpu.memref_squeeze %dma_wait3A_350 : memref<1x1x128x64xf32, #tpu.memory_space<vmem>> -> memref<128x64xf32, #tpu.memory_space<vmem>>
        %dma_wait3A_352 = arith.constant 0 : i32
        %dma_wait3A_353 = tpu.memref_slice %arg7[%dma_wait3A_346, %dma_wait3A_347, %dma_wait3A_352] : memref<2x4x128xi32, #tpu.memory_space<vmem>> -> memref<1x1x128xi32, #tpu.memory_space<vmem>>
        %dma_wait3A_354 = tpu.memref_squeeze %dma_wait3A_353 : memref<1x1x128xi32, #tpu.memory_space<vmem>> -> memref<128xi32, #tpu.memory_space<vmem>>
        %dma_wait3A_355 = arith.constant 0 : i32
        %dma_wait3A_356 = arith.constant 0 : i32
        %dma_wait3A_357 = tpu.memref_slice %arg9[%dma_wait3A_355, %dma_wait3A_356] : memref<10016x64xf32, #tpu.memory_space<vmem_shared>> -> memref<10016x64xf32, #tpu.memory_space<vmem_shared>>
        tpu.wait_indirect_dma semaphore(%arg27 : memref<!tpu.dma_semaphore, #tpu.memory_space<semaphore_mem>>) src(%dma_wait3A_351 : memref<128x64xf32, #tpu.memory_space<vmem>>) dst(%dma_wait3A_357 : memref<10016x64xf32, #tpu.memory_space<vmem_shared>>)
        %dma_wait3A_358 = arith.constant 1 : i32
        %dma_wait3A_359 = arith.constant 3 : i32
        %dma_wait3A_360 = arith.constant 1 : i32
        %dma_wait3A_361 = arith.constant 3 : i32
        %dma_wait3A_362 = arith.constant 0 : i32
        %dma_wait3A_363 = arith.constant 0 : i32
        %dma_wait3A_364 = tpu.memref_slice %arg8[%dma_wait3A_358, %dma_wait3A_359, %dma_wait3A_362, %dma_wait3A_363] : memref<2x4x128x64xf32, #tpu.memory_space<vmem>> -> memref<1x1x128x64xf32, #tpu.memory_space<vmem>>
        %dma_wait3A_365 = tpu.memref_squeeze %dma_wait3A_364 : memref<1x1x128x64xf32, #tpu.memory_space<vmem>> -> memref<128x64xf32, #tpu.memory_space<vmem>>
        %dma_wait3A_366 = arith.constant 0 : i32
        %dma_wait3A_367 = tpu.memref_slice %arg7[%dma_wait3A_360, %dma_wait3A_361, %dma_wait3A_366] : memref<2x4x128xi32, #tpu.memory_space<vmem>> -> memref<1x1x128xi32, #tpu.memory_space<vmem>>
        %dma_wait3A_368 = tpu.memref_squeeze %dma_wait3A_367 : memref<1x1x128xi32, #tpu.memory_space<vmem>> -> memref<128xi32, #tpu.memory_space<vmem>>
        %dma_wait3A_369 = arith.constant 0 : i32
        %dma_wait3A_370 = arith.constant 0 : i32
        %dma_wait3A_371 = tpu.memref_slice %arg9[%dma_wait3A_369, %dma_wait3A_370] : memref<10016x64xf32, #tpu.memory_space<vmem_shared>> -> memref<10016x64xf32, #tpu.memory_space<vmem_shared>>
        tpu.wait_indirect_dma semaphore(%arg28 : memref<!tpu.dma_semaphore, #tpu.memory_space<semaphore_mem>>) src(%dma_wait3A_365 : memref<128x64xf32, #tpu.memory_space<vmem>>) dst(%dma_wait3A_371 : memref<10016x64xf32, #tpu.memory_space<vmem_shared>>)
      } else {
      }
      %convert_element_type3A_111 = arith.extui %lt3A_107 : i1 to i32
      %cond3A_112 = arith.constant 0 : i32
      %cond3A_113 = arith.cmpi ne, %convert_element_type3A_111, %cond3A_112 : i32
      %cond3A_114 = scf.if %cond3A_113 -> (i32) {
        %sc_fetch_and_add3A_120 = arith.constant 1 : i32
        %sc_fetch_and_add3A_121 = arith.constant 0 : i32
        %sc_fetch_and_add3A_122 = arith.constant 0 : i32
        %sc_fetch_and_add3A_123 = tpu.fetch_and_add_sync %arg10[%sc_fetch_and_add3A_121], %sc_fetch_and_add3A_120, %sc_fetch_and_add3A_122 : memref<1xi32, #tpu.memory_space<smem>>, i32 -> i32
        scf.yield %sc_fetch_and_add3A_123 : i32
      } else {
        scf.yield %while3A_93 : i32
      }
      %lt3A_115 = arith.cmpi slt, %cond3A_114, %select_n3A : i32
      %and3A_116 = arith.andi %lt3A_107, %lt3A_115 : i1
      %convert_element_type3A_117 = arith.extui %and3A_116 : i1 to i32
      %cond3A_118 = arith.constant 0 : i32
      %cond3A_119 = arith.cmpi ne, %convert_element_type3A_117, %cond3A_118 : i32
      scf.if %cond3A_119 {
        %add3A_120 = arith.addi %select_n3A_6, %cond3A_114 : i32
        %mul3A_121 = arith.constant 4 : i32
        %mul3A_122 = arith.muli %add3A_120, %mul3A_121 : i32
        %dma_start3A = arith.constant 1 : i32
        %dma_start3A_123 = arith.constant 0 : i32
        %dma_start3A_124 = arith.constant 0 : i32
        %dma_start3A_125 = tpu.memref_slice %arg6[%dma_start3A, %dma_start3A_123, %dma_start3A_124] : memref<2x4x128xi32, #tpu.memory_space<vmem>> -> memref<1x4x128xi32, #tpu.memory_space<vmem>>
        %dma_start3A_126 = tpu.memref_squeeze %dma_start3A_125 : memref<1x4x128xi32, #tpu.memory_space<vmem>> -> memref<4x128xi32, #tpu.memory_space<vmem>>
        %dma_start3A_127 = arith.constant 0 : i32
        %dma_start3A_128 = tpu.memref_slice %arg3[%mul3A_122, %dma_start3A_127] : memref<2560x128xi32, #tpu.memory_space<hbm>> -> memref<4x128xi32, #tpu.memory_space<hbm>>
        %dma_start3A_129 = arith.constant 0 : i32
        %dma_start3A_130 = arith.constant 0 : i32
        %dma_start3A_131 = tpu.memref_slice %arg6[%dma_start3A, %dma_start3A_129, %dma_start3A_130] : memref<2x4x128xi32, #tpu.memory_space<vmem>> -> memref<1x4x128xi32, #tpu.memory_space<vmem>>
        %dma_start3A_132 = tpu.memref_squeeze %dma_start3A_131 : memref<1x4x128xi32, #tpu.memory_space<vmem>> -> memref<4x128xi32, #tpu.memory_space<vmem>>
        %dma_start3A_133 = arith.constant 0 : i32
        %dma_start3A_134 = tpu.memref_slice %arg3[%mul3A_122, %dma_start3A_133] : memref<2560x128xi32, #tpu.memory_space<hbm>> -> memref<4x128xi32, #tpu.memory_space<hbm>>
        tpu.enqueue_dma source(%dma_start3A_134 : memref<4x128xi32, #tpu.memory_space<hbm>>) target(%dma_start3A_132 : memref<4x128xi32, #tpu.memory_space<vmem>>) target_semaphore(%arg12 : memref<!tpu.dma_semaphore, #tpu.memory_space<semaphore_mem>>)
        %dma_start3A_135 = arith.constant 1 : i32
        %dma_start3A_136 = arith.constant 0 : i32
        %dma_start3A_137 = arith.constant 0 : i32
        %dma_start3A_138 = tpu.memref_slice %arg7[%dma_start3A_135, %dma_start3A_136, %dma_start3A_137] : memref<2x4x128xi32, #tpu.memory_space<vmem>> -> memref<1x4x128xi32, #tpu.memory_space<vmem>>
        %dma_start3A_139 = tpu.memref_squeeze %dma_start3A_138 : memref<1x4x128xi32, #tpu.memory_space<vmem>> -> memref<4x128xi32, #tpu.memory_space<vmem>>
        %dma_start3A_140 = arith.constant 0 : i32
        %dma_start3A_141 = tpu.memref_slice %arg4[%mul3A_122, %dma_start3A_140] : memref<2560x128xi32, #tpu.memory_space<hbm>> -> memref<4x128xi32, #tpu.memory_space<hbm>>
        %dma_start3A_142 = arith.constant 0 : i32
        %dma_start3A_143 = arith.constant 0 : i32
        %dma_start3A_144 = tpu.memref_slice %arg7[%dma_start3A_135, %dma_start3A_142, %dma_start3A_143] : memref<2x4x128xi32, #tpu.memory_space<vmem>> -> memref<1x4x128xi32, #tpu.memory_space<vmem>>
        %dma_start3A_145 = tpu.memref_squeeze %dma_start3A_144 : memref<1x4x128xi32, #tpu.memory_space<vmem>> -> memref<4x128xi32, #tpu.memory_space<vmem>>
        %dma_start3A_146 = arith.constant 0 : i32
        %dma_start3A_147 = tpu.memref_slice %arg4[%mul3A_122, %dma_start3A_146] : memref<2560x128xi32, #tpu.memory_space<hbm>> -> memref<4x128xi32, #tpu.memory_space<hbm>>
        tpu.enqueue_dma source(%dma_start3A_147 : memref<4x128xi32, #tpu.memory_space<hbm>>) target(%dma_start3A_145 : memref<4x128xi32, #tpu.memory_space<vmem>>) target_semaphore(%arg12 : memref<!tpu.dma_semaphore, #tpu.memory_space<semaphore_mem>>)
      } else {
      }
      scf.yield %cond3A_101, %cond3A_114 : i32, i32
    }
    %while3A_84 = arith.constant 1 : i32
    %while3A_85:2 = scf.for %while3A_91 = %while3A_81 to %while3A_77 step %while3A_84 iter_args(%while3A_92 = %while3A_83#0, %while3A_93 = %while3A_83#1) -> (i32, i32)  : i32 {
      %lt3A_94 = arith.cmpi slt, %while3A_92, %select_n3A : i32
      %convert_element_type3A_95 = arith.extui %lt3A_94 : i1 to i32
      %cond3A_96 = arith.constant 0 : i32
      %cond3A_97 = arith.cmpi ne, %convert_element_type3A_95, %cond3A_96 : i32
      scf.if %cond3A_97 {
        %dma_wait3A = arith.constant 0 : i32
        %dma_wait3A_120 = arith.constant 0 : i32
        %dma_wait3A_121 = arith.constant 0 : i32
        %dma_wait3A_122 = tpu.memref_slice %arg6[%dma_wait3A, %dma_wait3A_120, %dma_wait3A_121] : memref<2x4x128xi32, #tpu.memory_space<vmem>> -> memref<1x4x128xi32, #tpu.memory_space<vmem>>
        %dma_wait3A_123 = tpu.memref_squeeze %dma_wait3A_122 : memref<1x4x128xi32, #tpu.memory_space<vmem>> -> memref<4x128xi32, #tpu.memory_space<vmem>>
        %dma_wait3A_124 = arith.constant 0 : i32
        %dma_wait3A_125 = arith.constant 0 : i32
        %dma_wait3A_126 = tpu.memref_slice %arg3[%dma_wait3A_124, %dma_wait3A_125] : memref<2560x128xi32, #tpu.memory_space<hbm>> -> memref<4x128xi32, #tpu.memory_space<hbm>>
        %dma_wait3A_127 = arith.constant 0 : i32
        %dma_wait3A_128 = arith.constant 0 : i32
        %dma_wait3A_129 = tpu.memref_slice %arg6[%dma_wait3A, %dma_wait3A_127, %dma_wait3A_128] : memref<2x4x128xi32, #tpu.memory_space<vmem>> -> memref<1x4x128xi32, #tpu.memory_space<vmem>>
        %dma_wait3A_130 = tpu.memref_squeeze %dma_wait3A_129 : memref<1x4x128xi32, #tpu.memory_space<vmem>> -> memref<4x128xi32, #tpu.memory_space<vmem>>
        %dma_wait3A_131 = arith.constant 0 : i32
        %dma_wait3A_132 = arith.constant 0 : i32
        %dma_wait3A_133 = tpu.memref_slice %arg3[%dma_wait3A_131, %dma_wait3A_132] : memref<2560x128xi32, #tpu.memory_space<hbm>> -> memref<4x128xi32, #tpu.memory_space<hbm>>
        tpu.wait_dma2 semaphore(%arg11 : memref<!tpu.dma_semaphore, #tpu.memory_space<semaphore_mem>>) src(%dma_wait3A_133 : memref<4x128xi32, #tpu.memory_space<hbm>>) dst(%dma_wait3A_130 : memref<4x128xi32, #tpu.memory_space<vmem>>)
        %dma_wait3A_134 = arith.constant 0 : i32
        %dma_wait3A_135 = arith.constant 0 : i32
        %dma_wait3A_136 = arith.constant 0 : i32
        %dma_wait3A_137 = tpu.memref_slice %arg7[%dma_wait3A_134, %dma_wait3A_135, %dma_wait3A_136] : memref<2x4x128xi32, #tpu.memory_space<vmem>> -> memref<1x4x128xi32, #tpu.memory_space<vmem>>
        %dma_wait3A_138 = tpu.memref_squeeze %dma_wait3A_137 : memref<1x4x128xi32, #tpu.memory_space<vmem>> -> memref<4x128xi32, #tpu.memory_space<vmem>>
        %dma_wait3A_139 = arith.constant 0 : i32
        %dma_wait3A_140 = arith.constant 0 : i32
        %dma_wait3A_141 = tpu.memref_slice %arg4[%dma_wait3A_139, %dma_wait3A_140] : memref<2560x128xi32, #tpu.memory_space<hbm>> -> memref<4x128xi32, #tpu.memory_space<hbm>>
        %dma_wait3A_142 = arith.constant 0 : i32
        %dma_wait3A_143 = arith.constant 0 : i32
        %dma_wait3A_144 = tpu.memref_slice %arg7[%dma_wait3A_134, %dma_wait3A_142, %dma_wait3A_143] : memref<2x4x128xi32, #tpu.memory_space<vmem>> -> memref<1x4x128xi32, #tpu.memory_space<vmem>>
        %dma_wait3A_145 = tpu.memref_squeeze %dma_wait3A_144 : memref<1x4x128xi32, #tpu.memory_space<vmem>> -> memref<4x128xi32, #tpu.memory_space<vmem>>
        %dma_wait3A_146 = arith.constant 0 : i32
        %dma_wait3A_147 = arith.constant 0 : i32
        %dma_wait3A_148 = tpu.memref_slice %arg4[%dma_wait3A_146, %dma_wait3A_147] : memref<2560x128xi32, #tpu.memory_space<hbm>> -> memref<4x128xi32, #tpu.memory_space<hbm>>
        tpu.wait_dma2 semaphore(%arg11 : memref<!tpu.dma_semaphore, #tpu.memory_space<semaphore_mem>>) src(%dma_wait3A_148 : memref<4x128xi32, #tpu.memory_space<hbm>>) dst(%dma_wait3A_145 : memref<4x128xi32, #tpu.memory_space<vmem>>)
        %dma_start3A = arith.constant 0 : i32
        %dma_start3A_149 = arith.constant 0 : i32
        %dma_start3A_150 = arith.constant 0 : i32
        %dma_start3A_151 = arith.constant 0 : i32
        %dma_start3A_152 = arith.constant 0 : i32
        %dma_start3A_153 = arith.constant 0 : i32
        %dma_start3A_154 = tpu.memref_slice %arg8[%dma_start3A_150, %dma_start3A_151, %dma_start3A_152, %dma_start3A_153] : memref<2x4x128x64xf32, #tpu.memory_space<vmem>> -> memref<1x1x128x64xf32, #tpu.memory_space<vmem>>
        %dma_start3A_155 = tpu.memref_squeeze %dma_start3A_154 : memref<1x1x128x64xf32, #tpu.memory_space<vmem>> -> memref<128x64xf32, #tpu.memory_space<vmem>>
        %dma_start3A_156 = arith.constant 0 : i32
        %dma_start3A_157 = tpu.memref_slice %arg6[%dma_start3A, %dma_start3A_149, %dma_start3A_156] : memref<2x4x128xi32, #tpu.memory_space<vmem>> -> memref<1x1x128xi32, #tpu.memory_space<vmem>>
        %dma_start3A_158 = tpu.memref_squeeze %dma_start3A_157 : memref<1x1x128xi32, #tpu.memory_space<vmem>> -> memref<128xi32, #tpu.memory_space<vmem>>
        %dma_start3A_159 = arith.constant 0 : i32
        %dma_start3A_160 = arith.constant 0 : i32
        %dma_start3A_161 = tpu.memref_slice %arg2[%dma_start3A_159, %dma_start3A_160] : memref<10000x64xf32, #tpu.memory_space<hbm>> -> memref<10000x64xf32, #tpu.memory_space<hbm>>
        tpu.enqueue_indirect_dma source(%dma_start3A_161 : memref<10000x64xf32, #tpu.memory_space<hbm>>) target(%dma_start3A_155 : memref<128x64xf32, #tpu.memory_space<vmem>>) offsets(%dma_start3A_158 : memref<128xi32, #tpu.memory_space<vmem>>) semaphore(%arg13 : memref<!tpu.dma_semaphore, #tpu.memory_space<semaphore_mem>>)
        %dma_start3A_162 = arith.constant 0 : i32
        %dma_start3A_163 = arith.constant 1 : i32
        %dma_start3A_164 = arith.constant 0 : i32
        %dma_start3A_165 = arith.constant 1 : i32
        %dma_start3A_166 = arith.constant 0 : i32
        %dma_start3A_167 = arith.constant 0 : i32
        %dma_start3A_168 = tpu.memref_slice %arg8[%dma_start3A_164, %dma_start3A_165, %dma_start3A_166, %dma_start3A_167] : memref<2x4x128x64xf32, #tpu.memory_space<vmem>> -> memref<1x1x128x64xf32, #tpu.memory_space<vmem>>
        %dma_start3A_169 = tpu.memref_squeeze %dma_start3A_168 : memref<1x1x128x64xf32, #tpu.memory_space<vmem>> -> memref<128x64xf32, #tpu.memory_space<vmem>>
        %dma_start3A_170 = arith.constant 0 : i32
        %dma_start3A_171 = tpu.memref_slice %arg6[%dma_start3A_162, %dma_start3A_163, %dma_start3A_170] : memref<2x4x128xi32, #tpu.memory_space<vmem>> -> memref<1x1x128xi32, #tpu.memory_space<vmem>>
        %dma_start3A_172 = tpu.memref_squeeze %dma_start3A_171 : memref<1x1x128xi32, #tpu.memory_space<vmem>> -> memref<128xi32, #tpu.memory_space<vmem>>
        %dma_start3A_173 = arith.constant 0 : i32
        %dma_start3A_174 = arith.constant 0 : i32
        %dma_start3A_175 = tpu.memref_slice %arg2[%dma_start3A_173, %dma_start3A_174] : memref<10000x64xf32, #tpu.memory_space<hbm>> -> memref<10000x64xf32, #tpu.memory_space<hbm>>
        tpu.enqueue_indirect_dma source(%dma_start3A_175 : memref<10000x64xf32, #tpu.memory_space<hbm>>) target(%dma_start3A_169 : memref<128x64xf32, #tpu.memory_space<vmem>>) offsets(%dma_start3A_172 : memref<128xi32, #tpu.memory_space<vmem>>) semaphore(%arg14 : memref<!tpu.dma_semaphore, #tpu.memory_space<semaphore_mem>>)
        %dma_start3A_176 = arith.constant 0 : i32
        %dma_start3A_177 = arith.constant 2 : i32
        %dma_start3A_178 = arith.constant 0 : i32
        %dma_start3A_179 = arith.constant 2 : i32
        %dma_start3A_180 = arith.constant 0 : i32
        %dma_start3A_181 = arith.constant 0 : i32
        %dma_start3A_182 = tpu.memref_slice %arg8[%dma_start3A_178, %dma_start3A_179, %dma_start3A_180, %dma_start3A_181] : memref<2x4x128x64xf32, #tpu.memory_space<vmem>> -> memref<1x1x128x64xf32, #tpu.memory_space<vmem>>
        %dma_start3A_183 = tpu.memref_squeeze %dma_start3A_182 : memref<1x1x128x64xf32, #tpu.memory_space<vmem>> -> memref<128x64xf32, #tpu.memory_space<vmem>>
        %dma_start3A_184 = arith.constant 0 : i32
        %dma_start3A_185 = tpu.memref_slice %arg6[%dma_start3A_176, %dma_start3A_177, %dma_start3A_184] : memref<2x4x128xi32, #tpu.memory_space<vmem>> -> memref<1x1x128xi32, #tpu.memory_space<vmem>>
        %dma_start3A_186 = tpu.memref_squeeze %dma_start3A_185 : memref<1x1x128xi32, #tpu.memory_space<vmem>> -> memref<128xi32, #tpu.memory_space<vmem>>
        %dma_start3A_187 = arith.constant 0 : i32
        %dma_start3A_188 = arith.constant 0 : i32
        %dma_start3A_189 = tpu.memref_slice %arg2[%dma_start3A_187, %dma_start3A_188] : memref<10000x64xf32, #tpu.memory_space<hbm>> -> memref<10000x64xf32, #tpu.memory_space<hbm>>
        tpu.enqueue_indirect_dma source(%dma_start3A_189 : memref<10000x64xf32, #tpu.memory_space<hbm>>) target(%dma_start3A_183 : memref<128x64xf32, #tpu.memory_space<vmem>>) offsets(%dma_start3A_186 : memref<128xi32, #tpu.memory_space<vmem>>) semaphore(%arg15 : memref<!tpu.dma_semaphore, #tpu.memory_space<semaphore_mem>>)
        %dma_start3A_190 = arith.constant 0 : i32
        %dma_start3A_191 = arith.constant 3 : i32
        %dma_start3A_192 = arith.constant 0 : i32
        %dma_start3A_193 = arith.constant 3 : i32
        %dma_start3A_194 = arith.constant 0 : i32
        %dma_start3A_195 = arith.constant 0 : i32
        %dma_start3A_196 = tpu.memref_slice %arg8[%dma_start3A_192, %dma_start3A_193, %dma_start3A_194, %dma_start3A_195] : memref<2x4x128x64xf32, #tpu.memory_space<vmem>> -> memref<1x1x128x64xf32, #tpu.memory_space<vmem>>
        %dma_start3A_197 = tpu.memref_squeeze %dma_start3A_196 : memref<1x1x128x64xf32, #tpu.memory_space<vmem>> -> memref<128x64xf32, #tpu.memory_space<vmem>>
        %dma_start3A_198 = arith.constant 0 : i32
        %dma_start3A_199 = tpu.memref_slice %arg6[%dma_start3A_190, %dma_start3A_191, %dma_start3A_198] : memref<2x4x128xi32, #tpu.memory_space<vmem>> -> memref<1x1x128xi32, #tpu.memory_space<vmem>>
        %dma_start3A_200 = tpu.memref_squeeze %dma_start3A_199 : memref<1x1x128xi32, #tpu.memory_space<vmem>> -> memref<128xi32, #tpu.memory_space<vmem>>
        %dma_start3A_201 = arith.constant 0 : i32
        %dma_start3A_202 = arith.constant 0 : i32
        %dma_start3A_203 = tpu.memref_slice %arg2[%dma_start3A_201, %dma_start3A_202] : memref<10000x64xf32, #tpu.memory_space<hbm>> -> memref<10000x64xf32, #tpu.memory_space<hbm>>
        tpu.enqueue_indirect_dma source(%dma_start3A_203 : memref<10000x64xf32, #tpu.memory_space<hbm>>) target(%dma_start3A_197 : memref<128x64xf32, #tpu.memory_space<vmem>>) offsets(%dma_start3A_200 : memref<128xi32, #tpu.memory_space<vmem>>) semaphore(%arg16 : memref<!tpu.dma_semaphore, #tpu.memory_space<semaphore_mem>>)
        %dma_wait3A_204 = arith.constant 0 : i32
        %dma_wait3A_205 = arith.constant 0 : i32
        %dma_wait3A_206 = arith.constant 0 : i32
        %dma_wait3A_207 = arith.constant 0 : i32
        %dma_wait3A_208 = arith.constant 0 : i32
        %dma_wait3A_209 = arith.constant 0 : i32
        %dma_wait3A_210 = tpu.memref_slice %arg8[%dma_wait3A_206, %dma_wait3A_207, %dma_wait3A_208, %dma_wait3A_209] : memref<2x4x128x64xf32, #tpu.memory_space<vmem>> -> memref<1x1x128x64xf32, #tpu.memory_space<vmem>>
        %dma_wait3A_211 = tpu.memref_squeeze %dma_wait3A_210 : memref<1x1x128x64xf32, #tpu.memory_space<vmem>> -> memref<128x64xf32, #tpu.memory_space<vmem>>
        %dma_wait3A_212 = arith.constant 0 : i32
        %dma_wait3A_213 = tpu.memref_slice %arg6[%dma_wait3A_204, %dma_wait3A_205, %dma_wait3A_212] : memref<2x4x128xi32, #tpu.memory_space<vmem>> -> memref<1x1x128xi32, #tpu.memory_space<vmem>>
        %dma_wait3A_214 = tpu.memref_squeeze %dma_wait3A_213 : memref<1x1x128xi32, #tpu.memory_space<vmem>> -> memref<128xi32, #tpu.memory_space<vmem>>
        %dma_wait3A_215 = arith.constant 0 : i32
        %dma_wait3A_216 = arith.constant 0 : i32
        %dma_wait3A_217 = tpu.memref_slice %arg2[%dma_wait3A_215, %dma_wait3A_216] : memref<10000x64xf32, #tpu.memory_space<hbm>> -> memref<10000x64xf32, #tpu.memory_space<hbm>>
        tpu.wait_indirect_dma semaphore(%arg13 : memref<!tpu.dma_semaphore, #tpu.memory_space<semaphore_mem>>) src(%dma_wait3A_217 : memref<10000x64xf32, #tpu.memory_space<hbm>>) dst(%dma_wait3A_211 : memref<128x64xf32, #tpu.memory_space<vmem>>)
        %dma_start3A_218 = arith.constant 0 : i32
        %dma_start3A_219 = arith.constant 0 : i32
        %dma_start3A_220 = arith.constant 0 : i32
        %dma_start3A_221 = arith.constant 0 : i32
        %dma_start3A_222 = arith.constant 0 : i32
        %dma_start3A_223 = arith.constant 0 : i32
        %dma_start3A_224 = tpu.memref_slice %arg8[%dma_start3A_218, %dma_start3A_219, %dma_start3A_222, %dma_start3A_223] : memref<2x4x128x64xf32, #tpu.memory_space<vmem>> -> memref<1x1x128x64xf32, #tpu.memory_space<vmem>>
        %dma_start3A_225 = tpu.memref_squeeze %dma_start3A_224 : memref<1x1x128x64xf32, #tpu.memory_space<vmem>> -> memref<128x64xf32, #tpu.memory_space<vmem>>
        %dma_start3A_226 = arith.constant 0 : i32
        %dma_start3A_227 = tpu.memref_slice %arg7[%dma_start3A_220, %dma_start3A_221, %dma_start3A_226] : memref<2x4x128xi32, #tpu.memory_space<vmem>> -> memref<1x1x128xi32, #tpu.memory_space<vmem>>
        %dma_start3A_228 = tpu.memref_squeeze %dma_start3A_227 : memref<1x1x128xi32, #tpu.memory_space<vmem>> -> memref<128xi32, #tpu.memory_space<vmem>>
        %dma_start3A_229 = arith.constant 0 : i32
        %dma_start3A_230 = arith.constant 0 : i32
        %dma_start3A_231 = tpu.memref_slice %arg9[%dma_start3A_229, %dma_start3A_230] : memref<10016x64xf32, #tpu.memory_space<vmem_shared>> -> memref<10016x64xf32, #tpu.memory_space<vmem_shared>>
        tpu.enqueue_indirect_dma source(%dma_start3A_225 : memref<128x64xf32, #tpu.memory_space<vmem>>) target(%dma_start3A_231 : memref<10016x64xf32, #tpu.memory_space<vmem_shared>>) offsets(%dma_start3A_228 : memref<128xi32, #tpu.memory_space<vmem>>) semaphore(%arg21 : memref<!tpu.dma_semaphore, #tpu.memory_space<semaphore_mem>>) {add = true}
        %dma_wait3A_232 = arith.constant 0 : i32
        %dma_wait3A_233 = arith.constant 1 : i32
        %dma_wait3A_234 = arith.constant 0 : i32
        %dma_wait3A_235 = arith.constant 1 : i32
        %dma_wait3A_236 = arith.constant 0 : i32
        %dma_wait3A_237 = arith.constant 0 : i32
        %dma_wait3A_238 = tpu.memref_slice %arg8[%dma_wait3A_234, %dma_wait3A_235, %dma_wait3A_236, %dma_wait3A_237] : memref<2x4x128x64xf32, #tpu.memory_space<vmem>> -> memref<1x1x128x64xf32, #tpu.memory_space<vmem>>
        %dma_wait3A_239 = tpu.memref_squeeze %dma_wait3A_238 : memref<1x1x128x64xf32, #tpu.memory_space<vmem>> -> memref<128x64xf32, #tpu.memory_space<vmem>>
        %dma_wait3A_240 = arith.constant 0 : i32
        %dma_wait3A_241 = tpu.memref_slice %arg6[%dma_wait3A_232, %dma_wait3A_233, %dma_wait3A_240] : memref<2x4x128xi32, #tpu.memory_space<vmem>> -> memref<1x1x128xi32, #tpu.memory_space<vmem>>
        %dma_wait3A_242 = tpu.memref_squeeze %dma_wait3A_241 : memref<1x1x128xi32, #tpu.memory_space<vmem>> -> memref<128xi32, #tpu.memory_space<vmem>>
        %dma_wait3A_243 = arith.constant 0 : i32
        %dma_wait3A_244 = arith.constant 0 : i32
        %dma_wait3A_245 = tpu.memref_slice %arg2[%dma_wait3A_243, %dma_wait3A_244] : memref<10000x64xf32, #tpu.memory_space<hbm>> -> memref<10000x64xf32, #tpu.memory_space<hbm>>
        tpu.wait_indirect_dma semaphore(%arg14 : memref<!tpu.dma_semaphore, #tpu.memory_space<semaphore_mem>>) src(%dma_wait3A_245 : memref<10000x64xf32, #tpu.memory_space<hbm>>) dst(%dma_wait3A_239 : memref<128x64xf32, #tpu.memory_space<vmem>>)
        %dma_start3A_246 = arith.constant 0 : i32
        %dma_start3A_247 = arith.constant 1 : i32
        %dma_start3A_248 = arith.constant 0 : i32
        %dma_start3A_249 = arith.constant 1 : i32
        %dma_start3A_250 = arith.constant 0 : i32
        %dma_start3A_251 = arith.constant 0 : i32
        %dma_start3A_252 = tpu.memref_slice %arg8[%dma_start3A_246, %dma_start3A_247, %dma_start3A_250, %dma_start3A_251] : memref<2x4x128x64xf32, #tpu.memory_space<vmem>> -> memref<1x1x128x64xf32, #tpu.memory_space<vmem>>
        %dma_start3A_253 = tpu.memref_squeeze %dma_start3A_252 : memref<1x1x128x64xf32, #tpu.memory_space<vmem>> -> memref<128x64xf32, #tpu.memory_space<vmem>>
        %dma_start3A_254 = arith.constant 0 : i32
        %dma_start3A_255 = tpu.memref_slice %arg7[%dma_start3A_248, %dma_start3A_249, %dma_start3A_254] : memref<2x4x128xi32, #tpu.memory_space<vmem>> -> memref<1x1x128xi32, #tpu.memory_space<vmem>>
        %dma_start3A_256 = tpu.memref_squeeze %dma_start3A_255 : memref<1x1x128xi32, #tpu.memory_space<vmem>> -> memref<128xi32, #tpu.memory_space<vmem>>
        %dma_start3A_257 = arith.constant 0 : i32
        %dma_start3A_258 = arith.constant 0 : i32
        %dma_start3A_259 = tpu.memref_slice %arg9[%dma_start3A_257, %dma_start3A_258] : memref<10016x64xf32, #tpu.memory_space<vmem_shared>> -> memref<10016x64xf32, #tpu.memory_space<vmem_shared>>
        tpu.enqueue_indirect_dma source(%dma_start3A_253 : memref<128x64xf32, #tpu.memory_space<vmem>>) target(%dma_start3A_259 : memref<10016x64xf32, #tpu.memory_space<vmem_shared>>) offsets(%dma_start3A_256 : memref<128xi32, #tpu.memory_space<vmem>>) semaphore(%arg22 : memref<!tpu.dma_semaphore, #tpu.memory_space<semaphore_mem>>) {add = true}
        %dma_wait3A_260 = arith.constant 0 : i32
        %dma_wait3A_261 = arith.constant 2 : i32
        %dma_wait3A_262 = arith.constant 0 : i32
        %dma_wait3A_263 = arith.constant 2 : i32
        %dma_wait3A_264 = arith.constant 0 : i32
        %dma_wait3A_265 = arith.constant 0 : i32
        %dma_wait3A_266 = tpu.memref_slice %arg8[%dma_wait3A_262, %dma_wait3A_263, %dma_wait3A_264, %dma_wait3A_265] : memref<2x4x128x64xf32, #tpu.memory_space<vmem>> -> memref<1x1x128x64xf32, #tpu.memory_space<vmem>>
        %dma_wait3A_267 = tpu.memref_squeeze %dma_wait3A_266 : memref<1x1x128x64xf32, #tpu.memory_space<vmem>> -> memref<128x64xf32, #tpu.memory_space<vmem>>
        %dma_wait3A_268 = arith.constant 0 : i32
        %dma_wait3A_269 = tpu.memref_slice %arg6[%dma_wait3A_260, %dma_wait3A_261, %dma_wait3A_268] : memref<2x4x128xi32, #tpu.memory_space<vmem>> -> memref<1x1x128xi32, #tpu.memory_space<vmem>>
        %dma_wait3A_270 = tpu.memref_squeeze %dma_wait3A_269 : memref<1x1x128xi32, #tpu.memory_space<vmem>> -> memref<128xi32, #tpu.memory_space<vmem>>
        %dma_wait3A_271 = arith.constant 0 : i32
        %dma_wait3A_272 = arith.constant 0 : i32
        %dma_wait3A_273 = tpu.memref_slice %arg2[%dma_wait3A_271, %dma_wait3A_272] : memref<10000x64xf32, #tpu.memory_space<hbm>> -> memref<10000x64xf32, #tpu.memory_space<hbm>>
        tpu.wait_indirect_dma semaphore(%arg15 : memref<!tpu.dma_semaphore, #tpu.memory_space<semaphore_mem>>) src(%dma_wait3A_273 : memref<10000x64xf32, #tpu.memory_space<hbm>>) dst(%dma_wait3A_267 : memref<128x64xf32, #tpu.memory_space<vmem>>)
        %dma_start3A_274 = arith.constant 0 : i32
        %dma_start3A_275 = arith.constant 2 : i32
        %dma_start3A_276 = arith.constant 0 : i32
        %dma_start3A_277 = arith.constant 2 : i32
        %dma_start3A_278 = arith.constant 0 : i32
        %dma_start3A_279 = arith.constant 0 : i32
        %dma_start3A_280 = tpu.memref_slice %arg8[%dma_start3A_274, %dma_start3A_275, %dma_start3A_278, %dma_start3A_279] : memref<2x4x128x64xf32, #tpu.memory_space<vmem>> -> memref<1x1x128x64xf32, #tpu.memory_space<vmem>>
        %dma_start3A_281 = tpu.memref_squeeze %dma_start3A_280 : memref<1x1x128x64xf32, #tpu.memory_space<vmem>> -> memref<128x64xf32, #tpu.memory_space<vmem>>
        %dma_start3A_282 = arith.constant 0 : i32
        %dma_start3A_283 = tpu.memref_slice %arg7[%dma_start3A_276, %dma_start3A_277, %dma_start3A_282] : memref<2x4x128xi32, #tpu.memory_space<vmem>> -> memref<1x1x128xi32, #tpu.memory_space<vmem>>
        %dma_start3A_284 = tpu.memref_squeeze %dma_start3A_283 : memref<1x1x128xi32, #tpu.memory_space<vmem>> -> memref<128xi32, #tpu.memory_space<vmem>>
        %dma_start3A_285 = arith.constant 0 : i32
        %dma_start3A_286 = arith.constant 0 : i32
        %dma_start3A_287 = tpu.memref_slice %arg9[%dma_start3A_285, %dma_start3A_286] : memref<10016x64xf32, #tpu.memory_space<vmem_shared>> -> memref<10016x64xf32, #tpu.memory_space<vmem_shared>>
        tpu.enqueue_indirect_dma source(%dma_start3A_281 : memref<128x64xf32, #tpu.memory_space<vmem>>) target(%dma_start3A_287 : memref<10016x64xf32, #tpu.memory_space<vmem_shared>>) offsets(%dma_start3A_284 : memref<128xi32, #tpu.memory_space<vmem>>) semaphore(%arg23 : memref<!tpu.dma_semaphore, #tpu.memory_space<semaphore_mem>>) {add = true}
        %dma_wait3A_288 = arith.constant 0 : i32
        %dma_wait3A_289 = arith.constant 3 : i32
        %dma_wait3A_290 = arith.constant 0 : i32
        %dma_wait3A_291 = arith.constant 3 : i32
        %dma_wait3A_292 = arith.constant 0 : i32
        %dma_wait3A_293 = arith.constant 0 : i32
        %dma_wait3A_294 = tpu.memref_slice %arg8[%dma_wait3A_290, %dma_wait3A_291, %dma_wait3A_292, %dma_wait3A_293] : memref<2x4x128x64xf32, #tpu.memory_space<vmem>> -> memref<1x1x128x64xf32, #tpu.memory_space<vmem>>
        %dma_wait3A_295 = tpu.memref_squeeze %dma_wait3A_294 : memref<1x1x128x64xf32, #tpu.memory_space<vmem>> -> memref<128x64xf32, #tpu.memory_space<vmem>>
        %dma_wait3A_296 = arith.constant 0 : i32
        %dma_wait3A_297 = tpu.memref_slice %arg6[%dma_wait3A_288, %dma_wait3A_289, %dma_wait3A_296] : memref<2x4x128xi32, #tpu.memory_space<vmem>> -> memref<1x1x128xi32, #tpu.memory_space<vmem>>
        %dma_wait3A_298 = tpu.memref_squeeze %dma_wait3A_297 : memref<1x1x128xi32, #tpu.memory_space<vmem>> -> memref<128xi32, #tpu.memory_space<vmem>>
        %dma_wait3A_299 = arith.constant 0 : i32
        %dma_wait3A_300 = arith.constant 0 : i32
        %dma_wait3A_301 = tpu.memref_slice %arg2[%dma_wait3A_299, %dma_wait3A_300] : memref<10000x64xf32, #tpu.memory_space<hbm>> -> memref<10000x64xf32, #tpu.memory_space<hbm>>
        tpu.wait_indirect_dma semaphore(%arg16 : memref<!tpu.dma_semaphore, #tpu.memory_space<semaphore_mem>>) src(%dma_wait3A_301 : memref<10000x64xf32, #tpu.memory_space<hbm>>) dst(%dma_wait3A_295 : memref<128x64xf32, #tpu.memory_space<vmem>>)
        %dma_start3A_302 = arith.constant 0 : i32
        %dma_start3A_303 = arith.constant 3 : i32
        %dma_start3A_304 = arith.constant 0 : i32
        %dma_start3A_305 = arith.constant 3 : i32
        %dma_start3A_306 = arith.constant 0 : i32
        %dma_start3A_307 = arith.constant 0 : i32
        %dma_start3A_308 = tpu.memref_slice %arg8[%dma_start3A_302, %dma_start3A_303, %dma_start3A_306, %dma_start3A_307] : memref<2x4x128x64xf32, #tpu.memory_space<vmem>> -> memref<1x1x128x64xf32, #tpu.memory_space<vmem>>
        %dma_start3A_309 = tpu.memref_squeeze %dma_start3A_308 : memref<1x1x128x64xf32, #tpu.memory_space<vmem>> -> memref<128x64xf32, #tpu.memory_space<vmem>>
        %dma_start3A_310 = arith.constant 0 : i32
        %dma_start3A_311 = tpu.memref_slice %arg7[%dma_start3A_304, %dma_start3A_305, %dma_start3A_310] : memref<2x4x128xi32, #tpu.memory_space<vmem>> -> memref<1x1x128xi32, #tpu.memory_space<vmem>>
        %dma_start3A_312 = tpu.memref_squeeze %dma_start3A_311 : memref<1x1x128xi32, #tpu.memory_space<vmem>> -> memref<128xi32, #tpu.memory_space<vmem>>
        %dma_start3A_313 = arith.constant 0 : i32
        %dma_start3A_314 = arith.constant 0 : i32
        %dma_start3A_315 = tpu.memref_slice %arg9[%dma_start3A_313, %dma_start3A_314] : memref<10016x64xf32, #tpu.memory_space<vmem_shared>> -> memref<10016x64xf32, #tpu.memory_space<vmem_shared>>
        tpu.enqueue_indirect_dma source(%dma_start3A_309 : memref<128x64xf32, #tpu.memory_space<vmem>>) target(%dma_start3A_315 : memref<10016x64xf32, #tpu.memory_space<vmem_shared>>) offsets(%dma_start3A_312 : memref<128xi32, #tpu.memory_space<vmem>>) semaphore(%arg24 : memref<!tpu.dma_semaphore, #tpu.memory_space<semaphore_mem>>) {add = true}
        %dma_wait3A_316 = arith.constant 0 : i32
        %dma_wait3A_317 = arith.constant 0 : i32
        %dma_wait3A_318 = arith.constant 0 : i32
        %dma_wait3A_319 = arith.constant 0 : i32
        %dma_wait3A_320 = arith.constant 0 : i32
        %dma_wait3A_321 = arith.constant 0 : i32
        %dma_wait3A_322 = tpu.memref_slice %arg8[%dma_wait3A_316, %dma_wait3A_317, %dma_wait3A_320, %dma_wait3A_321] : memref<2x4x128x64xf32, #tpu.memory_space<vmem>> -> memref<1x1x128x64xf32, #tpu.memory_space<vmem>>
        %dma_wait3A_323 = tpu.memref_squeeze %dma_wait3A_322 : memref<1x1x128x64xf32, #tpu.memory_space<vmem>> -> memref<128x64xf32, #tpu.memory_space<vmem>>
        %dma_wait3A_324 = arith.constant 0 : i32
        %dma_wait3A_325 = tpu.memref_slice %arg7[%dma_wait3A_318, %dma_wait3A_319, %dma_wait3A_324] : memref<2x4x128xi32, #tpu.memory_space<vmem>> -> memref<1x1x128xi32, #tpu.memory_space<vmem>>
        %dma_wait3A_326 = tpu.memref_squeeze %dma_wait3A_325 : memref<1x1x128xi32, #tpu.memory_space<vmem>> -> memref<128xi32, #tpu.memory_space<vmem>>
        %dma_wait3A_327 = arith.constant 0 : i32
        %dma_wait3A_328 = arith.constant 0 : i32
        %dma_wait3A_329 = tpu.memref_slice %arg9[%dma_wait3A_327, %dma_wait3A_328] : memref<10016x64xf32, #tpu.memory_space<vmem_shared>> -> memref<10016x64xf32, #tpu.memory_space<vmem_shared>>
        tpu.wait_indirect_dma semaphore(%arg21 : memref<!tpu.dma_semaphore, #tpu.memory_space<semaphore_mem>>) src(%dma_wait3A_323 : memref<128x64xf32, #tpu.memory_space<vmem>>) dst(%dma_wait3A_329 : memref<10016x64xf32, #tpu.memory_space<vmem_shared>>)
        %dma_wait3A_330 = arith.constant 0 : i32
        %dma_wait3A_331 = arith.constant 1 : i32
        %dma_wait3A_332 = arith.constant 0 : i32
        %dma_wait3A_333 = arith.constant 1 : i32
        %dma_wait3A_334 = arith.constant 0 : i32
        %dma_wait3A_335 = arith.constant 0 : i32
        %dma_wait3A_336 = tpu.memref_slice %arg8[%dma_wait3A_330, %dma_wait3A_331, %dma_wait3A_334, %dma_wait3A_335] : memref<2x4x128x64xf32, #tpu.memory_space<vmem>> -> memref<1x1x128x64xf32, #tpu.memory_space<vmem>>
        %dma_wait3A_337 = tpu.memref_squeeze %dma_wait3A_336 : memref<1x1x128x64xf32, #tpu.memory_space<vmem>> -> memref<128x64xf32, #tpu.memory_space<vmem>>
        %dma_wait3A_338 = arith.constant 0 : i32
        %dma_wait3A_339 = tpu.memref_slice %arg7[%dma_wait3A_332, %dma_wait3A_333, %dma_wait3A_338] : memref<2x4x128xi32, #tpu.memory_space<vmem>> -> memref<1x1x128xi32, #tpu.memory_space<vmem>>
        %dma_wait3A_340 = tpu.memref_squeeze %dma_wait3A_339 : memref<1x1x128xi32, #tpu.memory_space<vmem>> -> memref<128xi32, #tpu.memory_space<vmem>>
        %dma_wait3A_341 = arith.constant 0 : i32
        %dma_wait3A_342 = arith.constant 0 : i32
        %dma_wait3A_343 = tpu.memref_slice %arg9[%dma_wait3A_341, %dma_wait3A_342] : memref<10016x64xf32, #tpu.memory_space<vmem_shared>> -> memref<10016x64xf32, #tpu.memory_space<vmem_shared>>
        tpu.wait_indirect_dma semaphore(%arg22 : memref<!tpu.dma_semaphore, #tpu.memory_space<semaphore_mem>>) src(%dma_wait3A_337 : memref<128x64xf32, #tpu.memory_space<vmem>>) dst(%dma_wait3A_343 : memref<10016x64xf32, #tpu.memory_space<vmem_shared>>)
        %dma_wait3A_344 = arith.constant 0 : i32
        %dma_wait3A_345 = arith.constant 2 : i32
        %dma_wait3A_346 = arith.constant 0 : i32
        %dma_wait3A_347 = arith.constant 2 : i32
        %dma_wait3A_348 = arith.constant 0 : i32
        %dma_wait3A_349 = arith.constant 0 : i32
        %dma_wait3A_350 = tpu.memref_slice %arg8[%dma_wait3A_344, %dma_wait3A_345, %dma_wait3A_348, %dma_wait3A_349] : memref<2x4x128x64xf32, #tpu.memory_space<vmem>> -> memref<1x1x128x64xf32, #tpu.memory_space<vmem>>
        %dma_wait3A_351 = tpu.memref_squeeze %dma_wait3A_350 : memref<1x1x128x64xf32, #tpu.memory_space<vmem>> -> memref<128x64xf32, #tpu.memory_space<vmem>>
        %dma_wait3A_352 = arith.constant 0 : i32
        %dma_wait3A_353 = tpu.memref_slice %arg7[%dma_wait3A_346, %dma_wait3A_347, %dma_wait3A_352] : memref<2x4x128xi32, #tpu.memory_space<vmem>> -> memref<1x1x128xi32, #tpu.memory_space<vmem>>
        %dma_wait3A_354 = tpu.memref_squeeze %dma_wait3A_353 : memref<1x1x128xi32, #tpu.memory_space<vmem>> -> memref<128xi32, #tpu.memory_space<vmem>>
        %dma_wait3A_355 = arith.constant 0 : i32
        %dma_wait3A_356 = arith.constant 0 : i32
        %dma_wait3A_357 = tpu.memref_slice %arg9[%dma_wait3A_355, %dma_wait3A_356] : memref<10016x64xf32, #tpu.memory_space<vmem_shared>> -> memref<10016x64xf32, #tpu.memory_space<vmem_shared>>
        tpu.wait_indirect_dma semaphore(%arg23 : memref<!tpu.dma_semaphore, #tpu.memory_space<semaphore_mem>>) src(%dma_wait3A_351 : memref<128x64xf32, #tpu.memory_space<vmem>>) dst(%dma_wait3A_357 : memref<10016x64xf32, #tpu.memory_space<vmem_shared>>)
        %dma_wait3A_358 = arith.constant 0 : i32
        %dma_wait3A_359 = arith.constant 3 : i32
        %dma_wait3A_360 = arith.constant 0 : i32
        %dma_wait3A_361 = arith.constant 3 : i32
        %dma_wait3A_362 = arith.constant 0 : i32
        %dma_wait3A_363 = arith.constant 0 : i32
        %dma_wait3A_364 = tpu.memref_slice %arg8[%dma_wait3A_358, %dma_wait3A_359, %dma_wait3A_362, %dma_wait3A_363] : memref<2x4x128x64xf32, #tpu.memory_space<vmem>> -> memref<1x1x128x64xf32, #tpu.memory_space<vmem>>
        %dma_wait3A_365 = tpu.memref_squeeze %dma_wait3A_364 : memref<1x1x128x64xf32, #tpu.memory_space<vmem>> -> memref<128x64xf32, #tpu.memory_space<vmem>>
        %dma_wait3A_366 = arith.constant 0 : i32
        %dma_wait3A_367 = tpu.memref_slice %arg7[%dma_wait3A_360, %dma_wait3A_361, %dma_wait3A_366] : memref<2x4x128xi32, #tpu.memory_space<vmem>> -> memref<1x1x128xi32, #tpu.memory_space<vmem>>
        %dma_wait3A_368 = tpu.memref_squeeze %dma_wait3A_367 : memref<1x1x128xi32, #tpu.memory_space<vmem>> -> memref<128xi32, #tpu.memory_space<vmem>>
        %dma_wait3A_369 = arith.constant 0 : i32
        %dma_wait3A_370 = arith.constant 0 : i32
        %dma_wait3A_371 = tpu.memref_slice %arg9[%dma_wait3A_369, %dma_wait3A_370] : memref<10016x64xf32, #tpu.memory_space<vmem_shared>> -> memref<10016x64xf32, #tpu.memory_space<vmem_shared>>
        tpu.wait_indirect_dma semaphore(%arg24 : memref<!tpu.dma_semaphore, #tpu.memory_space<semaphore_mem>>) src(%dma_wait3A_365 : memref<128x64xf32, #tpu.memory_space<vmem>>) dst(%dma_wait3A_371 : memref<10016x64xf32, #tpu.memory_space<vmem_shared>>)
      } else {
      }
      %convert_element_type3A_98 = arith.extui %lt3A_94 : i1 to i32
      %cond3A_99 = arith.constant 0 : i32
      %cond3A_100 = arith.cmpi ne, %convert_element_type3A_98, %cond3A_99 : i32
      %cond3A_101 = scf.if %cond3A_100 -> (i32) {
        %sc_fetch_and_add3A_120 = arith.constant 1 : i32
        %sc_fetch_and_add3A_121 = arith.constant 0 : i32
        %sc_fetch_and_add3A_122 = arith.constant 0 : i32
        %sc_fetch_and_add3A_123 = tpu.fetch_and_add_sync %arg10[%sc_fetch_and_add3A_121], %sc_fetch_and_add3A_120, %sc_fetch_and_add3A_122 : memref<1xi32, #tpu.memory_space<smem>>, i32 -> i32
        scf.yield %sc_fetch_and_add3A_123 : i32
      } else {
        scf.yield %while3A_92 : i32
      }
      %lt3A_102 = arith.cmpi slt, %cond3A_101, %select_n3A : i32
      %and3A_103 = arith.andi %lt3A_94, %lt3A_102 : i1
      %convert_element_type3A_104 = arith.extui %and3A_103 : i1 to i32
      %cond3A_105 = arith.constant 0 : i32
      %cond3A_106 = arith.cmpi ne, %convert_element_type3A_104, %cond3A_105 : i32
      scf.if %cond3A_106 {
        %add3A_120 = arith.addi %select_n3A_6, %cond3A_101 : i32
        %mul3A_121 = arith.constant 4 : i32
        %mul3A_122 = arith.muli %add3A_120, %mul3A_121 : i32
        %dma_start3A = arith.constant 0 : i32
        %dma_start3A_123 = arith.constant 0 : i32
        %dma_start3A_124 = arith.constant 0 : i32
        %dma_start3A_125 = tpu.memref_slice %arg6[%dma_start3A, %dma_start3A_123, %dma_start3A_124] : memref<2x4x128xi32, #tpu.memory_space<vmem>> -> memref<1x4x128xi32, #tpu.memory_space<vmem>>
        %dma_start3A_126 = tpu.memref_squeeze %dma_start3A_125 : memref<1x4x128xi32, #tpu.memory_space<vmem>> -> memref<4x128xi32, #tpu.memory_space<vmem>>
        %dma_start3A_127 = arith.constant 0 : i32
        %dma_start3A_128 = tpu.memref_slice %arg3[%mul3A_122, %dma_start3A_127] : memref<2560x128xi32, #tpu.memory_space<hbm>> -> memref<4x128xi32, #tpu.memory_space<hbm>>
        %dma_start3A_129 = arith.constant 0 : i32
        %dma_start3A_130 = arith.constant 0 : i32
        %dma_start3A_131 = tpu.memref_slice %arg6[%dma_start3A, %dma_start3A_129, %dma_start3A_130] : memref<2x4x128xi32, #tpu.memory_space<vmem>> -> memref<1x4x128xi32, #tpu.memory_space<vmem>>
        %dma_start3A_132 = tpu.memref_squeeze %dma_start3A_131 : memref<1x4x128xi32, #tpu.memory_space<vmem>> -> memref<4x128xi32, #tpu.memory_space<vmem>>
        %dma_start3A_133 = arith.constant 0 : i32
        %dma_start3A_134 = tpu.memref_slice %arg3[%mul3A_122, %dma_start3A_133] : memref<2560x128xi32, #tpu.memory_space<hbm>> -> memref<4x128xi32, #tpu.memory_space<hbm>>
        tpu.enqueue_dma source(%dma_start3A_134 : memref<4x128xi32, #tpu.memory_space<hbm>>) target(%dma_start3A_132 : memref<4x128xi32, #tpu.memory_space<vmem>>) target_semaphore(%arg11 : memref<!tpu.dma_semaphore, #tpu.memory_space<semaphore_mem>>)
        %dma_start3A_135 = arith.constant 0 : i32
        %dma_start3A_136 = arith.constant 0 : i32
        %dma_start3A_137 = arith.constant 0 : i32
        %dma_start3A_138 = tpu.memref_slice %arg7[%dma_start3A_135, %dma_start3A_136, %dma_start3A_137] : memref<2x4x128xi32, #tpu.memory_space<vmem>> -> memref<1x4x128xi32, #tpu.memory_space<vmem>>
        %dma_start3A_139 = tpu.memref_squeeze %dma_start3A_138 : memref<1x4x128xi32, #tpu.memory_space<vmem>> -> memref<4x128xi32, #tpu.memory_space<vmem>>
        %dma_start3A_140 = arith.constant 0 : i32
        %dma_start3A_141 = tpu.memref_slice %arg4[%mul3A_122, %dma_start3A_140] : memref<2560x128xi32, #tpu.memory_space<hbm>> -> memref<4x128xi32, #tpu.memory_space<hbm>>
        %dma_start3A_142 = arith.constant 0 : i32
        %dma_start3A_143 = arith.constant 0 : i32
        %dma_start3A_144 = tpu.memref_slice %arg7[%dma_start3A_135, %dma_start3A_142, %dma_start3A_143] : memref<2x4x128xi32, #tpu.memory_space<vmem>> -> memref<1x4x128xi32, #tpu.memory_space<vmem>>
        %dma_start3A_145 = tpu.memref_squeeze %dma_start3A_144 : memref<1x4x128xi32, #tpu.memory_space<vmem>> -> memref<4x128xi32, #tpu.memory_space<vmem>>
        %dma_start3A_146 = arith.constant 0 : i32
        %dma_start3A_147 = tpu.memref_slice %arg4[%mul3A_122, %dma_start3A_146] : memref<2560x128xi32, #tpu.memory_space<hbm>> -> memref<4x128xi32, #tpu.memory_space<hbm>>
        tpu.enqueue_dma source(%dma_start3A_147 : memref<4x128xi32, #tpu.memory_space<hbm>>) target(%dma_start3A_145 : memref<4x128xi32, #tpu.memory_space<vmem>>) target_semaphore(%arg11 : memref<!tpu.dma_semaphore, #tpu.memory_space<semaphore_mem>>)
      } else {
      }
      %lt3A_107 = arith.cmpi slt, %while3A_93, %select_n3A : i32
      %convert_element_type3A_108 = arith.extui %lt3A_107 : i1 to i32
      %cond3A_109 = arith.constant 0 : i32
      %cond3A_110 = arith.cmpi ne, %convert_element_type3A_108, %cond3A_109 : i32
      scf.if %cond3A_110 {
        %dma_wait3A = arith.constant 1 : i32
        %dma_wait3A_120 = arith.constant 0 : i32
        %dma_wait3A_121 = arith.constant 0 : i32
        %dma_wait3A_122 = tpu.memref_slice %arg6[%dma_wait3A, %dma_wait3A_120, %dma_wait3A_121] : memref<2x4x128xi32, #tpu.memory_space<vmem>> -> memref<1x4x128xi32, #tpu.memory_space<vmem>>
        %dma_wait3A_123 = tpu.memref_squeeze %dma_wait3A_122 : memref<1x4x128xi32, #tpu.memory_space<vmem>> -> memref<4x128xi32, #tpu.memory_space<vmem>>
        %dma_wait3A_124 = arith.constant 0 : i32
        %dma_wait3A_125 = arith.constant 0 : i32
        %dma_wait3A_126 = tpu.memref_slice %arg3[%dma_wait3A_124, %dma_wait3A_125] : memref<2560x128xi32, #tpu.memory_space<hbm>> -> memref<4x128xi32, #tpu.memory_space<hbm>>
        %dma_wait3A_127 = arith.constant 0 : i32
        %dma_wait3A_128 = arith.constant 0 : i32
        %dma_wait3A_129 = tpu.memref_slice %arg6[%dma_wait3A, %dma_wait3A_127, %dma_wait3A_128] : memref<2x4x128xi32, #tpu.memory_space<vmem>> -> memref<1x4x128xi32, #tpu.memory_space<vmem>>
        %dma_wait3A_130 = tpu.memref_squeeze %dma_wait3A_129 : memref<1x4x128xi32, #tpu.memory_space<vmem>> -> memref<4x128xi32, #tpu.memory_space<vmem>>
        %dma_wait3A_131 = arith.constant 0 : i32
        %dma_wait3A_132 = arith.constant 0 : i32
        %dma_wait3A_133 = tpu.memref_slice %arg3[%dma_wait3A_131, %dma_wait3A_132] : memref<2560x128xi32, #tpu.memory_space<hbm>> -> memref<4x128xi32, #tpu.memory_space<hbm>>
        tpu.wait_dma2 semaphore(%arg12 : memref<!tpu.dma_semaphore, #tpu.memory_space<semaphore_mem>>) src(%dma_wait3A_133 : memref<4x128xi32, #tpu.memory_space<hbm>>) dst(%dma_wait3A_130 : memref<4x128xi32, #tpu.memory_space<vmem>>)
        %dma_wait3A_134 = arith.constant 1 : i32
        %dma_wait3A_135 = arith.constant 0 : i32
        %dma_wait3A_136 = arith.constant 0 : i32
        %dma_wait3A_137 = tpu.memref_slice %arg7[%dma_wait3A_134, %dma_wait3A_135, %dma_wait3A_136] : memref<2x4x128xi32, #tpu.memory_space<vmem>> -> memref<1x4x128xi32, #tpu.memory_space<vmem>>
        %dma_wait3A_138 = tpu.memref_squeeze %dma_wait3A_137 : memref<1x4x128xi32, #tpu.memory_space<vmem>> -> memref<4x128xi32, #tpu.memory_space<vmem>>
        %dma_wait3A_139 = arith.constant 0 : i32
        %dma_wait3A_140 = arith.constant 0 : i32
        %dma_wait3A_141 = tpu.memref_slice %arg4[%dma_wait3A_139, %dma_wait3A_140] : memref<2560x128xi32, #tpu.memory_space<hbm>> -> memref<4x128xi32, #tpu.memory_space<hbm>>
        %dma_wait3A_142 = arith.constant 0 : i32
        %dma_wait3A_143 = arith.constant 0 : i32
        %dma_wait3A_144 = tpu.memref_slice %arg7[%dma_wait3A_134, %dma_wait3A_142, %dma_wait3A_143] : memref<2x4x128xi32, #tpu.memory_space<vmem>> -> memref<1x4x128xi32, #tpu.memory_space<vmem>>
        %dma_wait3A_145 = tpu.memref_squeeze %dma_wait3A_144 : memref<1x4x128xi32, #tpu.memory_space<vmem>> -> memref<4x128xi32, #tpu.memory_space<vmem>>
        %dma_wait3A_146 = arith.constant 0 : i32
        %dma_wait3A_147 = arith.constant 0 : i32
        %dma_wait3A_148 = tpu.memref_slice %arg4[%dma_wait3A_146, %dma_wait3A_147] : memref<2560x128xi32, #tpu.memory_space<hbm>> -> memref<4x128xi32, #tpu.memory_space<hbm>>
        tpu.wait_dma2 semaphore(%arg12 : memref<!tpu.dma_semaphore, #tpu.memory_space<semaphore_mem>>) src(%dma_wait3A_148 : memref<4x128xi32, #tpu.memory_space<hbm>>) dst(%dma_wait3A_145 : memref<4x128xi32, #tpu.memory_space<vmem>>)
        %dma_start3A = arith.constant 1 : i32
        %dma_start3A_149 = arith.constant 0 : i32
        %dma_start3A_150 = arith.constant 1 : i32
        %dma_start3A_151 = arith.constant 0 : i32
        %dma_start3A_152 = arith.constant 0 : i32
        %dma_start3A_153 = arith.constant 0 : i32
        %dma_start3A_154 = tpu.memref_slice %arg8[%dma_start3A_150, %dma_start3A_151, %dma_start3A_152, %dma_start3A_153] : memref<2x4x128x64xf32, #tpu.memory_space<vmem>> -> memref<1x1x128x64xf32, #tpu.memory_space<vmem>>
        %dma_start3A_155 = tpu.memref_squeeze %dma_start3A_154 : memref<1x1x128x64xf32, #tpu.memory_space<vmem>> -> memref<128x64xf32, #tpu.memory_space<vmem>>
        %dma_start3A_156 = arith.constant 0 : i32
        %dma_start3A_157 = tpu.memref_slice %arg6[%dma_start3A, %dma_start3A_149, %dma_start3A_156] : memref<2x4x128xi32, #tpu.memory_space<vmem>> -> memref<1x1x128xi32, #tpu.memory_space<vmem>>
        %dma_start3A_158 = tpu.memref_squeeze %dma_start3A_157 : memref<1x1x128xi32, #tpu.memory_space<vmem>> -> memref<128xi32, #tpu.memory_space<vmem>>
        %dma_start3A_159 = arith.constant 0 : i32
        %dma_start3A_160 = arith.constant 0 : i32
        %dma_start3A_161 = tpu.memref_slice %arg2[%dma_start3A_159, %dma_start3A_160] : memref<10000x64xf32, #tpu.memory_space<hbm>> -> memref<10000x64xf32, #tpu.memory_space<hbm>>
        tpu.enqueue_indirect_dma source(%dma_start3A_161 : memref<10000x64xf32, #tpu.memory_space<hbm>>) target(%dma_start3A_155 : memref<128x64xf32, #tpu.memory_space<vmem>>) offsets(%dma_start3A_158 : memref<128xi32, #tpu.memory_space<vmem>>) semaphore(%arg17 : memref<!tpu.dma_semaphore, #tpu.memory_space<semaphore_mem>>)
        %dma_start3A_162 = arith.constant 1 : i32
        %dma_start3A_163 = arith.constant 1 : i32
        %dma_start3A_164 = arith.constant 1 : i32
        %dma_start3A_165 = arith.constant 1 : i32
        %dma_start3A_166 = arith.constant 0 : i32
        %dma_start3A_167 = arith.constant 0 : i32
        %dma_start3A_168 = tpu.memref_slice %arg8[%dma_start3A_164, %dma_start3A_165, %dma_start3A_166, %dma_start3A_167] : memref<2x4x128x64xf32, #tpu.memory_space<vmem>> -> memref<1x1x128x64xf32, #tpu.memory_space<vmem>>
        %dma_start3A_169 = tpu.memref_squeeze %dma_start3A_168 : memref<1x1x128x64xf32, #tpu.memory_space<vmem>> -> memref<128x64xf32, #tpu.memory_space<vmem>>
        %dma_start3A_170 = arith.constant 0 : i32
        %dma_start3A_171 = tpu.memref_slice %arg6[%dma_start3A_162, %dma_start3A_163, %dma_start3A_170] : memref<2x4x128xi32, #tpu.memory_space<vmem>> -> memref<1x1x128xi32, #tpu.memory_space<vmem>>
        %dma_start3A_172 = tpu.memref_squeeze %dma_start3A_171 : memref<1x1x128xi32, #tpu.memory_space<vmem>> -> memref<128xi32, #tpu.memory_space<vmem>>
        %dma_start3A_173 = arith.constant 0 : i32
        %dma_start3A_174 = arith.constant 0 : i32
        %dma_start3A_175 = tpu.memref_slice %arg2[%dma_start3A_173, %dma_start3A_174] : memref<10000x64xf32, #tpu.memory_space<hbm>> -> memref<10000x64xf32, #tpu.memory_space<hbm>>
        tpu.enqueue_indirect_dma source(%dma_start3A_175 : memref<10000x64xf32, #tpu.memory_space<hbm>>) target(%dma_start3A_169 : memref<128x64xf32, #tpu.memory_space<vmem>>) offsets(%dma_start3A_172 : memref<128xi32, #tpu.memory_space<vmem>>) semaphore(%arg18 : memref<!tpu.dma_semaphore, #tpu.memory_space<semaphore_mem>>)
        %dma_start3A_176 = arith.constant 1 : i32
        %dma_start3A_177 = arith.constant 2 : i32
        %dma_start3A_178 = arith.constant 1 : i32
        %dma_start3A_179 = arith.constant 2 : i32
        %dma_start3A_180 = arith.constant 0 : i32
        %dma_start3A_181 = arith.constant 0 : i32
        %dma_start3A_182 = tpu.memref_slice %arg8[%dma_start3A_178, %dma_start3A_179, %dma_start3A_180, %dma_start3A_181] : memref<2x4x128x64xf32, #tpu.memory_space<vmem>> -> memref<1x1x128x64xf32, #tpu.memory_space<vmem>>
        %dma_start3A_183 = tpu.memref_squeeze %dma_start3A_182 : memref<1x1x128x64xf32, #tpu.memory_space<vmem>> -> memref<128x64xf32, #tpu.memory_space<vmem>>
        %dma_start3A_184 = arith.constant 0 : i32
        %dma_start3A_185 = tpu.memref_slice %arg6[%dma_start3A_176, %dma_start3A_177, %dma_start3A_184] : memref<2x4x128xi32, #tpu.memory_space<vmem>> -> memref<1x1x128xi32, #tpu.memory_space<vmem>>
        %dma_start3A_186 = tpu.memref_squeeze %dma_start3A_185 : memref<1x1x128xi32, #tpu.memory_space<vmem>> -> memref<128xi32, #tpu.memory_space<vmem>>
        %dma_start3A_187 = arith.constant 0 : i32
        %dma_start3A_188 = arith.constant 0 : i32
        %dma_start3A_189 = tpu.memref_slice %arg2[%dma_start3A_187, %dma_start3A_188] : memref<10000x64xf32, #tpu.memory_space<hbm>> -> memref<10000x64xf32, #tpu.memory_space<hbm>>
        tpu.enqueue_indirect_dma source(%dma_start3A_189 : memref<10000x64xf32, #tpu.memory_space<hbm>>) target(%dma_start3A_183 : memref<128x64xf32, #tpu.memory_space<vmem>>) offsets(%dma_start3A_186 : memref<128xi32, #tpu.memory_space<vmem>>) semaphore(%arg19 : memref<!tpu.dma_semaphore, #tpu.memory_space<semaphore_mem>>)
        %dma_start3A_190 = arith.constant 1 : i32
        %dma_start3A_191 = arith.constant 3 : i32
        %dma_start3A_192 = arith.constant 1 : i32
        %dma_start3A_193 = arith.constant 3 : i32
        %dma_start3A_194 = arith.constant 0 : i32
        %dma_start3A_195 = arith.constant 0 : i32
        %dma_start3A_196 = tpu.memref_slice %arg8[%dma_start3A_192, %dma_start3A_193, %dma_start3A_194, %dma_start3A_195] : memref<2x4x128x64xf32, #tpu.memory_space<vmem>> -> memref<1x1x128x64xf32, #tpu.memory_space<vmem>>
        %dma_start3A_197 = tpu.memref_squeeze %dma_start3A_196 : memref<1x1x128x64xf32, #tpu.memory_space<vmem>> -> memref<128x64xf32, #tpu.memory_space<vmem>>
        %dma_start3A_198 = arith.constant 0 : i32
        %dma_start3A_199 = tpu.memref_slice %arg6[%dma_start3A_190, %dma_start3A_191, %dma_start3A_198] : memref<2x4x128xi32, #tpu.memory_space<vmem>> -> memref<1x1x128xi32, #tpu.memory_space<vmem>>
        %dma_start3A_200 = tpu.memref_squeeze %dma_start3A_199 : memref<1x1x128xi32, #tpu.memory_space<vmem>> -> memref<128xi32, #tpu.memory_space<vmem>>
        %dma_start3A_201 = arith.constant 0 : i32
        %dma_start3A_202 = arith.constant 0 : i32
        %dma_start3A_203 = tpu.memref_slice %arg2[%dma_start3A_201, %dma_start3A_202] : memref<10000x64xf32, #tpu.memory_space<hbm>> -> memref<10000x64xf32, #tpu.memory_space<hbm>>
        tpu.enqueue_indirect_dma source(%dma_start3A_203 : memref<10000x64xf32, #tpu.memory_space<hbm>>) target(%dma_start3A_197 : memref<128x64xf32, #tpu.memory_space<vmem>>) offsets(%dma_start3A_200 : memref<128xi32, #tpu.memory_space<vmem>>) semaphore(%arg20 : memref<!tpu.dma_semaphore, #tpu.memory_space<semaphore_mem>>)
        %dma_wait3A_204 = arith.constant 1 : i32
        %dma_wait3A_205 = arith.constant 0 : i32
        %dma_wait3A_206 = arith.constant 1 : i32
        %dma_wait3A_207 = arith.constant 0 : i32
        %dma_wait3A_208 = arith.constant 0 : i32
        %dma_wait3A_209 = arith.constant 0 : i32
        %dma_wait3A_210 = tpu.memref_slice %arg8[%dma_wait3A_206, %dma_wait3A_207, %dma_wait3A_208, %dma_wait3A_209] : memref<2x4x128x64xf32, #tpu.memory_space<vmem>> -> memref<1x1x128x64xf32, #tpu.memory_space<vmem>>
        %dma_wait3A_211 = tpu.memref_squeeze %dma_wait3A_210 : memref<1x1x128x64xf32, #tpu.memory_space<vmem>> -> memref<128x64xf32, #tpu.memory_space<vmem>>
        %dma_wait3A_212 = arith.constant 0 : i32
        %dma_wait3A_213 = tpu.memref_slice %arg6[%dma_wait3A_204, %dma_wait3A_205, %dma_wait3A_212] : memref<2x4x128xi32, #tpu.memory_space<vmem>> -> memref<1x1x128xi32, #tpu.memory_space<vmem>>
        %dma_wait3A_214 = tpu.memref_squeeze %dma_wait3A_213 : memref<1x1x128xi32, #tpu.memory_space<vmem>> -> memref<128xi32, #tpu.memory_space<vmem>>
        %dma_wait3A_215 = arith.constant 0 : i32
        %dma_wait3A_216 = arith.constant 0 : i32
        %dma_wait3A_217 = tpu.memref_slice %arg2[%dma_wait3A_215, %dma_wait3A_216] : memref<10000x64xf32, #tpu.memory_space<hbm>> -> memref<10000x64xf32, #tpu.memory_space<hbm>>
        tpu.wait_indirect_dma semaphore(%arg17 : memref<!tpu.dma_semaphore, #tpu.memory_space<semaphore_mem>>) src(%dma_wait3A_217 : memref<10000x64xf32, #tpu.memory_space<hbm>>) dst(%dma_wait3A_211 : memref<128x64xf32, #tpu.memory_space<vmem>>)
        %dma_start3A_218 = arith.constant 1 : i32
        %dma_start3A_219 = arith.constant 0 : i32
        %dma_start3A_220 = arith.constant 1 : i32
        %dma_start3A_221 = arith.constant 0 : i32
        %dma_start3A_222 = arith.constant 0 : i32
        %dma_start3A_223 = arith.constant 0 : i32
        %dma_start3A_224 = tpu.memref_slice %arg8[%dma_start3A_218, %dma_start3A_219, %dma_start3A_222, %dma_start3A_223] : memref<2x4x128x64xf32, #tpu.memory_space<vmem>> -> memref<1x1x128x64xf32, #tpu.memory_space<vmem>>
        %dma_start3A_225 = tpu.memref_squeeze %dma_start3A_224 : memref<1x1x128x64xf32, #tpu.memory_space<vmem>> -> memref<128x64xf32, #tpu.memory_space<vmem>>
        %dma_start3A_226 = arith.constant 0 : i32
        %dma_start3A_227 = tpu.memref_slice %arg7[%dma_start3A_220, %dma_start3A_221, %dma_start3A_226] : memref<2x4x128xi32, #tpu.memory_space<vmem>> -> memref<1x1x128xi32, #tpu.memory_space<vmem>>
        %dma_start3A_228 = tpu.memref_squeeze %dma_start3A_227 : memref<1x1x128xi32, #tpu.memory_space<vmem>> -> memref<128xi32, #tpu.memory_space<vmem>>
        %dma_start3A_229 = arith.constant 0 : i32
        %dma_start3A_230 = arith.constant 0 : i32
        %dma_start3A_231 = tpu.memref_slice %arg9[%dma_start3A_229, %dma_start3A_230] : memref<10016x64xf32, #tpu.memory_space<vmem_shared>> -> memref<10016x64xf32, #tpu.memory_space<vmem_shared>>
        tpu.enqueue_indirect_dma source(%dma_start3A_225 : memref<128x64xf32, #tpu.memory_space<vmem>>) target(%dma_start3A_231 : memref<10016x64xf32, #tpu.memory_space<vmem_shared>>) offsets(%dma_start3A_228 : memref<128xi32, #tpu.memory_space<vmem>>) semaphore(%arg25 : memref<!tpu.dma_semaphore, #tpu.memory_space<semaphore_mem>>) {add = true}
        %dma_wait3A_232 = arith.constant 1 : i32
        %dma_wait3A_233 = arith.constant 1 : i32
        %dma_wait3A_234 = arith.constant 1 : i32
        %dma_wait3A_235 = arith.constant 1 : i32
        %dma_wait3A_236 = arith.constant 0 : i32
        %dma_wait3A_237 = arith.constant 0 : i32
        %dma_wait3A_238 = tpu.memref_slice %arg8[%dma_wait3A_234, %dma_wait3A_235, %dma_wait3A_236, %dma_wait3A_237] : memref<2x4x128x64xf32, #tpu.memory_space<vmem>> -> memref<1x1x128x64xf32, #tpu.memory_space<vmem>>
        %dma_wait3A_239 = tpu.memref_squeeze %dma_wait3A_238 : memref<1x1x128x64xf32, #tpu.memory_space<vmem>> -> memref<128x64xf32, #tpu.memory_space<vmem>>
        %dma_wait3A_240 = arith.constant 0 : i32
        %dma_wait3A_241 = tpu.memref_slice %arg6[%dma_wait3A_232, %dma_wait3A_233, %dma_wait3A_240] : memref<2x4x128xi32, #tpu.memory_space<vmem>> -> memref<1x1x128xi32, #tpu.memory_space<vmem>>
        %dma_wait3A_242 = tpu.memref_squeeze %dma_wait3A_241 : memref<1x1x128xi32, #tpu.memory_space<vmem>> -> memref<128xi32, #tpu.memory_space<vmem>>
        %dma_wait3A_243 = arith.constant 0 : i32
        %dma_wait3A_244 = arith.constant 0 : i32
        %dma_wait3A_245 = tpu.memref_slice %arg2[%dma_wait3A_243, %dma_wait3A_244] : memref<10000x64xf32, #tpu.memory_space<hbm>> -> memref<10000x64xf32, #tpu.memory_space<hbm>>
        tpu.wait_indirect_dma semaphore(%arg18 : memref<!tpu.dma_semaphore, #tpu.memory_space<semaphore_mem>>) src(%dma_wait3A_245 : memref<10000x64xf32, #tpu.memory_space<hbm>>) dst(%dma_wait3A_239 : memref<128x64xf32, #tpu.memory_space<vmem>>)
        %dma_start3A_246 = arith.constant 1 : i32
        %dma_start3A_247 = arith.constant 1 : i32
        %dma_start3A_248 = arith.constant 1 : i32
        %dma_start3A_249 = arith.constant 1 : i32
        %dma_start3A_250 = arith.constant 0 : i32
        %dma_start3A_251 = arith.constant 0 : i32
        %dma_start3A_252 = tpu.memref_slice %arg8[%dma_start3A_246, %dma_start3A_247, %dma_start3A_250, %dma_start3A_251] : memref<2x4x128x64xf32, #tpu.memory_space<vmem>> -> memref<1x1x128x64xf32, #tpu.memory_space<vmem>>
        %dma_start3A_253 = tpu.memref_squeeze %dma_start3A_252 : memref<1x1x128x64xf32, #tpu.memory_space<vmem>> -> memref<128x64xf32, #tpu.memory_space<vmem>>
        %dma_start3A_254 = arith.constant 0 : i32
        %dma_start3A_255 = tpu.memref_slice %arg7[%dma_start3A_248, %dma_start3A_249, %dma_start3A_254] : memref<2x4x128xi32, #tpu.memory_space<vmem>> -> memref<1x1x128xi32, #tpu.memory_space<vmem>>
        %dma_start3A_256 = tpu.memref_squeeze %dma_start3A_255 : memref<1x1x128xi32, #tpu.memory_space<vmem>> -> memref<128xi32, #tpu.memory_space<vmem>>
        %dma_start3A_257 = arith.constant 0 : i32
        %dma_start3A_258 = arith.constant 0 : i32
        %dma_start3A_259 = tpu.memref_slice %arg9[%dma_start3A_257, %dma_start3A_258] : memref<10016x64xf32, #tpu.memory_space<vmem_shared>> -> memref<10016x64xf32, #tpu.memory_space<vmem_shared>>
        tpu.enqueue_indirect_dma source(%dma_start3A_253 : memref<128x64xf32, #tpu.memory_space<vmem>>) target(%dma_start3A_259 : memref<10016x64xf32, #tpu.memory_space<vmem_shared>>) offsets(%dma_start3A_256 : memref<128xi32, #tpu.memory_space<vmem>>) semaphore(%arg26 : memref<!tpu.dma_semaphore, #tpu.memory_space<semaphore_mem>>) {add = true}
        %dma_wait3A_260 = arith.constant 1 : i32
        %dma_wait3A_261 = arith.constant 2 : i32
        %dma_wait3A_262 = arith.constant 1 : i32
        %dma_wait3A_263 = arith.constant 2 : i32
        %dma_wait3A_264 = arith.constant 0 : i32
        %dma_wait3A_265 = arith.constant 0 : i32
        %dma_wait3A_266 = tpu.memref_slice %arg8[%dma_wait3A_262, %dma_wait3A_263, %dma_wait3A_264, %dma_wait3A_265] : memref<2x4x128x64xf32, #tpu.memory_space<vmem>> -> memref<1x1x128x64xf32, #tpu.memory_space<vmem>>
        %dma_wait3A_267 = tpu.memref_squeeze %dma_wait3A_266 : memref<1x1x128x64xf32, #tpu.memory_space<vmem>> -> memref<128x64xf32, #tpu.memory_space<vmem>>
        %dma_wait3A_268 = arith.constant 0 : i32
        %dma_wait3A_269 = tpu.memref_slice %arg6[%dma_wait3A_260, %dma_wait3A_261, %dma_wait3A_268] : memref<2x4x128xi32, #tpu.memory_space<vmem>> -> memref<1x1x128xi32, #tpu.memory_space<vmem>>
        %dma_wait3A_270 = tpu.memref_squeeze %dma_wait3A_269 : memref<1x1x128xi32, #tpu.memory_space<vmem>> -> memref<128xi32, #tpu.memory_space<vmem>>
        %dma_wait3A_271 = arith.constant 0 : i32
        %dma_wait3A_272 = arith.constant 0 : i32
        %dma_wait3A_273 = tpu.memref_slice %arg2[%dma_wait3A_271, %dma_wait3A_272] : memref<10000x64xf32, #tpu.memory_space<hbm>> -> memref<10000x64xf32, #tpu.memory_space<hbm>>
        tpu.wait_indirect_dma semaphore(%arg19 : memref<!tpu.dma_semaphore, #tpu.memory_space<semaphore_mem>>) src(%dma_wait3A_273 : memref<10000x64xf32, #tpu.memory_space<hbm>>) dst(%dma_wait3A_267 : memref<128x64xf32, #tpu.memory_space<vmem>>)
        %dma_start3A_274 = arith.constant 1 : i32
        %dma_start3A_275 = arith.constant 2 : i32
        %dma_start3A_276 = arith.constant 1 : i32
        %dma_start3A_277 = arith.constant 2 : i32
        %dma_start3A_278 = arith.constant 0 : i32
        %dma_start3A_279 = arith.constant 0 : i32
        %dma_start3A_280 = tpu.memref_slice %arg8[%dma_start3A_274, %dma_start3A_275, %dma_start3A_278, %dma_start3A_279] : memref<2x4x128x64xf32, #tpu.memory_space<vmem>> -> memref<1x1x128x64xf32, #tpu.memory_space<vmem>>
        %dma_start3A_281 = tpu.memref_squeeze %dma_start3A_280 : memref<1x1x128x64xf32, #tpu.memory_space<vmem>> -> memref<128x64xf32, #tpu.memory_space<vmem>>
        %dma_start3A_282 = arith.constant 0 : i32
        %dma_start3A_283 = tpu.memref_slice %arg7[%dma_start3A_276, %dma_start3A_277, %dma_start3A_282] : memref<2x4x128xi32, #tpu.memory_space<vmem>> -> memref<1x1x128xi32, #tpu.memory_space<vmem>>
        %dma_start3A_284 = tpu.memref_squeeze %dma_start3A_283 : memref<1x1x128xi32, #tpu.memory_space<vmem>> -> memref<128xi32, #tpu.memory_space<vmem>>
        %dma_start3A_285 = arith.constant 0 : i32
        %dma_start3A_286 = arith.constant 0 : i32
        %dma_start3A_287 = tpu.memref_slice %arg9[%dma_start3A_285, %dma_start3A_286] : memref<10016x64xf32, #tpu.memory_space<vmem_shared>> -> memref<10016x64xf32, #tpu.memory_space<vmem_shared>>
        tpu.enqueue_indirect_dma source(%dma_start3A_281 : memref<128x64xf32, #tpu.memory_space<vmem>>) target(%dma_start3A_287 : memref<10016x64xf32, #tpu.memory_space<vmem_shared>>) offsets(%dma_start3A_284 : memref<128xi32, #tpu.memory_space<vmem>>) semaphore(%arg27 : memref<!tpu.dma_semaphore, #tpu.memory_space<semaphore_mem>>) {add = true}
        %dma_wait3A_288 = arith.constant 1 : i32
        %dma_wait3A_289 = arith.constant 3 : i32
        %dma_wait3A_290 = arith.constant 1 : i32
        %dma_wait3A_291 = arith.constant 3 : i32
        %dma_wait3A_292 = arith.constant 0 : i32
        %dma_wait3A_293 = arith.constant 0 : i32
        %dma_wait3A_294 = tpu.memref_slice %arg8[%dma_wait3A_290, %dma_wait3A_291, %dma_wait3A_292, %dma_wait3A_293] : memref<2x4x128x64xf32, #tpu.memory_space<vmem>> -> memref<1x1x128x64xf32, #tpu.memory_space<vmem>>
        %dma_wait3A_295 = tpu.memref_squeeze %dma_wait3A_294 : memref<1x1x128x64xf32, #tpu.memory_space<vmem>> -> memref<128x64xf32, #tpu.memory_space<vmem>>
        %dma_wait3A_296 = arith.constant 0 : i32
        %dma_wait3A_297 = tpu.memref_slice %arg6[%dma_wait3A_288, %dma_wait3A_289, %dma_wait3A_296] : memref<2x4x128xi32, #tpu.memory_space<vmem>> -> memref<1x1x128xi32, #tpu.memory_space<vmem>>
        %dma_wait3A_298 = tpu.memref_squeeze %dma_wait3A_297 : memref<1x1x128xi32, #tpu.memory_space<vmem>> -> memref<128xi32, #tpu.memory_space<vmem>>
        %dma_wait3A_299 = arith.constant 0 : i32
        %dma_wait3A_300 = arith.constant 0 : i32
        %dma_wait3A_301 = tpu.memref_slice %arg2[%dma_wait3A_299, %dma_wait3A_300] : memref<10000x64xf32, #tpu.memory_space<hbm>> -> memref<10000x64xf32, #tpu.memory_space<hbm>>
        tpu.wait_indirect_dma semaphore(%arg20 : memref<!tpu.dma_semaphore, #tpu.memory_space<semaphore_mem>>) src(%dma_wait3A_301 : memref<10000x64xf32, #tpu.memory_space<hbm>>) dst(%dma_wait3A_295 : memref<128x64xf32, #tpu.memory_space<vmem>>)
        %dma_start3A_302 = arith.constant 1 : i32
        %dma_start3A_303 = arith.constant 3 : i32
        %dma_start3A_304 = arith.constant 1 : i32
        %dma_start3A_305 = arith.constant 3 : i32
        %dma_start3A_306 = arith.constant 0 : i32
        %dma_start3A_307 = arith.constant 0 : i32
        %dma_start3A_308 = tpu.memref_slice %arg8[%dma_start3A_302, %dma_start3A_303, %dma_start3A_306, %dma_start3A_307] : memref<2x4x128x64xf32, #tpu.memory_space<vmem>> -> memref<1x1x128x64xf32, #tpu.memory_space<vmem>>
        %dma_start3A_309 = tpu.memref_squeeze %dma_start3A_308 : memref<1x1x128x64xf32, #tpu.memory_space<vmem>> -> memref<128x64xf32, #tpu.memory_space<vmem>>
        %dma_start3A_310 = arith.constant 0 : i32
        %dma_start3A_311 = tpu.memref_slice %arg7[%dma_start3A_304, %dma_start3A_305, %dma_start3A_310] : memref<2x4x128xi32, #tpu.memory_space<vmem>> -> memref<1x1x128xi32, #tpu.memory_space<vmem>>
        %dma_start3A_312 = tpu.memref_squeeze %dma_start3A_311 : memref<1x1x128xi32, #tpu.memory_space<vmem>> -> memref<128xi32, #tpu.memory_space<vmem>>
        %dma_start3A_313 = arith.constant 0 : i32
        %dma_start3A_314 = arith.constant 0 : i32
        %dma_start3A_315 = tpu.memref_slice %arg9[%dma_start3A_313, %dma_start3A_314] : memref<10016x64xf32, #tpu.memory_space<vmem_shared>> -> memref<10016x64xf32, #tpu.memory_space<vmem_shared>>
        tpu.enqueue_indirect_dma source(%dma_start3A_309 : memref<128x64xf32, #tpu.memory_space<vmem>>) target(%dma_start3A_315 : memref<10016x64xf32, #tpu.memory_space<vmem_shared>>) offsets(%dma_start3A_312 : memref<128xi32, #tpu.memory_space<vmem>>) semaphore(%arg28 : memref<!tpu.dma_semaphore, #tpu.memory_space<semaphore_mem>>) {add = true}
        %dma_wait3A_316 = arith.constant 1 : i32
        %dma_wait3A_317 = arith.constant 0 : i32
        %dma_wait3A_318 = arith.constant 1 : i32
        %dma_wait3A_319 = arith.constant 0 : i32
        %dma_wait3A_320 = arith.constant 0 : i32
        %dma_wait3A_321 = arith.constant 0 : i32
        %dma_wait3A_322 = tpu.memref_slice %arg8[%dma_wait3A_316, %dma_wait3A_317, %dma_wait3A_320, %dma_wait3A_321] : memref<2x4x128x64xf32, #tpu.memory_space<vmem>> -> memref<1x1x128x64xf32, #tpu.memory_space<vmem>>
        %dma_wait3A_323 = tpu.memref_squeeze %dma_wait3A_322 : memref<1x1x128x64xf32, #tpu.memory_space<vmem>> -> memref<128x64xf32, #tpu.memory_space<vmem>>
        %dma_wait3A_324 = arith.constant 0 : i32
        %dma_wait3A_325 = tpu.memref_slice %arg7[%dma_wait3A_318, %dma_wait3A_319, %dma_wait3A_324] : memref<2x4x128xi32, #tpu.memory_space<vmem>> -> memref<1x1x128xi32, #tpu.memory_space<vmem>>
        %dma_wait3A_326 = tpu.memref_squeeze %dma_wait3A_325 : memref<1x1x128xi32, #tpu.memory_space<vmem>> -> memref<128xi32, #tpu.memory_space<vmem>>
        %dma_wait3A_327 = arith.constant 0 : i32
        %dma_wait3A_328 = arith.constant 0 : i32
        %dma_wait3A_329 = tpu.memref_slice %arg9[%dma_wait3A_327, %dma_wait3A_328] : memref<10016x64xf32, #tpu.memory_space<vmem_shared>> -> memref<10016x64xf32, #tpu.memory_space<vmem_shared>>
        tpu.wait_indirect_dma semaphore(%arg25 : memref<!tpu.dma_semaphore, #tpu.memory_space<semaphore_mem>>) src(%dma_wait3A_323 : memref<128x64xf32, #tpu.memory_space<vmem>>) dst(%dma_wait3A_329 : memref<10016x64xf32, #tpu.memory_space<vmem_shared>>)
        %dma_wait3A_330 = arith.constant 1 : i32
        %dma_wait3A_331 = arith.constant 1 : i32
        %dma_wait3A_332 = arith.constant 1 : i32
        %dma_wait3A_333 = arith.constant 1 : i32
        %dma_wait3A_334 = arith.constant 0 : i32
        %dma_wait3A_335 = arith.constant 0 : i32
        %dma_wait3A_336 = tpu.memref_slice %arg8[%dma_wait3A_330, %dma_wait3A_331, %dma_wait3A_334, %dma_wait3A_335] : memref<2x4x128x64xf32, #tpu.memory_space<vmem>> -> memref<1x1x128x64xf32, #tpu.memory_space<vmem>>
        %dma_wait3A_337 = tpu.memref_squeeze %dma_wait3A_336 : memref<1x1x128x64xf32, #tpu.memory_space<vmem>> -> memref<128x64xf32, #tpu.memory_space<vmem>>
        %dma_wait3A_338 = arith.constant 0 : i32
        %dma_wait3A_339 = tpu.memref_slice %arg7[%dma_wait3A_332, %dma_wait3A_333, %dma_wait3A_338] : memref<2x4x128xi32, #tpu.memory_space<vmem>> -> memref<1x1x128xi32, #tpu.memory_space<vmem>>
        %dma_wait3A_340 = tpu.memref_squeeze %dma_wait3A_339 : memref<1x1x128xi32, #tpu.memory_space<vmem>> -> memref<128xi32, #tpu.memory_space<vmem>>
        %dma_wait3A_341 = arith.constant 0 : i32
        %dma_wait3A_342 = arith.constant 0 : i32
        %dma_wait3A_343 = tpu.memref_slice %arg9[%dma_wait3A_341, %dma_wait3A_342] : memref<10016x64xf32, #tpu.memory_space<vmem_shared>> -> memref<10016x64xf32, #tpu.memory_space<vmem_shared>>
        tpu.wait_indirect_dma semaphore(%arg26 : memref<!tpu.dma_semaphore, #tpu.memory_space<semaphore_mem>>) src(%dma_wait3A_337 : memref<128x64xf32, #tpu.memory_space<vmem>>) dst(%dma_wait3A_343 : memref<10016x64xf32, #tpu.memory_space<vmem_shared>>)
        %dma_wait3A_344 = arith.constant 1 : i32
        %dma_wait3A_345 = arith.constant 2 : i32
        %dma_wait3A_346 = arith.constant 1 : i32
        %dma_wait3A_347 = arith.constant 2 : i32
        %dma_wait3A_348 = arith.constant 0 : i32
        %dma_wait3A_349 = arith.constant 0 : i32
        %dma_wait3A_350 = tpu.memref_slice %arg8[%dma_wait3A_344, %dma_wait3A_345, %dma_wait3A_348, %dma_wait3A_349] : memref<2x4x128x64xf32, #tpu.memory_space<vmem>> -> memref<1x1x128x64xf32, #tpu.memory_space<vmem>>
        %dma_wait3A_351 = tpu.memref_squeeze %dma_wait3A_350 : memref<1x1x128x64xf32, #tpu.memory_space<vmem>> -> memref<128x64xf32, #tpu.memory_space<vmem>>
        %dma_wait3A_352 = arith.constant 0 : i32
        %dma_wait3A_353 = tpu.memref_slice %arg7[%dma_wait3A_346, %dma_wait3A_347, %dma_wait3A_352] : memref<2x4x128xi32, #tpu.memory_space<vmem>> -> memref<1x1x128xi32, #tpu.memory_space<vmem>>
        %dma_wait3A_354 = tpu.memref_squeeze %dma_wait3A_353 : memref<1x1x128xi32, #tpu.memory_space<vmem>> -> memref<128xi32, #tpu.memory_space<vmem>>
        %dma_wait3A_355 = arith.constant 0 : i32
        %dma_wait3A_356 = arith.constant 0 : i32
        %dma_wait3A_357 = tpu.memref_slice %arg9[%dma_wait3A_355, %dma_wait3A_356] : memref<10016x64xf32, #tpu.memory_space<vmem_shared>> -> memref<10016x64xf32, #tpu.memory_space<vmem_shared>>
        tpu.wait_indirect_dma semaphore(%arg27 : memref<!tpu.dma_semaphore, #tpu.memory_space<semaphore_mem>>) src(%dma_wait3A_351 : memref<128x64xf32, #tpu.memory_space<vmem>>) dst(%dma_wait3A_357 : memref<10016x64xf32, #tpu.memory_space<vmem_shared>>)
        %dma_wait3A_358 = arith.constant 1 : i32
        %dma_wait3A_359 = arith.constant 3 : i32
        %dma_wait3A_360 = arith.constant 1 : i32
        %dma_wait3A_361 = arith.constant 3 : i32
        %dma_wait3A_362 = arith.constant 0 : i32
        %dma_wait3A_363 = arith.constant 0 : i32
        %dma_wait3A_364 = tpu.memref_slice %arg8[%dma_wait3A_358, %dma_wait3A_359, %dma_wait3A_362, %dma_wait3A_363] : memref<2x4x128x64xf32, #tpu.memory_space<vmem>> -> memref<1x1x128x64xf32, #tpu.memory_space<vmem>>
        %dma_wait3A_365 = tpu.memref_squeeze %dma_wait3A_364 : memref<1x1x128x64xf32, #tpu.memory_space<vmem>> -> memref<128x64xf32, #tpu.memory_space<vmem>>
        %dma_wait3A_366 = arith.constant 0 : i32
        %dma_wait3A_367 = tpu.memref_slice %arg7[%dma_wait3A_360, %dma_wait3A_361, %dma_wait3A_366] : memref<2x4x128xi32, #tpu.memory_space<vmem>> -> memref<1x1x128xi32, #tpu.memory_space<vmem>>
        %dma_wait3A_368 = tpu.memref_squeeze %dma_wait3A_367 : memref<1x1x128xi32, #tpu.memory_space<vmem>> -> memref<128xi32, #tpu.memory_space<vmem>>
        %dma_wait3A_369 = arith.constant 0 : i32
        %dma_wait3A_370 = arith.constant 0 : i32
        %dma_wait3A_371 = tpu.memref_slice %arg9[%dma_wait3A_369, %dma_wait3A_370] : memref<10016x64xf32, #tpu.memory_space<vmem_shared>> -> memref<10016x64xf32, #tpu.memory_space<vmem_shared>>
        tpu.wait_indirect_dma semaphore(%arg28 : memref<!tpu.dma_semaphore, #tpu.memory_space<semaphore_mem>>) src(%dma_wait3A_365 : memref<128x64xf32, #tpu.memory_space<vmem>>) dst(%dma_wait3A_371 : memref<10016x64xf32, #tpu.memory_space<vmem_shared>>)
      } else {
      }
      %convert_element_type3A_111 = arith.extui %lt3A_107 : i1 to i32
      %cond3A_112 = arith.constant 0 : i32
      %cond3A_113 = arith.cmpi ne, %convert_element_type3A_111, %cond3A_112 : i32
      %cond3A_114 = scf.if %cond3A_113 -> (i32) {
        %sc_fetch_and_add3A_120 = arith.constant 1 : i32
        %sc_fetch_and_add3A_121 = arith.constant 0 : i32
        %sc_fetch_and_add3A_122 = arith.constant 0 : i32
        %sc_fetch_and_add3A_123 = tpu.fetch_and_add_sync %arg10[%sc_fetch_and_add3A_121], %sc_fetch_and_add3A_120, %sc_fetch_and_add3A_122 : memref<1xi32, #tpu.memory_space<smem>>, i32 -> i32
        scf.yield %sc_fetch_and_add3A_123 : i32
      } else {
        scf.yield %while3A_93 : i32
      }
      %lt3A_115 = arith.cmpi slt, %cond3A_114, %select_n3A : i32
      %and3A_116 = arith.andi %lt3A_107, %lt3A_115 : i1
      %convert_element_type3A_117 = arith.extui %and3A_116 : i1 to i32
      %cond3A_118 = arith.constant 0 : i32
      %cond3A_119 = arith.cmpi ne, %convert_element_type3A_117, %cond3A_118 : i32
      scf.if %cond3A_119 {
        %add3A_120 = arith.addi %select_n3A_6, %cond3A_114 : i32
        %mul3A_121 = arith.constant 4 : i32
        %mul3A_122 = arith.muli %add3A_120, %mul3A_121 : i32
        %dma_start3A = arith.constant 1 : i32
        %dma_start3A_123 = arith.constant 0 : i32
        %dma_start3A_124 = arith.constant 0 : i32
        %dma_start3A_125 = tpu.memref_slice %arg6[%dma_start3A, %dma_start3A_123, %dma_start3A_124] : memref<2x4x128xi32, #tpu.memory_space<vmem>> -> memref<1x4x128xi32, #tpu.memory_space<vmem>>
        %dma_start3A_126 = tpu.memref_squeeze %dma_start3A_125 : memref<1x4x128xi32, #tpu.memory_space<vmem>> -> memref<4x128xi32, #tpu.memory_space<vmem>>
        %dma_start3A_127 = arith.constant 0 : i32
        %dma_start3A_128 = tpu.memref_slice %arg3[%mul3A_122, %dma_start3A_127] : memref<2560x128xi32, #tpu.memory_space<hbm>> -> memref<4x128xi32, #tpu.memory_space<hbm>>
        %dma_start3A_129 = arith.constant 0 : i32
        %dma_start3A_130 = arith.constant 0 : i32
        %dma_start3A_131 = tpu.memref_slice %arg6[%dma_start3A, %dma_start3A_129, %dma_start3A_130] : memref<2x4x128xi32, #tpu.memory_space<vmem>> -> memref<1x4x128xi32, #tpu.memory_space<vmem>>
        %dma_start3A_132 = tpu.memref_squeeze %dma_start3A_131 : memref<1x4x128xi32, #tpu.memory_space<vmem>> -> memref<4x128xi32, #tpu.memory_space<vmem>>
        %dma_start3A_133 = arith.constant 0 : i32
        %dma_start3A_134 = tpu.memref_slice %arg3[%mul3A_122, %dma_start3A_133] : memref<2560x128xi32, #tpu.memory_space<hbm>> -> memref<4x128xi32, #tpu.memory_space<hbm>>
        tpu.enqueue_dma source(%dma_start3A_134 : memref<4x128xi32, #tpu.memory_space<hbm>>) target(%dma_start3A_132 : memref<4x128xi32, #tpu.memory_space<vmem>>) target_semaphore(%arg12 : memref<!tpu.dma_semaphore, #tpu.memory_space<semaphore_mem>>)
        %dma_start3A_135 = arith.constant 1 : i32
        %dma_start3A_136 = arith.constant 0 : i32
        %dma_start3A_137 = arith.constant 0 : i32
        %dma_start3A_138 = tpu.memref_slice %arg7[%dma_start3A_135, %dma_start3A_136, %dma_start3A_137] : memref<2x4x128xi32, #tpu.memory_space<vmem>> -> memref<1x4x128xi32, #tpu.memory_space<vmem>>
        %dma_start3A_139 = tpu.memref_squeeze %dma_start3A_138 : memref<1x4x128xi32, #tpu.memory_space<vmem>> -> memref<4x128xi32, #tpu.memory_space<vmem>>
        %dma_start3A_140 = arith.constant 0 : i32
        %dma_start3A_141 = tpu.memref_slice %arg4[%mul3A_122, %dma_start3A_140] : memref<2560x128xi32, #tpu.memory_space<hbm>> -> memref<4x128xi32, #tpu.memory_space<hbm>>
        %dma_start3A_142 = arith.constant 0 : i32
        %dma_start3A_143 = arith.constant 0 : i32
        %dma_start3A_144 = tpu.memref_slice %arg7[%dma_start3A_135, %dma_start3A_142, %dma_start3A_143] : memref<2x4x128xi32, #tpu.memory_space<vmem>> -> memref<1x4x128xi32, #tpu.memory_space<vmem>>
        %dma_start3A_145 = tpu.memref_squeeze %dma_start3A_144 : memref<1x4x128xi32, #tpu.memory_space<vmem>> -> memref<4x128xi32, #tpu.memory_space<vmem>>
        %dma_start3A_146 = arith.constant 0 : i32
        %dma_start3A_147 = tpu.memref_slice %arg4[%mul3A_122, %dma_start3A_146] : memref<2560x128xi32, #tpu.memory_space<hbm>> -> memref<4x128xi32, #tpu.memory_space<hbm>>
        tpu.enqueue_dma source(%dma_start3A_147 : memref<4x128xi32, #tpu.memory_space<hbm>>) target(%dma_start3A_145 : memref<4x128xi32, #tpu.memory_space<vmem>>) target_semaphore(%arg12 : memref<!tpu.dma_semaphore, #tpu.memory_space<semaphore_mem>>)
      } else {
      }
      scf.yield %cond3A_101, %cond3A_114 : i32, i32
    }
    "tpu.trace_stop"() : () -> ()
    "tpu.trace_start"() <{level = 10 : i32, message = "endbar"}> : () -> ()
    %barrier3A_86 = arith.constant 0 : index
    tpu.barrier barrier_id(%barrier3A_86)
    "tpu.trace_stop"() : () -> ()
    "tpu.trace_start"() <{level = 10 : i32, message = "copyout"}> : () -> ()
    %mul3A_87 = arith.constant 625 : i32
    %mul3A_88 = arith.muli %arg1, %mul3A_87 : i32
    %mul3A_89 = arith.constant 625 : i32
    %mul3A_90 = arith.muli %arg1, %mul3A_89 : i32
    "tpu.region"() ({
      %run_scoped3A_91 = tpu.sem_alloc : memref<!tpu.dma_semaphore, #tpu.memory_space<semaphore_mem>>
      %dma_start3A = arith.constant 0 : i32
      %dma_start3A_92 = tpu.memref_slice %arg5[%arg0, %mul3A_90, %dma_start3A] : memref<2x10000x64xf32, #tpu.memory_space<hbm>> -> memref<1x625x64xf32, #tpu.memory_space<hbm>>
      %dma_start3A_93 = tpu.memref_squeeze %dma_start3A_92 : memref<1x625x64xf32, #tpu.memory_space<hbm>> -> memref<625x64xf32, #tpu.memory_space<hbm>>
      %dma_start3A_94 = arith.constant 0 : i32
      %dma_start3A_95 = tpu.memref_slice %arg9[%mul3A_88, %dma_start3A_94] : memref<10016x64xf32, #tpu.memory_space<vmem_shared>> -> memref<625x64xf32, #tpu.memory_space<vmem_shared>>
      tpu.enqueue_dma source(%dma_start3A_95 : memref<625x64xf32, #tpu.memory_space<vmem_shared>>) target(%dma_start3A_93 : memref<625x64xf32, #tpu.memory_space<hbm>>) target_semaphore(%run_scoped3A_91 : memref<!tpu.dma_semaphore, #tpu.memory_space<semaphore_mem>>)
      %dma_wait3A = arith.constant 0 : i32
      %dma_wait3A_96 = tpu.memref_slice %arg5[%arg0, %mul3A_90, %dma_wait3A] : memref<2x10000x64xf32, #tpu.memory_space<hbm>> -> memref<1x625x64xf32, #tpu.memory_space<hbm>>
      %dma_wait3A_97 = tpu.memref_squeeze %dma_wait3A_96 : memref<1x625x64xf32, #tpu.memory_space<hbm>> -> memref<625x64xf32, #tpu.memory_space<hbm>>
      %dma_wait3A_98 = arith.constant 0 : i32
      %dma_wait3A_99 = tpu.memref_slice %arg9[%mul3A_88, %dma_wait3A_98] : memref<10016x64xf32, #tpu.memory_space<vmem_shared>> -> memref<625x64xf32, #tpu.memory_space<vmem_shared>>
      tpu.wait_dma2 semaphore(%run_scoped3A_91 : memref<!tpu.dma_semaphore, #tpu.memory_space<semaphore_mem>>) src(%dma_wait3A_99 : memref<625x64xf32, #tpu.memory_space<vmem_shared>>) dst(%dma_wait3A_97 : memref<625x64xf32, #tpu.memory_space<hbm>>)
      tpu.yield
    }) : () -> ()
    "tpu.trace_stop"() : () -> ()
    return
  }
}

#map = affine_map<(d0, d1) -> (0, 0)>
module attributes {stable_mosaic.version = 14 : i64} {
  func.func @degk(%arg0: i32, %arg1: i32, %arg2: memref<2560x128xi32, #tpu.memory_space<hbm>>, %arg3: memref<2x10000xf32, #tpu.memory_space<hbm>>, %arg4: memref<124x128xi32, #tpu.memory_space<vmem>>, %arg5: memref<128xf32, #tpu.memory_space<vmem>>, %arg6: memref<10016xf32, #tpu.memory_space<vmem>>, %arg7: memref<10016xf32, #tpu.memory_space<vmem_shared>>, %arg8: memref<!tpu.dma_semaphore, #tpu.memory_space<semaphore_mem>>, %arg9: memref<!tpu.dma_semaphore, #tpu.memory_space<semaphore_mem>>, %arg10: memref<!tpu.dma_semaphore, #tpu.memory_space<semaphore_mem>>, %arg11: memref<!tpu.dma_semaphore, #tpu.memory_space<semaphore_mem>>, %arg12: memref<!tpu.dma_semaphore, #tpu.memory_space<semaphore_mem>>) attributes {dimension_semantics = [#tpu.dimension_semantics<core_parallel>, #tpu.dimension_semantics<subcore_parallel>], iteration_bounds = array<i64: 2, 16>, scalar_prefetch = 0 : i64, scratch_operands = 9 : i64, tpu.core_type = #tpu.core_type<sc_vector_subcore>, window_params = [{transform_indices = #map}, {transform_indices = #map}]} {
    %eq3A = arith.constant 0 : i32
    %eq3A_0 = arith.cmpi eq, %arg0, %eq3A : i32
    %convert_element_type3A = arith.extui %eq3A_0 : i1 to i32
    %cond3A = arith.constant 0 : i32
    %cond3A_1 = arith.cmpi ne, %convert_element_type3A, %cond3A : i32
    scf.if %cond3A_1 {
      %mul3A_126 = arith.constant 124 : i32
      %mul3A_127 = arith.muli %arg1, %mul3A_126 : i32
      %dma_start3A = arith.constant 0 : i32
      %dma_start3A_128 = arith.constant 0 : i32
      %dma_start3A_129 = tpu.memref_slice %arg4[%dma_start3A, %dma_start3A_128] : memref<124x128xi32, #tpu.memory_space<vmem>> -> memref<124x128xi32, #tpu.memory_space<vmem>>
      %dma_start3A_130 = arith.constant 0 : i32
      %dma_start3A_131 = tpu.memref_slice %arg2[%mul3A_127, %dma_start3A_130] : memref<2560x128xi32, #tpu.memory_space<hbm>> -> memref<124x128xi32, #tpu.memory_space<hbm>>
      %dma_start3A_132 = arith.constant 0 : i32
      %dma_start3A_133 = arith.constant 0 : i32
      %dma_start3A_134 = tpu.memref_slice %arg4[%dma_start3A_132, %dma_start3A_133] : memref<124x128xi32, #tpu.memory_space<vmem>> -> memref<124x128xi32, #tpu.memory_space<vmem>>
      %dma_start3A_135 = arith.constant 0 : i32
      %dma_start3A_136 = tpu.memref_slice %arg2[%mul3A_127, %dma_start3A_135] : memref<2560x128xi32, #tpu.memory_space<hbm>> -> memref<124x128xi32, #tpu.memory_space<hbm>>
      tpu.enqueue_dma source(%dma_start3A_136 : memref<124x128xi32, #tpu.memory_space<hbm>>) target(%dma_start3A_134 : memref<124x128xi32, #tpu.memory_space<vmem>>) target_semaphore(%arg8 : memref<!tpu.dma_semaphore, #tpu.memory_space<semaphore_mem>>)
    } else {
    }
    %eq3A_2 = arith.constant 1 : i32
    %eq3A_3 = arith.cmpi eq, %arg0, %eq3A_2 : i32
    %convert_element_type3A_4 = arith.extui %eq3A_3 : i1 to i32
    %cond3A_5 = arith.constant 0 : i32
    %cond3A_6 = arith.cmpi ne, %convert_element_type3A_4, %cond3A_5 : i32
    scf.if %cond3A_6 {
      %mul3A_126 = arith.constant 36 : i32
      %mul3A_127 = arith.muli %arg1, %mul3A_126 : i32
      %add3A_128 = arith.constant 1984 : i32
      %add3A_129 = arith.addi %add3A_128, %mul3A_127 : i32
      %dma_start3A = arith.constant 0 : i32
      %dma_start3A_130 = arith.constant 0 : i32
      %dma_start3A_131 = tpu.memref_slice %arg4[%dma_start3A, %dma_start3A_130] : memref<124x128xi32, #tpu.memory_space<vmem>> -> memref<36x128xi32, #tpu.memory_space<vmem>>
      %dma_start3A_132 = arith.constant 0 : i32
      %dma_start3A_133 = tpu.memref_slice %arg2[%add3A_129, %dma_start3A_132] : memref<2560x128xi32, #tpu.memory_space<hbm>> -> memref<36x128xi32, #tpu.memory_space<hbm>>
      %dma_start3A_134 = arith.constant 0 : i32
      %dma_start3A_135 = arith.constant 0 : i32
      %dma_start3A_136 = tpu.memref_slice %arg4[%dma_start3A_134, %dma_start3A_135] : memref<124x128xi32, #tpu.memory_space<vmem>> -> memref<36x128xi32, #tpu.memory_space<vmem>>
      %dma_start3A_137 = arith.constant 0 : i32
      %dma_start3A_138 = tpu.memref_slice %arg2[%add3A_129, %dma_start3A_137] : memref<2560x128xi32, #tpu.memory_space<hbm>> -> memref<36x128xi32, #tpu.memory_space<hbm>>
      tpu.enqueue_dma source(%dma_start3A_138 : memref<36x128xi32, #tpu.memory_space<hbm>>) target(%dma_start3A_136 : memref<36x128xi32, #tpu.memory_space<vmem>>) target_semaphore(%arg8 : memref<!tpu.dma_semaphore, #tpu.memory_space<semaphore_mem>>)
    } else {
    }
    %broadcast_in_dim3A = arith.constant 1.000000e+00 : f32
    %broadcast_in_dim3A_7 = vector.broadcast %broadcast_in_dim3A : f32 to vector<16xf32>
    %swap3A = arith.constant 0 : index
    %swap3A_8 = tpu.vector_load %arg5[%swap3A] {strides = array<i32>} : memref<128xf32, #tpu.memory_space<vmem>>, vector<16xf32>,
    %swap3A_9 = vector.shape_cast %swap3A_8 : vector<16xf32> to vector<16xf32>
    %swap3A_10 = vector.shape_cast %broadcast_in_dim3A_7 : vector<16xf32> to vector<16xf32>
    tpu.vector_store %arg5[%swap3A], %swap3A_10 {strides = array<i32>} : memref<128xf32, #tpu.memory_space<vmem>>, vector<16xf32>,
    %broadcast_in_dim3A_11 = arith.constant 1.000000e+00 : f32
    %broadcast_in_dim3A_12 = vector.broadcast %broadcast_in_dim3A_11 : f32 to vector<16xf32>
    %swap3A_13 = arith.constant 16 : index
    %swap3A_14 = tpu.vector_load %arg5[%swap3A_13] {strides = array<i32>} : memref<128xf32, #tpu.memory_space<vmem>>, vector<16xf32>,
    %swap3A_15 = vector.shape_cast %swap3A_14 : vector<16xf32> to vector<16xf32>
    %swap3A_16 = vector.shape_cast %broadcast_in_dim3A_12 : vector<16xf32> to vector<16xf32>
    tpu.vector_store %arg5[%swap3A_13], %swap3A_16 {strides = array<i32>} : memref<128xf32, #tpu.memory_space<vmem>>, vector<16xf32>,
    %broadcast_in_dim3A_17 = arith.constant 1.000000e+00 : f32
    %broadcast_in_dim3A_18 = vector.broadcast %broadcast_in_dim3A_17 : f32 to vector<16xf32>
    %swap3A_19 = arith.constant 32 : index
    %swap3A_20 = tpu.vector_load %arg5[%swap3A_19] {strides = array<i32>} : memref<128xf32, #tpu.memory_space<vmem>>, vector<16xf32>,
    %swap3A_21 = vector.shape_cast %swap3A_20 : vector<16xf32> to vector<16xf32>
    %swap3A_22 = vector.shape_cast %broadcast_in_dim3A_18 : vector<16xf32> to vector<16xf32>
    tpu.vector_store %arg5[%swap3A_19], %swap3A_22 {strides = array<i32>} : memref<128xf32, #tpu.memory_space<vmem>>, vector<16xf32>,
    %broadcast_in_dim3A_23 = arith.constant 1.000000e+00 : f32
    %broadcast_in_dim3A_24 = vector.broadcast %broadcast_in_dim3A_23 : f32 to vector<16xf32>
    %swap3A_25 = arith.constant 48 : index
    %swap3A_26 = tpu.vector_load %arg5[%swap3A_25] {strides = array<i32>} : memref<128xf32, #tpu.memory_space<vmem>>, vector<16xf32>,
    %swap3A_27 = vector.shape_cast %swap3A_26 : vector<16xf32> to vector<16xf32>
    %swap3A_28 = vector.shape_cast %broadcast_in_dim3A_24 : vector<16xf32> to vector<16xf32>
    tpu.vector_store %arg5[%swap3A_25], %swap3A_28 {strides = array<i32>} : memref<128xf32, #tpu.memory_space<vmem>>, vector<16xf32>,
    %broadcast_in_dim3A_29 = arith.constant 1.000000e+00 : f32
    %broadcast_in_dim3A_30 = vector.broadcast %broadcast_in_dim3A_29 : f32 to vector<16xf32>
    %swap3A_31 = arith.constant 64 : index
    %swap3A_32 = tpu.vector_load %arg5[%swap3A_31] {strides = array<i32>} : memref<128xf32, #tpu.memory_space<vmem>>, vector<16xf32>,
    %swap3A_33 = vector.shape_cast %swap3A_32 : vector<16xf32> to vector<16xf32>
    %swap3A_34 = vector.shape_cast %broadcast_in_dim3A_30 : vector<16xf32> to vector<16xf32>
    tpu.vector_store %arg5[%swap3A_31], %swap3A_34 {strides = array<i32>} : memref<128xf32, #tpu.memory_space<vmem>>, vector<16xf32>,
    %broadcast_in_dim3A_35 = arith.constant 1.000000e+00 : f32
    %broadcast_in_dim3A_36 = vector.broadcast %broadcast_in_dim3A_35 : f32 to vector<16xf32>
    %swap3A_37 = arith.constant 80 : index
    %swap3A_38 = tpu.vector_load %arg5[%swap3A_37] {strides = array<i32>} : memref<128xf32, #tpu.memory_space<vmem>>, vector<16xf32>,
    %swap3A_39 = vector.shape_cast %swap3A_38 : vector<16xf32> to vector<16xf32>
    %swap3A_40 = vector.shape_cast %broadcast_in_dim3A_36 : vector<16xf32> to vector<16xf32>
    tpu.vector_store %arg5[%swap3A_37], %swap3A_40 {strides = array<i32>} : memref<128xf32, #tpu.memory_space<vmem>>, vector<16xf32>,
    %broadcast_in_dim3A_41 = arith.constant 1.000000e+00 : f32
    %broadcast_in_dim3A_42 = vector.broadcast %broadcast_in_dim3A_41 : f32 to vector<16xf32>
    %swap3A_43 = arith.constant 96 : index
    %swap3A_44 = tpu.vector_load %arg5[%swap3A_43] {strides = array<i32>} : memref<128xf32, #tpu.memory_space<vmem>>, vector<16xf32>,
    %swap3A_45 = vector.shape_cast %swap3A_44 : vector<16xf32> to vector<16xf32>
    %swap3A_46 = vector.shape_cast %broadcast_in_dim3A_42 : vector<16xf32> to vector<16xf32>
    tpu.vector_store %arg5[%swap3A_43], %swap3A_46 {strides = array<i32>} : memref<128xf32, #tpu.memory_space<vmem>>, vector<16xf32>,
    %broadcast_in_dim3A_47 = arith.constant 1.000000e+00 : f32
    %broadcast_in_dim3A_48 = vector.broadcast %broadcast_in_dim3A_47 : f32 to vector<16xf32>
    %swap3A_49 = arith.constant 112 : index
    %swap3A_50 = tpu.vector_load %arg5[%swap3A_49] {strides = array<i32>} : memref<128xf32, #tpu.memory_space<vmem>>, vector<16xf32>,
    %swap3A_51 = vector.shape_cast %swap3A_50 : vector<16xf32> to vector<16xf32>
    %swap3A_52 = vector.shape_cast %broadcast_in_dim3A_48 : vector<16xf32> to vector<16xf32>
    tpu.vector_store %arg5[%swap3A_49], %swap3A_52 {strides = array<i32>} : memref<128xf32, #tpu.memory_space<vmem>>, vector<16xf32>,
    %eq3A_53 = arith.constant 0 : i32
    %eq3A_54 = arith.cmpi eq, %arg1, %eq3A_53 : i32
    %convert_element_type3A_55 = arith.extui %eq3A_54 : i1 to i32
    %cond3A_56 = arith.constant 0 : i32
    %cond3A_57 = arith.cmpi ne, %convert_element_type3A_55, %cond3A_56 : i32
    scf.if %cond3A_57 {
      %scan3A = arith.constant 0 : i32
      %scan3A_126 = arith.constant 0 : i32
      %scan3A_127 = arith.constant 626 : i32
      %scan3A_128 = arith.addi %scan3A_126, %scan3A_127 : i32
      %scan3A_129 = arith.constant 1 : i32
      scf.for %scan3A_131 = %scan3A_126 to %scan3A_128 step %scan3A_129  : i32 {
        %broadcast_in_dim3A_132 = arith.constant 0.000000e+00 : f32
        %broadcast_in_dim3A_133 = vector.broadcast %broadcast_in_dim3A_132 : f32 to vector<16xf32>
        %mul3A_134 = arith.constant 16 : i32
        %mul3A_135 = arith.muli %scan3A_131, %mul3A_134 : i32
        %swap3A_136 = arith.index_cast %mul3A_135 : i32 to index
        %swap3A_137 = tpu.vector_load %arg6[%swap3A_136] {strides = array<i32>} : memref<10016xf32, #tpu.memory_space<vmem>>, vector<16xf32>,
        %swap3A_138 = vector.shape_cast %swap3A_137 : vector<16xf32> to vector<16xf32>
        %swap3A_139 = vector.shape_cast %broadcast_in_dim3A_133 : vector<16xf32> to vector<16xf32>
        tpu.vector_store %arg6[%swap3A_136], %swap3A_139 {strides = array<i32>} : memref<10016xf32, #tpu.memory_space<vmem>>, vector<16xf32>,
      }
      %scan3A_130 = arith.constant 626 : i32
      "tpu.region"() ({
        %run_scoped3A = tpu.sem_alloc : memref<!tpu.dma_semaphore, #tpu.memory_space<semaphore_mem>>
        tpu.enqueue_dma source(%arg6 : memref<10016xf32, #tpu.memory_space<vmem>>) target(%arg7 : memref<10016xf32, #tpu.memory_space<vmem_shared>>) target_semaphore(%run_scoped3A : memref<!tpu.dma_semaphore, #tpu.memory_space<semaphore_mem>>)
        tpu.wait_dma2 semaphore(%run_scoped3A : memref<!tpu.dma_semaphore, #tpu.memory_space<semaphore_mem>>) src(%arg6 : memref<10016xf32, #tpu.memory_space<vmem>>) dst(%arg7 : memref<10016xf32, #tpu.memory_space<vmem_shared>>)
        tpu.yield
      }) : () -> ()
    } else {
    }
    %eq3A_58 = arith.constant 0 : i32
    %eq3A_59 = arith.cmpi eq, %arg0, %eq3A_58 : i32
    %convert_element_type3A_60 = arith.extui %eq3A_59 : i1 to i32
    %cond3A_61 = arith.constant 0 : i32
    %cond3A_62 = arith.cmpi ne, %convert_element_type3A_60, %cond3A_61 : i32
    scf.if %cond3A_62 {
      %mul3A_126 = arith.constant 124 : i32
      %mul3A_127 = arith.muli %arg1, %mul3A_126 : i32
      %dma_wait3A_128 = arith.constant 0 : i32
      %dma_wait3A_129 = arith.constant 0 : i32
      %dma_wait3A_130 = tpu.memref_slice %arg4[%dma_wait3A_128, %dma_wait3A_129] : memref<124x128xi32, #tpu.memory_space<vmem>> -> memref<124x128xi32, #tpu.memory_space<vmem>>
      %dma_wait3A_131 = arith.constant 0 : i32
      %dma_wait3A_132 = tpu.memref_slice %arg2[%mul3A_127, %dma_wait3A_131] : memref<2560x128xi32, #tpu.memory_space<hbm>> -> memref<124x128xi32, #tpu.memory_space<hbm>>
      %dma_wait3A_133 = arith.constant 0 : i32
      %dma_wait3A_134 = arith.constant 0 : i32
      %dma_wait3A_135 = tpu.memref_slice %arg4[%dma_wait3A_133, %dma_wait3A_134] : memref<124x128xi32, #tpu.memory_space<vmem>> -> memref<124x128xi32, #tpu.memory_space<vmem>>
      %dma_wait3A_136 = arith.constant 0 : i32
      %dma_wait3A_137 = tpu.memref_slice %arg2[%mul3A_127, %dma_wait3A_136] : memref<2560x128xi32, #tpu.memory_space<hbm>> -> memref<124x128xi32, #tpu.memory_space<hbm>>
      tpu.wait_dma2 semaphore(%arg8 : memref<!tpu.dma_semaphore, #tpu.memory_space<semaphore_mem>>) src(%dma_wait3A_137 : memref<124x128xi32, #tpu.memory_space<hbm>>) dst(%dma_wait3A_135 : memref<124x128xi32, #tpu.memory_space<vmem>>)
    } else {
    }
    %eq3A_63 = arith.constant 1 : i32
    %eq3A_64 = arith.cmpi eq, %arg0, %eq3A_63 : i32
    %convert_element_type3A_65 = arith.extui %eq3A_64 : i1 to i32
    %cond3A_66 = arith.constant 0 : i32
    %cond3A_67 = arith.cmpi ne, %convert_element_type3A_65, %cond3A_66 : i32
    scf.if %cond3A_67 {
      %dma_wait3A_126 = arith.constant 0 : i32
      %dma_wait3A_127 = arith.constant 0 : i32
      %dma_wait3A_128 = tpu.memref_slice %arg4[%dma_wait3A_126, %dma_wait3A_127] : memref<124x128xi32, #tpu.memory_space<vmem>> -> memref<36x128xi32, #tpu.memory_space<vmem>>
      %dma_wait3A_129 = arith.constant 0 : i32
      %dma_wait3A_130 = arith.constant 0 : i32
      %dma_wait3A_131 = tpu.memref_slice %arg2[%dma_wait3A_129, %dma_wait3A_130] : memref<2560x128xi32, #tpu.memory_space<hbm>> -> memref<36x128xi32, #tpu.memory_space<hbm>>
      %dma_wait3A_132 = arith.constant 0 : i32
      %dma_wait3A_133 = arith.constant 0 : i32
      %dma_wait3A_134 = tpu.memref_slice %arg4[%dma_wait3A_132, %dma_wait3A_133] : memref<124x128xi32, #tpu.memory_space<vmem>> -> memref<36x128xi32, #tpu.memory_space<vmem>>
      %dma_wait3A_135 = arith.constant 0 : i32
      %dma_wait3A_136 = arith.constant 0 : i32
      %dma_wait3A_137 = tpu.memref_slice %arg2[%dma_wait3A_135, %dma_wait3A_136] : memref<2560x128xi32, #tpu.memory_space<hbm>> -> memref<36x128xi32, #tpu.memory_space<hbm>>
      tpu.wait_dma2 semaphore(%arg8 : memref<!tpu.dma_semaphore, #tpu.memory_space<semaphore_mem>>) src(%dma_wait3A_137 : memref<36x128xi32, #tpu.memory_space<hbm>>) dst(%dma_wait3A_134 : memref<36x128xi32, #tpu.memory_space<vmem>>)
    } else {
    }
    %barrier3A = arith.constant 0 : index
    tpu.barrier barrier_id(%barrier3A)
    %eq3A_68 = arith.constant 0 : i32
    %eq3A_69 = arith.cmpi eq, %arg0, %eq3A_68 : i32
    %jit3A = arith.constant 31 : i32
    %jit3A_70 = arith.constant 9 : i32
    %select_n3A = arith.select %eq3A_69, %jit3A, %jit3A_70 : i32
    %while3A = arith.constant 0 : i32
    %while3A_71 = arith.constant 0 : i32
    %while3A_72 = arith.subi %select_n3A, %while3A_71 : i32
    %while3A_73 = arith.addi %while3A_71, %while3A_72 : i32
    %while3A_74 = arith.constant 1 : i32
    %while3A_75 = arith.divsi %while3A_72, %while3A_74 : i32
    %while3A_76 = arith.muli %while3A_75, %while3A_74 : i32
    %while3A_77 = arith.addi %while3A_71, %while3A_76 : i32
    %while3A_78 = arith.constant 1 : i32
    scf.for %while3A_126 = %while3A_71 to %while3A_77 step %while3A_78  : i32 {
      %mul3A_127 = arith.constant 4 : i32
      %mul3A_128 = arith.muli %while3A_126, %mul3A_127 : i32
      %add3A_129 = arith.constant 0 : i32
      %add3A_130 = arith.addi %mul3A_128, %add3A_129 : i32
      %gt3A = arith.constant 0 : i32
      %gt3A_131 = arith.cmpi sgt, %while3A_126, %gt3A : i32
      %convert_element_type3A_132 = arith.extui %gt3A_131 : i1 to i32
      %cond3A_133 = arith.constant 0 : i32
      %cond3A_134 = arith.cmpi ne, %convert_element_type3A_132, %cond3A_133 : i32
      scf.if %cond3A_134 {
        %dma_wait3A_181 = arith.constant 0 : i32
        %dma_wait3A_182 = tpu.memref_slice %arg4[%add3A_130, %dma_wait3A_181] : memref<124x128xi32, #tpu.memory_space<vmem>> -> memref<1x128xi32, #tpu.memory_space<vmem>>
        %dma_wait3A_183 = tpu.memref_squeeze %dma_wait3A_182 : memref<1x128xi32, #tpu.memory_space<vmem>> -> memref<128xi32, #tpu.memory_space<vmem>>
        %dma_wait3A_184 = arith.constant 0 : i32
        %dma_wait3A_185 = tpu.memref_slice %arg7[%dma_wait3A_184] : memref<10016xf32, #tpu.memory_space<vmem_shared>> -> memref<10016xf32, #tpu.memory_space<vmem_shared>>
        tpu.wait_indirect_dma semaphore(%arg9 : memref<!tpu.dma_semaphore, #tpu.memory_space<semaphore_mem>>) src(%arg5 : memref<128xf32, #tpu.memory_space<vmem>>) dst(%dma_wait3A_185 : memref<10016xf32, #tpu.memory_space<vmem_shared>>)
      } else {
      }
      %dma_start3A = arith.constant 0 : i32
      %dma_start3A_135 = tpu.memref_slice %arg4[%add3A_130, %dma_start3A] : memref<124x128xi32, #tpu.memory_space<vmem>> -> memref<1x128xi32, #tpu.memory_space<vmem>>
      %dma_start3A_136 = tpu.memref_squeeze %dma_start3A_135 : memref<1x128xi32, #tpu.memory_space<vmem>> -> memref<128xi32, #tpu.memory_space<vmem>>
      %dma_start3A_137 = arith.constant 0 : i32
      %dma_start3A_138 = tpu.memref_slice %arg7[%dma_start3A_137] : memref<10016xf32, #tpu.memory_space<vmem_shared>> -> memref<10016xf32, #tpu.memory_space<vmem_shared>>
      tpu.enqueue_indirect_dma source(%arg5 : memref<128xf32, #tpu.memory_space<vmem>>) target(%dma_start3A_138 : memref<10016xf32, #tpu.memory_space<vmem_shared>>) offsets(%dma_start3A_136 : memref<128xi32, #tpu.memory_space<vmem>>) semaphore(%arg9 : memref<!tpu.dma_semaphore, #tpu.memory_space<semaphore_mem>>) {add = true}
      %mul3A_139 = arith.constant 4 : i32
      %mul3A_140 = arith.muli %while3A_126, %mul3A_139 : i32
      %add3A_141 = arith.constant 1 : i32
      %add3A_142 = arith.addi %mul3A_140, %add3A_141 : i32
      %gt3A_143 = arith.constant 0 : i32
      %gt3A_144 = arith.cmpi sgt, %while3A_126, %gt3A_143 : i32
      %convert_element_type3A_145 = arith.extui %gt3A_144 : i1 to i32
      %cond3A_146 = arith.constant 0 : i32
      %cond3A_147 = arith.cmpi ne, %convert_element_type3A_145, %cond3A_146 : i32
      scf.if %cond3A_147 {
        %dma_wait3A_181 = arith.constant 0 : i32
        %dma_wait3A_182 = tpu.memref_slice %arg4[%add3A_142, %dma_wait3A_181] : memref<124x128xi32, #tpu.memory_space<vmem>> -> memref<1x128xi32, #tpu.memory_space<vmem>>
        %dma_wait3A_183 = tpu.memref_squeeze %dma_wait3A_182 : memref<1x128xi32, #tpu.memory_space<vmem>> -> memref<128xi32, #tpu.memory_space<vmem>>
        %dma_wait3A_184 = arith.constant 0 : i32
        %dma_wait3A_185 = tpu.memref_slice %arg7[%dma_wait3A_184] : memref<10016xf32, #tpu.memory_space<vmem_shared>> -> memref<10016xf32, #tpu.memory_space<vmem_shared>>
        tpu.wait_indirect_dma semaphore(%arg10 : memref<!tpu.dma_semaphore, #tpu.memory_space<semaphore_mem>>) src(%arg5 : memref<128xf32, #tpu.memory_space<vmem>>) dst(%dma_wait3A_185 : memref<10016xf32, #tpu.memory_space<vmem_shared>>)
      } else {
      }
      %dma_start3A_148 = arith.constant 0 : i32
      %dma_start3A_149 = tpu.memref_slice %arg4[%add3A_142, %dma_start3A_148] : memref<124x128xi32, #tpu.memory_space<vmem>> -> memref<1x128xi32, #tpu.memory_space<vmem>>
      %dma_start3A_150 = tpu.memref_squeeze %dma_start3A_149 : memref<1x128xi32, #tpu.memory_space<vmem>> -> memref<128xi32, #tpu.memory_space<vmem>>
      %dma_start3A_151 = arith.constant 0 : i32
      %dma_start3A_152 = tpu.memref_slice %arg7[%dma_start3A_151] : memref<10016xf32, #tpu.memory_space<vmem_shared>> -> memref<10016xf32, #tpu.memory_space<vmem_shared>>
      tpu.enqueue_indirect_dma source(%arg5 : memref<128xf32, #tpu.memory_space<vmem>>) target(%dma_start3A_152 : memref<10016xf32, #tpu.memory_space<vmem_shared>>) offsets(%dma_start3A_150 : memref<128xi32, #tpu.memory_space<vmem>>) semaphore(%arg10 : memref<!tpu.dma_semaphore, #tpu.memory_space<semaphore_mem>>) {add = true}
      %mul3A_153 = arith.constant 4 : i32
      %mul3A_154 = arith.muli %while3A_126, %mul3A_153 : i32
      %add3A_155 = arith.constant 2 : i32
      %add3A_156 = arith.addi %mul3A_154, %add3A_155 : i32
      %gt3A_157 = arith.constant 0 : i32
      %gt3A_158 = arith.cmpi sgt, %while3A_126, %gt3A_157 : i32
      %convert_element_type3A_159 = arith.extui %gt3A_158 : i1 to i32
      %cond3A_160 = arith.constant 0 : i32
      %cond3A_161 = arith.cmpi ne, %convert_element_type3A_159, %cond3A_160 : i32
      scf.if %cond3A_161 {
        %dma_wait3A_181 = arith.constant 0 : i32
        %dma_wait3A_182 = tpu.memref_slice %arg4[%add3A_156, %dma_wait3A_181] : memref<124x128xi32, #tpu.memory_space<vmem>> -> memref<1x128xi32, #tpu.memory_space<vmem>>
        %dma_wait3A_183 = tpu.memref_squeeze %dma_wait3A_182 : memref<1x128xi32, #tpu.memory_space<vmem>> -> memref<128xi32, #tpu.memory_space<vmem>>
        %dma_wait3A_184 = arith.constant 0 : i32
        %dma_wait3A_185 = tpu.memref_slice %arg7[%dma_wait3A_184] : memref<10016xf32, #tpu.memory_space<vmem_shared>> -> memref<10016xf32, #tpu.memory_space<vmem_shared>>
        tpu.wait_indirect_dma semaphore(%arg11 : memref<!tpu.dma_semaphore, #tpu.memory_space<semaphore_mem>>) src(%arg5 : memref<128xf32, #tpu.memory_space<vmem>>) dst(%dma_wait3A_185 : memref<10016xf32, #tpu.memory_space<vmem_shared>>)
      } else {
      }
      %dma_start3A_162 = arith.constant 0 : i32
      %dma_start3A_163 = tpu.memref_slice %arg4[%add3A_156, %dma_start3A_162] : memref<124x128xi32, #tpu.memory_space<vmem>> -> memref<1x128xi32, #tpu.memory_space<vmem>>
      %dma_start3A_164 = tpu.memref_squeeze %dma_start3A_163 : memref<1x128xi32, #tpu.memory_space<vmem>> -> memref<128xi32, #tpu.memory_space<vmem>>
      %dma_start3A_165 = arith.constant 0 : i32
      %dma_start3A_166 = tpu.memref_slice %arg7[%dma_start3A_165] : memref<10016xf32, #tpu.memory_space<vmem_shared>> -> memref<10016xf32, #tpu.memory_space<vmem_shared>>
      tpu.enqueue_indirect_dma source(%arg5 : memref<128xf32, #tpu.memory_space<vmem>>) target(%dma_start3A_166 : memref<10016xf32, #tpu.memory_space<vmem_shared>>) offsets(%dma_start3A_164 : memref<128xi32, #tpu.memory_space<vmem>>) semaphore(%arg11 : memref<!tpu.dma_semaphore, #tpu.memory_space<semaphore_mem>>) {add = true}
      %mul3A_167 = arith.constant 4 : i32
      %mul3A_168 = arith.muli %while3A_126, %mul3A_167 : i32
      %add3A_169 = arith.constant 3 : i32
      %add3A_170 = arith.addi %mul3A_168, %add3A_169 : i32
      %gt3A_171 = arith.constant 0 : i32
      %gt3A_172 = arith.cmpi sgt, %while3A_126, %gt3A_171 : i32
      %convert_element_type3A_173 = arith.extui %gt3A_172 : i1 to i32
      %cond3A_174 = arith.constant 0 : i32
      %cond3A_175 = arith.cmpi ne, %convert_element_type3A_173, %cond3A_174 : i32
      scf.if %cond3A_175 {
        %dma_wait3A_181 = arith.constant 0 : i32
        %dma_wait3A_182 = tpu.memref_slice %arg4[%add3A_170, %dma_wait3A_181] : memref<124x128xi32, #tpu.memory_space<vmem>> -> memref<1x128xi32, #tpu.memory_space<vmem>>
        %dma_wait3A_183 = tpu.memref_squeeze %dma_wait3A_182 : memref<1x128xi32, #tpu.memory_space<vmem>> -> memref<128xi32, #tpu.memory_space<vmem>>
        %dma_wait3A_184 = arith.constant 0 : i32
        %dma_wait3A_185 = tpu.memref_slice %arg7[%dma_wait3A_184] : memref<10016xf32, #tpu.memory_space<vmem_shared>> -> memref<10016xf32, #tpu.memory_space<vmem_shared>>
        tpu.wait_indirect_dma semaphore(%arg12 : memref<!tpu.dma_semaphore, #tpu.memory_space<semaphore_mem>>) src(%arg5 : memref<128xf32, #tpu.memory_space<vmem>>) dst(%dma_wait3A_185 : memref<10016xf32, #tpu.memory_space<vmem_shared>>)
      } else {
      }
      %dma_start3A_176 = arith.constant 0 : i32
      %dma_start3A_177 = tpu.memref_slice %arg4[%add3A_170, %dma_start3A_176] : memref<124x128xi32, #tpu.memory_space<vmem>> -> memref<1x128xi32, #tpu.memory_space<vmem>>
      %dma_start3A_178 = tpu.memref_squeeze %dma_start3A_177 : memref<1x128xi32, #tpu.memory_space<vmem>> -> memref<128xi32, #tpu.memory_space<vmem>>
      %dma_start3A_179 = arith.constant 0 : i32
      %dma_start3A_180 = tpu.memref_slice %arg7[%dma_start3A_179] : memref<10016xf32, #tpu.memory_space<vmem_shared>> -> memref<10016xf32, #tpu.memory_space<vmem_shared>>
      tpu.enqueue_indirect_dma source(%arg5 : memref<128xf32, #tpu.memory_space<vmem>>) target(%dma_start3A_180 : memref<10016xf32, #tpu.memory_space<vmem_shared>>) offsets(%dma_start3A_178 : memref<128xi32, #tpu.memory_space<vmem>>) semaphore(%arg12 : memref<!tpu.dma_semaphore, #tpu.memory_space<semaphore_mem>>) {add = true}
    }
    %while3A_79 = arith.constant 1 : i32
    scf.for %while3A_126 = %while3A_77 to %while3A_73 step %while3A_79  : i32 {
      %mul3A_127 = arith.constant 4 : i32
      %mul3A_128 = arith.muli %while3A_126, %mul3A_127 : i32
      %add3A_129 = arith.constant 0 : i32
      %add3A_130 = arith.addi %mul3A_128, %add3A_129 : i32
      %gt3A = arith.constant 0 : i32
      %gt3A_131 = arith.cmpi sgt, %while3A_126, %gt3A : i32
      %convert_element_type3A_132 = arith.extui %gt3A_131 : i1 to i32
      %cond3A_133 = arith.constant 0 : i32
      %cond3A_134 = arith.cmpi ne, %convert_element_type3A_132, %cond3A_133 : i32
      scf.if %cond3A_134 {
        %dma_wait3A_181 = arith.constant 0 : i32
        %dma_wait3A_182 = tpu.memref_slice %arg4[%add3A_130, %dma_wait3A_181] : memref<124x128xi32, #tpu.memory_space<vmem>> -> memref<1x128xi32, #tpu.memory_space<vmem>>
        %dma_wait3A_183 = tpu.memref_squeeze %dma_wait3A_182 : memref<1x128xi32, #tpu.memory_space<vmem>> -> memref<128xi32, #tpu.memory_space<vmem>>
        %dma_wait3A_184 = arith.constant 0 : i32
        %dma_wait3A_185 = tpu.memref_slice %arg7[%dma_wait3A_184] : memref<10016xf32, #tpu.memory_space<vmem_shared>> -> memref<10016xf32, #tpu.memory_space<vmem_shared>>
        tpu.wait_indirect_dma semaphore(%arg9 : memref<!tpu.dma_semaphore, #tpu.memory_space<semaphore_mem>>) src(%arg5 : memref<128xf32, #tpu.memory_space<vmem>>) dst(%dma_wait3A_185 : memref<10016xf32, #tpu.memory_space<vmem_shared>>)
      } else {
      }
      %dma_start3A = arith.constant 0 : i32
      %dma_start3A_135 = tpu.memref_slice %arg4[%add3A_130, %dma_start3A] : memref<124x128xi32, #tpu.memory_space<vmem>> -> memref<1x128xi32, #tpu.memory_space<vmem>>
      %dma_start3A_136 = tpu.memref_squeeze %dma_start3A_135 : memref<1x128xi32, #tpu.memory_space<vmem>> -> memref<128xi32, #tpu.memory_space<vmem>>
      %dma_start3A_137 = arith.constant 0 : i32
      %dma_start3A_138 = tpu.memref_slice %arg7[%dma_start3A_137] : memref<10016xf32, #tpu.memory_space<vmem_shared>> -> memref<10016xf32, #tpu.memory_space<vmem_shared>>
      tpu.enqueue_indirect_dma source(%arg5 : memref<128xf32, #tpu.memory_space<vmem>>) target(%dma_start3A_138 : memref<10016xf32, #tpu.memory_space<vmem_shared>>) offsets(%dma_start3A_136 : memref<128xi32, #tpu.memory_space<vmem>>) semaphore(%arg9 : memref<!tpu.dma_semaphore, #tpu.memory_space<semaphore_mem>>) {add = true}
      %mul3A_139 = arith.constant 4 : i32
      %mul3A_140 = arith.muli %while3A_126, %mul3A_139 : i32
      %add3A_141 = arith.constant 1 : i32
      %add3A_142 = arith.addi %mul3A_140, %add3A_141 : i32
      %gt3A_143 = arith.constant 0 : i32
      %gt3A_144 = arith.cmpi sgt, %while3A_126, %gt3A_143 : i32
      %convert_element_type3A_145 = arith.extui %gt3A_144 : i1 to i32
      %cond3A_146 = arith.constant 0 : i32
      %cond3A_147 = arith.cmpi ne, %convert_element_type3A_145, %cond3A_146 : i32
      scf.if %cond3A_147 {
        %dma_wait3A_181 = arith.constant 0 : i32
        %dma_wait3A_182 = tpu.memref_slice %arg4[%add3A_142, %dma_wait3A_181] : memref<124x128xi32, #tpu.memory_space<vmem>> -> memref<1x128xi32, #tpu.memory_space<vmem>>
        %dma_wait3A_183 = tpu.memref_squeeze %dma_wait3A_182 : memref<1x128xi32, #tpu.memory_space<vmem>> -> memref<128xi32, #tpu.memory_space<vmem>>
        %dma_wait3A_184 = arith.constant 0 : i32
        %dma_wait3A_185 = tpu.memref_slice %arg7[%dma_wait3A_184] : memref<10016xf32, #tpu.memory_space<vmem_shared>> -> memref<10016xf32, #tpu.memory_space<vmem_shared>>
        tpu.wait_indirect_dma semaphore(%arg10 : memref<!tpu.dma_semaphore, #tpu.memory_space<semaphore_mem>>) src(%arg5 : memref<128xf32, #tpu.memory_space<vmem>>) dst(%dma_wait3A_185 : memref<10016xf32, #tpu.memory_space<vmem_shared>>)
      } else {
      }
      %dma_start3A_148 = arith.constant 0 : i32
      %dma_start3A_149 = tpu.memref_slice %arg4[%add3A_142, %dma_start3A_148] : memref<124x128xi32, #tpu.memory_space<vmem>> -> memref<1x128xi32, #tpu.memory_space<vmem>>
      %dma_start3A_150 = tpu.memref_squeeze %dma_start3A_149 : memref<1x128xi32, #tpu.memory_space<vmem>> -> memref<128xi32, #tpu.memory_space<vmem>>
      %dma_start3A_151 = arith.constant 0 : i32
      %dma_start3A_152 = tpu.memref_slice %arg7[%dma_start3A_151] : memref<10016xf32, #tpu.memory_space<vmem_shared>> -> memref<10016xf32, #tpu.memory_space<vmem_shared>>
      tpu.enqueue_indirect_dma source(%arg5 : memref<128xf32, #tpu.memory_space<vmem>>) target(%dma_start3A_152 : memref<10016xf32, #tpu.memory_space<vmem_shared>>) offsets(%dma_start3A_150 : memref<128xi32, #tpu.memory_space<vmem>>) semaphore(%arg10 : memref<!tpu.dma_semaphore, #tpu.memory_space<semaphore_mem>>) {add = true}
      %mul3A_153 = arith.constant 4 : i32
      %mul3A_154 = arith.muli %while3A_126, %mul3A_153 : i32
      %add3A_155 = arith.constant 2 : i32
      %add3A_156 = arith.addi %mul3A_154, %add3A_155 : i32
      %gt3A_157 = arith.constant 0 : i32
      %gt3A_158 = arith.cmpi sgt, %while3A_126, %gt3A_157 : i32
      %convert_element_type3A_159 = arith.extui %gt3A_158 : i1 to i32
      %cond3A_160 = arith.constant 0 : i32
      %cond3A_161 = arith.cmpi ne, %convert_element_type3A_159, %cond3A_160 : i32
      scf.if %cond3A_161 {
        %dma_wait3A_181 = arith.constant 0 : i32
        %dma_wait3A_182 = tpu.memref_slice %arg4[%add3A_156, %dma_wait3A_181] : memref<124x128xi32, #tpu.memory_space<vmem>> -> memref<1x128xi32, #tpu.memory_space<vmem>>
        %dma_wait3A_183 = tpu.memref_squeeze %dma_wait3A_182 : memref<1x128xi32, #tpu.memory_space<vmem>> -> memref<128xi32, #tpu.memory_space<vmem>>
        %dma_wait3A_184 = arith.constant 0 : i32
        %dma_wait3A_185 = tpu.memref_slice %arg7[%dma_wait3A_184] : memref<10016xf32, #tpu.memory_space<vmem_shared>> -> memref<10016xf32, #tpu.memory_space<vmem_shared>>
        tpu.wait_indirect_dma semaphore(%arg11 : memref<!tpu.dma_semaphore, #tpu.memory_space<semaphore_mem>>) src(%arg5 : memref<128xf32, #tpu.memory_space<vmem>>) dst(%dma_wait3A_185 : memref<10016xf32, #tpu.memory_space<vmem_shared>>)
      } else {
      }
      %dma_start3A_162 = arith.constant 0 : i32
      %dma_start3A_163 = tpu.memref_slice %arg4[%add3A_156, %dma_start3A_162] : memref<124x128xi32, #tpu.memory_space<vmem>> -> memref<1x128xi32, #tpu.memory_space<vmem>>
      %dma_start3A_164 = tpu.memref_squeeze %dma_start3A_163 : memref<1x128xi32, #tpu.memory_space<vmem>> -> memref<128xi32, #tpu.memory_space<vmem>>
      %dma_start3A_165 = arith.constant 0 : i32
      %dma_start3A_166 = tpu.memref_slice %arg7[%dma_start3A_165] : memref<10016xf32, #tpu.memory_space<vmem_shared>> -> memref<10016xf32, #tpu.memory_space<vmem_shared>>
      tpu.enqueue_indirect_dma source(%arg5 : memref<128xf32, #tpu.memory_space<vmem>>) target(%dma_start3A_166 : memref<10016xf32, #tpu.memory_space<vmem_shared>>) offsets(%dma_start3A_164 : memref<128xi32, #tpu.memory_space<vmem>>) semaphore(%arg11 : memref<!tpu.dma_semaphore, #tpu.memory_space<semaphore_mem>>) {add = true}
      %mul3A_167 = arith.constant 4 : i32
      %mul3A_168 = arith.muli %while3A_126, %mul3A_167 : i32
      %add3A_169 = arith.constant 3 : i32
      %add3A_170 = arith.addi %mul3A_168, %add3A_169 : i32
      %gt3A_171 = arith.constant 0 : i32
      %gt3A_172 = arith.cmpi sgt, %while3A_126, %gt3A_171 : i32
      %convert_element_type3A_173 = arith.extui %gt3A_172 : i1 to i32
      %cond3A_174 = arith.constant 0 : i32
      %cond3A_175 = arith.cmpi ne, %convert_element_type3A_173, %cond3A_174 : i32
      scf.if %cond3A_175 {
        %dma_wait3A_181 = arith.constant 0 : i32
        %dma_wait3A_182 = tpu.memref_slice %arg4[%add3A_170, %dma_wait3A_181] : memref<124x128xi32, #tpu.memory_space<vmem>> -> memref<1x128xi32, #tpu.memory_space<vmem>>
        %dma_wait3A_183 = tpu.memref_squeeze %dma_wait3A_182 : memref<1x128xi32, #tpu.memory_space<vmem>> -> memref<128xi32, #tpu.memory_space<vmem>>
        %dma_wait3A_184 = arith.constant 0 : i32
        %dma_wait3A_185 = tpu.memref_slice %arg7[%dma_wait3A_184] : memref<10016xf32, #tpu.memory_space<vmem_shared>> -> memref<10016xf32, #tpu.memory_space<vmem_shared>>
        tpu.wait_indirect_dma semaphore(%arg12 : memref<!tpu.dma_semaphore, #tpu.memory_space<semaphore_mem>>) src(%arg5 : memref<128xf32, #tpu.memory_space<vmem>>) dst(%dma_wait3A_185 : memref<10016xf32, #tpu.memory_space<vmem_shared>>)
      } else {
      }
      %dma_start3A_176 = arith.constant 0 : i32
      %dma_start3A_177 = tpu.memref_slice %arg4[%add3A_170, %dma_start3A_176] : memref<124x128xi32, #tpu.memory_space<vmem>> -> memref<1x128xi32, #tpu.memory_space<vmem>>
      %dma_start3A_178 = tpu.memref_squeeze %dma_start3A_177 : memref<1x128xi32, #tpu.memory_space<vmem>> -> memref<128xi32, #tpu.memory_space<vmem>>
      %dma_start3A_179 = arith.constant 0 : i32
      %dma_start3A_180 = tpu.memref_slice %arg7[%dma_start3A_179] : memref<10016xf32, #tpu.memory_space<vmem_shared>> -> memref<10016xf32, #tpu.memory_space<vmem_shared>>
      tpu.enqueue_indirect_dma source(%arg5 : memref<128xf32, #tpu.memory_space<vmem>>) target(%dma_start3A_180 : memref<10016xf32, #tpu.memory_space<vmem_shared>>) offsets(%dma_start3A_178 : memref<128xi32, #tpu.memory_space<vmem>>) semaphore(%arg12 : memref<!tpu.dma_semaphore, #tpu.memory_space<semaphore_mem>>) {add = true}
    }
    %sub3A = arith.constant 1 : i32
    %sub3A_80 = arith.subi %select_n3A, %sub3A : i32
    %mul3A = arith.constant 4 : i32
    %mul3A_81 = arith.muli %sub3A_80, %mul3A : i32
    %add3A = arith.constant 0 : i32
    %add3A_82 = arith.addi %mul3A_81, %add3A : i32
    %dma_wait3A = arith.constant 0 : i32
    %dma_wait3A_83 = tpu.memref_slice %arg4[%add3A_82, %dma_wait3A] : memref<124x128xi32, #tpu.memory_space<vmem>> -> memref<1x128xi32, #tpu.memory_space<vmem>>
    %dma_wait3A_84 = tpu.memref_squeeze %dma_wait3A_83 : memref<1x128xi32, #tpu.memory_space<vmem>> -> memref<128xi32, #tpu.memory_space<vmem>>
    %dma_wait3A_85 = arith.constant 0 : i32
    %dma_wait3A_86 = tpu.memref_slice %arg7[%dma_wait3A_85] : memref<10016xf32, #tpu.memory_space<vmem_shared>> -> memref<10016xf32, #tpu.memory_space<vmem_shared>>
    tpu.wait_indirect_dma semaphore(%arg9 : memref<!tpu.dma_semaphore, #tpu.memory_space<semaphore_mem>>) src(%arg5 : memref<128xf32, #tpu.memory_space<vmem>>) dst(%dma_wait3A_86 : memref<10016xf32, #tpu.memory_space<vmem_shared>>)
    %sub3A_87 = arith.constant 1 : i32
    %sub3A_88 = arith.subi %select_n3A, %sub3A_87 : i32
    %mul3A_89 = arith.constant 4 : i32
    %mul3A_90 = arith.muli %sub3A_88, %mul3A_89 : i32
    %add3A_91 = arith.constant 1 : i32
    %add3A_92 = arith.addi %mul3A_90, %add3A_91 : i32
    %dma_wait3A_93 = arith.constant 0 : i32
    %dma_wait3A_94 = tpu.memref_slice %arg4[%add3A_92, %dma_wait3A_93] : memref<124x128xi32, #tpu.memory_space<vmem>> -> memref<1x128xi32, #tpu.memory_space<vmem>>
    %dma_wait3A_95 = tpu.memref_squeeze %dma_wait3A_94 : memref<1x128xi32, #tpu.memory_space<vmem>> -> memref<128xi32, #tpu.memory_space<vmem>>
    %dma_wait3A_96 = arith.constant 0 : i32
    %dma_wait3A_97 = tpu.memref_slice %arg7[%dma_wait3A_96] : memref<10016xf32, #tpu.memory_space<vmem_shared>> -> memref<10016xf32, #tpu.memory_space<vmem_shared>>
    tpu.wait_indirect_dma semaphore(%arg10 : memref<!tpu.dma_semaphore, #tpu.memory_space<semaphore_mem>>) src(%arg5 : memref<128xf32, #tpu.memory_space<vmem>>) dst(%dma_wait3A_97 : memref<10016xf32, #tpu.memory_space<vmem_shared>>)
    %sub3A_98 = arith.constant 1 : i32
    %sub3A_99 = arith.subi %select_n3A, %sub3A_98 : i32
    %mul3A_100 = arith.constant 4 : i32
    %mul3A_101 = arith.muli %sub3A_99, %mul3A_100 : i32
    %add3A_102 = arith.constant 2 : i32
    %add3A_103 = arith.addi %mul3A_101, %add3A_102 : i32
    %dma_wait3A_104 = arith.constant 0 : i32
    %dma_wait3A_105 = tpu.memref_slice %arg4[%add3A_103, %dma_wait3A_104] : memref<124x128xi32, #tpu.memory_space<vmem>> -> memref<1x128xi32, #tpu.memory_space<vmem>>
    %dma_wait3A_106 = tpu.memref_squeeze %dma_wait3A_105 : memref<1x128xi32, #tpu.memory_space<vmem>> -> memref<128xi32, #tpu.memory_space<vmem>>
    %dma_wait3A_107 = arith.constant 0 : i32
    %dma_wait3A_108 = tpu.memref_slice %arg7[%dma_wait3A_107] : memref<10016xf32, #tpu.memory_space<vmem_shared>> -> memref<10016xf32, #tpu.memory_space<vmem_shared>>
    tpu.wait_indirect_dma semaphore(%arg11 : memref<!tpu.dma_semaphore, #tpu.memory_space<semaphore_mem>>) src(%arg5 : memref<128xf32, #tpu.memory_space<vmem>>) dst(%dma_wait3A_108 : memref<10016xf32, #tpu.memory_space<vmem_shared>>)
    %sub3A_109 = arith.constant 1 : i32
    %sub3A_110 = arith.subi %select_n3A, %sub3A_109 : i32
    %mul3A_111 = arith.constant 4 : i32
    %mul3A_112 = arith.muli %sub3A_110, %mul3A_111 : i32
    %add3A_113 = arith.constant 3 : i32
    %add3A_114 = arith.addi %mul3A_112, %add3A_113 : i32
    %dma_wait3A_115 = arith.constant 0 : i32
    %dma_wait3A_116 = tpu.memref_slice %arg4[%add3A_114, %dma_wait3A_115] : memref<124x128xi32, #tpu.memory_space<vmem>> -> memref<1x128xi32, #tpu.memory_space<vmem>>
    %dma_wait3A_117 = tpu.memref_squeeze %dma_wait3A_116 : memref<1x128xi32, #tpu.memory_space<vmem>> -> memref<128xi32, #tpu.memory_space<vmem>>
    %dma_wait3A_118 = arith.constant 0 : i32
    %dma_wait3A_119 = tpu.memref_slice %arg7[%dma_wait3A_118] : memref<10016xf32, #tpu.memory_space<vmem_shared>> -> memref<10016xf32, #tpu.memory_space<vmem_shared>>
    tpu.wait_indirect_dma semaphore(%arg12 : memref<!tpu.dma_semaphore, #tpu.memory_space<semaphore_mem>>) src(%arg5 : memref<128xf32, #tpu.memory_space<vmem>>) dst(%dma_wait3A_119 : memref<10016xf32, #tpu.memory_space<vmem_shared>>)
    %barrier3A_120 = arith.constant 0 : index
    tpu.barrier barrier_id(%barrier3A_120)
    %eq3A_121 = arith.constant 0 : i32
    %eq3A_122 = arith.cmpi eq, %arg1, %eq3A_121 : i32
    %convert_element_type3A_123 = arith.extui %eq3A_122 : i1 to i32
    %cond3A_124 = arith.constant 0 : i32
    %cond3A_125 = arith.cmpi ne, %convert_element_type3A_123, %cond3A_124 : i32
    scf.if %cond3A_125 {
      "tpu.region"() ({
        %run_scoped3A = tpu.sem_alloc : memref<!tpu.dma_semaphore, #tpu.memory_space<semaphore_mem>>
        %dma_start3A = arith.constant 0 : i32
        %dma_start3A_126 = tpu.memref_slice %arg3[%arg0, %dma_start3A] : memref<2x10000xf32, #tpu.memory_space<hbm>> -> memref<1x10000xf32, #tpu.memory_space<hbm>>
        %dma_start3A_127 = tpu.memref_squeeze %dma_start3A_126 : memref<1x10000xf32, #tpu.memory_space<hbm>> -> memref<10000xf32, #tpu.memory_space<hbm>>
        %dma_start3A_128 = arith.constant 0 : i32
        %dma_start3A_129 = tpu.memref_slice %arg7[%dma_start3A_128] : memref<10016xf32, #tpu.memory_space<vmem_shared>> -> memref<10000xf32, #tpu.memory_space<vmem_shared>>
        tpu.enqueue_dma source(%dma_start3A_129 : memref<10000xf32, #tpu.memory_space<vmem_shared>>) target(%dma_start3A_127 : memref<10000xf32, #tpu.memory_space<hbm>>) target_semaphore(%run_scoped3A : memref<!tpu.dma_semaphore, #tpu.memory_space<semaphore_mem>>)
        %dma_wait3A_130 = arith.constant 0 : i32
        %dma_wait3A_131 = tpu.memref_slice %arg3[%arg0, %dma_wait3A_130] : memref<2x10000xf32, #tpu.memory_space<hbm>> -> memref<1x10000xf32, #tpu.memory_space<hbm>>
        %dma_wait3A_132 = tpu.memref_squeeze %dma_wait3A_131 : memref<1x10000xf32, #tpu.memory_space<hbm>> -> memref<10000xf32, #tpu.memory_space<hbm>>
        %dma_wait3A_133 = arith.constant 0 : i32
        %dma_wait3A_134 = tpu.memref_slice %arg7[%dma_wait3A_133] : memref<10016xf32, #tpu.memory_space<vmem_shared>> -> memref<10000xf32, #tpu.memory_space<vmem_shared>>
        tpu.wait_dma2 semaphore(%run_scoped3A : memref<!tpu.dma_semaphore, #tpu.memory_space<semaphore_mem>>) src(%dma_wait3A_134 : memref<10000xf32, #tpu.memory_space<vmem_shared>>) dst(%dma_wait3A_132 : memref<10000xf32, #tpu.memory_space<hbm>>)
        tpu.yield
      }) : () -> ()
    } else {
    }
    return
  }
}

#map = affine_map<(d0, d1) -> (0, 0)>
#map1 = affine_map<(d0, d1) -> (0, 0, 0)>
module attributes {stable_mosaic.version = 14 : i64} {
  func.func @msgk(%arg0: i32, %arg1: i32, %arg2: memref<10000x32xf32, #tpu.memory_space<hbm>>, %arg3: memref<2560x128xi32, #tpu.memory_space<hbm>>, %arg4: memref<2560x128xi32, #tpu.memory_space<hbm>>, %arg5: memref<2x10000x32xf32, #tpu.memory_space<hbm>>, %arg6: memref<2x4x128xi32, #tpu.memory_space<vmem>>, %arg7: memref<2x4x128xi32, #tpu.memory_space<vmem>>, %arg8: memref<2x4x128x32xf32, #tpu.memory_space<vmem>>, %arg9: memref<10016x32xf32, #tpu.memory_space<vmem_shared>>, %arg10: memref<1xi32, #tpu.memory_space<smem>>, %arg11: memref<!tpu.dma_semaphore, #tpu.memory_space<semaphore_mem>>, %arg12: memref<!tpu.dma_semaphore, #tpu.memory_space<semaphore_mem>>, %arg13: memref<!tpu.dma_semaphore, #tpu.memory_space<semaphore_mem>>, %arg14: memref<!tpu.dma_semaphore, #tpu.memory_space<semaphore_mem>>, %arg15: memref<!tpu.dma_semaphore, #tpu.memory_space<semaphore_mem>>, %arg16: memref<!tpu.dma_semaphore, #tpu.memory_space<semaphore_mem>>, %arg17: memref<!tpu.dma_semaphore, #tpu.memory_space<semaphore_mem>>, %arg18: memref<!tpu.dma_semaphore, #tpu.memory_space<semaphore_mem>>, %arg19: memref<!tpu.dma_semaphore, #tpu.memory_space<semaphore_mem>>, %arg20: memref<!tpu.dma_semaphore, #tpu.memory_space<semaphore_mem>>, %arg21: memref<!tpu.dma_semaphore, #tpu.memory_space<semaphore_mem>>, %arg22: memref<!tpu.dma_semaphore, #tpu.memory_space<semaphore_mem>>, %arg23: memref<!tpu.dma_semaphore, #tpu.memory_space<semaphore_mem>>, %arg24: memref<!tpu.dma_semaphore, #tpu.memory_space<semaphore_mem>>, %arg25: memref<!tpu.dma_semaphore, #tpu.memory_space<semaphore_mem>>, %arg26: memref<!tpu.dma_semaphore, #tpu.memory_space<semaphore_mem>>, %arg27: memref<!tpu.dma_semaphore, #tpu.memory_space<semaphore_mem>>, %arg28: memref<!tpu.dma_semaphore, #tpu.memory_space<semaphore_mem>>) attributes {dimension_semantics = [#tpu.dimension_semantics<core_parallel>, #tpu.dimension_semantics<subcore_parallel>], iteration_bounds = array<i64: 2, 16>, scalar_prefetch = 0 : i64, scratch_operands = 23 : i64, tpu.core_type = #tpu.core_type<sc_vector_subcore>, window_params = [{transform_indices = #map}, {transform_indices = #map}, {transform_indices = #map}, {transform_indices = #map1}]} {
    %eq3A = arith.constant 0 : i32
    %eq3A_0 = arith.cmpi eq, %arg0, %eq3A : i32
    %jit3A = arith.constant 474 : i32
    %jit3A_1 = arith.constant 166 : i32
    %select_n3A = arith.select %eq3A_0, %jit3A, %jit3A_1 : i32
    %eq3A_2 = arith.constant 0 : i32
    %eq3A_3 = arith.cmpi eq, %arg0, %eq3A_2 : i32
    %jit3A_4 = arith.constant 0 : i32
    %jit3A_5 = arith.constant 474 : i32
    %select_n3A_6 = arith.select %eq3A_3, %jit3A_4, %jit3A_5 : i32
    %eq3A_7 = arith.constant 0 : i32
    %eq3A_8 = arith.cmpi eq, %arg1, %eq3A_7 : i32
    %convert_element_type3A = arith.extui %eq3A_8 : i1 to i32
    %cond3A = arith.constant 0 : i32
    %cond3A_9 = arith.cmpi ne, %convert_element_type3A, %cond3A : i32
    scf.if %cond3A_9 {
      %swap3A = arith.constant 0 : i32
      %swap3A_91 = arith.constant 0 : i32
      %swap3A_92 = arith.index_cast %swap3A_91 : i32 to index
      %swap3A_93 = memref.load %arg10[%swap3A_92] : memref<1xi32, #tpu.memory_space<smem>>
      memref.store %swap3A, %arg10[%swap3A_92] : memref<1xi32, #tpu.memory_space<smem>>
    } else {
    }
    "tpu.trace_start"() <{level = 10 : i32, message = "zfill"}> : () -> ()
    %scan3A = arith.constant 0 : i32
    %scan3A_10 = arith.constant 0 : i32
    %scan3A_11 = arith.constant 512 : i32
    %scan3A_12 = arith.addi %scan3A_10, %scan3A_11 : i32
    %scan3A_13 = arith.constant 1 : i32
    scf.for %scan3A_91 = %scan3A_10 to %scan3A_12 step %scan3A_13  : i32 {
      %broadcast_in_dim3A = arith.constant 0.000000e+00 : f32
      %broadcast_in_dim3A_92 = vector.broadcast %broadcast_in_dim3A : f32 to vector<16xf32>
      %jit3A_93 = arith.constant 128 : i32
      %div3A_94 = arith.divsi %scan3A_91, %jit3A_93 : i32
      %sign3A_95 = arith.constant 0 : i32
      %sign3A_96 = arith.cmpi sgt, %scan3A_91, %sign3A_95 : i32
      %sign3A_97 = arith.extui %sign3A_96 : i1 to i32
      %sign3A_98 = arith.constant 0 : i32
      %sign3A_99 = arith.cmpi slt, %scan3A_91, %sign3A_98 : i32
      %sign3A_100 = arith.extui %sign3A_99 : i1 to i32
      %sign3A_101 = arith.subi %sign3A_97, %sign3A_100 : i32
      %sign3A_102 = arith.constant 0 : i32
      %sign3A_103 = arith.cmpi sgt, %jit3A_93, %sign3A_102 : i32
      %sign3A_104 = arith.extui %sign3A_103 : i1 to i32
      %sign3A_105 = arith.constant 0 : i32
      %sign3A_106 = arith.cmpi slt, %jit3A_93, %sign3A_105 : i32
      %sign3A_107 = arith.extui %sign3A_106 : i1 to i32
      %sign3A_108 = arith.subi %sign3A_104, %sign3A_107 : i32
      %ne3A_109 = arith.cmpi ne, %sign3A_101, %sign3A_108 : i32
      %rem3A_110 = arith.remsi %scan3A_91, %jit3A_93 : i32
      %ne3A_111 = arith.constant 0 : i32
      %ne3A_112 = arith.cmpi ne, %rem3A_110, %ne3A_111 : i32
      %and3A_113 = arith.andi %ne3A_109, %ne3A_112 : i1
      %sub3A_114 = arith.constant 1 : i32
      %sub3A_115 = arith.subi %div3A_94, %sub3A_114 : i32
      %select_n3A_116 = arith.select %and3A_113, %sub3A_115, %div3A_94 : i32
      %jit3A_117 = arith.constant 128 : i32
      %eq3A_118 = arith.constant 0 : i32
      %eq3A_119 = arith.cmpi eq, %jit3A_117, %eq3A_118 : i32
      %jit3A_120 = arith.constant 1 : i32
      %select_n3A_121 = arith.select %eq3A_119, %jit3A_120, %jit3A_117 : i32
      %rem3A_122 = arith.remsi %scan3A_91, %select_n3A_121 : i32
      %ne3A_123 = arith.constant 0 : i32
      %ne3A_124 = arith.cmpi ne, %rem3A_122, %ne3A_123 : i32
      %lt3A_125 = arith.constant 0 : i32
      %lt3A_126 = arith.cmpi slt, %rem3A_122, %lt3A_125 : i32
      %lt3A_127 = arith.constant 0 : i32
      %lt3A_128 = arith.cmpi slt, %select_n3A_121, %lt3A_127 : i32
      %ne3A_129 = arith.xori %lt3A_126, %lt3A_128 : i1
      %and3A_130 = arith.andi %ne3A_129, %ne3A_124 : i1
      %add3A_131 = arith.addi %rem3A_122, %select_n3A_121 : i32
      %select_n3A_132 = arith.select %and3A_130, %add3A_131, %rem3A_122 : i32
      %swap3A = arith.constant 0 : i32
      %swap3A_133 = arith.index_cast %swap3A : i32 to index
      %swap3A_134 = arith.index_cast %select_n3A_116 : i32 to index
      %swap3A_135 = arith.index_cast %select_n3A_132 : i32 to index
      %swap3A_136 = arith.constant 0 : index
      %swap3A_137 = tpu.vector_load %arg8[%swap3A_133, %swap3A_134, %swap3A_135, %swap3A_136] {strides = array<i32>} : memref<2x4x128x32xf32, #tpu.memory_space<vmem>>, vector<1x1x1x16xf32>,
      %swap3A_138 = vector.shape_cast %swap3A_137 : vector<1x1x1x16xf32> to vector<16xf32>
      %swap3A_139 = vector.shape_cast %broadcast_in_dim3A_92 : vector<16xf32> to vector<1x1x1x16xf32>
      tpu.vector_store %arg8[%swap3A_133, %swap3A_134, %swap3A_135, %swap3A_136], %swap3A_139 {strides = array<i32>} : memref<2x4x128x32xf32, #tpu.memory_space<vmem>>, vector<1x1x1x16xf32>,
      %broadcast_in_dim3A_140 = arith.constant 0.000000e+00 : f32
      %broadcast_in_dim3A_141 = vector.broadcast %broadcast_in_dim3A_140 : f32 to vector<16xf32>
      %jit3A_142 = arith.constant 128 : i32
      %div3A_143 = arith.divsi %scan3A_91, %jit3A_142 : i32
      %sign3A_144 = arith.constant 0 : i32
      %sign3A_145 = arith.cmpi sgt, %scan3A_91, %sign3A_144 : i32
      %sign3A_146 = arith.extui %sign3A_145 : i1 to i32
      %sign3A_147 = arith.constant 0 : i32
      %sign3A_148 = arith.cmpi slt, %scan3A_91, %sign3A_147 : i32
      %sign3A_149 = arith.extui %sign3A_148 : i1 to i32
      %sign3A_150 = arith.subi %sign3A_146, %sign3A_149 : i32
      %sign3A_151 = arith.constant 0 : i32
      %sign3A_152 = arith.cmpi sgt, %jit3A_142, %sign3A_151 : i32
      %sign3A_153 = arith.extui %sign3A_152 : i1 to i32
      %sign3A_154 = arith.constant 0 : i32
      %sign3A_155 = arith.cmpi slt, %jit3A_142, %sign3A_154 : i32
      %sign3A_156 = arith.extui %sign3A_155 : i1 to i32
      %sign3A_157 = arith.subi %sign3A_153, %sign3A_156 : i32
      %ne3A_158 = arith.cmpi ne, %sign3A_150, %sign3A_157 : i32
      %rem3A_159 = arith.remsi %scan3A_91, %jit3A_142 : i32
      %ne3A_160 = arith.constant 0 : i32
      %ne3A_161 = arith.cmpi ne, %rem3A_159, %ne3A_160 : i32
      %and3A_162 = arith.andi %ne3A_158, %ne3A_161 : i1
      %sub3A_163 = arith.constant 1 : i32
      %sub3A_164 = arith.subi %div3A_143, %sub3A_163 : i32
      %select_n3A_165 = arith.select %and3A_162, %sub3A_164, %div3A_143 : i32
      %jit3A_166 = arith.constant 128 : i32
      %eq3A_167 = arith.constant 0 : i32
      %eq3A_168 = arith.cmpi eq, %jit3A_166, %eq3A_167 : i32
      %jit3A_169 = arith.constant 1 : i32
      %select_n3A_170 = arith.select %eq3A_168, %jit3A_169, %jit3A_166 : i32
      %rem3A_171 = arith.remsi %scan3A_91, %select_n3A_170 : i32
      %ne3A_172 = arith.constant 0 : i32
      %ne3A_173 = arith.cmpi ne, %rem3A_171, %ne3A_172 : i32
      %lt3A_174 = arith.constant 0 : i32
      %lt3A_175 = arith.cmpi slt, %rem3A_171, %lt3A_174 : i32
      %lt3A_176 = arith.constant 0 : i32
      %lt3A_177 = arith.cmpi slt, %select_n3A_170, %lt3A_176 : i32
      %ne3A_178 = arith.xori %lt3A_175, %lt3A_177 : i1
      %and3A_179 = arith.andi %ne3A_178, %ne3A_173 : i1
      %add3A_180 = arith.addi %rem3A_171, %select_n3A_170 : i32
      %select_n3A_181 = arith.select %and3A_179, %add3A_180, %rem3A_171 : i32
      %swap3A_182 = arith.constant 0 : i32
      %swap3A_183 = arith.index_cast %swap3A_182 : i32 to index
      %swap3A_184 = arith.index_cast %select_n3A_165 : i32 to index
      %swap3A_185 = arith.index_cast %select_n3A_181 : i32 to index
      %swap3A_186 = arith.constant 16 : index
      %swap3A_187 = tpu.vector_load %arg8[%swap3A_183, %swap3A_184, %swap3A_185, %swap3A_186] {strides = array<i32>} : memref<2x4x128x32xf32, #tpu.memory_space<vmem>>, vector<1x1x1x16xf32>,
      %swap3A_188 = vector.shape_cast %swap3A_187 : vector<1x1x1x16xf32> to vector<16xf32>
      %swap3A_189 = vector.shape_cast %broadcast_in_dim3A_141 : vector<16xf32> to vector<1x1x1x16xf32>
      tpu.vector_store %arg8[%swap3A_183, %swap3A_184, %swap3A_185, %swap3A_186], %swap3A_189 {strides = array<i32>} : memref<2x4x128x32xf32, #tpu.memory_space<vmem>>, vector<1x1x1x16xf32>,
    }
    %scan3A_14 = arith.constant 512 : i32
    "tpu.trace_stop"() : () -> ()
    "tpu.trace_start"() <{level = 10 : i32, message = "zdma"}> : () -> ()
    %mul3A = arith.constant 626 : i32
    %mul3A_15 = arith.muli %arg1, %mul3A : i32
    %add3A = arith.constant 0 : i32
    %add3A_16 = arith.addi %mul3A_15, %add3A : i32
    %run_scoped3A = arith.constant 0 : i32
    %run_scoped3A_17 = arith.constant 0 : i32
    "tpu.region"() ({
      %run_scoped3A_91 = tpu.sem_alloc : memref<!tpu.dma_semaphore, #tpu.memory_space<semaphore_mem>>
      %dma_start3A = arith.constant 0 : i32
      %dma_start3A_92 = arith.constant 0 : i32
      %dma_start3A_93 = tpu.memref_slice %arg8[%run_scoped3A, %run_scoped3A_17, %dma_start3A, %dma_start3A_92] : memref<2x4x128x32xf32, #tpu.memory_space<vmem>> -> memref<1x1x128x32xf32, #tpu.memory_space<vmem>>
      %dma_start3A_94 = tpu.memref_squeeze %dma_start3A_93 : memref<1x1x128x32xf32, #tpu.memory_space<vmem>> -> memref<128x32xf32, #tpu.memory_space<vmem>>
      %dma_start3A_95 = arith.constant 0 : i32
      %dma_start3A_96 = tpu.memref_slice %arg9[%add3A_16, %dma_start3A_95] : memref<10016x32xf32, #tpu.memory_space<vmem_shared>> -> memref<128x32xf32, #tpu.memory_space<vmem_shared>>
      %dma_start3A_97 = arith.constant 0 : i32
      %dma_start3A_98 = tpu.memref_slice %arg9[%add3A_16, %dma_start3A_97] : memref<10016x32xf32, #tpu.memory_space<vmem_shared>> -> memref<128x32xf32, #tpu.memory_space<vmem_shared>>
      %dma_start3A_99 = arith.constant 0 : i32
      %dma_start3A_100 = arith.constant 0 : i32
      %dma_start3A_101 = tpu.memref_slice %arg8[%run_scoped3A, %run_scoped3A_17, %dma_start3A_99, %dma_start3A_100] : memref<2x4x128x32xf32, #tpu.memory_space<vmem>> -> memref<1x1x128x32xf32, #tpu.memory_space<vmem>>
      %dma_start3A_102 = tpu.memref_squeeze %dma_start3A_101 : memref<1x1x128x32xf32, #tpu.memory_space<vmem>> -> memref<128x32xf32, #tpu.memory_space<vmem>>
      tpu.enqueue_dma source(%dma_start3A_102 : memref<128x32xf32, #tpu.memory_space<vmem>>) target(%dma_start3A_98 : memref<128x32xf32, #tpu.memory_space<vmem_shared>>) target_semaphore(%run_scoped3A_91 : memref<!tpu.dma_semaphore, #tpu.memory_space<semaphore_mem>>)
      %dma_wait3A = arith.constant 0 : i32
      %dma_wait3A_103 = arith.constant 0 : i32
      %dma_wait3A_104 = tpu.memref_slice %arg8[%run_scoped3A, %run_scoped3A_17, %dma_wait3A, %dma_wait3A_103] : memref<2x4x128x32xf32, #tpu.memory_space<vmem>> -> memref<1x1x128x32xf32, #tpu.memory_space<vmem>>
      %dma_wait3A_105 = tpu.memref_squeeze %dma_wait3A_104 : memref<1x1x128x32xf32, #tpu.memory_space<vmem>> -> memref<128x32xf32, #tpu.memory_space<vmem>>
      %dma_wait3A_106 = arith.constant 0 : i32
      %dma_wait3A_107 = tpu.memref_slice %arg9[%add3A_16, %dma_wait3A_106] : memref<10016x32xf32, #tpu.memory_space<vmem_shared>> -> memref<128x32xf32, #tpu.memory_space<vmem_shared>>
      %dma_wait3A_108 = arith.constant 0 : i32
      %dma_wait3A_109 = tpu.memref_slice %arg9[%add3A_16, %dma_wait3A_108] : memref<10016x32xf32, #tpu.memory_space<vmem_shared>> -> memref<128x32xf32, #tpu.memory_space<vmem_shared>>
      %dma_wait3A_110 = arith.constant 0 : i32
      %dma_wait3A_111 = arith.constant 0 : i32
      %dma_wait3A_112 = tpu.memref_slice %arg8[%run_scoped3A, %run_scoped3A_17, %dma_wait3A_110, %dma_wait3A_111] : memref<2x4x128x32xf32, #tpu.memory_space<vmem>> -> memref<1x1x128x32xf32, #tpu.memory_space<vmem>>
      %dma_wait3A_113 = tpu.memref_squeeze %dma_wait3A_112 : memref<1x1x128x32xf32, #tpu.memory_space<vmem>> -> memref<128x32xf32, #tpu.memory_space<vmem>>
      tpu.wait_dma2 semaphore(%run_scoped3A_91 : memref<!tpu.dma_semaphore, #tpu.memory_space<semaphore_mem>>) src(%dma_wait3A_113 : memref<128x32xf32, #tpu.memory_space<vmem>>) dst(%dma_wait3A_109 : memref<128x32xf32, #tpu.memory_space<vmem_shared>>)
      tpu.yield
    }) : () -> ()
    %mul3A_18 = arith.constant 626 : i32
    %mul3A_19 = arith.muli %arg1, %mul3A_18 : i32
    %add3A_20 = arith.constant 128 : i32
    %add3A_21 = arith.addi %mul3A_19, %add3A_20 : i32
    %run_scoped3A_22 = arith.constant 0 : i32
    %run_scoped3A_23 = arith.constant 1 : i32
    "tpu.region"() ({
      %run_scoped3A_91 = tpu.sem_alloc : memref<!tpu.dma_semaphore, #tpu.memory_space<semaphore_mem>>
      %dma_start3A = arith.constant 0 : i32
      %dma_start3A_92 = arith.constant 0 : i32
      %dma_start3A_93 = tpu.memref_slice %arg8[%run_scoped3A_22, %run_scoped3A_23, %dma_start3A, %dma_start3A_92] : memref<2x4x128x32xf32, #tpu.memory_space<vmem>> -> memref<1x1x128x32xf32, #tpu.memory_space<vmem>>
      %dma_start3A_94 = tpu.memref_squeeze %dma_start3A_93 : memref<1x1x128x32xf32, #tpu.memory_space<vmem>> -> memref<128x32xf32, #tpu.memory_space<vmem>>
      %dma_start3A_95 = arith.constant 0 : i32
      %dma_start3A_96 = tpu.memref_slice %arg9[%add3A_21, %dma_start3A_95] : memref<10016x32xf32, #tpu.memory_space<vmem_shared>> -> memref<128x32xf32, #tpu.memory_space<vmem_shared>>
      %dma_start3A_97 = arith.constant 0 : i32
      %dma_start3A_98 = tpu.memref_slice %arg9[%add3A_21, %dma_start3A_97] : memref<10016x32xf32, #tpu.memory_space<vmem_shared>> -> memref<128x32xf32, #tpu.memory_space<vmem_shared>>
      %dma_start3A_99 = arith.constant 0 : i32
      %dma_start3A_100 = arith.constant 0 : i32
      %dma_start3A_101 = tpu.memref_slice %arg8[%run_scoped3A_22, %run_scoped3A_23, %dma_start3A_99, %dma_start3A_100] : memref<2x4x128x32xf32, #tpu.memory_space<vmem>> -> memref<1x1x128x32xf32, #tpu.memory_space<vmem>>
      %dma_start3A_102 = tpu.memref_squeeze %dma_start3A_101 : memref<1x1x128x32xf32, #tpu.memory_space<vmem>> -> memref<128x32xf32, #tpu.memory_space<vmem>>
      tpu.enqueue_dma source(%dma_start3A_102 : memref<128x32xf32, #tpu.memory_space<vmem>>) target(%dma_start3A_98 : memref<128x32xf32, #tpu.memory_space<vmem_shared>>) target_semaphore(%run_scoped3A_91 : memref<!tpu.dma_semaphore, #tpu.memory_space<semaphore_mem>>)
      %dma_wait3A = arith.constant 0 : i32
      %dma_wait3A_103 = arith.constant 0 : i32
      %dma_wait3A_104 = tpu.memref_slice %arg8[%run_scoped3A_22, %run_scoped3A_23, %dma_wait3A, %dma_wait3A_103] : memref<2x4x128x32xf32, #tpu.memory_space<vmem>> -> memref<1x1x128x32xf32, #tpu.memory_space<vmem>>
      %dma_wait3A_105 = tpu.memref_squeeze %dma_wait3A_104 : memref<1x1x128x32xf32, #tpu.memory_space<vmem>> -> memref<128x32xf32, #tpu.memory_space<vmem>>
      %dma_wait3A_106 = arith.constant 0 : i32
      %dma_wait3A_107 = tpu.memref_slice %arg9[%add3A_21, %dma_wait3A_106] : memref<10016x32xf32, #tpu.memory_space<vmem_shared>> -> memref<128x32xf32, #tpu.memory_space<vmem_shared>>
      %dma_wait3A_108 = arith.constant 0 : i32
      %dma_wait3A_109 = tpu.memref_slice %arg9[%add3A_21, %dma_wait3A_108] : memref<10016x32xf32, #tpu.memory_space<vmem_shared>> -> memref<128x32xf32, #tpu.memory_space<vmem_shared>>
      %dma_wait3A_110 = arith.constant 0 : i32
      %dma_wait3A_111 = arith.constant 0 : i32
      %dma_wait3A_112 = tpu.memref_slice %arg8[%run_scoped3A_22, %run_scoped3A_23, %dma_wait3A_110, %dma_wait3A_111] : memref<2x4x128x32xf32, #tpu.memory_space<vmem>> -> memref<1x1x128x32xf32, #tpu.memory_space<vmem>>
      %dma_wait3A_113 = tpu.memref_squeeze %dma_wait3A_112 : memref<1x1x128x32xf32, #tpu.memory_space<vmem>> -> memref<128x32xf32, #tpu.memory_space<vmem>>
      tpu.wait_dma2 semaphore(%run_scoped3A_91 : memref<!tpu.dma_semaphore, #tpu.memory_space<semaphore_mem>>) src(%dma_wait3A_113 : memref<128x32xf32, #tpu.memory_space<vmem>>) dst(%dma_wait3A_109 : memref<128x32xf32, #tpu.memory_space<vmem_shared>>)
      tpu.yield
    }) : () -> ()
    %mul3A_24 = arith.constant 626 : i32
    %mul3A_25 = arith.muli %arg1, %mul3A_24 : i32
    %add3A_26 = arith.constant 256 : i32
    %add3A_27 = arith.addi %mul3A_25, %add3A_26 : i32
    %run_scoped3A_28 = arith.constant 0 : i32
    %run_scoped3A_29 = arith.constant 2 : i32
    "tpu.region"() ({
      %run_scoped3A_91 = tpu.sem_alloc : memref<!tpu.dma_semaphore, #tpu.memory_space<semaphore_mem>>
      %dma_start3A = arith.constant 0 : i32
      %dma_start3A_92 = arith.constant 0 : i32
      %dma_start3A_93 = tpu.memref_slice %arg8[%run_scoped3A_28, %run_scoped3A_29, %dma_start3A, %dma_start3A_92] : memref<2x4x128x32xf32, #tpu.memory_space<vmem>> -> memref<1x1x128x32xf32, #tpu.memory_space<vmem>>
      %dma_start3A_94 = tpu.memref_squeeze %dma_start3A_93 : memref<1x1x128x32xf32, #tpu.memory_space<vmem>> -> memref<128x32xf32, #tpu.memory_space<vmem>>
      %dma_start3A_95 = arith.constant 0 : i32
      %dma_start3A_96 = tpu.memref_slice %arg9[%add3A_27, %dma_start3A_95] : memref<10016x32xf32, #tpu.memory_space<vmem_shared>> -> memref<128x32xf32, #tpu.memory_space<vmem_shared>>
      %dma_start3A_97 = arith.constant 0 : i32
      %dma_start3A_98 = tpu.memref_slice %arg9[%add3A_27, %dma_start3A_97] : memref<10016x32xf32, #tpu.memory_space<vmem_shared>> -> memref<128x32xf32, #tpu.memory_space<vmem_shared>>
      %dma_start3A_99 = arith.constant 0 : i32
      %dma_start3A_100 = arith.constant 0 : i32
      %dma_start3A_101 = tpu.memref_slice %arg8[%run_scoped3A_28, %run_scoped3A_29, %dma_start3A_99, %dma_start3A_100] : memref<2x4x128x32xf32, #tpu.memory_space<vmem>> -> memref<1x1x128x32xf32, #tpu.memory_space<vmem>>
      %dma_start3A_102 = tpu.memref_squeeze %dma_start3A_101 : memref<1x1x128x32xf32, #tpu.memory_space<vmem>> -> memref<128x32xf32, #tpu.memory_space<vmem>>
      tpu.enqueue_dma source(%dma_start3A_102 : memref<128x32xf32, #tpu.memory_space<vmem>>) target(%dma_start3A_98 : memref<128x32xf32, #tpu.memory_space<vmem_shared>>) target_semaphore(%run_scoped3A_91 : memref<!tpu.dma_semaphore, #tpu.memory_space<semaphore_mem>>)
      %dma_wait3A = arith.constant 0 : i32
      %dma_wait3A_103 = arith.constant 0 : i32
      %dma_wait3A_104 = tpu.memref_slice %arg8[%run_scoped3A_28, %run_scoped3A_29, %dma_wait3A, %dma_wait3A_103] : memref<2x4x128x32xf32, #tpu.memory_space<vmem>> -> memref<1x1x128x32xf32, #tpu.memory_space<vmem>>
      %dma_wait3A_105 = tpu.memref_squeeze %dma_wait3A_104 : memref<1x1x128x32xf32, #tpu.memory_space<vmem>> -> memref<128x32xf32, #tpu.memory_space<vmem>>
      %dma_wait3A_106 = arith.constant 0 : i32
      %dma_wait3A_107 = tpu.memref_slice %arg9[%add3A_27, %dma_wait3A_106] : memref<10016x32xf32, #tpu.memory_space<vmem_shared>> -> memref<128x32xf32, #tpu.memory_space<vmem_shared>>
      %dma_wait3A_108 = arith.constant 0 : i32
      %dma_wait3A_109 = tpu.memref_slice %arg9[%add3A_27, %dma_wait3A_108] : memref<10016x32xf32, #tpu.memory_space<vmem_shared>> -> memref<128x32xf32, #tpu.memory_space<vmem_shared>>
      %dma_wait3A_110 = arith.constant 0 : i32
      %dma_wait3A_111 = arith.constant 0 : i32
      %dma_wait3A_112 = tpu.memref_slice %arg8[%run_scoped3A_28, %run_scoped3A_29, %dma_wait3A_110, %dma_wait3A_111] : memref<2x4x128x32xf32, #tpu.memory_space<vmem>> -> memref<1x1x128x32xf32, #tpu.memory_space<vmem>>
      %dma_wait3A_113 = tpu.memref_squeeze %dma_wait3A_112 : memref<1x1x128x32xf32, #tpu.memory_space<vmem>> -> memref<128x32xf32, #tpu.memory_space<vmem>>
      tpu.wait_dma2 semaphore(%run_scoped3A_91 : memref<!tpu.dma_semaphore, #tpu.memory_space<semaphore_mem>>) src(%dma_wait3A_113 : memref<128x32xf32, #tpu.memory_space<vmem>>) dst(%dma_wait3A_109 : memref<128x32xf32, #tpu.memory_space<vmem_shared>>)
      tpu.yield
    }) : () -> ()
    %mul3A_30 = arith.constant 626 : i32
    %mul3A_31 = arith.muli %arg1, %mul3A_30 : i32
    %add3A_32 = arith.constant 384 : i32
    %add3A_33 = arith.addi %mul3A_31, %add3A_32 : i32
    %run_scoped3A_34 = arith.constant 0 : i32
    %run_scoped3A_35 = arith.constant 3 : i32
    "tpu.region"() ({
      %run_scoped3A_91 = tpu.sem_alloc : memref<!tpu.dma_semaphore, #tpu.memory_space<semaphore_mem>>
      %dma_start3A = arith.constant 0 : i32
      %dma_start3A_92 = arith.constant 0 : i32
      %dma_start3A_93 = tpu.memref_slice %arg8[%run_scoped3A_34, %run_scoped3A_35, %dma_start3A, %dma_start3A_92] : memref<2x4x128x32xf32, #tpu.memory_space<vmem>> -> memref<1x1x128x32xf32, #tpu.memory_space<vmem>>
      %dma_start3A_94 = tpu.memref_squeeze %dma_start3A_93 : memref<1x1x128x32xf32, #tpu.memory_space<vmem>> -> memref<128x32xf32, #tpu.memory_space<vmem>>
      %dma_start3A_95 = arith.constant 0 : i32
      %dma_start3A_96 = tpu.memref_slice %arg9[%add3A_33, %dma_start3A_95] : memref<10016x32xf32, #tpu.memory_space<vmem_shared>> -> memref<128x32xf32, #tpu.memory_space<vmem_shared>>
      %dma_start3A_97 = arith.constant 0 : i32
      %dma_start3A_98 = tpu.memref_slice %arg9[%add3A_33, %dma_start3A_97] : memref<10016x32xf32, #tpu.memory_space<vmem_shared>> -> memref<128x32xf32, #tpu.memory_space<vmem_shared>>
      %dma_start3A_99 = arith.constant 0 : i32
      %dma_start3A_100 = arith.constant 0 : i32
      %dma_start3A_101 = tpu.memref_slice %arg8[%run_scoped3A_34, %run_scoped3A_35, %dma_start3A_99, %dma_start3A_100] : memref<2x4x128x32xf32, #tpu.memory_space<vmem>> -> memref<1x1x128x32xf32, #tpu.memory_space<vmem>>
      %dma_start3A_102 = tpu.memref_squeeze %dma_start3A_101 : memref<1x1x128x32xf32, #tpu.memory_space<vmem>> -> memref<128x32xf32, #tpu.memory_space<vmem>>
      tpu.enqueue_dma source(%dma_start3A_102 : memref<128x32xf32, #tpu.memory_space<vmem>>) target(%dma_start3A_98 : memref<128x32xf32, #tpu.memory_space<vmem_shared>>) target_semaphore(%run_scoped3A_91 : memref<!tpu.dma_semaphore, #tpu.memory_space<semaphore_mem>>)
      %dma_wait3A = arith.constant 0 : i32
      %dma_wait3A_103 = arith.constant 0 : i32
      %dma_wait3A_104 = tpu.memref_slice %arg8[%run_scoped3A_34, %run_scoped3A_35, %dma_wait3A, %dma_wait3A_103] : memref<2x4x128x32xf32, #tpu.memory_space<vmem>> -> memref<1x1x128x32xf32, #tpu.memory_space<vmem>>
      %dma_wait3A_105 = tpu.memref_squeeze %dma_wait3A_104 : memref<1x1x128x32xf32, #tpu.memory_space<vmem>> -> memref<128x32xf32, #tpu.memory_space<vmem>>
      %dma_wait3A_106 = arith.constant 0 : i32
      %dma_wait3A_107 = tpu.memref_slice %arg9[%add3A_33, %dma_wait3A_106] : memref<10016x32xf32, #tpu.memory_space<vmem_shared>> -> memref<128x32xf32, #tpu.memory_space<vmem_shared>>
      %dma_wait3A_108 = arith.constant 0 : i32
      %dma_wait3A_109 = tpu.memref_slice %arg9[%add3A_33, %dma_wait3A_108] : memref<10016x32xf32, #tpu.memory_space<vmem_shared>> -> memref<128x32xf32, #tpu.memory_space<vmem_shared>>
      %dma_wait3A_110 = arith.constant 0 : i32
      %dma_wait3A_111 = arith.constant 0 : i32
      %dma_wait3A_112 = tpu.memref_slice %arg8[%run_scoped3A_34, %run_scoped3A_35, %dma_wait3A_110, %dma_wait3A_111] : memref<2x4x128x32xf32, #tpu.memory_space<vmem>> -> memref<1x1x128x32xf32, #tpu.memory_space<vmem>>
      %dma_wait3A_113 = tpu.memref_squeeze %dma_wait3A_112 : memref<1x1x128x32xf32, #tpu.memory_space<vmem>> -> memref<128x32xf32, #tpu.memory_space<vmem>>
      tpu.wait_dma2 semaphore(%run_scoped3A_91 : memref<!tpu.dma_semaphore, #tpu.memory_space<semaphore_mem>>) src(%dma_wait3A_113 : memref<128x32xf32, #tpu.memory_space<vmem>>) dst(%dma_wait3A_109 : memref<128x32xf32, #tpu.memory_space<vmem_shared>>)
      tpu.yield
    }) : () -> ()
    %mul3A_36 = arith.constant 626 : i32
    %mul3A_37 = arith.muli %arg1, %mul3A_36 : i32
    %add3A_38 = arith.constant 512 : i32
    %add3A_39 = arith.addi %mul3A_37, %add3A_38 : i32
    %run_scoped3A_40 = arith.constant 0 : i32
    %run_scoped3A_41 = arith.constant 0 : i32
    "tpu.region"() ({
      %run_scoped3A_91 = tpu.sem_alloc : memref<!tpu.dma_semaphore, #tpu.memory_space<semaphore_mem>>
      %dma_start3A = arith.constant 0 : i32
      %dma_start3A_92 = arith.constant 0 : i32
      %dma_start3A_93 = tpu.memref_slice %arg8[%run_scoped3A_40, %run_scoped3A_41, %dma_start3A, %dma_start3A_92] : memref<2x4x128x32xf32, #tpu.memory_space<vmem>> -> memref<1x1x114x32xf32, #tpu.memory_space<vmem>>
      %dma_start3A_94 = tpu.memref_squeeze %dma_start3A_93 : memref<1x1x114x32xf32, #tpu.memory_space<vmem>> -> memref<114x32xf32, #tpu.memory_space<vmem>>
      %dma_start3A_95 = arith.constant 0 : i32
      %dma_start3A_96 = tpu.memref_slice %arg9[%add3A_39, %dma_start3A_95] : memref<10016x32xf32, #tpu.memory_space<vmem_shared>> -> memref<114x32xf32, #tpu.memory_space<vmem_shared>>
      %dma_start3A_97 = arith.constant 0 : i32
      %dma_start3A_98 = tpu.memref_slice %arg9[%add3A_39, %dma_start3A_97] : memref<10016x32xf32, #tpu.memory_space<vmem_shared>> -> memref<114x32xf32, #tpu.memory_space<vmem_shared>>
      %dma_start3A_99 = arith.constant 0 : i32
      %dma_start3A_100 = arith.constant 0 : i32
      %dma_start3A_101 = tpu.memref_slice %arg8[%run_scoped3A_40, %run_scoped3A_41, %dma_start3A_99, %dma_start3A_100] : memref<2x4x128x32xf32, #tpu.memory_space<vmem>> -> memref<1x1x114x32xf32, #tpu.memory_space<vmem>>
      %dma_start3A_102 = tpu.memref_squeeze %dma_start3A_101 : memref<1x1x114x32xf32, #tpu.memory_space<vmem>> -> memref<114x32xf32, #tpu.memory_space<vmem>>
      tpu.enqueue_dma source(%dma_start3A_102 : memref<114x32xf32, #tpu.memory_space<vmem>>) target(%dma_start3A_98 : memref<114x32xf32, #tpu.memory_space<vmem_shared>>) target_semaphore(%run_scoped3A_91 : memref<!tpu.dma_semaphore, #tpu.memory_space<semaphore_mem>>)
      %dma_wait3A = arith.constant 0 : i32
      %dma_wait3A_103 = arith.constant 0 : i32
      %dma_wait3A_104 = tpu.memref_slice %arg8[%run_scoped3A_40, %run_scoped3A_41, %dma_wait3A, %dma_wait3A_103] : memref<2x4x128x32xf32, #tpu.memory_space<vmem>> -> memref<1x1x114x32xf32, #tpu.memory_space<vmem>>
      %dma_wait3A_105 = tpu.memref_squeeze %dma_wait3A_104 : memref<1x1x114x32xf32, #tpu.memory_space<vmem>> -> memref<114x32xf32, #tpu.memory_space<vmem>>
      %dma_wait3A_106 = arith.constant 0 : i32
      %dma_wait3A_107 = tpu.memref_slice %arg9[%add3A_39, %dma_wait3A_106] : memref<10016x32xf32, #tpu.memory_space<vmem_shared>> -> memref<114x32xf32, #tpu.memory_space<vmem_shared>>
      %dma_wait3A_108 = arith.constant 0 : i32
      %dma_wait3A_109 = tpu.memref_slice %arg9[%add3A_39, %dma_wait3A_108] : memref<10016x32xf32, #tpu.memory_space<vmem_shared>> -> memref<114x32xf32, #tpu.memory_space<vmem_shared>>
      %dma_wait3A_110 = arith.constant 0 : i32
      %dma_wait3A_111 = arith.constant 0 : i32
      %dma_wait3A_112 = tpu.memref_slice %arg8[%run_scoped3A_40, %run_scoped3A_41, %dma_wait3A_110, %dma_wait3A_111] : memref<2x4x128x32xf32, #tpu.memory_space<vmem>> -> memref<1x1x114x32xf32, #tpu.memory_space<vmem>>
      %dma_wait3A_113 = tpu.memref_squeeze %dma_wait3A_112 : memref<1x1x114x32xf32, #tpu.memory_space<vmem>> -> memref<114x32xf32, #tpu.memory_space<vmem>>
      tpu.wait_dma2 semaphore(%run_scoped3A_91 : memref<!tpu.dma_semaphore, #tpu.memory_space<semaphore_mem>>) src(%dma_wait3A_113 : memref<114x32xf32, #tpu.memory_space<vmem>>) dst(%dma_wait3A_109 : memref<114x32xf32, #tpu.memory_space<vmem_shared>>)
      tpu.yield
    }) : () -> ()
    "tpu.trace_stop"() : () -> ()
    %barrier3A = arith.constant 0 : index
    tpu.barrier barrier_id(%barrier3A)
    %sc_fetch_and_add3A = arith.constant 1 : i32
    %sc_fetch_and_add3A_42 = arith.constant 0 : i32
    %sc_fetch_and_add3A_43 = arith.constant 0 : i32
    "tpu.trace_start"() <{level = 10 : i32, message = "edges"}> : () -> ()
    %sc_fetch_and_add3A_44 = tpu.fetch_and_add_sync %arg10[%sc_fetch_and_add3A_42], %sc_fetch_and_add3A, %sc_fetch_and_add3A_43 : memref<1xi32, #tpu.memory_space<smem>>, i32 -> i32
    %lt3A = arith.cmpi slt, %sc_fetch_and_add3A_44, %select_n3A : i32
    %convert_element_type3A_45 = arith.extui %lt3A : i1 to i32
    %cond3A_46 = arith.constant 0 : i32
    %cond3A_47 = arith.cmpi ne, %convert_element_type3A_45, %cond3A_46 : i32
    scf.if %cond3A_47 {
      %add3A_91 = arith.addi %select_n3A_6, %sc_fetch_and_add3A_44 : i32
      %mul3A_92 = arith.constant 4 : i32
      %mul3A_93 = arith.muli %add3A_91, %mul3A_92 : i32
      %dma_start3A = arith.constant 0 : i32
      %dma_start3A_94 = arith.constant 0 : i32
      %dma_start3A_95 = arith.constant 0 : i32
      %dma_start3A_96 = tpu.memref_slice %arg6[%dma_start3A, %dma_start3A_94, %dma_start3A_95] : memref<2x4x128xi32, #tpu.memory_space<vmem>> -> memref<1x4x128xi32, #tpu.memory_space<vmem>>
      %dma_start3A_97 = tpu.memref_squeeze %dma_start3A_96 : memref<1x4x128xi32, #tpu.memory_space<vmem>> -> memref<4x128xi32, #tpu.memory_space<vmem>>
      %dma_start3A_98 = arith.constant 0 : i32
      %dma_start3A_99 = tpu.memref_slice %arg3[%mul3A_93, %dma_start3A_98] : memref<2560x128xi32, #tpu.memory_space<hbm>> -> memref<4x128xi32, #tpu.memory_space<hbm>>
      %dma_start3A_100 = arith.constant 0 : i32
      %dma_start3A_101 = arith.constant 0 : i32
      %dma_start3A_102 = tpu.memref_slice %arg6[%dma_start3A, %dma_start3A_100, %dma_start3A_101] : memref<2x4x128xi32, #tpu.memory_space<vmem>> -> memref<1x4x128xi32, #tpu.memory_space<vmem>>
      %dma_start3A_103 = tpu.memref_squeeze %dma_start3A_102 : memref<1x4x128xi32, #tpu.memory_space<vmem>> -> memref<4x128xi32, #tpu.memory_space<vmem>>
      %dma_start3A_104 = arith.constant 0 : i32
      %dma_start3A_105 = tpu.memref_slice %arg3[%mul3A_93, %dma_start3A_104] : memref<2560x128xi32, #tpu.memory_space<hbm>> -> memref<4x128xi32, #tpu.memory_space<hbm>>
      tpu.enqueue_dma source(%dma_start3A_105 : memref<4x128xi32, #tpu.memory_space<hbm>>) target(%dma_start3A_103 : memref<4x128xi32, #tpu.memory_space<vmem>>) target_semaphore(%arg11 : memref<!tpu.dma_semaphore, #tpu.memory_space<semaphore_mem>>)
      %dma_start3A_106 = arith.constant 0 : i32
      %dma_start3A_107 = arith.constant 0 : i32
      %dma_start3A_108 = arith.constant 0 : i32
      %dma_start3A_109 = tpu.memref_slice %arg7[%dma_start3A_106, %dma_start3A_107, %dma_start3A_108] : memref<2x4x128xi32, #tpu.memory_space<vmem>> -> memref<1x4x128xi32, #tpu.memory_space<vmem>>
      %dma_start3A_110 = tpu.memref_squeeze %dma_start3A_109 : memref<1x4x128xi32, #tpu.memory_space<vmem>> -> memref<4x128xi32, #tpu.memory_space<vmem>>
      %dma_start3A_111 = arith.constant 0 : i32
      %dma_start3A_112 = tpu.memref_slice %arg4[%mul3A_93, %dma_start3A_111] : memref<2560x128xi32, #tpu.memory_space<hbm>> -> memref<4x128xi32, #tpu.memory_space<hbm>>
      %dma_start3A_113 = arith.constant 0 : i32
      %dma_start3A_114 = arith.constant 0 : i32
      %dma_start3A_115 = tpu.memref_slice %arg7[%dma_start3A_106, %dma_start3A_113, %dma_start3A_114] : memref<2x4x128xi32, #tpu.memory_space<vmem>> -> memref<1x4x128xi32, #tpu.memory_space<vmem>>
      %dma_start3A_116 = tpu.memref_squeeze %dma_start3A_115 : memref<1x4x128xi32, #tpu.memory_space<vmem>> -> memref<4x128xi32, #tpu.memory_space<vmem>>
      %dma_start3A_117 = arith.constant 0 : i32
      %dma_start3A_118 = tpu.memref_slice %arg4[%mul3A_93, %dma_start3A_117] : memref<2560x128xi32, #tpu.memory_space<hbm>> -> memref<4x128xi32, #tpu.memory_space<hbm>>
      tpu.enqueue_dma source(%dma_start3A_118 : memref<4x128xi32, #tpu.memory_space<hbm>>) target(%dma_start3A_116 : memref<4x128xi32, #tpu.memory_space<vmem>>) target_semaphore(%arg11 : memref<!tpu.dma_semaphore, #tpu.memory_space<semaphore_mem>>)
    } else {
    }
    %sc_fetch_and_add3A_48 = arith.constant 1 : i32
    %sc_fetch_and_add3A_49 = arith.constant 0 : i32
    %sc_fetch_and_add3A_50 = arith.constant 0 : i32
    %sc_fetch_and_add3A_51 = tpu.fetch_and_add_sync %arg10[%sc_fetch_and_add3A_49], %sc_fetch_and_add3A_48, %sc_fetch_and_add3A_50 : memref<1xi32, #tpu.memory_space<smem>>, i32 -> i32
    %lt3A_52 = arith.cmpi slt, %sc_fetch_and_add3A_51, %select_n3A : i32
    %convert_element_type3A_53 = arith.extui %lt3A_52 : i1 to i32
    %cond3A_54 = arith.constant 0 : i32
    %cond3A_55 = arith.cmpi ne, %convert_element_type3A_53, %cond3A_54 : i32
    scf.if %cond3A_55 {
      %add3A_91 = arith.addi %select_n3A_6, %sc_fetch_and_add3A_51 : i32
      %mul3A_92 = arith.constant 4 : i32
      %mul3A_93 = arith.muli %add3A_91, %mul3A_92 : i32
      %dma_start3A = arith.constant 1 : i32
      %dma_start3A_94 = arith.constant 0 : i32
      %dma_start3A_95 = arith.constant 0 : i32
      %dma_start3A_96 = tpu.memref_slice %arg6[%dma_start3A, %dma_start3A_94, %dma_start3A_95] : memref<2x4x128xi32, #tpu.memory_space<vmem>> -> memref<1x4x128xi32, #tpu.memory_space<vmem>>
      %dma_start3A_97 = tpu.memref_squeeze %dma_start3A_96 : memref<1x4x128xi32, #tpu.memory_space<vmem>> -> memref<4x128xi32, #tpu.memory_space<vmem>>
      %dma_start3A_98 = arith.constant 0 : i32
      %dma_start3A_99 = tpu.memref_slice %arg3[%mul3A_93, %dma_start3A_98] : memref<2560x128xi32, #tpu.memory_space<hbm>> -> memref<4x128xi32, #tpu.memory_space<hbm>>
      %dma_start3A_100 = arith.constant 0 : i32
      %dma_start3A_101 = arith.constant 0 : i32
      %dma_start3A_102 = tpu.memref_slice %arg6[%dma_start3A, %dma_start3A_100, %dma_start3A_101] : memref<2x4x128xi32, #tpu.memory_space<vmem>> -> memref<1x4x128xi32, #tpu.memory_space<vmem>>
      %dma_start3A_103 = tpu.memref_squeeze %dma_start3A_102 : memref<1x4x128xi32, #tpu.memory_space<vmem>> -> memref<4x128xi32, #tpu.memory_space<vmem>>
      %dma_start3A_104 = arith.constant 0 : i32
      %dma_start3A_105 = tpu.memref_slice %arg3[%mul3A_93, %dma_start3A_104] : memref<2560x128xi32, #tpu.memory_space<hbm>> -> memref<4x128xi32, #tpu.memory_space<hbm>>
      tpu.enqueue_dma source(%dma_start3A_105 : memref<4x128xi32, #tpu.memory_space<hbm>>) target(%dma_start3A_103 : memref<4x128xi32, #tpu.memory_space<vmem>>) target_semaphore(%arg12 : memref<!tpu.dma_semaphore, #tpu.memory_space<semaphore_mem>>)
      %dma_start3A_106 = arith.constant 1 : i32
      %dma_start3A_107 = arith.constant 0 : i32
      %dma_start3A_108 = arith.constant 0 : i32
      %dma_start3A_109 = tpu.memref_slice %arg7[%dma_start3A_106, %dma_start3A_107, %dma_start3A_108] : memref<2x4x128xi32, #tpu.memory_space<vmem>> -> memref<1x4x128xi32, #tpu.memory_space<vmem>>
      %dma_start3A_110 = tpu.memref_squeeze %dma_start3A_109 : memref<1x4x128xi32, #tpu.memory_space<vmem>> -> memref<4x128xi32, #tpu.memory_space<vmem>>
      %dma_start3A_111 = arith.constant 0 : i32
      %dma_start3A_112 = tpu.memref_slice %arg4[%mul3A_93, %dma_start3A_111] : memref<2560x128xi32, #tpu.memory_space<hbm>> -> memref<4x128xi32, #tpu.memory_space<hbm>>
      %dma_start3A_113 = arith.constant 0 : i32
      %dma_start3A_114 = arith.constant 0 : i32
      %dma_start3A_115 = tpu.memref_slice %arg7[%dma_start3A_106, %dma_start3A_113, %dma_start3A_114] : memref<2x4x128xi32, #tpu.memory_space<vmem>> -> memref<1x4x128xi32, #tpu.memory_space<vmem>>
      %dma_start3A_116 = tpu.memref_squeeze %dma_start3A_115 : memref<1x4x128xi32, #tpu.memory_space<vmem>> -> memref<4x128xi32, #tpu.memory_space<vmem>>
      %dma_start3A_117 = arith.constant 0 : i32
      %dma_start3A_118 = tpu.memref_slice %arg4[%mul3A_93, %dma_start3A_117] : memref<2560x128xi32, #tpu.memory_space<hbm>> -> memref<4x128xi32, #tpu.memory_space<hbm>>
      tpu.enqueue_dma source(%dma_start3A_118 : memref<4x128xi32, #tpu.memory_space<hbm>>) target(%dma_start3A_116 : memref<4x128xi32, #tpu.memory_space<vmem>>) target_semaphore(%arg12 : memref<!tpu.dma_semaphore, #tpu.memory_space<semaphore_mem>>)
    } else {
    }
    %jit3A_56 = arith.constant 2 : i32
    %div3A = arith.divsi %select_n3A, %jit3A_56 : i32
    %sign3A = arith.constant 0 : i32
    %sign3A_57 = arith.cmpi sgt, %select_n3A, %sign3A : i32
    %sign3A_58 = arith.extui %sign3A_57 : i1 to i32
    %sign3A_59 = arith.constant 0 : i32
    %sign3A_60 = arith.cmpi slt, %select_n3A, %sign3A_59 : i32
    %sign3A_61 = arith.extui %sign3A_60 : i1 to i32
    %sign3A_62 = arith.subi %sign3A_58, %sign3A_61 : i32
    %sign3A_63 = arith.constant 0 : i32
    %sign3A_64 = arith.cmpi sgt, %jit3A_56, %sign3A_63 : i32
    %sign3A_65 = arith.extui %sign3A_64 : i1 to i32
    %sign3A_66 = arith.constant 0 : i32
    %sign3A_67 = arith.cmpi slt, %jit3A_56, %sign3A_66 : i32
    %sign3A_68 = arith.extui %sign3A_67 : i1 to i32
    %sign3A_69 = arith.subi %sign3A_65, %sign3A_68 : i32
    %ne3A = arith.cmpi ne, %sign3A_62, %sign3A_69 : i32
    %rem3A = arith.remsi %select_n3A, %jit3A_56 : i32
    %ne3A_70 = arith.constant 0 : i32
    %ne3A_71 = arith.cmpi ne, %rem3A, %ne3A_70 : i32
    %and3A = arith.andi %ne3A, %ne3A_71 : i1
    %sub3A = arith.constant 1 : i32
    %sub3A_72 = arith.subi %div3A, %sub3A : i32
    %select_n3A_73 = arith.select %and3A, %sub3A_72, %div3A : i32
    %add3A_74 = arith.constant 2 : i32
    %add3A_75 = arith.addi %select_n3A_73, %add3A_74 : i32
    %while3A = arith.constant 0 : i32
    %while3A_76 = arith.subi %add3A_75, %while3A : i32
    %while3A_77 = arith.addi %while3A, %while3A_76 : i32
    %while3A_78 = arith.constant 1 : i32
    %while3A_79 = arith.divsi %while3A_76, %while3A_78 : i32
    %while3A_80 = arith.muli %while3A_79, %while3A_78 : i32
    %while3A_81 = arith.addi %while3A, %while3A_80 : i32
    %while3A_82 = arith.constant 1 : i32
    %while3A_83:2 = scf.for %while3A_91 = %while3A to %while3A_81 step %while3A_82 iter_args(%while3A_92 = %sc_fetch_and_add3A_44, %while3A_93 = %sc_fetch_and_add3A_51) -> (i32, i32)  : i32 {
      %lt3A_94 = arith.cmpi slt, %while3A_92, %select_n3A : i32
      %convert_element_type3A_95 = arith.extui %lt3A_94 : i1 to i32
      %cond3A_96 = arith.constant 0 : i32
      %cond3A_97 = arith.cmpi ne, %convert_element_type3A_95, %cond3A_96 : i32
      scf.if %cond3A_97 {
        %dma_wait3A = arith.constant 0 : i32
        %dma_wait3A_120 = arith.constant 0 : i32
        %dma_wait3A_121 = arith.constant 0 : i32
        %dma_wait3A_122 = tpu.memref_slice %arg6[%dma_wait3A, %dma_wait3A_120, %dma_wait3A_121] : memref<2x4x128xi32, #tpu.memory_space<vmem>> -> memref<1x4x128xi32, #tpu.memory_space<vmem>>
        %dma_wait3A_123 = tpu.memref_squeeze %dma_wait3A_122 : memref<1x4x128xi32, #tpu.memory_space<vmem>> -> memref<4x128xi32, #tpu.memory_space<vmem>>
        %dma_wait3A_124 = arith.constant 0 : i32
        %dma_wait3A_125 = arith.constant 0 : i32
        %dma_wait3A_126 = tpu.memref_slice %arg3[%dma_wait3A_124, %dma_wait3A_125] : memref<2560x128xi32, #tpu.memory_space<hbm>> -> memref<4x128xi32, #tpu.memory_space<hbm>>
        %dma_wait3A_127 = arith.constant 0 : i32
        %dma_wait3A_128 = arith.constant 0 : i32
        %dma_wait3A_129 = tpu.memref_slice %arg6[%dma_wait3A, %dma_wait3A_127, %dma_wait3A_128] : memref<2x4x128xi32, #tpu.memory_space<vmem>> -> memref<1x4x128xi32, #tpu.memory_space<vmem>>
        %dma_wait3A_130 = tpu.memref_squeeze %dma_wait3A_129 : memref<1x4x128xi32, #tpu.memory_space<vmem>> -> memref<4x128xi32, #tpu.memory_space<vmem>>
        %dma_wait3A_131 = arith.constant 0 : i32
        %dma_wait3A_132 = arith.constant 0 : i32
        %dma_wait3A_133 = tpu.memref_slice %arg3[%dma_wait3A_131, %dma_wait3A_132] : memref<2560x128xi32, #tpu.memory_space<hbm>> -> memref<4x128xi32, #tpu.memory_space<hbm>>
        tpu.wait_dma2 semaphore(%arg11 : memref<!tpu.dma_semaphore, #tpu.memory_space<semaphore_mem>>) src(%dma_wait3A_133 : memref<4x128xi32, #tpu.memory_space<hbm>>) dst(%dma_wait3A_130 : memref<4x128xi32, #tpu.memory_space<vmem>>)
        %dma_wait3A_134 = arith.constant 0 : i32
        %dma_wait3A_135 = arith.constant 0 : i32
        %dma_wait3A_136 = arith.constant 0 : i32
        %dma_wait3A_137 = tpu.memref_slice %arg7[%dma_wait3A_134, %dma_wait3A_135, %dma_wait3A_136] : memref<2x4x128xi32, #tpu.memory_space<vmem>> -> memref<1x4x128xi32, #tpu.memory_space<vmem>>
        %dma_wait3A_138 = tpu.memref_squeeze %dma_wait3A_137 : memref<1x4x128xi32, #tpu.memory_space<vmem>> -> memref<4x128xi32, #tpu.memory_space<vmem>>
        %dma_wait3A_139 = arith.constant 0 : i32
        %dma_wait3A_140 = arith.constant 0 : i32
        %dma_wait3A_141 = tpu.memref_slice %arg4[%dma_wait3A_139, %dma_wait3A_140] : memref<2560x128xi32, #tpu.memory_space<hbm>> -> memref<4x128xi32, #tpu.memory_space<hbm>>
        %dma_wait3A_142 = arith.constant 0 : i32
        %dma_wait3A_143 = arith.constant 0 : i32
        %dma_wait3A_144 = tpu.memref_slice %arg7[%dma_wait3A_134, %dma_wait3A_142, %dma_wait3A_143] : memref<2x4x128xi32, #tpu.memory_space<vmem>> -> memref<1x4x128xi32, #tpu.memory_space<vmem>>
        %dma_wait3A_145 = tpu.memref_squeeze %dma_wait3A_144 : memref<1x4x128xi32, #tpu.memory_space<vmem>> -> memref<4x128xi32, #tpu.memory_space<vmem>>
        %dma_wait3A_146 = arith.constant 0 : i32
        %dma_wait3A_147 = arith.constant 0 : i32
        %dma_wait3A_148 = tpu.memref_slice %arg4[%dma_wait3A_146, %dma_wait3A_147] : memref<2560x128xi32, #tpu.memory_space<hbm>> -> memref<4x128xi32, #tpu.memory_space<hbm>>
        tpu.wait_dma2 semaphore(%arg11 : memref<!tpu.dma_semaphore, #tpu.memory_space<semaphore_mem>>) src(%dma_wait3A_148 : memref<4x128xi32, #tpu.memory_space<hbm>>) dst(%dma_wait3A_145 : memref<4x128xi32, #tpu.memory_space<vmem>>)
        %dma_start3A = arith.constant 0 : i32
        %dma_start3A_149 = arith.constant 0 : i32
        %dma_start3A_150 = arith.constant 0 : i32
        %dma_start3A_151 = arith.constant 0 : i32
        %dma_start3A_152 = arith.constant 0 : i32
        %dma_start3A_153 = arith.constant 0 : i32
        %dma_start3A_154 = tpu.memref_slice %arg8[%dma_start3A_150, %dma_start3A_151, %dma_start3A_152, %dma_start3A_153] : memref<2x4x128x32xf32, #tpu.memory_space<vmem>> -> memref<1x1x128x32xf32, #tpu.memory_space<vmem>>
        %dma_start3A_155 = tpu.memref_squeeze %dma_start3A_154 : memref<1x1x128x32xf32, #tpu.memory_space<vmem>> -> memref<128x32xf32, #tpu.memory_space<vmem>>
        %dma_start3A_156 = arith.constant 0 : i32
        %dma_start3A_157 = tpu.memref_slice %arg6[%dma_start3A, %dma_start3A_149, %dma_start3A_156] : memref<2x4x128xi32, #tpu.memory_space<vmem>> -> memref<1x1x128xi32, #tpu.memory_space<vmem>>
        %dma_start3A_158 = tpu.memref_squeeze %dma_start3A_157 : memref<1x1x128xi32, #tpu.memory_space<vmem>> -> memref<128xi32, #tpu.memory_space<vmem>>
        %dma_start3A_159 = arith.constant 0 : i32
        %dma_start3A_160 = arith.constant 0 : i32
        %dma_start3A_161 = tpu.memref_slice %arg2[%dma_start3A_159, %dma_start3A_160] : memref<10000x32xf32, #tpu.memory_space<hbm>> -> memref<10000x32xf32, #tpu.memory_space<hbm>>
        tpu.enqueue_indirect_dma source(%dma_start3A_161 : memref<10000x32xf32, #tpu.memory_space<hbm>>) target(%dma_start3A_155 : memref<128x32xf32, #tpu.memory_space<vmem>>) offsets(%dma_start3A_158 : memref<128xi32, #tpu.memory_space<vmem>>) semaphore(%arg13 : memref<!tpu.dma_semaphore, #tpu.memory_space<semaphore_mem>>)
        %dma_start3A_162 = arith.constant 0 : i32
        %dma_start3A_163 = arith.constant 1 : i32
        %dma_start3A_164 = arith.constant 0 : i32
        %dma_start3A_165 = arith.constant 1 : i32
        %dma_start3A_166 = arith.constant 0 : i32
        %dma_start3A_167 = arith.constant 0 : i32
        %dma_start3A_168 = tpu.memref_slice %arg8[%dma_start3A_164, %dma_start3A_165, %dma_start3A_166, %dma_start3A_167] : memref<2x4x128x32xf32, #tpu.memory_space<vmem>> -> memref<1x1x128x32xf32, #tpu.memory_space<vmem>>
        %dma_start3A_169 = tpu.memref_squeeze %dma_start3A_168 : memref<1x1x128x32xf32, #tpu.memory_space<vmem>> -> memref<128x32xf32, #tpu.memory_space<vmem>>
        %dma_start3A_170 = arith.constant 0 : i32
        %dma_start3A_171 = tpu.memref_slice %arg6[%dma_start3A_162, %dma_start3A_163, %dma_start3A_170] : memref<2x4x128xi32, #tpu.memory_space<vmem>> -> memref<1x1x128xi32, #tpu.memory_space<vmem>>
        %dma_start3A_172 = tpu.memref_squeeze %dma_start3A_171 : memref<1x1x128xi32, #tpu.memory_space<vmem>> -> memref<128xi32, #tpu.memory_space<vmem>>
        %dma_start3A_173 = arith.constant 0 : i32
        %dma_start3A_174 = arith.constant 0 : i32
        %dma_start3A_175 = tpu.memref_slice %arg2[%dma_start3A_173, %dma_start3A_174] : memref<10000x32xf32, #tpu.memory_space<hbm>> -> memref<10000x32xf32, #tpu.memory_space<hbm>>
        tpu.enqueue_indirect_dma source(%dma_start3A_175 : memref<10000x32xf32, #tpu.memory_space<hbm>>) target(%dma_start3A_169 : memref<128x32xf32, #tpu.memory_space<vmem>>) offsets(%dma_start3A_172 : memref<128xi32, #tpu.memory_space<vmem>>) semaphore(%arg14 : memref<!tpu.dma_semaphore, #tpu.memory_space<semaphore_mem>>)
        %dma_start3A_176 = arith.constant 0 : i32
        %dma_start3A_177 = arith.constant 2 : i32
        %dma_start3A_178 = arith.constant 0 : i32
        %dma_start3A_179 = arith.constant 2 : i32
        %dma_start3A_180 = arith.constant 0 : i32
        %dma_start3A_181 = arith.constant 0 : i32
        %dma_start3A_182 = tpu.memref_slice %arg8[%dma_start3A_178, %dma_start3A_179, %dma_start3A_180, %dma_start3A_181] : memref<2x4x128x32xf32, #tpu.memory_space<vmem>> -> memref<1x1x128x32xf32, #tpu.memory_space<vmem>>
        %dma_start3A_183 = tpu.memref_squeeze %dma_start3A_182 : memref<1x1x128x32xf32, #tpu.memory_space<vmem>> -> memref<128x32xf32, #tpu.memory_space<vmem>>
        %dma_start3A_184 = arith.constant 0 : i32
        %dma_start3A_185 = tpu.memref_slice %arg6[%dma_start3A_176, %dma_start3A_177, %dma_start3A_184] : memref<2x4x128xi32, #tpu.memory_space<vmem>> -> memref<1x1x128xi32, #tpu.memory_space<vmem>>
        %dma_start3A_186 = tpu.memref_squeeze %dma_start3A_185 : memref<1x1x128xi32, #tpu.memory_space<vmem>> -> memref<128xi32, #tpu.memory_space<vmem>>
        %dma_start3A_187 = arith.constant 0 : i32
        %dma_start3A_188 = arith.constant 0 : i32
        %dma_start3A_189 = tpu.memref_slice %arg2[%dma_start3A_187, %dma_start3A_188] : memref<10000x32xf32, #tpu.memory_space<hbm>> -> memref<10000x32xf32, #tpu.memory_space<hbm>>
        tpu.enqueue_indirect_dma source(%dma_start3A_189 : memref<10000x32xf32, #tpu.memory_space<hbm>>) target(%dma_start3A_183 : memref<128x32xf32, #tpu.memory_space<vmem>>) offsets(%dma_start3A_186 : memref<128xi32, #tpu.memory_space<vmem>>) semaphore(%arg15 : memref<!tpu.dma_semaphore, #tpu.memory_space<semaphore_mem>>)
        %dma_start3A_190 = arith.constant 0 : i32
        %dma_start3A_191 = arith.constant 3 : i32
        %dma_start3A_192 = arith.constant 0 : i32
        %dma_start3A_193 = arith.constant 3 : i32
        %dma_start3A_194 = arith.constant 0 : i32
        %dma_start3A_195 = arith.constant 0 : i32
        %dma_start3A_196 = tpu.memref_slice %arg8[%dma_start3A_192, %dma_start3A_193, %dma_start3A_194, %dma_start3A_195] : memref<2x4x128x32xf32, #tpu.memory_space<vmem>> -> memref<1x1x128x32xf32, #tpu.memory_space<vmem>>
        %dma_start3A_197 = tpu.memref_squeeze %dma_start3A_196 : memref<1x1x128x32xf32, #tpu.memory_space<vmem>> -> memref<128x32xf32, #tpu.memory_space<vmem>>
        %dma_start3A_198 = arith.constant 0 : i32
        %dma_start3A_199 = tpu.memref_slice %arg6[%dma_start3A_190, %dma_start3A_191, %dma_start3A_198] : memref<2x4x128xi32, #tpu.memory_space<vmem>> -> memref<1x1x128xi32, #tpu.memory_space<vmem>>
        %dma_start3A_200 = tpu.memref_squeeze %dma_start3A_199 : memref<1x1x128xi32, #tpu.memory_space<vmem>> -> memref<128xi32, #tpu.memory_space<vmem>>
        %dma_start3A_201 = arith.constant 0 : i32
        %dma_start3A_202 = arith.constant 0 : i32
        %dma_start3A_203 = tpu.memref_slice %arg2[%dma_start3A_201, %dma_start3A_202] : memref<10000x32xf32, #tpu.memory_space<hbm>> -> memref<10000x32xf32, #tpu.memory_space<hbm>>
        tpu.enqueue_indirect_dma source(%dma_start3A_203 : memref<10000x32xf32, #tpu.memory_space<hbm>>) target(%dma_start3A_197 : memref<128x32xf32, #tpu.memory_space<vmem>>) offsets(%dma_start3A_200 : memref<128xi32, #tpu.memory_space<vmem>>) semaphore(%arg16 : memref<!tpu.dma_semaphore, #tpu.memory_space<semaphore_mem>>)
        %dma_wait3A_204 = arith.constant 0 : i32
        %dma_wait3A_205 = arith.constant 0 : i32
        %dma_wait3A_206 = arith.constant 0 : i32
        %dma_wait3A_207 = arith.constant 0 : i32
        %dma_wait3A_208 = arith.constant 0 : i32
        %dma_wait3A_209 = arith.constant 0 : i32
        %dma_wait3A_210 = tpu.memref_slice %arg8[%dma_wait3A_206, %dma_wait3A_207, %dma_wait3A_208, %dma_wait3A_209] : memref<2x4x128x32xf32, #tpu.memory_space<vmem>> -> memref<1x1x128x32xf32, #tpu.memory_space<vmem>>
        %dma_wait3A_211 = tpu.memref_squeeze %dma_wait3A_210 : memref<1x1x128x32xf32, #tpu.memory_space<vmem>> -> memref<128x32xf32, #tpu.memory_space<vmem>>
        %dma_wait3A_212 = arith.constant 0 : i32
        %dma_wait3A_213 = tpu.memref_slice %arg6[%dma_wait3A_204, %dma_wait3A_205, %dma_wait3A_212] : memref<2x4x128xi32, #tpu.memory_space<vmem>> -> memref<1x1x128xi32, #tpu.memory_space<vmem>>
        %dma_wait3A_214 = tpu.memref_squeeze %dma_wait3A_213 : memref<1x1x128xi32, #tpu.memory_space<vmem>> -> memref<128xi32, #tpu.memory_space<vmem>>
        %dma_wait3A_215 = arith.constant 0 : i32
        %dma_wait3A_216 = arith.constant 0 : i32
        %dma_wait3A_217 = tpu.memref_slice %arg2[%dma_wait3A_215, %dma_wait3A_216] : memref<10000x32xf32, #tpu.memory_space<hbm>> -> memref<10000x32xf32, #tpu.memory_space<hbm>>
        tpu.wait_indirect_dma semaphore(%arg13 : memref<!tpu.dma_semaphore, #tpu.memory_space<semaphore_mem>>) src(%dma_wait3A_217 : memref<10000x32xf32, #tpu.memory_space<hbm>>) dst(%dma_wait3A_211 : memref<128x32xf32, #tpu.memory_space<vmem>>)
        %dma_start3A_218 = arith.constant 0 : i32
        %dma_start3A_219 = arith.constant 0 : i32
        %dma_start3A_220 = arith.constant 0 : i32
        %dma_start3A_221 = arith.constant 0 : i32
        %dma_start3A_222 = arith.constant 0 : i32
        %dma_start3A_223 = arith.constant 0 : i32
        %dma_start3A_224 = tpu.memref_slice %arg8[%dma_start3A_218, %dma_start3A_219, %dma_start3A_222, %dma_start3A_223] : memref<2x4x128x32xf32, #tpu.memory_space<vmem>> -> memref<1x1x128x32xf32, #tpu.memory_space<vmem>>
        %dma_start3A_225 = tpu.memref_squeeze %dma_start3A_224 : memref<1x1x128x32xf32, #tpu.memory_space<vmem>> -> memref<128x32xf32, #tpu.memory_space<vmem>>
        %dma_start3A_226 = arith.constant 0 : i32
        %dma_start3A_227 = tpu.memref_slice %arg7[%dma_start3A_220, %dma_start3A_221, %dma_start3A_226] : memref<2x4x128xi32, #tpu.memory_space<vmem>> -> memref<1x1x128xi32, #tpu.memory_space<vmem>>
        %dma_start3A_228 = tpu.memref_squeeze %dma_start3A_227 : memref<1x1x128xi32, #tpu.memory_space<vmem>> -> memref<128xi32, #tpu.memory_space<vmem>>
        %dma_start3A_229 = arith.constant 0 : i32
        %dma_start3A_230 = arith.constant 0 : i32
        %dma_start3A_231 = tpu.memref_slice %arg9[%dma_start3A_229, %dma_start3A_230] : memref<10016x32xf32, #tpu.memory_space<vmem_shared>> -> memref<10016x32xf32, #tpu.memory_space<vmem_shared>>
        tpu.enqueue_indirect_dma source(%dma_start3A_225 : memref<128x32xf32, #tpu.memory_space<vmem>>) target(%dma_start3A_231 : memref<10016x32xf32, #tpu.memory_space<vmem_shared>>) offsets(%dma_start3A_228 : memref<128xi32, #tpu.memory_space<vmem>>) semaphore(%arg21 : memref<!tpu.dma_semaphore, #tpu.memory_space<semaphore_mem>>) {add = true}
        %dma_wait3A_232 = arith.constant 0 : i32
        %dma_wait3A_233 = arith.constant 1 : i32
        %dma_wait3A_234 = arith.constant 0 : i32
        %dma_wait3A_235 = arith.constant 1 : i32
        %dma_wait3A_236 = arith.constant 0 : i32
        %dma_wait3A_237 = arith.constant 0 : i32
        %dma_wait3A_238 = tpu.memref_slice %arg8[%dma_wait3A_234, %dma_wait3A_235, %dma_wait3A_236, %dma_wait3A_237] : memref<2x4x128x32xf32, #tpu.memory_space<vmem>> -> memref<1x1x128x32xf32, #tpu.memory_space<vmem>>
        %dma_wait3A_239 = tpu.memref_squeeze %dma_wait3A_238 : memref<1x1x128x32xf32, #tpu.memory_space<vmem>> -> memref<128x32xf32, #tpu.memory_space<vmem>>
        %dma_wait3A_240 = arith.constant 0 : i32
        %dma_wait3A_241 = tpu.memref_slice %arg6[%dma_wait3A_232, %dma_wait3A_233, %dma_wait3A_240] : memref<2x4x128xi32, #tpu.memory_space<vmem>> -> memref<1x1x128xi32, #tpu.memory_space<vmem>>
        %dma_wait3A_242 = tpu.memref_squeeze %dma_wait3A_241 : memref<1x1x128xi32, #tpu.memory_space<vmem>> -> memref<128xi32, #tpu.memory_space<vmem>>
        %dma_wait3A_243 = arith.constant 0 : i32
        %dma_wait3A_244 = arith.constant 0 : i32
        %dma_wait3A_245 = tpu.memref_slice %arg2[%dma_wait3A_243, %dma_wait3A_244] : memref<10000x32xf32, #tpu.memory_space<hbm>> -> memref<10000x32xf32, #tpu.memory_space<hbm>>
        tpu.wait_indirect_dma semaphore(%arg14 : memref<!tpu.dma_semaphore, #tpu.memory_space<semaphore_mem>>) src(%dma_wait3A_245 : memref<10000x32xf32, #tpu.memory_space<hbm>>) dst(%dma_wait3A_239 : memref<128x32xf32, #tpu.memory_space<vmem>>)
        %dma_start3A_246 = arith.constant 0 : i32
        %dma_start3A_247 = arith.constant 1 : i32
        %dma_start3A_248 = arith.constant 0 : i32
        %dma_start3A_249 = arith.constant 1 : i32
        %dma_start3A_250 = arith.constant 0 : i32
        %dma_start3A_251 = arith.constant 0 : i32
        %dma_start3A_252 = tpu.memref_slice %arg8[%dma_start3A_246, %dma_start3A_247, %dma_start3A_250, %dma_start3A_251] : memref<2x4x128x32xf32, #tpu.memory_space<vmem>> -> memref<1x1x128x32xf32, #tpu.memory_space<vmem>>
        %dma_start3A_253 = tpu.memref_squeeze %dma_start3A_252 : memref<1x1x128x32xf32, #tpu.memory_space<vmem>> -> memref<128x32xf32, #tpu.memory_space<vmem>>
        %dma_start3A_254 = arith.constant 0 : i32
        %dma_start3A_255 = tpu.memref_slice %arg7[%dma_start3A_248, %dma_start3A_249, %dma_start3A_254] : memref<2x4x128xi32, #tpu.memory_space<vmem>> -> memref<1x1x128xi32, #tpu.memory_space<vmem>>
        %dma_start3A_256 = tpu.memref_squeeze %dma_start3A_255 : memref<1x1x128xi32, #tpu.memory_space<vmem>> -> memref<128xi32, #tpu.memory_space<vmem>>
        %dma_start3A_257 = arith.constant 0 : i32
        %dma_start3A_258 = arith.constant 0 : i32
        %dma_start3A_259 = tpu.memref_slice %arg9[%dma_start3A_257, %dma_start3A_258] : memref<10016x32xf32, #tpu.memory_space<vmem_shared>> -> memref<10016x32xf32, #tpu.memory_space<vmem_shared>>
        tpu.enqueue_indirect_dma source(%dma_start3A_253 : memref<128x32xf32, #tpu.memory_space<vmem>>) target(%dma_start3A_259 : memref<10016x32xf32, #tpu.memory_space<vmem_shared>>) offsets(%dma_start3A_256 : memref<128xi32, #tpu.memory_space<vmem>>) semaphore(%arg22 : memref<!tpu.dma_semaphore, #tpu.memory_space<semaphore_mem>>) {add = true}
        %dma_wait3A_260 = arith.constant 0 : i32
        %dma_wait3A_261 = arith.constant 2 : i32
        %dma_wait3A_262 = arith.constant 0 : i32
        %dma_wait3A_263 = arith.constant 2 : i32
        %dma_wait3A_264 = arith.constant 0 : i32
        %dma_wait3A_265 = arith.constant 0 : i32
        %dma_wait3A_266 = tpu.memref_slice %arg8[%dma_wait3A_262, %dma_wait3A_263, %dma_wait3A_264, %dma_wait3A_265] : memref<2x4x128x32xf32, #tpu.memory_space<vmem>> -> memref<1x1x128x32xf32, #tpu.memory_space<vmem>>
        %dma_wait3A_267 = tpu.memref_squeeze %dma_wait3A_266 : memref<1x1x128x32xf32, #tpu.memory_space<vmem>> -> memref<128x32xf32, #tpu.memory_space<vmem>>
        %dma_wait3A_268 = arith.constant 0 : i32
        %dma_wait3A_269 = tpu.memref_slice %arg6[%dma_wait3A_260, %dma_wait3A_261, %dma_wait3A_268] : memref<2x4x128xi32, #tpu.memory_space<vmem>> -> memref<1x1x128xi32, #tpu.memory_space<vmem>>
        %dma_wait3A_270 = tpu.memref_squeeze %dma_wait3A_269 : memref<1x1x128xi32, #tpu.memory_space<vmem>> -> memref<128xi32, #tpu.memory_space<vmem>>
        %dma_wait3A_271 = arith.constant 0 : i32
        %dma_wait3A_272 = arith.constant 0 : i32
        %dma_wait3A_273 = tpu.memref_slice %arg2[%dma_wait3A_271, %dma_wait3A_272] : memref<10000x32xf32, #tpu.memory_space<hbm>> -> memref<10000x32xf32, #tpu.memory_space<hbm>>
        tpu.wait_indirect_dma semaphore(%arg15 : memref<!tpu.dma_semaphore, #tpu.memory_space<semaphore_mem>>) src(%dma_wait3A_273 : memref<10000x32xf32, #tpu.memory_space<hbm>>) dst(%dma_wait3A_267 : memref<128x32xf32, #tpu.memory_space<vmem>>)
        %dma_start3A_274 = arith.constant 0 : i32
        %dma_start3A_275 = arith.constant 2 : i32
        %dma_start3A_276 = arith.constant 0 : i32
        %dma_start3A_277 = arith.constant 2 : i32
        %dma_start3A_278 = arith.constant 0 : i32
        %dma_start3A_279 = arith.constant 0 : i32
        %dma_start3A_280 = tpu.memref_slice %arg8[%dma_start3A_274, %dma_start3A_275, %dma_start3A_278, %dma_start3A_279] : memref<2x4x128x32xf32, #tpu.memory_space<vmem>> -> memref<1x1x128x32xf32, #tpu.memory_space<vmem>>
        %dma_start3A_281 = tpu.memref_squeeze %dma_start3A_280 : memref<1x1x128x32xf32, #tpu.memory_space<vmem>> -> memref<128x32xf32, #tpu.memory_space<vmem>>
        %dma_start3A_282 = arith.constant 0 : i32
        %dma_start3A_283 = tpu.memref_slice %arg7[%dma_start3A_276, %dma_start3A_277, %dma_start3A_282] : memref<2x4x128xi32, #tpu.memory_space<vmem>> -> memref<1x1x128xi32, #tpu.memory_space<vmem>>
        %dma_start3A_284 = tpu.memref_squeeze %dma_start3A_283 : memref<1x1x128xi32, #tpu.memory_space<vmem>> -> memref<128xi32, #tpu.memory_space<vmem>>
        %dma_start3A_285 = arith.constant 0 : i32
        %dma_start3A_286 = arith.constant 0 : i32
        %dma_start3A_287 = tpu.memref_slice %arg9[%dma_start3A_285, %dma_start3A_286] : memref<10016x32xf32, #tpu.memory_space<vmem_shared>> -> memref<10016x32xf32, #tpu.memory_space<vmem_shared>>
        tpu.enqueue_indirect_dma source(%dma_start3A_281 : memref<128x32xf32, #tpu.memory_space<vmem>>) target(%dma_start3A_287 : memref<10016x32xf32, #tpu.memory_space<vmem_shared>>) offsets(%dma_start3A_284 : memref<128xi32, #tpu.memory_space<vmem>>) semaphore(%arg23 : memref<!tpu.dma_semaphore, #tpu.memory_space<semaphore_mem>>) {add = true}
        %dma_wait3A_288 = arith.constant 0 : i32
        %dma_wait3A_289 = arith.constant 3 : i32
        %dma_wait3A_290 = arith.constant 0 : i32
        %dma_wait3A_291 = arith.constant 3 : i32
        %dma_wait3A_292 = arith.constant 0 : i32
        %dma_wait3A_293 = arith.constant 0 : i32
        %dma_wait3A_294 = tpu.memref_slice %arg8[%dma_wait3A_290, %dma_wait3A_291, %dma_wait3A_292, %dma_wait3A_293] : memref<2x4x128x32xf32, #tpu.memory_space<vmem>> -> memref<1x1x128x32xf32, #tpu.memory_space<vmem>>
        %dma_wait3A_295 = tpu.memref_squeeze %dma_wait3A_294 : memref<1x1x128x32xf32, #tpu.memory_space<vmem>> -> memref<128x32xf32, #tpu.memory_space<vmem>>
        %dma_wait3A_296 = arith.constant 0 : i32
        %dma_wait3A_297 = tpu.memref_slice %arg6[%dma_wait3A_288, %dma_wait3A_289, %dma_wait3A_296] : memref<2x4x128xi32, #tpu.memory_space<vmem>> -> memref<1x1x128xi32, #tpu.memory_space<vmem>>
        %dma_wait3A_298 = tpu.memref_squeeze %dma_wait3A_297 : memref<1x1x128xi32, #tpu.memory_space<vmem>> -> memref<128xi32, #tpu.memory_space<vmem>>
        %dma_wait3A_299 = arith.constant 0 : i32
        %dma_wait3A_300 = arith.constant 0 : i32
        %dma_wait3A_301 = tpu.memref_slice %arg2[%dma_wait3A_299, %dma_wait3A_300] : memref<10000x32xf32, #tpu.memory_space<hbm>> -> memref<10000x32xf32, #tpu.memory_space<hbm>>
        tpu.wait_indirect_dma semaphore(%arg16 : memref<!tpu.dma_semaphore, #tpu.memory_space<semaphore_mem>>) src(%dma_wait3A_301 : memref<10000x32xf32, #tpu.memory_space<hbm>>) dst(%dma_wait3A_295 : memref<128x32xf32, #tpu.memory_space<vmem>>)
        %dma_start3A_302 = arith.constant 0 : i32
        %dma_start3A_303 = arith.constant 3 : i32
        %dma_start3A_304 = arith.constant 0 : i32
        %dma_start3A_305 = arith.constant 3 : i32
        %dma_start3A_306 = arith.constant 0 : i32
        %dma_start3A_307 = arith.constant 0 : i32
        %dma_start3A_308 = tpu.memref_slice %arg8[%dma_start3A_302, %dma_start3A_303, %dma_start3A_306, %dma_start3A_307] : memref<2x4x128x32xf32, #tpu.memory_space<vmem>> -> memref<1x1x128x32xf32, #tpu.memory_space<vmem>>
        %dma_start3A_309 = tpu.memref_squeeze %dma_start3A_308 : memref<1x1x128x32xf32, #tpu.memory_space<vmem>> -> memref<128x32xf32, #tpu.memory_space<vmem>>
        %dma_start3A_310 = arith.constant 0 : i32
        %dma_start3A_311 = tpu.memref_slice %arg7[%dma_start3A_304, %dma_start3A_305, %dma_start3A_310] : memref<2x4x128xi32, #tpu.memory_space<vmem>> -> memref<1x1x128xi32, #tpu.memory_space<vmem>>
        %dma_start3A_312 = tpu.memref_squeeze %dma_start3A_311 : memref<1x1x128xi32, #tpu.memory_space<vmem>> -> memref<128xi32, #tpu.memory_space<vmem>>
        %dma_start3A_313 = arith.constant 0 : i32
        %dma_start3A_314 = arith.constant 0 : i32
        %dma_start3A_315 = tpu.memref_slice %arg9[%dma_start3A_313, %dma_start3A_314] : memref<10016x32xf32, #tpu.memory_space<vmem_shared>> -> memref<10016x32xf32, #tpu.memory_space<vmem_shared>>
        tpu.enqueue_indirect_dma source(%dma_start3A_309 : memref<128x32xf32, #tpu.memory_space<vmem>>) target(%dma_start3A_315 : memref<10016x32xf32, #tpu.memory_space<vmem_shared>>) offsets(%dma_start3A_312 : memref<128xi32, #tpu.memory_space<vmem>>) semaphore(%arg24 : memref<!tpu.dma_semaphore, #tpu.memory_space<semaphore_mem>>) {add = true}
        %dma_wait3A_316 = arith.constant 0 : i32
        %dma_wait3A_317 = arith.constant 0 : i32
        %dma_wait3A_318 = arith.constant 0 : i32
        %dma_wait3A_319 = arith.constant 0 : i32
        %dma_wait3A_320 = arith.constant 0 : i32
        %dma_wait3A_321 = arith.constant 0 : i32
        %dma_wait3A_322 = tpu.memref_slice %arg8[%dma_wait3A_316, %dma_wait3A_317, %dma_wait3A_320, %dma_wait3A_321] : memref<2x4x128x32xf32, #tpu.memory_space<vmem>> -> memref<1x1x128x32xf32, #tpu.memory_space<vmem>>
        %dma_wait3A_323 = tpu.memref_squeeze %dma_wait3A_322 : memref<1x1x128x32xf32, #tpu.memory_space<vmem>> -> memref<128x32xf32, #tpu.memory_space<vmem>>
        %dma_wait3A_324 = arith.constant 0 : i32
        %dma_wait3A_325 = tpu.memref_slice %arg7[%dma_wait3A_318, %dma_wait3A_319, %dma_wait3A_324] : memref<2x4x128xi32, #tpu.memory_space<vmem>> -> memref<1x1x128xi32, #tpu.memory_space<vmem>>
        %dma_wait3A_326 = tpu.memref_squeeze %dma_wait3A_325 : memref<1x1x128xi32, #tpu.memory_space<vmem>> -> memref<128xi32, #tpu.memory_space<vmem>>
        %dma_wait3A_327 = arith.constant 0 : i32
        %dma_wait3A_328 = arith.constant 0 : i32
        %dma_wait3A_329 = tpu.memref_slice %arg9[%dma_wait3A_327, %dma_wait3A_328] : memref<10016x32xf32, #tpu.memory_space<vmem_shared>> -> memref<10016x32xf32, #tpu.memory_space<vmem_shared>>
        tpu.wait_indirect_dma semaphore(%arg21 : memref<!tpu.dma_semaphore, #tpu.memory_space<semaphore_mem>>) src(%dma_wait3A_323 : memref<128x32xf32, #tpu.memory_space<vmem>>) dst(%dma_wait3A_329 : memref<10016x32xf32, #tpu.memory_space<vmem_shared>>)
        %dma_wait3A_330 = arith.constant 0 : i32
        %dma_wait3A_331 = arith.constant 1 : i32
        %dma_wait3A_332 = arith.constant 0 : i32
        %dma_wait3A_333 = arith.constant 1 : i32
        %dma_wait3A_334 = arith.constant 0 : i32
        %dma_wait3A_335 = arith.constant 0 : i32
        %dma_wait3A_336 = tpu.memref_slice %arg8[%dma_wait3A_330, %dma_wait3A_331, %dma_wait3A_334, %dma_wait3A_335] : memref<2x4x128x32xf32, #tpu.memory_space<vmem>> -> memref<1x1x128x32xf32, #tpu.memory_space<vmem>>
        %dma_wait3A_337 = tpu.memref_squeeze %dma_wait3A_336 : memref<1x1x128x32xf32, #tpu.memory_space<vmem>> -> memref<128x32xf32, #tpu.memory_space<vmem>>
        %dma_wait3A_338 = arith.constant 0 : i32
        %dma_wait3A_339 = tpu.memref_slice %arg7[%dma_wait3A_332, %dma_wait3A_333, %dma_wait3A_338] : memref<2x4x128xi32, #tpu.memory_space<vmem>> -> memref<1x1x128xi32, #tpu.memory_space<vmem>>
        %dma_wait3A_340 = tpu.memref_squeeze %dma_wait3A_339 : memref<1x1x128xi32, #tpu.memory_space<vmem>> -> memref<128xi32, #tpu.memory_space<vmem>>
        %dma_wait3A_341 = arith.constant 0 : i32
        %dma_wait3A_342 = arith.constant 0 : i32
        %dma_wait3A_343 = tpu.memref_slice %arg9[%dma_wait3A_341, %dma_wait3A_342] : memref<10016x32xf32, #tpu.memory_space<vmem_shared>> -> memref<10016x32xf32, #tpu.memory_space<vmem_shared>>
        tpu.wait_indirect_dma semaphore(%arg22 : memref<!tpu.dma_semaphore, #tpu.memory_space<semaphore_mem>>) src(%dma_wait3A_337 : memref<128x32xf32, #tpu.memory_space<vmem>>) dst(%dma_wait3A_343 : memref<10016x32xf32, #tpu.memory_space<vmem_shared>>)
        %dma_wait3A_344 = arith.constant 0 : i32
        %dma_wait3A_345 = arith.constant 2 : i32
        %dma_wait3A_346 = arith.constant 0 : i32
        %dma_wait3A_347 = arith.constant 2 : i32
        %dma_wait3A_348 = arith.constant 0 : i32
        %dma_wait3A_349 = arith.constant 0 : i32
        %dma_wait3A_350 = tpu.memref_slice %arg8[%dma_wait3A_344, %dma_wait3A_345, %dma_wait3A_348, %dma_wait3A_349] : memref<2x4x128x32xf32, #tpu.memory_space<vmem>> -> memref<1x1x128x32xf32, #tpu.memory_space<vmem>>
        %dma_wait3A_351 = tpu.memref_squeeze %dma_wait3A_350 : memref<1x1x128x32xf32, #tpu.memory_space<vmem>> -> memref<128x32xf32, #tpu.memory_space<vmem>>
        %dma_wait3A_352 = arith.constant 0 : i32
        %dma_wait3A_353 = tpu.memref_slice %arg7[%dma_wait3A_346, %dma_wait3A_347, %dma_wait3A_352] : memref<2x4x128xi32, #tpu.memory_space<vmem>> -> memref<1x1x128xi32, #tpu.memory_space<vmem>>
        %dma_wait3A_354 = tpu.memref_squeeze %dma_wait3A_353 : memref<1x1x128xi32, #tpu.memory_space<vmem>> -> memref<128xi32, #tpu.memory_space<vmem>>
        %dma_wait3A_355 = arith.constant 0 : i32
        %dma_wait3A_356 = arith.constant 0 : i32
        %dma_wait3A_357 = tpu.memref_slice %arg9[%dma_wait3A_355, %dma_wait3A_356] : memref<10016x32xf32, #tpu.memory_space<vmem_shared>> -> memref<10016x32xf32, #tpu.memory_space<vmem_shared>>
        tpu.wait_indirect_dma semaphore(%arg23 : memref<!tpu.dma_semaphore, #tpu.memory_space<semaphore_mem>>) src(%dma_wait3A_351 : memref<128x32xf32, #tpu.memory_space<vmem>>) dst(%dma_wait3A_357 : memref<10016x32xf32, #tpu.memory_space<vmem_shared>>)
        %dma_wait3A_358 = arith.constant 0 : i32
        %dma_wait3A_359 = arith.constant 3 : i32
        %dma_wait3A_360 = arith.constant 0 : i32
        %dma_wait3A_361 = arith.constant 3 : i32
        %dma_wait3A_362 = arith.constant 0 : i32
        %dma_wait3A_363 = arith.constant 0 : i32
        %dma_wait3A_364 = tpu.memref_slice %arg8[%dma_wait3A_358, %dma_wait3A_359, %dma_wait3A_362, %dma_wait3A_363] : memref<2x4x128x32xf32, #tpu.memory_space<vmem>> -> memref<1x1x128x32xf32, #tpu.memory_space<vmem>>
        %dma_wait3A_365 = tpu.memref_squeeze %dma_wait3A_364 : memref<1x1x128x32xf32, #tpu.memory_space<vmem>> -> memref<128x32xf32, #tpu.memory_space<vmem>>
        %dma_wait3A_366 = arith.constant 0 : i32
        %dma_wait3A_367 = tpu.memref_slice %arg7[%dma_wait3A_360, %dma_wait3A_361, %dma_wait3A_366] : memref<2x4x128xi32, #tpu.memory_space<vmem>> -> memref<1x1x128xi32, #tpu.memory_space<vmem>>
        %dma_wait3A_368 = tpu.memref_squeeze %dma_wait3A_367 : memref<1x1x128xi32, #tpu.memory_space<vmem>> -> memref<128xi32, #tpu.memory_space<vmem>>
        %dma_wait3A_369 = arith.constant 0 : i32
        %dma_wait3A_370 = arith.constant 0 : i32
        %dma_wait3A_371 = tpu.memref_slice %arg9[%dma_wait3A_369, %dma_wait3A_370] : memref<10016x32xf32, #tpu.memory_space<vmem_shared>> -> memref<10016x32xf32, #tpu.memory_space<vmem_shared>>
        tpu.wait_indirect_dma semaphore(%arg24 : memref<!tpu.dma_semaphore, #tpu.memory_space<semaphore_mem>>) src(%dma_wait3A_365 : memref<128x32xf32, #tpu.memory_space<vmem>>) dst(%dma_wait3A_371 : memref<10016x32xf32, #tpu.memory_space<vmem_shared>>)
      } else {
      }
      %convert_element_type3A_98 = arith.extui %lt3A_94 : i1 to i32
      %cond3A_99 = arith.constant 0 : i32
      %cond3A_100 = arith.cmpi ne, %convert_element_type3A_98, %cond3A_99 : i32
      %cond3A_101 = scf.if %cond3A_100 -> (i32) {
        %sc_fetch_and_add3A_120 = arith.constant 1 : i32
        %sc_fetch_and_add3A_121 = arith.constant 0 : i32
        %sc_fetch_and_add3A_122 = arith.constant 0 : i32
        %sc_fetch_and_add3A_123 = tpu.fetch_and_add_sync %arg10[%sc_fetch_and_add3A_121], %sc_fetch_and_add3A_120, %sc_fetch_and_add3A_122 : memref<1xi32, #tpu.memory_space<smem>>, i32 -> i32
        scf.yield %sc_fetch_and_add3A_123 : i32
      } else {
        scf.yield %while3A_92 : i32
      }
      %lt3A_102 = arith.cmpi slt, %cond3A_101, %select_n3A : i32
      %and3A_103 = arith.andi %lt3A_94, %lt3A_102 : i1
      %convert_element_type3A_104 = arith.extui %and3A_103 : i1 to i32
      %cond3A_105 = arith.constant 0 : i32
      %cond3A_106 = arith.cmpi ne, %convert_element_type3A_104, %cond3A_105 : i32
      scf.if %cond3A_106 {
        %add3A_120 = arith.addi %select_n3A_6, %cond3A_101 : i32
        %mul3A_121 = arith.constant 4 : i32
        %mul3A_122 = arith.muli %add3A_120, %mul3A_121 : i32
        %dma_start3A = arith.constant 0 : i32
        %dma_start3A_123 = arith.constant 0 : i32
        %dma_start3A_124 = arith.constant 0 : i32
        %dma_start3A_125 = tpu.memref_slice %arg6[%dma_start3A, %dma_start3A_123, %dma_start3A_124] : memref<2x4x128xi32, #tpu.memory_space<vmem>> -> memref<1x4x128xi32, #tpu.memory_space<vmem>>
        %dma_start3A_126 = tpu.memref_squeeze %dma_start3A_125 : memref<1x4x128xi32, #tpu.memory_space<vmem>> -> memref<4x128xi32, #tpu.memory_space<vmem>>
        %dma_start3A_127 = arith.constant 0 : i32
        %dma_start3A_128 = tpu.memref_slice %arg3[%mul3A_122, %dma_start3A_127] : memref<2560x128xi32, #tpu.memory_space<hbm>> -> memref<4x128xi32, #tpu.memory_space<hbm>>
        %dma_start3A_129 = arith.constant 0 : i32
        %dma_start3A_130 = arith.constant 0 : i32
        %dma_start3A_131 = tpu.memref_slice %arg6[%dma_start3A, %dma_start3A_129, %dma_start3A_130] : memref<2x4x128xi32, #tpu.memory_space<vmem>> -> memref<1x4x128xi32, #tpu.memory_space<vmem>>
        %dma_start3A_132 = tpu.memref_squeeze %dma_start3A_131 : memref<1x4x128xi32, #tpu.memory_space<vmem>> -> memref<4x128xi32, #tpu.memory_space<vmem>>
        %dma_start3A_133 = arith.constant 0 : i32
        %dma_start3A_134 = tpu.memref_slice %arg3[%mul3A_122, %dma_start3A_133] : memref<2560x128xi32, #tpu.memory_space<hbm>> -> memref<4x128xi32, #tpu.memory_space<hbm>>
        tpu.enqueue_dma source(%dma_start3A_134 : memref<4x128xi32, #tpu.memory_space<hbm>>) target(%dma_start3A_132 : memref<4x128xi32, #tpu.memory_space<vmem>>) target_semaphore(%arg11 : memref<!tpu.dma_semaphore, #tpu.memory_space<semaphore_mem>>)
        %dma_start3A_135 = arith.constant 0 : i32
        %dma_start3A_136 = arith.constant 0 : i32
        %dma_start3A_137 = arith.constant 0 : i32
        %dma_start3A_138 = tpu.memref_slice %arg7[%dma_start3A_135, %dma_start3A_136, %dma_start3A_137] : memref<2x4x128xi32, #tpu.memory_space<vmem>> -> memref<1x4x128xi32, #tpu.memory_space<vmem>>
        %dma_start3A_139 = tpu.memref_squeeze %dma_start3A_138 : memref<1x4x128xi32, #tpu.memory_space<vmem>> -> memref<4x128xi32, #tpu.memory_space<vmem>>
        %dma_start3A_140 = arith.constant 0 : i32
        %dma_start3A_141 = tpu.memref_slice %arg4[%mul3A_122, %dma_start3A_140] : memref<2560x128xi32, #tpu.memory_space<hbm>> -> memref<4x128xi32, #tpu.memory_space<hbm>>
        %dma_start3A_142 = arith.constant 0 : i32
        %dma_start3A_143 = arith.constant 0 : i32
        %dma_start3A_144 = tpu.memref_slice %arg7[%dma_start3A_135, %dma_start3A_142, %dma_start3A_143] : memref<2x4x128xi32, #tpu.memory_space<vmem>> -> memref<1x4x128xi32, #tpu.memory_space<vmem>>
        %dma_start3A_145 = tpu.memref_squeeze %dma_start3A_144 : memref<1x4x128xi32, #tpu.memory_space<vmem>> -> memref<4x128xi32, #tpu.memory_space<vmem>>
        %dma_start3A_146 = arith.constant 0 : i32
        %dma_start3A_147 = tpu.memref_slice %arg4[%mul3A_122, %dma_start3A_146] : memref<2560x128xi32, #tpu.memory_space<hbm>> -> memref<4x128xi32, #tpu.memory_space<hbm>>
        tpu.enqueue_dma source(%dma_start3A_147 : memref<4x128xi32, #tpu.memory_space<hbm>>) target(%dma_start3A_145 : memref<4x128xi32, #tpu.memory_space<vmem>>) target_semaphore(%arg11 : memref<!tpu.dma_semaphore, #tpu.memory_space<semaphore_mem>>)
      } else {
      }
      %lt3A_107 = arith.cmpi slt, %while3A_93, %select_n3A : i32
      %convert_element_type3A_108 = arith.extui %lt3A_107 : i1 to i32
      %cond3A_109 = arith.constant 0 : i32
      %cond3A_110 = arith.cmpi ne, %convert_element_type3A_108, %cond3A_109 : i32
      scf.if %cond3A_110 {
        %dma_wait3A = arith.constant 1 : i32
        %dma_wait3A_120 = arith.constant 0 : i32
        %dma_wait3A_121 = arith.constant 0 : i32
        %dma_wait3A_122 = tpu.memref_slice %arg6[%dma_wait3A, %dma_wait3A_120, %dma_wait3A_121] : memref<2x4x128xi32, #tpu.memory_space<vmem>> -> memref<1x4x128xi32, #tpu.memory_space<vmem>>
        %dma_wait3A_123 = tpu.memref_squeeze %dma_wait3A_122 : memref<1x4x128xi32, #tpu.memory_space<vmem>> -> memref<4x128xi32, #tpu.memory_space<vmem>>
        %dma_wait3A_124 = arith.constant 0 : i32
        %dma_wait3A_125 = arith.constant 0 : i32
        %dma_wait3A_126 = tpu.memref_slice %arg3[%dma_wait3A_124, %dma_wait3A_125] : memref<2560x128xi32, #tpu.memory_space<hbm>> -> memref<4x128xi32, #tpu.memory_space<hbm>>
        %dma_wait3A_127 = arith.constant 0 : i32
        %dma_wait3A_128 = arith.constant 0 : i32
        %dma_wait3A_129 = tpu.memref_slice %arg6[%dma_wait3A, %dma_wait3A_127, %dma_wait3A_128] : memref<2x4x128xi32, #tpu.memory_space<vmem>> -> memref<1x4x128xi32, #tpu.memory_space<vmem>>
        %dma_wait3A_130 = tpu.memref_squeeze %dma_wait3A_129 : memref<1x4x128xi32, #tpu.memory_space<vmem>> -> memref<4x128xi32, #tpu.memory_space<vmem>>
        %dma_wait3A_131 = arith.constant 0 : i32
        %dma_wait3A_132 = arith.constant 0 : i32
        %dma_wait3A_133 = tpu.memref_slice %arg3[%dma_wait3A_131, %dma_wait3A_132] : memref<2560x128xi32, #tpu.memory_space<hbm>> -> memref<4x128xi32, #tpu.memory_space<hbm>>
        tpu.wait_dma2 semaphore(%arg12 : memref<!tpu.dma_semaphore, #tpu.memory_space<semaphore_mem>>) src(%dma_wait3A_133 : memref<4x128xi32, #tpu.memory_space<hbm>>) dst(%dma_wait3A_130 : memref<4x128xi32, #tpu.memory_space<vmem>>)
        %dma_wait3A_134 = arith.constant 1 : i32
        %dma_wait3A_135 = arith.constant 0 : i32
        %dma_wait3A_136 = arith.constant 0 : i32
        %dma_wait3A_137 = tpu.memref_slice %arg7[%dma_wait3A_134, %dma_wait3A_135, %dma_wait3A_136] : memref<2x4x128xi32, #tpu.memory_space<vmem>> -> memref<1x4x128xi32, #tpu.memory_space<vmem>>
        %dma_wait3A_138 = tpu.memref_squeeze %dma_wait3A_137 : memref<1x4x128xi32, #tpu.memory_space<vmem>> -> memref<4x128xi32, #tpu.memory_space<vmem>>
        %dma_wait3A_139 = arith.constant 0 : i32
        %dma_wait3A_140 = arith.constant 0 : i32
        %dma_wait3A_141 = tpu.memref_slice %arg4[%dma_wait3A_139, %dma_wait3A_140] : memref<2560x128xi32, #tpu.memory_space<hbm>> -> memref<4x128xi32, #tpu.memory_space<hbm>>
        %dma_wait3A_142 = arith.constant 0 : i32
        %dma_wait3A_143 = arith.constant 0 : i32
        %dma_wait3A_144 = tpu.memref_slice %arg7[%dma_wait3A_134, %dma_wait3A_142, %dma_wait3A_143] : memref<2x4x128xi32, #tpu.memory_space<vmem>> -> memref<1x4x128xi32, #tpu.memory_space<vmem>>
        %dma_wait3A_145 = tpu.memref_squeeze %dma_wait3A_144 : memref<1x4x128xi32, #tpu.memory_space<vmem>> -> memref<4x128xi32, #tpu.memory_space<vmem>>
        %dma_wait3A_146 = arith.constant 0 : i32
        %dma_wait3A_147 = arith.constant 0 : i32
        %dma_wait3A_148 = tpu.memref_slice %arg4[%dma_wait3A_146, %dma_wait3A_147] : memref<2560x128xi32, #tpu.memory_space<hbm>> -> memref<4x128xi32, #tpu.memory_space<hbm>>
        tpu.wait_dma2 semaphore(%arg12 : memref<!tpu.dma_semaphore, #tpu.memory_space<semaphore_mem>>) src(%dma_wait3A_148 : memref<4x128xi32, #tpu.memory_space<hbm>>) dst(%dma_wait3A_145 : memref<4x128xi32, #tpu.memory_space<vmem>>)
        %dma_start3A = arith.constant 1 : i32
        %dma_start3A_149 = arith.constant 0 : i32
        %dma_start3A_150 = arith.constant 1 : i32
        %dma_start3A_151 = arith.constant 0 : i32
        %dma_start3A_152 = arith.constant 0 : i32
        %dma_start3A_153 = arith.constant 0 : i32
        %dma_start3A_154 = tpu.memref_slice %arg8[%dma_start3A_150, %dma_start3A_151, %dma_start3A_152, %dma_start3A_153] : memref<2x4x128x32xf32, #tpu.memory_space<vmem>> -> memref<1x1x128x32xf32, #tpu.memory_space<vmem>>
        %dma_start3A_155 = tpu.memref_squeeze %dma_start3A_154 : memref<1x1x128x32xf32, #tpu.memory_space<vmem>> -> memref<128x32xf32, #tpu.memory_space<vmem>>
        %dma_start3A_156 = arith.constant 0 : i32
        %dma_start3A_157 = tpu.memref_slice %arg6[%dma_start3A, %dma_start3A_149, %dma_start3A_156] : memref<2x4x128xi32, #tpu.memory_space<vmem>> -> memref<1x1x128xi32, #tpu.memory_space<vmem>>
        %dma_start3A_158 = tpu.memref_squeeze %dma_start3A_157 : memref<1x1x128xi32, #tpu.memory_space<vmem>> -> memref<128xi32, #tpu.memory_space<vmem>>
        %dma_start3A_159 = arith.constant 0 : i32
        %dma_start3A_160 = arith.constant 0 : i32
        %dma_start3A_161 = tpu.memref_slice %arg2[%dma_start3A_159, %dma_start3A_160] : memref<10000x32xf32, #tpu.memory_space<hbm>> -> memref<10000x32xf32, #tpu.memory_space<hbm>>
        tpu.enqueue_indirect_dma source(%dma_start3A_161 : memref<10000x32xf32, #tpu.memory_space<hbm>>) target(%dma_start3A_155 : memref<128x32xf32, #tpu.memory_space<vmem>>) offsets(%dma_start3A_158 : memref<128xi32, #tpu.memory_space<vmem>>) semaphore(%arg17 : memref<!tpu.dma_semaphore, #tpu.memory_space<semaphore_mem>>)
        %dma_start3A_162 = arith.constant 1 : i32
        %dma_start3A_163 = arith.constant 1 : i32
        %dma_start3A_164 = arith.constant 1 : i32
        %dma_start3A_165 = arith.constant 1 : i32
        %dma_start3A_166 = arith.constant 0 : i32
        %dma_start3A_167 = arith.constant 0 : i32
        %dma_start3A_168 = tpu.memref_slice %arg8[%dma_start3A_164, %dma_start3A_165, %dma_start3A_166, %dma_start3A_167] : memref<2x4x128x32xf32, #tpu.memory_space<vmem>> -> memref<1x1x128x32xf32, #tpu.memory_space<vmem>>
        %dma_start3A_169 = tpu.memref_squeeze %dma_start3A_168 : memref<1x1x128x32xf32, #tpu.memory_space<vmem>> -> memref<128x32xf32, #tpu.memory_space<vmem>>
        %dma_start3A_170 = arith.constant 0 : i32
        %dma_start3A_171 = tpu.memref_slice %arg6[%dma_start3A_162, %dma_start3A_163, %dma_start3A_170] : memref<2x4x128xi32, #tpu.memory_space<vmem>> -> memref<1x1x128xi32, #tpu.memory_space<vmem>>
        %dma_start3A_172 = tpu.memref_squeeze %dma_start3A_171 : memref<1x1x128xi32, #tpu.memory_space<vmem>> -> memref<128xi32, #tpu.memory_space<vmem>>
        %dma_start3A_173 = arith.constant 0 : i32
        %dma_start3A_174 = arith.constant 0 : i32
        %dma_start3A_175 = tpu.memref_slice %arg2[%dma_start3A_173, %dma_start3A_174] : memref<10000x32xf32, #tpu.memory_space<hbm>> -> memref<10000x32xf32, #tpu.memory_space<hbm>>
        tpu.enqueue_indirect_dma source(%dma_start3A_175 : memref<10000x32xf32, #tpu.memory_space<hbm>>) target(%dma_start3A_169 : memref<128x32xf32, #tpu.memory_space<vmem>>) offsets(%dma_start3A_172 : memref<128xi32, #tpu.memory_space<vmem>>) semaphore(%arg18 : memref<!tpu.dma_semaphore, #tpu.memory_space<semaphore_mem>>)
        %dma_start3A_176 = arith.constant 1 : i32
        %dma_start3A_177 = arith.constant 2 : i32
        %dma_start3A_178 = arith.constant 1 : i32
        %dma_start3A_179 = arith.constant 2 : i32
        %dma_start3A_180 = arith.constant 0 : i32
        %dma_start3A_181 = arith.constant 0 : i32
        %dma_start3A_182 = tpu.memref_slice %arg8[%dma_start3A_178, %dma_start3A_179, %dma_start3A_180, %dma_start3A_181] : memref<2x4x128x32xf32, #tpu.memory_space<vmem>> -> memref<1x1x128x32xf32, #tpu.memory_space<vmem>>
        %dma_start3A_183 = tpu.memref_squeeze %dma_start3A_182 : memref<1x1x128x32xf32, #tpu.memory_space<vmem>> -> memref<128x32xf32, #tpu.memory_space<vmem>>
        %dma_start3A_184 = arith.constant 0 : i32
        %dma_start3A_185 = tpu.memref_slice %arg6[%dma_start3A_176, %dma_start3A_177, %dma_start3A_184] : memref<2x4x128xi32, #tpu.memory_space<vmem>> -> memref<1x1x128xi32, #tpu.memory_space<vmem>>
        %dma_start3A_186 = tpu.memref_squeeze %dma_start3A_185 : memref<1x1x128xi32, #tpu.memory_space<vmem>> -> memref<128xi32, #tpu.memory_space<vmem>>
        %dma_start3A_187 = arith.constant 0 : i32
        %dma_start3A_188 = arith.constant 0 : i32
        %dma_start3A_189 = tpu.memref_slice %arg2[%dma_start3A_187, %dma_start3A_188] : memref<10000x32xf32, #tpu.memory_space<hbm>> -> memref<10000x32xf32, #tpu.memory_space<hbm>>
        tpu.enqueue_indirect_dma source(%dma_start3A_189 : memref<10000x32xf32, #tpu.memory_space<hbm>>) target(%dma_start3A_183 : memref<128x32xf32, #tpu.memory_space<vmem>>) offsets(%dma_start3A_186 : memref<128xi32, #tpu.memory_space<vmem>>) semaphore(%arg19 : memref<!tpu.dma_semaphore, #tpu.memory_space<semaphore_mem>>)
        %dma_start3A_190 = arith.constant 1 : i32
        %dma_start3A_191 = arith.constant 3 : i32
        %dma_start3A_192 = arith.constant 1 : i32
        %dma_start3A_193 = arith.constant 3 : i32
        %dma_start3A_194 = arith.constant 0 : i32
        %dma_start3A_195 = arith.constant 0 : i32
        %dma_start3A_196 = tpu.memref_slice %arg8[%dma_start3A_192, %dma_start3A_193, %dma_start3A_194, %dma_start3A_195] : memref<2x4x128x32xf32, #tpu.memory_space<vmem>> -> memref<1x1x128x32xf32, #tpu.memory_space<vmem>>
        %dma_start3A_197 = tpu.memref_squeeze %dma_start3A_196 : memref<1x1x128x32xf32, #tpu.memory_space<vmem>> -> memref<128x32xf32, #tpu.memory_space<vmem>>
        %dma_start3A_198 = arith.constant 0 : i32
        %dma_start3A_199 = tpu.memref_slice %arg6[%dma_start3A_190, %dma_start3A_191, %dma_start3A_198] : memref<2x4x128xi32, #tpu.memory_space<vmem>> -> memref<1x1x128xi32, #tpu.memory_space<vmem>>
        %dma_start3A_200 = tpu.memref_squeeze %dma_start3A_199 : memref<1x1x128xi32, #tpu.memory_space<vmem>> -> memref<128xi32, #tpu.memory_space<vmem>>
        %dma_start3A_201 = arith.constant 0 : i32
        %dma_start3A_202 = arith.constant 0 : i32
        %dma_start3A_203 = tpu.memref_slice %arg2[%dma_start3A_201, %dma_start3A_202] : memref<10000x32xf32, #tpu.memory_space<hbm>> -> memref<10000x32xf32, #tpu.memory_space<hbm>>
        tpu.enqueue_indirect_dma source(%dma_start3A_203 : memref<10000x32xf32, #tpu.memory_space<hbm>>) target(%dma_start3A_197 : memref<128x32xf32, #tpu.memory_space<vmem>>) offsets(%dma_start3A_200 : memref<128xi32, #tpu.memory_space<vmem>>) semaphore(%arg20 : memref<!tpu.dma_semaphore, #tpu.memory_space<semaphore_mem>>)
        %dma_wait3A_204 = arith.constant 1 : i32
        %dma_wait3A_205 = arith.constant 0 : i32
        %dma_wait3A_206 = arith.constant 1 : i32
        %dma_wait3A_207 = arith.constant 0 : i32
        %dma_wait3A_208 = arith.constant 0 : i32
        %dma_wait3A_209 = arith.constant 0 : i32
        %dma_wait3A_210 = tpu.memref_slice %arg8[%dma_wait3A_206, %dma_wait3A_207, %dma_wait3A_208, %dma_wait3A_209] : memref<2x4x128x32xf32, #tpu.memory_space<vmem>> -> memref<1x1x128x32xf32, #tpu.memory_space<vmem>>
        %dma_wait3A_211 = tpu.memref_squeeze %dma_wait3A_210 : memref<1x1x128x32xf32, #tpu.memory_space<vmem>> -> memref<128x32xf32, #tpu.memory_space<vmem>>
        %dma_wait3A_212 = arith.constant 0 : i32
        %dma_wait3A_213 = tpu.memref_slice %arg6[%dma_wait3A_204, %dma_wait3A_205, %dma_wait3A_212] : memref<2x4x128xi32, #tpu.memory_space<vmem>> -> memref<1x1x128xi32, #tpu.memory_space<vmem>>
        %dma_wait3A_214 = tpu.memref_squeeze %dma_wait3A_213 : memref<1x1x128xi32, #tpu.memory_space<vmem>> -> memref<128xi32, #tpu.memory_space<vmem>>
        %dma_wait3A_215 = arith.constant 0 : i32
        %dma_wait3A_216 = arith.constant 0 : i32
        %dma_wait3A_217 = tpu.memref_slice %arg2[%dma_wait3A_215, %dma_wait3A_216] : memref<10000x32xf32, #tpu.memory_space<hbm>> -> memref<10000x32xf32, #tpu.memory_space<hbm>>
        tpu.wait_indirect_dma semaphore(%arg17 : memref<!tpu.dma_semaphore, #tpu.memory_space<semaphore_mem>>) src(%dma_wait3A_217 : memref<10000x32xf32, #tpu.memory_space<hbm>>) dst(%dma_wait3A_211 : memref<128x32xf32, #tpu.memory_space<vmem>>)
        %dma_start3A_218 = arith.constant 1 : i32
        %dma_start3A_219 = arith.constant 0 : i32
        %dma_start3A_220 = arith.constant 1 : i32
        %dma_start3A_221 = arith.constant 0 : i32
        %dma_start3A_222 = arith.constant 0 : i32
        %dma_start3A_223 = arith.constant 0 : i32
        %dma_start3A_224 = tpu.memref_slice %arg8[%dma_start3A_218, %dma_start3A_219, %dma_start3A_222, %dma_start3A_223] : memref<2x4x128x32xf32, #tpu.memory_space<vmem>> -> memref<1x1x128x32xf32, #tpu.memory_space<vmem>>
        %dma_start3A_225 = tpu.memref_squeeze %dma_start3A_224 : memref<1x1x128x32xf32, #tpu.memory_space<vmem>> -> memref<128x32xf32, #tpu.memory_space<vmem>>
        %dma_start3A_226 = arith.constant 0 : i32
        %dma_start3A_227 = tpu.memref_slice %arg7[%dma_start3A_220, %dma_start3A_221, %dma_start3A_226] : memref<2x4x128xi32, #tpu.memory_space<vmem>> -> memref<1x1x128xi32, #tpu.memory_space<vmem>>
        %dma_start3A_228 = tpu.memref_squeeze %dma_start3A_227 : memref<1x1x128xi32, #tpu.memory_space<vmem>> -> memref<128xi32, #tpu.memory_space<vmem>>
        %dma_start3A_229 = arith.constant 0 : i32
        %dma_start3A_230 = arith.constant 0 : i32
        %dma_start3A_231 = tpu.memref_slice %arg9[%dma_start3A_229, %dma_start3A_230] : memref<10016x32xf32, #tpu.memory_space<vmem_shared>> -> memref<10016x32xf32, #tpu.memory_space<vmem_shared>>
        tpu.enqueue_indirect_dma source(%dma_start3A_225 : memref<128x32xf32, #tpu.memory_space<vmem>>) target(%dma_start3A_231 : memref<10016x32xf32, #tpu.memory_space<vmem_shared>>) offsets(%dma_start3A_228 : memref<128xi32, #tpu.memory_space<vmem>>) semaphore(%arg25 : memref<!tpu.dma_semaphore, #tpu.memory_space<semaphore_mem>>) {add = true}
        %dma_wait3A_232 = arith.constant 1 : i32
        %dma_wait3A_233 = arith.constant 1 : i32
        %dma_wait3A_234 = arith.constant 1 : i32
        %dma_wait3A_235 = arith.constant 1 : i32
        %dma_wait3A_236 = arith.constant 0 : i32
        %dma_wait3A_237 = arith.constant 0 : i32
        %dma_wait3A_238 = tpu.memref_slice %arg8[%dma_wait3A_234, %dma_wait3A_235, %dma_wait3A_236, %dma_wait3A_237] : memref<2x4x128x32xf32, #tpu.memory_space<vmem>> -> memref<1x1x128x32xf32, #tpu.memory_space<vmem>>
        %dma_wait3A_239 = tpu.memref_squeeze %dma_wait3A_238 : memref<1x1x128x32xf32, #tpu.memory_space<vmem>> -> memref<128x32xf32, #tpu.memory_space<vmem>>
        %dma_wait3A_240 = arith.constant 0 : i32
        %dma_wait3A_241 = tpu.memref_slice %arg6[%dma_wait3A_232, %dma_wait3A_233, %dma_wait3A_240] : memref<2x4x128xi32, #tpu.memory_space<vmem>> -> memref<1x1x128xi32, #tpu.memory_space<vmem>>
        %dma_wait3A_242 = tpu.memref_squeeze %dma_wait3A_241 : memref<1x1x128xi32, #tpu.memory_space<vmem>> -> memref<128xi32, #tpu.memory_space<vmem>>
        %dma_wait3A_243 = arith.constant 0 : i32
        %dma_wait3A_244 = arith.constant 0 : i32
        %dma_wait3A_245 = tpu.memref_slice %arg2[%dma_wait3A_243, %dma_wait3A_244] : memref<10000x32xf32, #tpu.memory_space<hbm>> -> memref<10000x32xf32, #tpu.memory_space<hbm>>
        tpu.wait_indirect_dma semaphore(%arg18 : memref<!tpu.dma_semaphore, #tpu.memory_space<semaphore_mem>>) src(%dma_wait3A_245 : memref<10000x32xf32, #tpu.memory_space<hbm>>) dst(%dma_wait3A_239 : memref<128x32xf32, #tpu.memory_space<vmem>>)
        %dma_start3A_246 = arith.constant 1 : i32
        %dma_start3A_247 = arith.constant 1 : i32
        %dma_start3A_248 = arith.constant 1 : i32
        %dma_start3A_249 = arith.constant 1 : i32
        %dma_start3A_250 = arith.constant 0 : i32
        %dma_start3A_251 = arith.constant 0 : i32
        %dma_start3A_252 = tpu.memref_slice %arg8[%dma_start3A_246, %dma_start3A_247, %dma_start3A_250, %dma_start3A_251] : memref<2x4x128x32xf32, #tpu.memory_space<vmem>> -> memref<1x1x128x32xf32, #tpu.memory_space<vmem>>
        %dma_start3A_253 = tpu.memref_squeeze %dma_start3A_252 : memref<1x1x128x32xf32, #tpu.memory_space<vmem>> -> memref<128x32xf32, #tpu.memory_space<vmem>>
        %dma_start3A_254 = arith.constant 0 : i32
        %dma_start3A_255 = tpu.memref_slice %arg7[%dma_start3A_248, %dma_start3A_249, %dma_start3A_254] : memref<2x4x128xi32, #tpu.memory_space<vmem>> -> memref<1x1x128xi32, #tpu.memory_space<vmem>>
        %dma_start3A_256 = tpu.memref_squeeze %dma_start3A_255 : memref<1x1x128xi32, #tpu.memory_space<vmem>> -> memref<128xi32, #tpu.memory_space<vmem>>
        %dma_start3A_257 = arith.constant 0 : i32
        %dma_start3A_258 = arith.constant 0 : i32
        %dma_start3A_259 = tpu.memref_slice %arg9[%dma_start3A_257, %dma_start3A_258] : memref<10016x32xf32, #tpu.memory_space<vmem_shared>> -> memref<10016x32xf32, #tpu.memory_space<vmem_shared>>
        tpu.enqueue_indirect_dma source(%dma_start3A_253 : memref<128x32xf32, #tpu.memory_space<vmem>>) target(%dma_start3A_259 : memref<10016x32xf32, #tpu.memory_space<vmem_shared>>) offsets(%dma_start3A_256 : memref<128xi32, #tpu.memory_space<vmem>>) semaphore(%arg26 : memref<!tpu.dma_semaphore, #tpu.memory_space<semaphore_mem>>) {add = true}
        %dma_wait3A_260 = arith.constant 1 : i32
        %dma_wait3A_261 = arith.constant 2 : i32
        %dma_wait3A_262 = arith.constant 1 : i32
        %dma_wait3A_263 = arith.constant 2 : i32
        %dma_wait3A_264 = arith.constant 0 : i32
        %dma_wait3A_265 = arith.constant 0 : i32
        %dma_wait3A_266 = tpu.memref_slice %arg8[%dma_wait3A_262, %dma_wait3A_263, %dma_wait3A_264, %dma_wait3A_265] : memref<2x4x128x32xf32, #tpu.memory_space<vmem>> -> memref<1x1x128x32xf32, #tpu.memory_space<vmem>>
        %dma_wait3A_267 = tpu.memref_squeeze %dma_wait3A_266 : memref<1x1x128x32xf32, #tpu.memory_space<vmem>> -> memref<128x32xf32, #tpu.memory_space<vmem>>
        %dma_wait3A_268 = arith.constant 0 : i32
        %dma_wait3A_269 = tpu.memref_slice %arg6[%dma_wait3A_260, %dma_wait3A_261, %dma_wait3A_268] : memref<2x4x128xi32, #tpu.memory_space<vmem>> -> memref<1x1x128xi32, #tpu.memory_space<vmem>>
        %dma_wait3A_270 = tpu.memref_squeeze %dma_wait3A_269 : memref<1x1x128xi32, #tpu.memory_space<vmem>> -> memref<128xi32, #tpu.memory_space<vmem>>
        %dma_wait3A_271 = arith.constant 0 : i32
        %dma_wait3A_272 = arith.constant 0 : i32
        %dma_wait3A_273 = tpu.memref_slice %arg2[%dma_wait3A_271, %dma_wait3A_272] : memref<10000x32xf32, #tpu.memory_space<hbm>> -> memref<10000x32xf32, #tpu.memory_space<hbm>>
        tpu.wait_indirect_dma semaphore(%arg19 : memref<!tpu.dma_semaphore, #tpu.memory_space<semaphore_mem>>) src(%dma_wait3A_273 : memref<10000x32xf32, #tpu.memory_space<hbm>>) dst(%dma_wait3A_267 : memref<128x32xf32, #tpu.memory_space<vmem>>)
        %dma_start3A_274 = arith.constant 1 : i32
        %dma_start3A_275 = arith.constant 2 : i32
        %dma_start3A_276 = arith.constant 1 : i32
        %dma_start3A_277 = arith.constant 2 : i32
        %dma_start3A_278 = arith.constant 0 : i32
        %dma_start3A_279 = arith.constant 0 : i32
        %dma_start3A_280 = tpu.memref_slice %arg8[%dma_start3A_274, %dma_start3A_275, %dma_start3A_278, %dma_start3A_279] : memref<2x4x128x32xf32, #tpu.memory_space<vmem>> -> memref<1x1x128x32xf32, #tpu.memory_space<vmem>>
        %dma_start3A_281 = tpu.memref_squeeze %dma_start3A_280 : memref<1x1x128x32xf32, #tpu.memory_space<vmem>> -> memref<128x32xf32, #tpu.memory_space<vmem>>
        %dma_start3A_282 = arith.constant 0 : i32
        %dma_start3A_283 = tpu.memref_slice %arg7[%dma_start3A_276, %dma_start3A_277, %dma_start3A_282] : memref<2x4x128xi32, #tpu.memory_space<vmem>> -> memref<1x1x128xi32, #tpu.memory_space<vmem>>
        %dma_start3A_284 = tpu.memref_squeeze %dma_start3A_283 : memref<1x1x128xi32, #tpu.memory_space<vmem>> -> memref<128xi32, #tpu.memory_space<vmem>>
        %dma_start3A_285 = arith.constant 0 : i32
        %dma_start3A_286 = arith.constant 0 : i32
        %dma_start3A_287 = tpu.memref_slice %arg9[%dma_start3A_285, %dma_start3A_286] : memref<10016x32xf32, #tpu.memory_space<vmem_shared>> -> memref<10016x32xf32, #tpu.memory_space<vmem_shared>>
        tpu.enqueue_indirect_dma source(%dma_start3A_281 : memref<128x32xf32, #tpu.memory_space<vmem>>) target(%dma_start3A_287 : memref<10016x32xf32, #tpu.memory_space<vmem_shared>>) offsets(%dma_start3A_284 : memref<128xi32, #tpu.memory_space<vmem>>) semaphore(%arg27 : memref<!tpu.dma_semaphore, #tpu.memory_space<semaphore_mem>>) {add = true}
        %dma_wait3A_288 = arith.constant 1 : i32
        %dma_wait3A_289 = arith.constant 3 : i32
        %dma_wait3A_290 = arith.constant 1 : i32
        %dma_wait3A_291 = arith.constant 3 : i32
        %dma_wait3A_292 = arith.constant 0 : i32
        %dma_wait3A_293 = arith.constant 0 : i32
        %dma_wait3A_294 = tpu.memref_slice %arg8[%dma_wait3A_290, %dma_wait3A_291, %dma_wait3A_292, %dma_wait3A_293] : memref<2x4x128x32xf32, #tpu.memory_space<vmem>> -> memref<1x1x128x32xf32, #tpu.memory_space<vmem>>
        %dma_wait3A_295 = tpu.memref_squeeze %dma_wait3A_294 : memref<1x1x128x32xf32, #tpu.memory_space<vmem>> -> memref<128x32xf32, #tpu.memory_space<vmem>>
        %dma_wait3A_296 = arith.constant 0 : i32
        %dma_wait3A_297 = tpu.memref_slice %arg6[%dma_wait3A_288, %dma_wait3A_289, %dma_wait3A_296] : memref<2x4x128xi32, #tpu.memory_space<vmem>> -> memref<1x1x128xi32, #tpu.memory_space<vmem>>
        %dma_wait3A_298 = tpu.memref_squeeze %dma_wait3A_297 : memref<1x1x128xi32, #tpu.memory_space<vmem>> -> memref<128xi32, #tpu.memory_space<vmem>>
        %dma_wait3A_299 = arith.constant 0 : i32
        %dma_wait3A_300 = arith.constant 0 : i32
        %dma_wait3A_301 = tpu.memref_slice %arg2[%dma_wait3A_299, %dma_wait3A_300] : memref<10000x32xf32, #tpu.memory_space<hbm>> -> memref<10000x32xf32, #tpu.memory_space<hbm>>
        tpu.wait_indirect_dma semaphore(%arg20 : memref<!tpu.dma_semaphore, #tpu.memory_space<semaphore_mem>>) src(%dma_wait3A_301 : memref<10000x32xf32, #tpu.memory_space<hbm>>) dst(%dma_wait3A_295 : memref<128x32xf32, #tpu.memory_space<vmem>>)
        %dma_start3A_302 = arith.constant 1 : i32
        %dma_start3A_303 = arith.constant 3 : i32
        %dma_start3A_304 = arith.constant 1 : i32
        %dma_start3A_305 = arith.constant 3 : i32
        %dma_start3A_306 = arith.constant 0 : i32
        %dma_start3A_307 = arith.constant 0 : i32
        %dma_start3A_308 = tpu.memref_slice %arg8[%dma_start3A_302, %dma_start3A_303, %dma_start3A_306, %dma_start3A_307] : memref<2x4x128x32xf32, #tpu.memory_space<vmem>> -> memref<1x1x128x32xf32, #tpu.memory_space<vmem>>
        %dma_start3A_309 = tpu.memref_squeeze %dma_start3A_308 : memref<1x1x128x32xf32, #tpu.memory_space<vmem>> -> memref<128x32xf32, #tpu.memory_space<vmem>>
        %dma_start3A_310 = arith.constant 0 : i32
        %dma_start3A_311 = tpu.memref_slice %arg7[%dma_start3A_304, %dma_start3A_305, %dma_start3A_310] : memref<2x4x128xi32, #tpu.memory_space<vmem>> -> memref<1x1x128xi32, #tpu.memory_space<vmem>>
        %dma_start3A_312 = tpu.memref_squeeze %dma_start3A_311 : memref<1x1x128xi32, #tpu.memory_space<vmem>> -> memref<128xi32, #tpu.memory_space<vmem>>
        %dma_start3A_313 = arith.constant 0 : i32
        %dma_start3A_314 = arith.constant 0 : i32
        %dma_start3A_315 = tpu.memref_slice %arg9[%dma_start3A_313, %dma_start3A_314] : memref<10016x32xf32, #tpu.memory_space<vmem_shared>> -> memref<10016x32xf32, #tpu.memory_space<vmem_shared>>
        tpu.enqueue_indirect_dma source(%dma_start3A_309 : memref<128x32xf32, #tpu.memory_space<vmem>>) target(%dma_start3A_315 : memref<10016x32xf32, #tpu.memory_space<vmem_shared>>) offsets(%dma_start3A_312 : memref<128xi32, #tpu.memory_space<vmem>>) semaphore(%arg28 : memref<!tpu.dma_semaphore, #tpu.memory_space<semaphore_mem>>) {add = true}
        %dma_wait3A_316 = arith.constant 1 : i32
        %dma_wait3A_317 = arith.constant 0 : i32
        %dma_wait3A_318 = arith.constant 1 : i32
        %dma_wait3A_319 = arith.constant 0 : i32
        %dma_wait3A_320 = arith.constant 0 : i32
        %dma_wait3A_321 = arith.constant 0 : i32
        %dma_wait3A_322 = tpu.memref_slice %arg8[%dma_wait3A_316, %dma_wait3A_317, %dma_wait3A_320, %dma_wait3A_321] : memref<2x4x128x32xf32, #tpu.memory_space<vmem>> -> memref<1x1x128x32xf32, #tpu.memory_space<vmem>>
        %dma_wait3A_323 = tpu.memref_squeeze %dma_wait3A_322 : memref<1x1x128x32xf32, #tpu.memory_space<vmem>> -> memref<128x32xf32, #tpu.memory_space<vmem>>
        %dma_wait3A_324 = arith.constant 0 : i32
        %dma_wait3A_325 = tpu.memref_slice %arg7[%dma_wait3A_318, %dma_wait3A_319, %dma_wait3A_324] : memref<2x4x128xi32, #tpu.memory_space<vmem>> -> memref<1x1x128xi32, #tpu.memory_space<vmem>>
        %dma_wait3A_326 = tpu.memref_squeeze %dma_wait3A_325 : memref<1x1x128xi32, #tpu.memory_space<vmem>> -> memref<128xi32, #tpu.memory_space<vmem>>
        %dma_wait3A_327 = arith.constant 0 : i32
        %dma_wait3A_328 = arith.constant 0 : i32
        %dma_wait3A_329 = tpu.memref_slice %arg9[%dma_wait3A_327, %dma_wait3A_328] : memref<10016x32xf32, #tpu.memory_space<vmem_shared>> -> memref<10016x32xf32, #tpu.memory_space<vmem_shared>>
        tpu.wait_indirect_dma semaphore(%arg25 : memref<!tpu.dma_semaphore, #tpu.memory_space<semaphore_mem>>) src(%dma_wait3A_323 : memref<128x32xf32, #tpu.memory_space<vmem>>) dst(%dma_wait3A_329 : memref<10016x32xf32, #tpu.memory_space<vmem_shared>>)
        %dma_wait3A_330 = arith.constant 1 : i32
        %dma_wait3A_331 = arith.constant 1 : i32
        %dma_wait3A_332 = arith.constant 1 : i32
        %dma_wait3A_333 = arith.constant 1 : i32
        %dma_wait3A_334 = arith.constant 0 : i32
        %dma_wait3A_335 = arith.constant 0 : i32
        %dma_wait3A_336 = tpu.memref_slice %arg8[%dma_wait3A_330, %dma_wait3A_331, %dma_wait3A_334, %dma_wait3A_335] : memref<2x4x128x32xf32, #tpu.memory_space<vmem>> -> memref<1x1x128x32xf32, #tpu.memory_space<vmem>>
        %dma_wait3A_337 = tpu.memref_squeeze %dma_wait3A_336 : memref<1x1x128x32xf32, #tpu.memory_space<vmem>> -> memref<128x32xf32, #tpu.memory_space<vmem>>
        %dma_wait3A_338 = arith.constant 0 : i32
        %dma_wait3A_339 = tpu.memref_slice %arg7[%dma_wait3A_332, %dma_wait3A_333, %dma_wait3A_338] : memref<2x4x128xi32, #tpu.memory_space<vmem>> -> memref<1x1x128xi32, #tpu.memory_space<vmem>>
        %dma_wait3A_340 = tpu.memref_squeeze %dma_wait3A_339 : memref<1x1x128xi32, #tpu.memory_space<vmem>> -> memref<128xi32, #tpu.memory_space<vmem>>
        %dma_wait3A_341 = arith.constant 0 : i32
        %dma_wait3A_342 = arith.constant 0 : i32
        %dma_wait3A_343 = tpu.memref_slice %arg9[%dma_wait3A_341, %dma_wait3A_342] : memref<10016x32xf32, #tpu.memory_space<vmem_shared>> -> memref<10016x32xf32, #tpu.memory_space<vmem_shared>>
        tpu.wait_indirect_dma semaphore(%arg26 : memref<!tpu.dma_semaphore, #tpu.memory_space<semaphore_mem>>) src(%dma_wait3A_337 : memref<128x32xf32, #tpu.memory_space<vmem>>) dst(%dma_wait3A_343 : memref<10016x32xf32, #tpu.memory_space<vmem_shared>>)
        %dma_wait3A_344 = arith.constant 1 : i32
        %dma_wait3A_345 = arith.constant 2 : i32
        %dma_wait3A_346 = arith.constant 1 : i32
        %dma_wait3A_347 = arith.constant 2 : i32
        %dma_wait3A_348 = arith.constant 0 : i32
        %dma_wait3A_349 = arith.constant 0 : i32
        %dma_wait3A_350 = tpu.memref_slice %arg8[%dma_wait3A_344, %dma_wait3A_345, %dma_wait3A_348, %dma_wait3A_349] : memref<2x4x128x32xf32, #tpu.memory_space<vmem>> -> memref<1x1x128x32xf32, #tpu.memory_space<vmem>>
        %dma_wait3A_351 = tpu.memref_squeeze %dma_wait3A_350 : memref<1x1x128x32xf32, #tpu.memory_space<vmem>> -> memref<128x32xf32, #tpu.memory_space<vmem>>
        %dma_wait3A_352 = arith.constant 0 : i32
        %dma_wait3A_353 = tpu.memref_slice %arg7[%dma_wait3A_346, %dma_wait3A_347, %dma_wait3A_352] : memref<2x4x128xi32, #tpu.memory_space<vmem>> -> memref<1x1x128xi32, #tpu.memory_space<vmem>>
        %dma_wait3A_354 = tpu.memref_squeeze %dma_wait3A_353 : memref<1x1x128xi32, #tpu.memory_space<vmem>> -> memref<128xi32, #tpu.memory_space<vmem>>
        %dma_wait3A_355 = arith.constant 0 : i32
        %dma_wait3A_356 = arith.constant 0 : i32
        %dma_wait3A_357 = tpu.memref_slice %arg9[%dma_wait3A_355, %dma_wait3A_356] : memref<10016x32xf32, #tpu.memory_space<vmem_shared>> -> memref<10016x32xf32, #tpu.memory_space<vmem_shared>>
        tpu.wait_indirect_dma semaphore(%arg27 : memref<!tpu.dma_semaphore, #tpu.memory_space<semaphore_mem>>) src(%dma_wait3A_351 : memref<128x32xf32, #tpu.memory_space<vmem>>) dst(%dma_wait3A_357 : memref<10016x32xf32, #tpu.memory_space<vmem_shared>>)
        %dma_wait3A_358 = arith.constant 1 : i32
        %dma_wait3A_359 = arith.constant 3 : i32
        %dma_wait3A_360 = arith.constant 1 : i32
        %dma_wait3A_361 = arith.constant 3 : i32
        %dma_wait3A_362 = arith.constant 0 : i32
        %dma_wait3A_363 = arith.constant 0 : i32
        %dma_wait3A_364 = tpu.memref_slice %arg8[%dma_wait3A_358, %dma_wait3A_359, %dma_wait3A_362, %dma_wait3A_363] : memref<2x4x128x32xf32, #tpu.memory_space<vmem>> -> memref<1x1x128x32xf32, #tpu.memory_space<vmem>>
        %dma_wait3A_365 = tpu.memref_squeeze %dma_wait3A_364 : memref<1x1x128x32xf32, #tpu.memory_space<vmem>> -> memref<128x32xf32, #tpu.memory_space<vmem>>
        %dma_wait3A_366 = arith.constant 0 : i32
        %dma_wait3A_367 = tpu.memref_slice %arg7[%dma_wait3A_360, %dma_wait3A_361, %dma_wait3A_366] : memref<2x4x128xi32, #tpu.memory_space<vmem>> -> memref<1x1x128xi32, #tpu.memory_space<vmem>>
        %dma_wait3A_368 = tpu.memref_squeeze %dma_wait3A_367 : memref<1x1x128xi32, #tpu.memory_space<vmem>> -> memref<128xi32, #tpu.memory_space<vmem>>
        %dma_wait3A_369 = arith.constant 0 : i32
        %dma_wait3A_370 = arith.constant 0 : i32
        %dma_wait3A_371 = tpu.memref_slice %arg9[%dma_wait3A_369, %dma_wait3A_370] : memref<10016x32xf32, #tpu.memory_space<vmem_shared>> -> memref<10016x32xf32, #tpu.memory_space<vmem_shared>>
        tpu.wait_indirect_dma semaphore(%arg28 : memref<!tpu.dma_semaphore, #tpu.memory_space<semaphore_mem>>) src(%dma_wait3A_365 : memref<128x32xf32, #tpu.memory_space<vmem>>) dst(%dma_wait3A_371 : memref<10016x32xf32, #tpu.memory_space<vmem_shared>>)
      } else {
      }
      %convert_element_type3A_111 = arith.extui %lt3A_107 : i1 to i32
      %cond3A_112 = arith.constant 0 : i32
      %cond3A_113 = arith.cmpi ne, %convert_element_type3A_111, %cond3A_112 : i32
      %cond3A_114 = scf.if %cond3A_113 -> (i32) {
        %sc_fetch_and_add3A_120 = arith.constant 1 : i32
        %sc_fetch_and_add3A_121 = arith.constant 0 : i32
        %sc_fetch_and_add3A_122 = arith.constant 0 : i32
        %sc_fetch_and_add3A_123 = tpu.fetch_and_add_sync %arg10[%sc_fetch_and_add3A_121], %sc_fetch_and_add3A_120, %sc_fetch_and_add3A_122 : memref<1xi32, #tpu.memory_space<smem>>, i32 -> i32
        scf.yield %sc_fetch_and_add3A_123 : i32
      } else {
        scf.yield %while3A_93 : i32
      }
      %lt3A_115 = arith.cmpi slt, %cond3A_114, %select_n3A : i32
      %and3A_116 = arith.andi %lt3A_107, %lt3A_115 : i1
      %convert_element_type3A_117 = arith.extui %and3A_116 : i1 to i32
      %cond3A_118 = arith.constant 0 : i32
      %cond3A_119 = arith.cmpi ne, %convert_element_type3A_117, %cond3A_118 : i32
      scf.if %cond3A_119 {
        %add3A_120 = arith.addi %select_n3A_6, %cond3A_114 : i32
        %mul3A_121 = arith.constant 4 : i32
        %mul3A_122 = arith.muli %add3A_120, %mul3A_121 : i32
        %dma_start3A = arith.constant 1 : i32
        %dma_start3A_123 = arith.constant 0 : i32
        %dma_start3A_124 = arith.constant 0 : i32
        %dma_start3A_125 = tpu.memref_slice %arg6[%dma_start3A, %dma_start3A_123, %dma_start3A_124] : memref<2x4x128xi32, #tpu.memory_space<vmem>> -> memref<1x4x128xi32, #tpu.memory_space<vmem>>
        %dma_start3A_126 = tpu.memref_squeeze %dma_start3A_125 : memref<1x4x128xi32, #tpu.memory_space<vmem>> -> memref<4x128xi32, #tpu.memory_space<vmem>>
        %dma_start3A_127 = arith.constant 0 : i32
        %dma_start3A_128 = tpu.memref_slice %arg3[%mul3A_122, %dma_start3A_127] : memref<2560x128xi32, #tpu.memory_space<hbm>> -> memref<4x128xi32, #tpu.memory_space<hbm>>
        %dma_start3A_129 = arith.constant 0 : i32
        %dma_start3A_130 = arith.constant 0 : i32
        %dma_start3A_131 = tpu.memref_slice %arg6[%dma_start3A, %dma_start3A_129, %dma_start3A_130] : memref<2x4x128xi32, #tpu.memory_space<vmem>> -> memref<1x4x128xi32, #tpu.memory_space<vmem>>
        %dma_start3A_132 = tpu.memref_squeeze %dma_start3A_131 : memref<1x4x128xi32, #tpu.memory_space<vmem>> -> memref<4x128xi32, #tpu.memory_space<vmem>>
        %dma_start3A_133 = arith.constant 0 : i32
        %dma_start3A_134 = tpu.memref_slice %arg3[%mul3A_122, %dma_start3A_133] : memref<2560x128xi32, #tpu.memory_space<hbm>> -> memref<4x128xi32, #tpu.memory_space<hbm>>
        tpu.enqueue_dma source(%dma_start3A_134 : memref<4x128xi32, #tpu.memory_space<hbm>>) target(%dma_start3A_132 : memref<4x128xi32, #tpu.memory_space<vmem>>) target_semaphore(%arg12 : memref<!tpu.dma_semaphore, #tpu.memory_space<semaphore_mem>>)
        %dma_start3A_135 = arith.constant 1 : i32
        %dma_start3A_136 = arith.constant 0 : i32
        %dma_start3A_137 = arith.constant 0 : i32
        %dma_start3A_138 = tpu.memref_slice %arg7[%dma_start3A_135, %dma_start3A_136, %dma_start3A_137] : memref<2x4x128xi32, #tpu.memory_space<vmem>> -> memref<1x4x128xi32, #tpu.memory_space<vmem>>
        %dma_start3A_139 = tpu.memref_squeeze %dma_start3A_138 : memref<1x4x128xi32, #tpu.memory_space<vmem>> -> memref<4x128xi32, #tpu.memory_space<vmem>>
        %dma_start3A_140 = arith.constant 0 : i32
        %dma_start3A_141 = tpu.memref_slice %arg4[%mul3A_122, %dma_start3A_140] : memref<2560x128xi32, #tpu.memory_space<hbm>> -> memref<4x128xi32, #tpu.memory_space<hbm>>
        %dma_start3A_142 = arith.constant 0 : i32
        %dma_start3A_143 = arith.constant 0 : i32
        %dma_start3A_144 = tpu.memref_slice %arg7[%dma_start3A_135, %dma_start3A_142, %dma_start3A_143] : memref<2x4x128xi32, #tpu.memory_space<vmem>> -> memref<1x4x128xi32, #tpu.memory_space<vmem>>
        %dma_start3A_145 = tpu.memref_squeeze %dma_start3A_144 : memref<1x4x128xi32, #tpu.memory_space<vmem>> -> memref<4x128xi32, #tpu.memory_space<vmem>>
        %dma_start3A_146 = arith.constant 0 : i32
        %dma_start3A_147 = tpu.memref_slice %arg4[%mul3A_122, %dma_start3A_146] : memref<2560x128xi32, #tpu.memory_space<hbm>> -> memref<4x128xi32, #tpu.memory_space<hbm>>
        tpu.enqueue_dma source(%dma_start3A_147 : memref<4x128xi32, #tpu.memory_space<hbm>>) target(%dma_start3A_145 : memref<4x128xi32, #tpu.memory_space<vmem>>) target_semaphore(%arg12 : memref<!tpu.dma_semaphore, #tpu.memory_space<semaphore_mem>>)
      } else {
      }
      scf.yield %cond3A_101, %cond3A_114 : i32, i32
    }
    %while3A_84 = arith.constant 1 : i32
    %while3A_85:2 = scf.for %while3A_91 = %while3A_81 to %while3A_77 step %while3A_84 iter_args(%while3A_92 = %while3A_83#0, %while3A_93 = %while3A_83#1) -> (i32, i32)  : i32 {
      %lt3A_94 = arith.cmpi slt, %while3A_92, %select_n3A : i32
      %convert_element_type3A_95 = arith.extui %lt3A_94 : i1 to i32
      %cond3A_96 = arith.constant 0 : i32
      %cond3A_97 = arith.cmpi ne, %convert_element_type3A_95, %cond3A_96 : i32
      scf.if %cond3A_97 {
        %dma_wait3A = arith.constant 0 : i32
        %dma_wait3A_120 = arith.constant 0 : i32
        %dma_wait3A_121 = arith.constant 0 : i32
        %dma_wait3A_122 = tpu.memref_slice %arg6[%dma_wait3A, %dma_wait3A_120, %dma_wait3A_121] : memref<2x4x128xi32, #tpu.memory_space<vmem>> -> memref<1x4x128xi32, #tpu.memory_space<vmem>>
        %dma_wait3A_123 = tpu.memref_squeeze %dma_wait3A_122 : memref<1x4x128xi32, #tpu.memory_space<vmem>> -> memref<4x128xi32, #tpu.memory_space<vmem>>
        %dma_wait3A_124 = arith.constant 0 : i32
        %dma_wait3A_125 = arith.constant 0 : i32
        %dma_wait3A_126 = tpu.memref_slice %arg3[%dma_wait3A_124, %dma_wait3A_125] : memref<2560x128xi32, #tpu.memory_space<hbm>> -> memref<4x128xi32, #tpu.memory_space<hbm>>
        %dma_wait3A_127 = arith.constant 0 : i32
        %dma_wait3A_128 = arith.constant 0 : i32
        %dma_wait3A_129 = tpu.memref_slice %arg6[%dma_wait3A, %dma_wait3A_127, %dma_wait3A_128] : memref<2x4x128xi32, #tpu.memory_space<vmem>> -> memref<1x4x128xi32, #tpu.memory_space<vmem>>
        %dma_wait3A_130 = tpu.memref_squeeze %dma_wait3A_129 : memref<1x4x128xi32, #tpu.memory_space<vmem>> -> memref<4x128xi32, #tpu.memory_space<vmem>>
        %dma_wait3A_131 = arith.constant 0 : i32
        %dma_wait3A_132 = arith.constant 0 : i32
        %dma_wait3A_133 = tpu.memref_slice %arg3[%dma_wait3A_131, %dma_wait3A_132] : memref<2560x128xi32, #tpu.memory_space<hbm>> -> memref<4x128xi32, #tpu.memory_space<hbm>>
        tpu.wait_dma2 semaphore(%arg11 : memref<!tpu.dma_semaphore, #tpu.memory_space<semaphore_mem>>) src(%dma_wait3A_133 : memref<4x128xi32, #tpu.memory_space<hbm>>) dst(%dma_wait3A_130 : memref<4x128xi32, #tpu.memory_space<vmem>>)
        %dma_wait3A_134 = arith.constant 0 : i32
        %dma_wait3A_135 = arith.constant 0 : i32
        %dma_wait3A_136 = arith.constant 0 : i32
        %dma_wait3A_137 = tpu.memref_slice %arg7[%dma_wait3A_134, %dma_wait3A_135, %dma_wait3A_136] : memref<2x4x128xi32, #tpu.memory_space<vmem>> -> memref<1x4x128xi32, #tpu.memory_space<vmem>>
        %dma_wait3A_138 = tpu.memref_squeeze %dma_wait3A_137 : memref<1x4x128xi32, #tpu.memory_space<vmem>> -> memref<4x128xi32, #tpu.memory_space<vmem>>
        %dma_wait3A_139 = arith.constant 0 : i32
        %dma_wait3A_140 = arith.constant 0 : i32
        %dma_wait3A_141 = tpu.memref_slice %arg4[%dma_wait3A_139, %dma_wait3A_140] : memref<2560x128xi32, #tpu.memory_space<hbm>> -> memref<4x128xi32, #tpu.memory_space<hbm>>
        %dma_wait3A_142 = arith.constant 0 : i32
        %dma_wait3A_143 = arith.constant 0 : i32
        %dma_wait3A_144 = tpu.memref_slice %arg7[%dma_wait3A_134, %dma_wait3A_142, %dma_wait3A_143] : memref<2x4x128xi32, #tpu.memory_space<vmem>> -> memref<1x4x128xi32, #tpu.memory_space<vmem>>
        %dma_wait3A_145 = tpu.memref_squeeze %dma_wait3A_144 : memref<1x4x128xi32, #tpu.memory_space<vmem>> -> memref<4x128xi32, #tpu.memory_space<vmem>>
        %dma_wait3A_146 = arith.constant 0 : i32
        %dma_wait3A_147 = arith.constant 0 : i32
        %dma_wait3A_148 = tpu.memref_slice %arg4[%dma_wait3A_146, %dma_wait3A_147] : memref<2560x128xi32, #tpu.memory_space<hbm>> -> memref<4x128xi32, #tpu.memory_space<hbm>>
        tpu.wait_dma2 semaphore(%arg11 : memref<!tpu.dma_semaphore, #tpu.memory_space<semaphore_mem>>) src(%dma_wait3A_148 : memref<4x128xi32, #tpu.memory_space<hbm>>) dst(%dma_wait3A_145 : memref<4x128xi32, #tpu.memory_space<vmem>>)
        %dma_start3A = arith.constant 0 : i32
        %dma_start3A_149 = arith.constant 0 : i32
        %dma_start3A_150 = arith.constant 0 : i32
        %dma_start3A_151 = arith.constant 0 : i32
        %dma_start3A_152 = arith.constant 0 : i32
        %dma_start3A_153 = arith.constant 0 : i32
        %dma_start3A_154 = tpu.memref_slice %arg8[%dma_start3A_150, %dma_start3A_151, %dma_start3A_152, %dma_start3A_153] : memref<2x4x128x32xf32, #tpu.memory_space<vmem>> -> memref<1x1x128x32xf32, #tpu.memory_space<vmem>>
        %dma_start3A_155 = tpu.memref_squeeze %dma_start3A_154 : memref<1x1x128x32xf32, #tpu.memory_space<vmem>> -> memref<128x32xf32, #tpu.memory_space<vmem>>
        %dma_start3A_156 = arith.constant 0 : i32
        %dma_start3A_157 = tpu.memref_slice %arg6[%dma_start3A, %dma_start3A_149, %dma_start3A_156] : memref<2x4x128xi32, #tpu.memory_space<vmem>> -> memref<1x1x128xi32, #tpu.memory_space<vmem>>
        %dma_start3A_158 = tpu.memref_squeeze %dma_start3A_157 : memref<1x1x128xi32, #tpu.memory_space<vmem>> -> memref<128xi32, #tpu.memory_space<vmem>>
        %dma_start3A_159 = arith.constant 0 : i32
        %dma_start3A_160 = arith.constant 0 : i32
        %dma_start3A_161 = tpu.memref_slice %arg2[%dma_start3A_159, %dma_start3A_160] : memref<10000x32xf32, #tpu.memory_space<hbm>> -> memref<10000x32xf32, #tpu.memory_space<hbm>>
        tpu.enqueue_indirect_dma source(%dma_start3A_161 : memref<10000x32xf32, #tpu.memory_space<hbm>>) target(%dma_start3A_155 : memref<128x32xf32, #tpu.memory_space<vmem>>) offsets(%dma_start3A_158 : memref<128xi32, #tpu.memory_space<vmem>>) semaphore(%arg13 : memref<!tpu.dma_semaphore, #tpu.memory_space<semaphore_mem>>)
        %dma_start3A_162 = arith.constant 0 : i32
        %dma_start3A_163 = arith.constant 1 : i32
        %dma_start3A_164 = arith.constant 0 : i32
        %dma_start3A_165 = arith.constant 1 : i32
        %dma_start3A_166 = arith.constant 0 : i32
        %dma_start3A_167 = arith.constant 0 : i32
        %dma_start3A_168 = tpu.memref_slice %arg8[%dma_start3A_164, %dma_start3A_165, %dma_start3A_166, %dma_start3A_167] : memref<2x4x128x32xf32, #tpu.memory_space<vmem>> -> memref<1x1x128x32xf32, #tpu.memory_space<vmem>>
        %dma_start3A_169 = tpu.memref_squeeze %dma_start3A_168 : memref<1x1x128x32xf32, #tpu.memory_space<vmem>> -> memref<128x32xf32, #tpu.memory_space<vmem>>
        %dma_start3A_170 = arith.constant 0 : i32
        %dma_start3A_171 = tpu.memref_slice %arg6[%dma_start3A_162, %dma_start3A_163, %dma_start3A_170] : memref<2x4x128xi32, #tpu.memory_space<vmem>> -> memref<1x1x128xi32, #tpu.memory_space<vmem>>
        %dma_start3A_172 = tpu.memref_squeeze %dma_start3A_171 : memref<1x1x128xi32, #tpu.memory_space<vmem>> -> memref<128xi32, #tpu.memory_space<vmem>>
        %dma_start3A_173 = arith.constant 0 : i32
        %dma_start3A_174 = arith.constant 0 : i32
        %dma_start3A_175 = tpu.memref_slice %arg2[%dma_start3A_173, %dma_start3A_174] : memref<10000x32xf32, #tpu.memory_space<hbm>> -> memref<10000x32xf32, #tpu.memory_space<hbm>>
        tpu.enqueue_indirect_dma source(%dma_start3A_175 : memref<10000x32xf32, #tpu.memory_space<hbm>>) target(%dma_start3A_169 : memref<128x32xf32, #tpu.memory_space<vmem>>) offsets(%dma_start3A_172 : memref<128xi32, #tpu.memory_space<vmem>>) semaphore(%arg14 : memref<!tpu.dma_semaphore, #tpu.memory_space<semaphore_mem>>)
        %dma_start3A_176 = arith.constant 0 : i32
        %dma_start3A_177 = arith.constant 2 : i32
        %dma_start3A_178 = arith.constant 0 : i32
        %dma_start3A_179 = arith.constant 2 : i32
        %dma_start3A_180 = arith.constant 0 : i32
        %dma_start3A_181 = arith.constant 0 : i32
        %dma_start3A_182 = tpu.memref_slice %arg8[%dma_start3A_178, %dma_start3A_179, %dma_start3A_180, %dma_start3A_181] : memref<2x4x128x32xf32, #tpu.memory_space<vmem>> -> memref<1x1x128x32xf32, #tpu.memory_space<vmem>>
        %dma_start3A_183 = tpu.memref_squeeze %dma_start3A_182 : memref<1x1x128x32xf32, #tpu.memory_space<vmem>> -> memref<128x32xf32, #tpu.memory_space<vmem>>
        %dma_start3A_184 = arith.constant 0 : i32
        %dma_start3A_185 = tpu.memref_slice %arg6[%dma_start3A_176, %dma_start3A_177, %dma_start3A_184] : memref<2x4x128xi32, #tpu.memory_space<vmem>> -> memref<1x1x128xi32, #tpu.memory_space<vmem>>
        %dma_start3A_186 = tpu.memref_squeeze %dma_start3A_185 : memref<1x1x128xi32, #tpu.memory_space<vmem>> -> memref<128xi32, #tpu.memory_space<vmem>>
        %dma_start3A_187 = arith.constant 0 : i32
        %dma_start3A_188 = arith.constant 0 : i32
        %dma_start3A_189 = tpu.memref_slice %arg2[%dma_start3A_187, %dma_start3A_188] : memref<10000x32xf32, #tpu.memory_space<hbm>> -> memref<10000x32xf32, #tpu.memory_space<hbm>>
        tpu.enqueue_indirect_dma source(%dma_start3A_189 : memref<10000x32xf32, #tpu.memory_space<hbm>>) target(%dma_start3A_183 : memref<128x32xf32, #tpu.memory_space<vmem>>) offsets(%dma_start3A_186 : memref<128xi32, #tpu.memory_space<vmem>>) semaphore(%arg15 : memref<!tpu.dma_semaphore, #tpu.memory_space<semaphore_mem>>)
        %dma_start3A_190 = arith.constant 0 : i32
        %dma_start3A_191 = arith.constant 3 : i32
        %dma_start3A_192 = arith.constant 0 : i32
        %dma_start3A_193 = arith.constant 3 : i32
        %dma_start3A_194 = arith.constant 0 : i32
        %dma_start3A_195 = arith.constant 0 : i32
        %dma_start3A_196 = tpu.memref_slice %arg8[%dma_start3A_192, %dma_start3A_193, %dma_start3A_194, %dma_start3A_195] : memref<2x4x128x32xf32, #tpu.memory_space<vmem>> -> memref<1x1x128x32xf32, #tpu.memory_space<vmem>>
        %dma_start3A_197 = tpu.memref_squeeze %dma_start3A_196 : memref<1x1x128x32xf32, #tpu.memory_space<vmem>> -> memref<128x32xf32, #tpu.memory_space<vmem>>
        %dma_start3A_198 = arith.constant 0 : i32
        %dma_start3A_199 = tpu.memref_slice %arg6[%dma_start3A_190, %dma_start3A_191, %dma_start3A_198] : memref<2x4x128xi32, #tpu.memory_space<vmem>> -> memref<1x1x128xi32, #tpu.memory_space<vmem>>
        %dma_start3A_200 = tpu.memref_squeeze %dma_start3A_199 : memref<1x1x128xi32, #tpu.memory_space<vmem>> -> memref<128xi32, #tpu.memory_space<vmem>>
        %dma_start3A_201 = arith.constant 0 : i32
        %dma_start3A_202 = arith.constant 0 : i32
        %dma_start3A_203 = tpu.memref_slice %arg2[%dma_start3A_201, %dma_start3A_202] : memref<10000x32xf32, #tpu.memory_space<hbm>> -> memref<10000x32xf32, #tpu.memory_space<hbm>>
        tpu.enqueue_indirect_dma source(%dma_start3A_203 : memref<10000x32xf32, #tpu.memory_space<hbm>>) target(%dma_start3A_197 : memref<128x32xf32, #tpu.memory_space<vmem>>) offsets(%dma_start3A_200 : memref<128xi32, #tpu.memory_space<vmem>>) semaphore(%arg16 : memref<!tpu.dma_semaphore, #tpu.memory_space<semaphore_mem>>)
        %dma_wait3A_204 = arith.constant 0 : i32
        %dma_wait3A_205 = arith.constant 0 : i32
        %dma_wait3A_206 = arith.constant 0 : i32
        %dma_wait3A_207 = arith.constant 0 : i32
        %dma_wait3A_208 = arith.constant 0 : i32
        %dma_wait3A_209 = arith.constant 0 : i32
        %dma_wait3A_210 = tpu.memref_slice %arg8[%dma_wait3A_206, %dma_wait3A_207, %dma_wait3A_208, %dma_wait3A_209] : memref<2x4x128x32xf32, #tpu.memory_space<vmem>> -> memref<1x1x128x32xf32, #tpu.memory_space<vmem>>
        %dma_wait3A_211 = tpu.memref_squeeze %dma_wait3A_210 : memref<1x1x128x32xf32, #tpu.memory_space<vmem>> -> memref<128x32xf32, #tpu.memory_space<vmem>>
        %dma_wait3A_212 = arith.constant 0 : i32
        %dma_wait3A_213 = tpu.memref_slice %arg6[%dma_wait3A_204, %dma_wait3A_205, %dma_wait3A_212] : memref<2x4x128xi32, #tpu.memory_space<vmem>> -> memref<1x1x128xi32, #tpu.memory_space<vmem>>
        %dma_wait3A_214 = tpu.memref_squeeze %dma_wait3A_213 : memref<1x1x128xi32, #tpu.memory_space<vmem>> -> memref<128xi32, #tpu.memory_space<vmem>>
        %dma_wait3A_215 = arith.constant 0 : i32
        %dma_wait3A_216 = arith.constant 0 : i32
        %dma_wait3A_217 = tpu.memref_slice %arg2[%dma_wait3A_215, %dma_wait3A_216] : memref<10000x32xf32, #tpu.memory_space<hbm>> -> memref<10000x32xf32, #tpu.memory_space<hbm>>
        tpu.wait_indirect_dma semaphore(%arg13 : memref<!tpu.dma_semaphore, #tpu.memory_space<semaphore_mem>>) src(%dma_wait3A_217 : memref<10000x32xf32, #tpu.memory_space<hbm>>) dst(%dma_wait3A_211 : memref<128x32xf32, #tpu.memory_space<vmem>>)
        %dma_start3A_218 = arith.constant 0 : i32
        %dma_start3A_219 = arith.constant 0 : i32
        %dma_start3A_220 = arith.constant 0 : i32
        %dma_start3A_221 = arith.constant 0 : i32
        %dma_start3A_222 = arith.constant 0 : i32
        %dma_start3A_223 = arith.constant 0 : i32
        %dma_start3A_224 = tpu.memref_slice %arg8[%dma_start3A_218, %dma_start3A_219, %dma_start3A_222, %dma_start3A_223] : memref<2x4x128x32xf32, #tpu.memory_space<vmem>> -> memref<1x1x128x32xf32, #tpu.memory_space<vmem>>
        %dma_start3A_225 = tpu.memref_squeeze %dma_start3A_224 : memref<1x1x128x32xf32, #tpu.memory_space<vmem>> -> memref<128x32xf32, #tpu.memory_space<vmem>>
        %dma_start3A_226 = arith.constant 0 : i32
        %dma_start3A_227 = tpu.memref_slice %arg7[%dma_start3A_220, %dma_start3A_221, %dma_start3A_226] : memref<2x4x128xi32, #tpu.memory_space<vmem>> -> memref<1x1x128xi32, #tpu.memory_space<vmem>>
        %dma_start3A_228 = tpu.memref_squeeze %dma_start3A_227 : memref<1x1x128xi32, #tpu.memory_space<vmem>> -> memref<128xi32, #tpu.memory_space<vmem>>
        %dma_start3A_229 = arith.constant 0 : i32
        %dma_start3A_230 = arith.constant 0 : i32
        %dma_start3A_231 = tpu.memref_slice %arg9[%dma_start3A_229, %dma_start3A_230] : memref<10016x32xf32, #tpu.memory_space<vmem_shared>> -> memref<10016x32xf32, #tpu.memory_space<vmem_shared>>
        tpu.enqueue_indirect_dma source(%dma_start3A_225 : memref<128x32xf32, #tpu.memory_space<vmem>>) target(%dma_start3A_231 : memref<10016x32xf32, #tpu.memory_space<vmem_shared>>) offsets(%dma_start3A_228 : memref<128xi32, #tpu.memory_space<vmem>>) semaphore(%arg21 : memref<!tpu.dma_semaphore, #tpu.memory_space<semaphore_mem>>) {add = true}
        %dma_wait3A_232 = arith.constant 0 : i32
        %dma_wait3A_233 = arith.constant 1 : i32
        %dma_wait3A_234 = arith.constant 0 : i32
        %dma_wait3A_235 = arith.constant 1 : i32
        %dma_wait3A_236 = arith.constant 0 : i32
        %dma_wait3A_237 = arith.constant 0 : i32
        %dma_wait3A_238 = tpu.memref_slice %arg8[%dma_wait3A_234, %dma_wait3A_235, %dma_wait3A_236, %dma_wait3A_237] : memref<2x4x128x32xf32, #tpu.memory_space<vmem>> -> memref<1x1x128x32xf32, #tpu.memory_space<vmem>>
        %dma_wait3A_239 = tpu.memref_squeeze %dma_wait3A_238 : memref<1x1x128x32xf32, #tpu.memory_space<vmem>> -> memref<128x32xf32, #tpu.memory_space<vmem>>
        %dma_wait3A_240 = arith.constant 0 : i32
        %dma_wait3A_241 = tpu.memref_slice %arg6[%dma_wait3A_232, %dma_wait3A_233, %dma_wait3A_240] : memref<2x4x128xi32, #tpu.memory_space<vmem>> -> memref<1x1x128xi32, #tpu.memory_space<vmem>>
        %dma_wait3A_242 = tpu.memref_squeeze %dma_wait3A_241 : memref<1x1x128xi32, #tpu.memory_space<vmem>> -> memref<128xi32, #tpu.memory_space<vmem>>
        %dma_wait3A_243 = arith.constant 0 : i32
        %dma_wait3A_244 = arith.constant 0 : i32
        %dma_wait3A_245 = tpu.memref_slice %arg2[%dma_wait3A_243, %dma_wait3A_244] : memref<10000x32xf32, #tpu.memory_space<hbm>> -> memref<10000x32xf32, #tpu.memory_space<hbm>>
        tpu.wait_indirect_dma semaphore(%arg14 : memref<!tpu.dma_semaphore, #tpu.memory_space<semaphore_mem>>) src(%dma_wait3A_245 : memref<10000x32xf32, #tpu.memory_space<hbm>>) dst(%dma_wait3A_239 : memref<128x32xf32, #tpu.memory_space<vmem>>)
        %dma_start3A_246 = arith.constant 0 : i32
        %dma_start3A_247 = arith.constant 1 : i32
        %dma_start3A_248 = arith.constant 0 : i32
        %dma_start3A_249 = arith.constant 1 : i32
        %dma_start3A_250 = arith.constant 0 : i32
        %dma_start3A_251 = arith.constant 0 : i32
        %dma_start3A_252 = tpu.memref_slice %arg8[%dma_start3A_246, %dma_start3A_247, %dma_start3A_250, %dma_start3A_251] : memref<2x4x128x32xf32, #tpu.memory_space<vmem>> -> memref<1x1x128x32xf32, #tpu.memory_space<vmem>>
        %dma_start3A_253 = tpu.memref_squeeze %dma_start3A_252 : memref<1x1x128x32xf32, #tpu.memory_space<vmem>> -> memref<128x32xf32, #tpu.memory_space<vmem>>
        %dma_start3A_254 = arith.constant 0 : i32
        %dma_start3A_255 = tpu.memref_slice %arg7[%dma_start3A_248, %dma_start3A_249, %dma_start3A_254] : memref<2x4x128xi32, #tpu.memory_space<vmem>> -> memref<1x1x128xi32, #tpu.memory_space<vmem>>
        %dma_start3A_256 = tpu.memref_squeeze %dma_start3A_255 : memref<1x1x128xi32, #tpu.memory_space<vmem>> -> memref<128xi32, #tpu.memory_space<vmem>>
        %dma_start3A_257 = arith.constant 0 : i32
        %dma_start3A_258 = arith.constant 0 : i32
        %dma_start3A_259 = tpu.memref_slice %arg9[%dma_start3A_257, %dma_start3A_258] : memref<10016x32xf32, #tpu.memory_space<vmem_shared>> -> memref<10016x32xf32, #tpu.memory_space<vmem_shared>>
        tpu.enqueue_indirect_dma source(%dma_start3A_253 : memref<128x32xf32, #tpu.memory_space<vmem>>) target(%dma_start3A_259 : memref<10016x32xf32, #tpu.memory_space<vmem_shared>>) offsets(%dma_start3A_256 : memref<128xi32, #tpu.memory_space<vmem>>) semaphore(%arg22 : memref<!tpu.dma_semaphore, #tpu.memory_space<semaphore_mem>>) {add = true}
        %dma_wait3A_260 = arith.constant 0 : i32
        %dma_wait3A_261 = arith.constant 2 : i32
        %dma_wait3A_262 = arith.constant 0 : i32
        %dma_wait3A_263 = arith.constant 2 : i32
        %dma_wait3A_264 = arith.constant 0 : i32
        %dma_wait3A_265 = arith.constant 0 : i32
        %dma_wait3A_266 = tpu.memref_slice %arg8[%dma_wait3A_262, %dma_wait3A_263, %dma_wait3A_264, %dma_wait3A_265] : memref<2x4x128x32xf32, #tpu.memory_space<vmem>> -> memref<1x1x128x32xf32, #tpu.memory_space<vmem>>
        %dma_wait3A_267 = tpu.memref_squeeze %dma_wait3A_266 : memref<1x1x128x32xf32, #tpu.memory_space<vmem>> -> memref<128x32xf32, #tpu.memory_space<vmem>>
        %dma_wait3A_268 = arith.constant 0 : i32
        %dma_wait3A_269 = tpu.memref_slice %arg6[%dma_wait3A_260, %dma_wait3A_261, %dma_wait3A_268] : memref<2x4x128xi32, #tpu.memory_space<vmem>> -> memref<1x1x128xi32, #tpu.memory_space<vmem>>
        %dma_wait3A_270 = tpu.memref_squeeze %dma_wait3A_269 : memref<1x1x128xi32, #tpu.memory_space<vmem>> -> memref<128xi32, #tpu.memory_space<vmem>>
        %dma_wait3A_271 = arith.constant 0 : i32
        %dma_wait3A_272 = arith.constant 0 : i32
        %dma_wait3A_273 = tpu.memref_slice %arg2[%dma_wait3A_271, %dma_wait3A_272] : memref<10000x32xf32, #tpu.memory_space<hbm>> -> memref<10000x32xf32, #tpu.memory_space<hbm>>
        tpu.wait_indirect_dma semaphore(%arg15 : memref<!tpu.dma_semaphore, #tpu.memory_space<semaphore_mem>>) src(%dma_wait3A_273 : memref<10000x32xf32, #tpu.memory_space<hbm>>) dst(%dma_wait3A_267 : memref<128x32xf32, #tpu.memory_space<vmem>>)
        %dma_start3A_274 = arith.constant 0 : i32
        %dma_start3A_275 = arith.constant 2 : i32
        %dma_start3A_276 = arith.constant 0 : i32
        %dma_start3A_277 = arith.constant 2 : i32
        %dma_start3A_278 = arith.constant 0 : i32
        %dma_start3A_279 = arith.constant 0 : i32
        %dma_start3A_280 = tpu.memref_slice %arg8[%dma_start3A_274, %dma_start3A_275, %dma_start3A_278, %dma_start3A_279] : memref<2x4x128x32xf32, #tpu.memory_space<vmem>> -> memref<1x1x128x32xf32, #tpu.memory_space<vmem>>
        %dma_start3A_281 = tpu.memref_squeeze %dma_start3A_280 : memref<1x1x128x32xf32, #tpu.memory_space<vmem>> -> memref<128x32xf32, #tpu.memory_space<vmem>>
        %dma_start3A_282 = arith.constant 0 : i32
        %dma_start3A_283 = tpu.memref_slice %arg7[%dma_start3A_276, %dma_start3A_277, %dma_start3A_282] : memref<2x4x128xi32, #tpu.memory_space<vmem>> -> memref<1x1x128xi32, #tpu.memory_space<vmem>>
        %dma_start3A_284 = tpu.memref_squeeze %dma_start3A_283 : memref<1x1x128xi32, #tpu.memory_space<vmem>> -> memref<128xi32, #tpu.memory_space<vmem>>
        %dma_start3A_285 = arith.constant 0 : i32
        %dma_start3A_286 = arith.constant 0 : i32
        %dma_start3A_287 = tpu.memref_slice %arg9[%dma_start3A_285, %dma_start3A_286] : memref<10016x32xf32, #tpu.memory_space<vmem_shared>> -> memref<10016x32xf32, #tpu.memory_space<vmem_shared>>
        tpu.enqueue_indirect_dma source(%dma_start3A_281 : memref<128x32xf32, #tpu.memory_space<vmem>>) target(%dma_start3A_287 : memref<10016x32xf32, #tpu.memory_space<vmem_shared>>) offsets(%dma_start3A_284 : memref<128xi32, #tpu.memory_space<vmem>>) semaphore(%arg23 : memref<!tpu.dma_semaphore, #tpu.memory_space<semaphore_mem>>) {add = true}
        %dma_wait3A_288 = arith.constant 0 : i32
        %dma_wait3A_289 = arith.constant 3 : i32
        %dma_wait3A_290 = arith.constant 0 : i32
        %dma_wait3A_291 = arith.constant 3 : i32
        %dma_wait3A_292 = arith.constant 0 : i32
        %dma_wait3A_293 = arith.constant 0 : i32
        %dma_wait3A_294 = tpu.memref_slice %arg8[%dma_wait3A_290, %dma_wait3A_291, %dma_wait3A_292, %dma_wait3A_293] : memref<2x4x128x32xf32, #tpu.memory_space<vmem>> -> memref<1x1x128x32xf32, #tpu.memory_space<vmem>>
        %dma_wait3A_295 = tpu.memref_squeeze %dma_wait3A_294 : memref<1x1x128x32xf32, #tpu.memory_space<vmem>> -> memref<128x32xf32, #tpu.memory_space<vmem>>
        %dma_wait3A_296 = arith.constant 0 : i32
        %dma_wait3A_297 = tpu.memref_slice %arg6[%dma_wait3A_288, %dma_wait3A_289, %dma_wait3A_296] : memref<2x4x128xi32, #tpu.memory_space<vmem>> -> memref<1x1x128xi32, #tpu.memory_space<vmem>>
        %dma_wait3A_298 = tpu.memref_squeeze %dma_wait3A_297 : memref<1x1x128xi32, #tpu.memory_space<vmem>> -> memref<128xi32, #tpu.memory_space<vmem>>
        %dma_wait3A_299 = arith.constant 0 : i32
        %dma_wait3A_300 = arith.constant 0 : i32
        %dma_wait3A_301 = tpu.memref_slice %arg2[%dma_wait3A_299, %dma_wait3A_300] : memref<10000x32xf32, #tpu.memory_space<hbm>> -> memref<10000x32xf32, #tpu.memory_space<hbm>>
        tpu.wait_indirect_dma semaphore(%arg16 : memref<!tpu.dma_semaphore, #tpu.memory_space<semaphore_mem>>) src(%dma_wait3A_301 : memref<10000x32xf32, #tpu.memory_space<hbm>>) dst(%dma_wait3A_295 : memref<128x32xf32, #tpu.memory_space<vmem>>)
        %dma_start3A_302 = arith.constant 0 : i32
        %dma_start3A_303 = arith.constant 3 : i32
        %dma_start3A_304 = arith.constant 0 : i32
        %dma_start3A_305 = arith.constant 3 : i32
        %dma_start3A_306 = arith.constant 0 : i32
        %dma_start3A_307 = arith.constant 0 : i32
        %dma_start3A_308 = tpu.memref_slice %arg8[%dma_start3A_302, %dma_start3A_303, %dma_start3A_306, %dma_start3A_307] : memref<2x4x128x32xf32, #tpu.memory_space<vmem>> -> memref<1x1x128x32xf32, #tpu.memory_space<vmem>>
        %dma_start3A_309 = tpu.memref_squeeze %dma_start3A_308 : memref<1x1x128x32xf32, #tpu.memory_space<vmem>> -> memref<128x32xf32, #tpu.memory_space<vmem>>
        %dma_start3A_310 = arith.constant 0 : i32
        %dma_start3A_311 = tpu.memref_slice %arg7[%dma_start3A_304, %dma_start3A_305, %dma_start3A_310] : memref<2x4x128xi32, #tpu.memory_space<vmem>> -> memref<1x1x128xi32, #tpu.memory_space<vmem>>
        %dma_start3A_312 = tpu.memref_squeeze %dma_start3A_311 : memref<1x1x128xi32, #tpu.memory_space<vmem>> -> memref<128xi32, #tpu.memory_space<vmem>>
        %dma_start3A_313 = arith.constant 0 : i32
        %dma_start3A_314 = arith.constant 0 : i32
        %dma_start3A_315 = tpu.memref_slice %arg9[%dma_start3A_313, %dma_start3A_314] : memref<10016x32xf32, #tpu.memory_space<vmem_shared>> -> memref<10016x32xf32, #tpu.memory_space<vmem_shared>>
        tpu.enqueue_indirect_dma source(%dma_start3A_309 : memref<128x32xf32, #tpu.memory_space<vmem>>) target(%dma_start3A_315 : memref<10016x32xf32, #tpu.memory_space<vmem_shared>>) offsets(%dma_start3A_312 : memref<128xi32, #tpu.memory_space<vmem>>) semaphore(%arg24 : memref<!tpu.dma_semaphore, #tpu.memory_space<semaphore_mem>>) {add = true}
        %dma_wait3A_316 = arith.constant 0 : i32
        %dma_wait3A_317 = arith.constant 0 : i32
        %dma_wait3A_318 = arith.constant 0 : i32
        %dma_wait3A_319 = arith.constant 0 : i32
        %dma_wait3A_320 = arith.constant 0 : i32
        %dma_wait3A_321 = arith.constant 0 : i32
        %dma_wait3A_322 = tpu.memref_slice %arg8[%dma_wait3A_316, %dma_wait3A_317, %dma_wait3A_320, %dma_wait3A_321] : memref<2x4x128x32xf32, #tpu.memory_space<vmem>> -> memref<1x1x128x32xf32, #tpu.memory_space<vmem>>
        %dma_wait3A_323 = tpu.memref_squeeze %dma_wait3A_322 : memref<1x1x128x32xf32, #tpu.memory_space<vmem>> -> memref<128x32xf32, #tpu.memory_space<vmem>>
        %dma_wait3A_324 = arith.constant 0 : i32
        %dma_wait3A_325 = tpu.memref_slice %arg7[%dma_wait3A_318, %dma_wait3A_319, %dma_wait3A_324] : memref<2x4x128xi32, #tpu.memory_space<vmem>> -> memref<1x1x128xi32, #tpu.memory_space<vmem>>
        %dma_wait3A_326 = tpu.memref_squeeze %dma_wait3A_325 : memref<1x1x128xi32, #tpu.memory_space<vmem>> -> memref<128xi32, #tpu.memory_space<vmem>>
        %dma_wait3A_327 = arith.constant 0 : i32
        %dma_wait3A_328 = arith.constant 0 : i32
        %dma_wait3A_329 = tpu.memref_slice %arg9[%dma_wait3A_327, %dma_wait3A_328] : memref<10016x32xf32, #tpu.memory_space<vmem_shared>> -> memref<10016x32xf32, #tpu.memory_space<vmem_shared>>
        tpu.wait_indirect_dma semaphore(%arg21 : memref<!tpu.dma_semaphore, #tpu.memory_space<semaphore_mem>>) src(%dma_wait3A_323 : memref<128x32xf32, #tpu.memory_space<vmem>>) dst(%dma_wait3A_329 : memref<10016x32xf32, #tpu.memory_space<vmem_shared>>)
        %dma_wait3A_330 = arith.constant 0 : i32
        %dma_wait3A_331 = arith.constant 1 : i32
        %dma_wait3A_332 = arith.constant 0 : i32
        %dma_wait3A_333 = arith.constant 1 : i32
        %dma_wait3A_334 = arith.constant 0 : i32
        %dma_wait3A_335 = arith.constant 0 : i32
        %dma_wait3A_336 = tpu.memref_slice %arg8[%dma_wait3A_330, %dma_wait3A_331, %dma_wait3A_334, %dma_wait3A_335] : memref<2x4x128x32xf32, #tpu.memory_space<vmem>> -> memref<1x1x128x32xf32, #tpu.memory_space<vmem>>
        %dma_wait3A_337 = tpu.memref_squeeze %dma_wait3A_336 : memref<1x1x128x32xf32, #tpu.memory_space<vmem>> -> memref<128x32xf32, #tpu.memory_space<vmem>>
        %dma_wait3A_338 = arith.constant 0 : i32
        %dma_wait3A_339 = tpu.memref_slice %arg7[%dma_wait3A_332, %dma_wait3A_333, %dma_wait3A_338] : memref<2x4x128xi32, #tpu.memory_space<vmem>> -> memref<1x1x128xi32, #tpu.memory_space<vmem>>
        %dma_wait3A_340 = tpu.memref_squeeze %dma_wait3A_339 : memref<1x1x128xi32, #tpu.memory_space<vmem>> -> memref<128xi32, #tpu.memory_space<vmem>>
        %dma_wait3A_341 = arith.constant 0 : i32
        %dma_wait3A_342 = arith.constant 0 : i32
        %dma_wait3A_343 = tpu.memref_slice %arg9[%dma_wait3A_341, %dma_wait3A_342] : memref<10016x32xf32, #tpu.memory_space<vmem_shared>> -> memref<10016x32xf32, #tpu.memory_space<vmem_shared>>
        tpu.wait_indirect_dma semaphore(%arg22 : memref<!tpu.dma_semaphore, #tpu.memory_space<semaphore_mem>>) src(%dma_wait3A_337 : memref<128x32xf32, #tpu.memory_space<vmem>>) dst(%dma_wait3A_343 : memref<10016x32xf32, #tpu.memory_space<vmem_shared>>)
        %dma_wait3A_344 = arith.constant 0 : i32
        %dma_wait3A_345 = arith.constant 2 : i32
        %dma_wait3A_346 = arith.constant 0 : i32
        %dma_wait3A_347 = arith.constant 2 : i32
        %dma_wait3A_348 = arith.constant 0 : i32
        %dma_wait3A_349 = arith.constant 0 : i32
        %dma_wait3A_350 = tpu.memref_slice %arg8[%dma_wait3A_344, %dma_wait3A_345, %dma_wait3A_348, %dma_wait3A_349] : memref<2x4x128x32xf32, #tpu.memory_space<vmem>> -> memref<1x1x128x32xf32, #tpu.memory_space<vmem>>
        %dma_wait3A_351 = tpu.memref_squeeze %dma_wait3A_350 : memref<1x1x128x32xf32, #tpu.memory_space<vmem>> -> memref<128x32xf32, #tpu.memory_space<vmem>>
        %dma_wait3A_352 = arith.constant 0 : i32
        %dma_wait3A_353 = tpu.memref_slice %arg7[%dma_wait3A_346, %dma_wait3A_347, %dma_wait3A_352] : memref<2x4x128xi32, #tpu.memory_space<vmem>> -> memref<1x1x128xi32, #tpu.memory_space<vmem>>
        %dma_wait3A_354 = tpu.memref_squeeze %dma_wait3A_353 : memref<1x1x128xi32, #tpu.memory_space<vmem>> -> memref<128xi32, #tpu.memory_space<vmem>>
        %dma_wait3A_355 = arith.constant 0 : i32
        %dma_wait3A_356 = arith.constant 0 : i32
        %dma_wait3A_357 = tpu.memref_slice %arg9[%dma_wait3A_355, %dma_wait3A_356] : memref<10016x32xf32, #tpu.memory_space<vmem_shared>> -> memref<10016x32xf32, #tpu.memory_space<vmem_shared>>
        tpu.wait_indirect_dma semaphore(%arg23 : memref<!tpu.dma_semaphore, #tpu.memory_space<semaphore_mem>>) src(%dma_wait3A_351 : memref<128x32xf32, #tpu.memory_space<vmem>>) dst(%dma_wait3A_357 : memref<10016x32xf32, #tpu.memory_space<vmem_shared>>)
        %dma_wait3A_358 = arith.constant 0 : i32
        %dma_wait3A_359 = arith.constant 3 : i32
        %dma_wait3A_360 = arith.constant 0 : i32
        %dma_wait3A_361 = arith.constant 3 : i32
        %dma_wait3A_362 = arith.constant 0 : i32
        %dma_wait3A_363 = arith.constant 0 : i32
        %dma_wait3A_364 = tpu.memref_slice %arg8[%dma_wait3A_358, %dma_wait3A_359, %dma_wait3A_362, %dma_wait3A_363] : memref<2x4x128x32xf32, #tpu.memory_space<vmem>> -> memref<1x1x128x32xf32, #tpu.memory_space<vmem>>
        %dma_wait3A_365 = tpu.memref_squeeze %dma_wait3A_364 : memref<1x1x128x32xf32, #tpu.memory_space<vmem>> -> memref<128x32xf32, #tpu.memory_space<vmem>>
        %dma_wait3A_366 = arith.constant 0 : i32
        %dma_wait3A_367 = tpu.memref_slice %arg7[%dma_wait3A_360, %dma_wait3A_361, %dma_wait3A_366] : memref<2x4x128xi32, #tpu.memory_space<vmem>> -> memref<1x1x128xi32, #tpu.memory_space<vmem>>
        %dma_wait3A_368 = tpu.memref_squeeze %dma_wait3A_367 : memref<1x1x128xi32, #tpu.memory_space<vmem>> -> memref<128xi32, #tpu.memory_space<vmem>>
        %dma_wait3A_369 = arith.constant 0 : i32
        %dma_wait3A_370 = arith.constant 0 : i32
        %dma_wait3A_371 = tpu.memref_slice %arg9[%dma_wait3A_369, %dma_wait3A_370] : memref<10016x32xf32, #tpu.memory_space<vmem_shared>> -> memref<10016x32xf32, #tpu.memory_space<vmem_shared>>
        tpu.wait_indirect_dma semaphore(%arg24 : memref<!tpu.dma_semaphore, #tpu.memory_space<semaphore_mem>>) src(%dma_wait3A_365 : memref<128x32xf32, #tpu.memory_space<vmem>>) dst(%dma_wait3A_371 : memref<10016x32xf32, #tpu.memory_space<vmem_shared>>)
      } else {
      }
      %convert_element_type3A_98 = arith.extui %lt3A_94 : i1 to i32
      %cond3A_99 = arith.constant 0 : i32
      %cond3A_100 = arith.cmpi ne, %convert_element_type3A_98, %cond3A_99 : i32
      %cond3A_101 = scf.if %cond3A_100 -> (i32) {
        %sc_fetch_and_add3A_120 = arith.constant 1 : i32
        %sc_fetch_and_add3A_121 = arith.constant 0 : i32
        %sc_fetch_and_add3A_122 = arith.constant 0 : i32
        %sc_fetch_and_add3A_123 = tpu.fetch_and_add_sync %arg10[%sc_fetch_and_add3A_121], %sc_fetch_and_add3A_120, %sc_fetch_and_add3A_122 : memref<1xi32, #tpu.memory_space<smem>>, i32 -> i32
        scf.yield %sc_fetch_and_add3A_123 : i32
      } else {
        scf.yield %while3A_92 : i32
      }
      %lt3A_102 = arith.cmpi slt, %cond3A_101, %select_n3A : i32
      %and3A_103 = arith.andi %lt3A_94, %lt3A_102 : i1
      %convert_element_type3A_104 = arith.extui %and3A_103 : i1 to i32
      %cond3A_105 = arith.constant 0 : i32
      %cond3A_106 = arith.cmpi ne, %convert_element_type3A_104, %cond3A_105 : i32
      scf.if %cond3A_106 {
        %add3A_120 = arith.addi %select_n3A_6, %cond3A_101 : i32
        %mul3A_121 = arith.constant 4 : i32
        %mul3A_122 = arith.muli %add3A_120, %mul3A_121 : i32
        %dma_start3A = arith.constant 0 : i32
        %dma_start3A_123 = arith.constant 0 : i32
        %dma_start3A_124 = arith.constant 0 : i32
        %dma_start3A_125 = tpu.memref_slice %arg6[%dma_start3A, %dma_start3A_123, %dma_start3A_124] : memref<2x4x128xi32, #tpu.memory_space<vmem>> -> memref<1x4x128xi32, #tpu.memory_space<vmem>>
        %dma_start3A_126 = tpu.memref_squeeze %dma_start3A_125 : memref<1x4x128xi32, #tpu.memory_space<vmem>> -> memref<4x128xi32, #tpu.memory_space<vmem>>
        %dma_start3A_127 = arith.constant 0 : i32
        %dma_start3A_128 = tpu.memref_slice %arg3[%mul3A_122, %dma_start3A_127] : memref<2560x128xi32, #tpu.memory_space<hbm>> -> memref<4x128xi32, #tpu.memory_space<hbm>>
        %dma_start3A_129 = arith.constant 0 : i32
        %dma_start3A_130 = arith.constant 0 : i32
        %dma_start3A_131 = tpu.memref_slice %arg6[%dma_start3A, %dma_start3A_129, %dma_start3A_130] : memref<2x4x128xi32, #tpu.memory_space<vmem>> -> memref<1x4x128xi32, #tpu.memory_space<vmem>>
        %dma_start3A_132 = tpu.memref_squeeze %dma_start3A_131 : memref<1x4x128xi32, #tpu.memory_space<vmem>> -> memref<4x128xi32, #tpu.memory_space<vmem>>
        %dma_start3A_133 = arith.constant 0 : i32
        %dma_start3A_134 = tpu.memref_slice %arg3[%mul3A_122, %dma_start3A_133] : memref<2560x128xi32, #tpu.memory_space<hbm>> -> memref<4x128xi32, #tpu.memory_space<hbm>>
        tpu.enqueue_dma source(%dma_start3A_134 : memref<4x128xi32, #tpu.memory_space<hbm>>) target(%dma_start3A_132 : memref<4x128xi32, #tpu.memory_space<vmem>>) target_semaphore(%arg11 : memref<!tpu.dma_semaphore, #tpu.memory_space<semaphore_mem>>)
        %dma_start3A_135 = arith.constant 0 : i32
        %dma_start3A_136 = arith.constant 0 : i32
        %dma_start3A_137 = arith.constant 0 : i32
        %dma_start3A_138 = tpu.memref_slice %arg7[%dma_start3A_135, %dma_start3A_136, %dma_start3A_137] : memref<2x4x128xi32, #tpu.memory_space<vmem>> -> memref<1x4x128xi32, #tpu.memory_space<vmem>>
        %dma_start3A_139 = tpu.memref_squeeze %dma_start3A_138 : memref<1x4x128xi32, #tpu.memory_space<vmem>> -> memref<4x128xi32, #tpu.memory_space<vmem>>
        %dma_start3A_140 = arith.constant 0 : i32
        %dma_start3A_141 = tpu.memref_slice %arg4[%mul3A_122, %dma_start3A_140] : memref<2560x128xi32, #tpu.memory_space<hbm>> -> memref<4x128xi32, #tpu.memory_space<hbm>>
        %dma_start3A_142 = arith.constant 0 : i32
        %dma_start3A_143 = arith.constant 0 : i32
        %dma_start3A_144 = tpu.memref_slice %arg7[%dma_start3A_135, %dma_start3A_142, %dma_start3A_143] : memref<2x4x128xi32, #tpu.memory_space<vmem>> -> memref<1x4x128xi32, #tpu.memory_space<vmem>>
        %dma_start3A_145 = tpu.memref_squeeze %dma_start3A_144 : memref<1x4x128xi32, #tpu.memory_space<vmem>> -> memref<4x128xi32, #tpu.memory_space<vmem>>
        %dma_start3A_146 = arith.constant 0 : i32
        %dma_start3A_147 = tpu.memref_slice %arg4[%mul3A_122, %dma_start3A_146] : memref<2560x128xi32, #tpu.memory_space<hbm>> -> memref<4x128xi32, #tpu.memory_space<hbm>>
        tpu.enqueue_dma source(%dma_start3A_147 : memref<4x128xi32, #tpu.memory_space<hbm>>) target(%dma_start3A_145 : memref<4x128xi32, #tpu.memory_space<vmem>>) target_semaphore(%arg11 : memref<!tpu.dma_semaphore, #tpu.memory_space<semaphore_mem>>)
      } else {
      }
      %lt3A_107 = arith.cmpi slt, %while3A_93, %select_n3A : i32
      %convert_element_type3A_108 = arith.extui %lt3A_107 : i1 to i32
      %cond3A_109 = arith.constant 0 : i32
      %cond3A_110 = arith.cmpi ne, %convert_element_type3A_108, %cond3A_109 : i32
      scf.if %cond3A_110 {
        %dma_wait3A = arith.constant 1 : i32
        %dma_wait3A_120 = arith.constant 0 : i32
        %dma_wait3A_121 = arith.constant 0 : i32
        %dma_wait3A_122 = tpu.memref_slice %arg6[%dma_wait3A, %dma_wait3A_120, %dma_wait3A_121] : memref<2x4x128xi32, #tpu.memory_space<vmem>> -> memref<1x4x128xi32, #tpu.memory_space<vmem>>
        %dma_wait3A_123 = tpu.memref_squeeze %dma_wait3A_122 : memref<1x4x128xi32, #tpu.memory_space<vmem>> -> memref<4x128xi32, #tpu.memory_space<vmem>>
        %dma_wait3A_124 = arith.constant 0 : i32
        %dma_wait3A_125 = arith.constant 0 : i32
        %dma_wait3A_126 = tpu.memref_slice %arg3[%dma_wait3A_124, %dma_wait3A_125] : memref<2560x128xi32, #tpu.memory_space<hbm>> -> memref<4x128xi32, #tpu.memory_space<hbm>>
        %dma_wait3A_127 = arith.constant 0 : i32
        %dma_wait3A_128 = arith.constant 0 : i32
        %dma_wait3A_129 = tpu.memref_slice %arg6[%dma_wait3A, %dma_wait3A_127, %dma_wait3A_128] : memref<2x4x128xi32, #tpu.memory_space<vmem>> -> memref<1x4x128xi32, #tpu.memory_space<vmem>>
        %dma_wait3A_130 = tpu.memref_squeeze %dma_wait3A_129 : memref<1x4x128xi32, #tpu.memory_space<vmem>> -> memref<4x128xi32, #tpu.memory_space<vmem>>
        %dma_wait3A_131 = arith.constant 0 : i32
        %dma_wait3A_132 = arith.constant 0 : i32
        %dma_wait3A_133 = tpu.memref_slice %arg3[%dma_wait3A_131, %dma_wait3A_132] : memref<2560x128xi32, #tpu.memory_space<hbm>> -> memref<4x128xi32, #tpu.memory_space<hbm>>
        tpu.wait_dma2 semaphore(%arg12 : memref<!tpu.dma_semaphore, #tpu.memory_space<semaphore_mem>>) src(%dma_wait3A_133 : memref<4x128xi32, #tpu.memory_space<hbm>>) dst(%dma_wait3A_130 : memref<4x128xi32, #tpu.memory_space<vmem>>)
        %dma_wait3A_134 = arith.constant 1 : i32
        %dma_wait3A_135 = arith.constant 0 : i32
        %dma_wait3A_136 = arith.constant 0 : i32
        %dma_wait3A_137 = tpu.memref_slice %arg7[%dma_wait3A_134, %dma_wait3A_135, %dma_wait3A_136] : memref<2x4x128xi32, #tpu.memory_space<vmem>> -> memref<1x4x128xi32, #tpu.memory_space<vmem>>
        %dma_wait3A_138 = tpu.memref_squeeze %dma_wait3A_137 : memref<1x4x128xi32, #tpu.memory_space<vmem>> -> memref<4x128xi32, #tpu.memory_space<vmem>>
        %dma_wait3A_139 = arith.constant 0 : i32
        %dma_wait3A_140 = arith.constant 0 : i32
        %dma_wait3A_141 = tpu.memref_slice %arg4[%dma_wait3A_139, %dma_wait3A_140] : memref<2560x128xi32, #tpu.memory_space<hbm>> -> memref<4x128xi32, #tpu.memory_space<hbm>>
        %dma_wait3A_142 = arith.constant 0 : i32
        %dma_wait3A_143 = arith.constant 0 : i32
        %dma_wait3A_144 = tpu.memref_slice %arg7[%dma_wait3A_134, %dma_wait3A_142, %dma_wait3A_143] : memref<2x4x128xi32, #tpu.memory_space<vmem>> -> memref<1x4x128xi32, #tpu.memory_space<vmem>>
        %dma_wait3A_145 = tpu.memref_squeeze %dma_wait3A_144 : memref<1x4x128xi32, #tpu.memory_space<vmem>> -> memref<4x128xi32, #tpu.memory_space<vmem>>
        %dma_wait3A_146 = arith.constant 0 : i32
        %dma_wait3A_147 = arith.constant 0 : i32
        %dma_wait3A_148 = tpu.memref_slice %arg4[%dma_wait3A_146, %dma_wait3A_147] : memref<2560x128xi32, #tpu.memory_space<hbm>> -> memref<4x128xi32, #tpu.memory_space<hbm>>
        tpu.wait_dma2 semaphore(%arg12 : memref<!tpu.dma_semaphore, #tpu.memory_space<semaphore_mem>>) src(%dma_wait3A_148 : memref<4x128xi32, #tpu.memory_space<hbm>>) dst(%dma_wait3A_145 : memref<4x128xi32, #tpu.memory_space<vmem>>)
        %dma_start3A = arith.constant 1 : i32
        %dma_start3A_149 = arith.constant 0 : i32
        %dma_start3A_150 = arith.constant 1 : i32
        %dma_start3A_151 = arith.constant 0 : i32
        %dma_start3A_152 = arith.constant 0 : i32
        %dma_start3A_153 = arith.constant 0 : i32
        %dma_start3A_154 = tpu.memref_slice %arg8[%dma_start3A_150, %dma_start3A_151, %dma_start3A_152, %dma_start3A_153] : memref<2x4x128x32xf32, #tpu.memory_space<vmem>> -> memref<1x1x128x32xf32, #tpu.memory_space<vmem>>
        %dma_start3A_155 = tpu.memref_squeeze %dma_start3A_154 : memref<1x1x128x32xf32, #tpu.memory_space<vmem>> -> memref<128x32xf32, #tpu.memory_space<vmem>>
        %dma_start3A_156 = arith.constant 0 : i32
        %dma_start3A_157 = tpu.memref_slice %arg6[%dma_start3A, %dma_start3A_149, %dma_start3A_156] : memref<2x4x128xi32, #tpu.memory_space<vmem>> -> memref<1x1x128xi32, #tpu.memory_space<vmem>>
        %dma_start3A_158 = tpu.memref_squeeze %dma_start3A_157 : memref<1x1x128xi32, #tpu.memory_space<vmem>> -> memref<128xi32, #tpu.memory_space<vmem>>
        %dma_start3A_159 = arith.constant 0 : i32
        %dma_start3A_160 = arith.constant 0 : i32
        %dma_start3A_161 = tpu.memref_slice %arg2[%dma_start3A_159, %dma_start3A_160] : memref<10000x32xf32, #tpu.memory_space<hbm>> -> memref<10000x32xf32, #tpu.memory_space<hbm>>
        tpu.enqueue_indirect_dma source(%dma_start3A_161 : memref<10000x32xf32, #tpu.memory_space<hbm>>) target(%dma_start3A_155 : memref<128x32xf32, #tpu.memory_space<vmem>>) offsets(%dma_start3A_158 : memref<128xi32, #tpu.memory_space<vmem>>) semaphore(%arg17 : memref<!tpu.dma_semaphore, #tpu.memory_space<semaphore_mem>>)
        %dma_start3A_162 = arith.constant 1 : i32
        %dma_start3A_163 = arith.constant 1 : i32
        %dma_start3A_164 = arith.constant 1 : i32
        %dma_start3A_165 = arith.constant 1 : i32
        %dma_start3A_166 = arith.constant 0 : i32
        %dma_start3A_167 = arith.constant 0 : i32
        %dma_start3A_168 = tpu.memref_slice %arg8[%dma_start3A_164, %dma_start3A_165, %dma_start3A_166, %dma_start3A_167] : memref<2x4x128x32xf32, #tpu.memory_space<vmem>> -> memref<1x1x128x32xf32, #tpu.memory_space<vmem>>
        %dma_start3A_169 = tpu.memref_squeeze %dma_start3A_168 : memref<1x1x128x32xf32, #tpu.memory_space<vmem>> -> memref<128x32xf32, #tpu.memory_space<vmem>>
        %dma_start3A_170 = arith.constant 0 : i32
        %dma_start3A_171 = tpu.memref_slice %arg6[%dma_start3A_162, %dma_start3A_163, %dma_start3A_170] : memref<2x4x128xi32, #tpu.memory_space<vmem>> -> memref<1x1x128xi32, #tpu.memory_space<vmem>>
        %dma_start3A_172 = tpu.memref_squeeze %dma_start3A_171 : memref<1x1x128xi32, #tpu.memory_space<vmem>> -> memref<128xi32, #tpu.memory_space<vmem>>
        %dma_start3A_173 = arith.constant 0 : i32
        %dma_start3A_174 = arith.constant 0 : i32
        %dma_start3A_175 = tpu.memref_slice %arg2[%dma_start3A_173, %dma_start3A_174] : memref<10000x32xf32, #tpu.memory_space<hbm>> -> memref<10000x32xf32, #tpu.memory_space<hbm>>
        tpu.enqueue_indirect_dma source(%dma_start3A_175 : memref<10000x32xf32, #tpu.memory_space<hbm>>) target(%dma_start3A_169 : memref<128x32xf32, #tpu.memory_space<vmem>>) offsets(%dma_start3A_172 : memref<128xi32, #tpu.memory_space<vmem>>) semaphore(%arg18 : memref<!tpu.dma_semaphore, #tpu.memory_space<semaphore_mem>>)
        %dma_start3A_176 = arith.constant 1 : i32
        %dma_start3A_177 = arith.constant 2 : i32
        %dma_start3A_178 = arith.constant 1 : i32
        %dma_start3A_179 = arith.constant 2 : i32
        %dma_start3A_180 = arith.constant 0 : i32
        %dma_start3A_181 = arith.constant 0 : i32
        %dma_start3A_182 = tpu.memref_slice %arg8[%dma_start3A_178, %dma_start3A_179, %dma_start3A_180, %dma_start3A_181] : memref<2x4x128x32xf32, #tpu.memory_space<vmem>> -> memref<1x1x128x32xf32, #tpu.memory_space<vmem>>
        %dma_start3A_183 = tpu.memref_squeeze %dma_start3A_182 : memref<1x1x128x32xf32, #tpu.memory_space<vmem>> -> memref<128x32xf32, #tpu.memory_space<vmem>>
        %dma_start3A_184 = arith.constant 0 : i32
        %dma_start3A_185 = tpu.memref_slice %arg6[%dma_start3A_176, %dma_start3A_177, %dma_start3A_184] : memref<2x4x128xi32, #tpu.memory_space<vmem>> -> memref<1x1x128xi32, #tpu.memory_space<vmem>>
        %dma_start3A_186 = tpu.memref_squeeze %dma_start3A_185 : memref<1x1x128xi32, #tpu.memory_space<vmem>> -> memref<128xi32, #tpu.memory_space<vmem>>
        %dma_start3A_187 = arith.constant 0 : i32
        %dma_start3A_188 = arith.constant 0 : i32
        %dma_start3A_189 = tpu.memref_slice %arg2[%dma_start3A_187, %dma_start3A_188] : memref<10000x32xf32, #tpu.memory_space<hbm>> -> memref<10000x32xf32, #tpu.memory_space<hbm>>
        tpu.enqueue_indirect_dma source(%dma_start3A_189 : memref<10000x32xf32, #tpu.memory_space<hbm>>) target(%dma_start3A_183 : memref<128x32xf32, #tpu.memory_space<vmem>>) offsets(%dma_start3A_186 : memref<128xi32, #tpu.memory_space<vmem>>) semaphore(%arg19 : memref<!tpu.dma_semaphore, #tpu.memory_space<semaphore_mem>>)
        %dma_start3A_190 = arith.constant 1 : i32
        %dma_start3A_191 = arith.constant 3 : i32
        %dma_start3A_192 = arith.constant 1 : i32
        %dma_start3A_193 = arith.constant 3 : i32
        %dma_start3A_194 = arith.constant 0 : i32
        %dma_start3A_195 = arith.constant 0 : i32
        %dma_start3A_196 = tpu.memref_slice %arg8[%dma_start3A_192, %dma_start3A_193, %dma_start3A_194, %dma_start3A_195] : memref<2x4x128x32xf32, #tpu.memory_space<vmem>> -> memref<1x1x128x32xf32, #tpu.memory_space<vmem>>
        %dma_start3A_197 = tpu.memref_squeeze %dma_start3A_196 : memref<1x1x128x32xf32, #tpu.memory_space<vmem>> -> memref<128x32xf32, #tpu.memory_space<vmem>>
        %dma_start3A_198 = arith.constant 0 : i32
        %dma_start3A_199 = tpu.memref_slice %arg6[%dma_start3A_190, %dma_start3A_191, %dma_start3A_198] : memref<2x4x128xi32, #tpu.memory_space<vmem>> -> memref<1x1x128xi32, #tpu.memory_space<vmem>>
        %dma_start3A_200 = tpu.memref_squeeze %dma_start3A_199 : memref<1x1x128xi32, #tpu.memory_space<vmem>> -> memref<128xi32, #tpu.memory_space<vmem>>
        %dma_start3A_201 = arith.constant 0 : i32
        %dma_start3A_202 = arith.constant 0 : i32
        %dma_start3A_203 = tpu.memref_slice %arg2[%dma_start3A_201, %dma_start3A_202] : memref<10000x32xf32, #tpu.memory_space<hbm>> -> memref<10000x32xf32, #tpu.memory_space<hbm>>
        tpu.enqueue_indirect_dma source(%dma_start3A_203 : memref<10000x32xf32, #tpu.memory_space<hbm>>) target(%dma_start3A_197 : memref<128x32xf32, #tpu.memory_space<vmem>>) offsets(%dma_start3A_200 : memref<128xi32, #tpu.memory_space<vmem>>) semaphore(%arg20 : memref<!tpu.dma_semaphore, #tpu.memory_space<semaphore_mem>>)
        %dma_wait3A_204 = arith.constant 1 : i32
        %dma_wait3A_205 = arith.constant 0 : i32
        %dma_wait3A_206 = arith.constant 1 : i32
        %dma_wait3A_207 = arith.constant 0 : i32
        %dma_wait3A_208 = arith.constant 0 : i32
        %dma_wait3A_209 = arith.constant 0 : i32
        %dma_wait3A_210 = tpu.memref_slice %arg8[%dma_wait3A_206, %dma_wait3A_207, %dma_wait3A_208, %dma_wait3A_209] : memref<2x4x128x32xf32, #tpu.memory_space<vmem>> -> memref<1x1x128x32xf32, #tpu.memory_space<vmem>>
        %dma_wait3A_211 = tpu.memref_squeeze %dma_wait3A_210 : memref<1x1x128x32xf32, #tpu.memory_space<vmem>> -> memref<128x32xf32, #tpu.memory_space<vmem>>
        %dma_wait3A_212 = arith.constant 0 : i32
        %dma_wait3A_213 = tpu.memref_slice %arg6[%dma_wait3A_204, %dma_wait3A_205, %dma_wait3A_212] : memref<2x4x128xi32, #tpu.memory_space<vmem>> -> memref<1x1x128xi32, #tpu.memory_space<vmem>>
        %dma_wait3A_214 = tpu.memref_squeeze %dma_wait3A_213 : memref<1x1x128xi32, #tpu.memory_space<vmem>> -> memref<128xi32, #tpu.memory_space<vmem>>
        %dma_wait3A_215 = arith.constant 0 : i32
        %dma_wait3A_216 = arith.constant 0 : i32
        %dma_wait3A_217 = tpu.memref_slice %arg2[%dma_wait3A_215, %dma_wait3A_216] : memref<10000x32xf32, #tpu.memory_space<hbm>> -> memref<10000x32xf32, #tpu.memory_space<hbm>>
        tpu.wait_indirect_dma semaphore(%arg17 : memref<!tpu.dma_semaphore, #tpu.memory_space<semaphore_mem>>) src(%dma_wait3A_217 : memref<10000x32xf32, #tpu.memory_space<hbm>>) dst(%dma_wait3A_211 : memref<128x32xf32, #tpu.memory_space<vmem>>)
        %dma_start3A_218 = arith.constant 1 : i32
        %dma_start3A_219 = arith.constant 0 : i32
        %dma_start3A_220 = arith.constant 1 : i32
        %dma_start3A_221 = arith.constant 0 : i32
        %dma_start3A_222 = arith.constant 0 : i32
        %dma_start3A_223 = arith.constant 0 : i32
        %dma_start3A_224 = tpu.memref_slice %arg8[%dma_start3A_218, %dma_start3A_219, %dma_start3A_222, %dma_start3A_223] : memref<2x4x128x32xf32, #tpu.memory_space<vmem>> -> memref<1x1x128x32xf32, #tpu.memory_space<vmem>>
        %dma_start3A_225 = tpu.memref_squeeze %dma_start3A_224 : memref<1x1x128x32xf32, #tpu.memory_space<vmem>> -> memref<128x32xf32, #tpu.memory_space<vmem>>
        %dma_start3A_226 = arith.constant 0 : i32
        %dma_start3A_227 = tpu.memref_slice %arg7[%dma_start3A_220, %dma_start3A_221, %dma_start3A_226] : memref<2x4x128xi32, #tpu.memory_space<vmem>> -> memref<1x1x128xi32, #tpu.memory_space<vmem>>
        %dma_start3A_228 = tpu.memref_squeeze %dma_start3A_227 : memref<1x1x128xi32, #tpu.memory_space<vmem>> -> memref<128xi32, #tpu.memory_space<vmem>>
        %dma_start3A_229 = arith.constant 0 : i32
        %dma_start3A_230 = arith.constant 0 : i32
        %dma_start3A_231 = tpu.memref_slice %arg9[%dma_start3A_229, %dma_start3A_230] : memref<10016x32xf32, #tpu.memory_space<vmem_shared>> -> memref<10016x32xf32, #tpu.memory_space<vmem_shared>>
        tpu.enqueue_indirect_dma source(%dma_start3A_225 : memref<128x32xf32, #tpu.memory_space<vmem>>) target(%dma_start3A_231 : memref<10016x32xf32, #tpu.memory_space<vmem_shared>>) offsets(%dma_start3A_228 : memref<128xi32, #tpu.memory_space<vmem>>) semaphore(%arg25 : memref<!tpu.dma_semaphore, #tpu.memory_space<semaphore_mem>>) {add = true}
        %dma_wait3A_232 = arith.constant 1 : i32
        %dma_wait3A_233 = arith.constant 1 : i32
        %dma_wait3A_234 = arith.constant 1 : i32
        %dma_wait3A_235 = arith.constant 1 : i32
        %dma_wait3A_236 = arith.constant 0 : i32
        %dma_wait3A_237 = arith.constant 0 : i32
        %dma_wait3A_238 = tpu.memref_slice %arg8[%dma_wait3A_234, %dma_wait3A_235, %dma_wait3A_236, %dma_wait3A_237] : memref<2x4x128x32xf32, #tpu.memory_space<vmem>> -> memref<1x1x128x32xf32, #tpu.memory_space<vmem>>
        %dma_wait3A_239 = tpu.memref_squeeze %dma_wait3A_238 : memref<1x1x128x32xf32, #tpu.memory_space<vmem>> -> memref<128x32xf32, #tpu.memory_space<vmem>>
        %dma_wait3A_240 = arith.constant 0 : i32
        %dma_wait3A_241 = tpu.memref_slice %arg6[%dma_wait3A_232, %dma_wait3A_233, %dma_wait3A_240] : memref<2x4x128xi32, #tpu.memory_space<vmem>> -> memref<1x1x128xi32, #tpu.memory_space<vmem>>
        %dma_wait3A_242 = tpu.memref_squeeze %dma_wait3A_241 : memref<1x1x128xi32, #tpu.memory_space<vmem>> -> memref<128xi32, #tpu.memory_space<vmem>>
        %dma_wait3A_243 = arith.constant 0 : i32
        %dma_wait3A_244 = arith.constant 0 : i32
        %dma_wait3A_245 = tpu.memref_slice %arg2[%dma_wait3A_243, %dma_wait3A_244] : memref<10000x32xf32, #tpu.memory_space<hbm>> -> memref<10000x32xf32, #tpu.memory_space<hbm>>
        tpu.wait_indirect_dma semaphore(%arg18 : memref<!tpu.dma_semaphore, #tpu.memory_space<semaphore_mem>>) src(%dma_wait3A_245 : memref<10000x32xf32, #tpu.memory_space<hbm>>) dst(%dma_wait3A_239 : memref<128x32xf32, #tpu.memory_space<vmem>>)
        %dma_start3A_246 = arith.constant 1 : i32
        %dma_start3A_247 = arith.constant 1 : i32
        %dma_start3A_248 = arith.constant 1 : i32
        %dma_start3A_249 = arith.constant 1 : i32
        %dma_start3A_250 = arith.constant 0 : i32
        %dma_start3A_251 = arith.constant 0 : i32
        %dma_start3A_252 = tpu.memref_slice %arg8[%dma_start3A_246, %dma_start3A_247, %dma_start3A_250, %dma_start3A_251] : memref<2x4x128x32xf32, #tpu.memory_space<vmem>> -> memref<1x1x128x32xf32, #tpu.memory_space<vmem>>
        %dma_start3A_253 = tpu.memref_squeeze %dma_start3A_252 : memref<1x1x128x32xf32, #tpu.memory_space<vmem>> -> memref<128x32xf32, #tpu.memory_space<vmem>>
        %dma_start3A_254 = arith.constant 0 : i32
        %dma_start3A_255 = tpu.memref_slice %arg7[%dma_start3A_248, %dma_start3A_249, %dma_start3A_254] : memref<2x4x128xi32, #tpu.memory_space<vmem>> -> memref<1x1x128xi32, #tpu.memory_space<vmem>>
        %dma_start3A_256 = tpu.memref_squeeze %dma_start3A_255 : memref<1x1x128xi32, #tpu.memory_space<vmem>> -> memref<128xi32, #tpu.memory_space<vmem>>
        %dma_start3A_257 = arith.constant 0 : i32
        %dma_start3A_258 = arith.constant 0 : i32
        %dma_start3A_259 = tpu.memref_slice %arg9[%dma_start3A_257, %dma_start3A_258] : memref<10016x32xf32, #tpu.memory_space<vmem_shared>> -> memref<10016x32xf32, #tpu.memory_space<vmem_shared>>
        tpu.enqueue_indirect_dma source(%dma_start3A_253 : memref<128x32xf32, #tpu.memory_space<vmem>>) target(%dma_start3A_259 : memref<10016x32xf32, #tpu.memory_space<vmem_shared>>) offsets(%dma_start3A_256 : memref<128xi32, #tpu.memory_space<vmem>>) semaphore(%arg26 : memref<!tpu.dma_semaphore, #tpu.memory_space<semaphore_mem>>) {add = true}
        %dma_wait3A_260 = arith.constant 1 : i32
        %dma_wait3A_261 = arith.constant 2 : i32
        %dma_wait3A_262 = arith.constant 1 : i32
        %dma_wait3A_263 = arith.constant 2 : i32
        %dma_wait3A_264 = arith.constant 0 : i32
        %dma_wait3A_265 = arith.constant 0 : i32
        %dma_wait3A_266 = tpu.memref_slice %arg8[%dma_wait3A_262, %dma_wait3A_263, %dma_wait3A_264, %dma_wait3A_265] : memref<2x4x128x32xf32, #tpu.memory_space<vmem>> -> memref<1x1x128x32xf32, #tpu.memory_space<vmem>>
        %dma_wait3A_267 = tpu.memref_squeeze %dma_wait3A_266 : memref<1x1x128x32xf32, #tpu.memory_space<vmem>> -> memref<128x32xf32, #tpu.memory_space<vmem>>
        %dma_wait3A_268 = arith.constant 0 : i32
        %dma_wait3A_269 = tpu.memref_slice %arg6[%dma_wait3A_260, %dma_wait3A_261, %dma_wait3A_268] : memref<2x4x128xi32, #tpu.memory_space<vmem>> -> memref<1x1x128xi32, #tpu.memory_space<vmem>>
        %dma_wait3A_270 = tpu.memref_squeeze %dma_wait3A_269 : memref<1x1x128xi32, #tpu.memory_space<vmem>> -> memref<128xi32, #tpu.memory_space<vmem>>
        %dma_wait3A_271 = arith.constant 0 : i32
        %dma_wait3A_272 = arith.constant 0 : i32
        %dma_wait3A_273 = tpu.memref_slice %arg2[%dma_wait3A_271, %dma_wait3A_272] : memref<10000x32xf32, #tpu.memory_space<hbm>> -> memref<10000x32xf32, #tpu.memory_space<hbm>>
        tpu.wait_indirect_dma semaphore(%arg19 : memref<!tpu.dma_semaphore, #tpu.memory_space<semaphore_mem>>) src(%dma_wait3A_273 : memref<10000x32xf32, #tpu.memory_space<hbm>>) dst(%dma_wait3A_267 : memref<128x32xf32, #tpu.memory_space<vmem>>)
        %dma_start3A_274 = arith.constant 1 : i32
        %dma_start3A_275 = arith.constant 2 : i32
        %dma_start3A_276 = arith.constant 1 : i32
        %dma_start3A_277 = arith.constant 2 : i32
        %dma_start3A_278 = arith.constant 0 : i32
        %dma_start3A_279 = arith.constant 0 : i32
        %dma_start3A_280 = tpu.memref_slice %arg8[%dma_start3A_274, %dma_start3A_275, %dma_start3A_278, %dma_start3A_279] : memref<2x4x128x32xf32, #tpu.memory_space<vmem>> -> memref<1x1x128x32xf32, #tpu.memory_space<vmem>>
        %dma_start3A_281 = tpu.memref_squeeze %dma_start3A_280 : memref<1x1x128x32xf32, #tpu.memory_space<vmem>> -> memref<128x32xf32, #tpu.memory_space<vmem>>
        %dma_start3A_282 = arith.constant 0 : i32
        %dma_start3A_283 = tpu.memref_slice %arg7[%dma_start3A_276, %dma_start3A_277, %dma_start3A_282] : memref<2x4x128xi32, #tpu.memory_space<vmem>> -> memref<1x1x128xi32, #tpu.memory_space<vmem>>
        %dma_start3A_284 = tpu.memref_squeeze %dma_start3A_283 : memref<1x1x128xi32, #tpu.memory_space<vmem>> -> memref<128xi32, #tpu.memory_space<vmem>>
        %dma_start3A_285 = arith.constant 0 : i32
        %dma_start3A_286 = arith.constant 0 : i32
        %dma_start3A_287 = tpu.memref_slice %arg9[%dma_start3A_285, %dma_start3A_286] : memref<10016x32xf32, #tpu.memory_space<vmem_shared>> -> memref<10016x32xf32, #tpu.memory_space<vmem_shared>>
        tpu.enqueue_indirect_dma source(%dma_start3A_281 : memref<128x32xf32, #tpu.memory_space<vmem>>) target(%dma_start3A_287 : memref<10016x32xf32, #tpu.memory_space<vmem_shared>>) offsets(%dma_start3A_284 : memref<128xi32, #tpu.memory_space<vmem>>) semaphore(%arg27 : memref<!tpu.dma_semaphore, #tpu.memory_space<semaphore_mem>>) {add = true}
        %dma_wait3A_288 = arith.constant 1 : i32
        %dma_wait3A_289 = arith.constant 3 : i32
        %dma_wait3A_290 = arith.constant 1 : i32
        %dma_wait3A_291 = arith.constant 3 : i32
        %dma_wait3A_292 = arith.constant 0 : i32
        %dma_wait3A_293 = arith.constant 0 : i32
        %dma_wait3A_294 = tpu.memref_slice %arg8[%dma_wait3A_290, %dma_wait3A_291, %dma_wait3A_292, %dma_wait3A_293] : memref<2x4x128x32xf32, #tpu.memory_space<vmem>> -> memref<1x1x128x32xf32, #tpu.memory_space<vmem>>
        %dma_wait3A_295 = tpu.memref_squeeze %dma_wait3A_294 : memref<1x1x128x32xf32, #tpu.memory_space<vmem>> -> memref<128x32xf32, #tpu.memory_space<vmem>>
        %dma_wait3A_296 = arith.constant 0 : i32
        %dma_wait3A_297 = tpu.memref_slice %arg6[%dma_wait3A_288, %dma_wait3A_289, %dma_wait3A_296] : memref<2x4x128xi32, #tpu.memory_space<vmem>> -> memref<1x1x128xi32, #tpu.memory_space<vmem>>
        %dma_wait3A_298 = tpu.memref_squeeze %dma_wait3A_297 : memref<1x1x128xi32, #tpu.memory_space<vmem>> -> memref<128xi32, #tpu.memory_space<vmem>>
        %dma_wait3A_299 = arith.constant 0 : i32
        %dma_wait3A_300 = arith.constant 0 : i32
        %dma_wait3A_301 = tpu.memref_slice %arg2[%dma_wait3A_299, %dma_wait3A_300] : memref<10000x32xf32, #tpu.memory_space<hbm>> -> memref<10000x32xf32, #tpu.memory_space<hbm>>
        tpu.wait_indirect_dma semaphore(%arg20 : memref<!tpu.dma_semaphore, #tpu.memory_space<semaphore_mem>>) src(%dma_wait3A_301 : memref<10000x32xf32, #tpu.memory_space<hbm>>) dst(%dma_wait3A_295 : memref<128x32xf32, #tpu.memory_space<vmem>>)
        %dma_start3A_302 = arith.constant 1 : i32
        %dma_start3A_303 = arith.constant 3 : i32
        %dma_start3A_304 = arith.constant 1 : i32
        %dma_start3A_305 = arith.constant 3 : i32
        %dma_start3A_306 = arith.constant 0 : i32
        %dma_start3A_307 = arith.constant 0 : i32
        %dma_start3A_308 = tpu.memref_slice %arg8[%dma_start3A_302, %dma_start3A_303, %dma_start3A_306, %dma_start3A_307] : memref<2x4x128x32xf32, #tpu.memory_space<vmem>> -> memref<1x1x128x32xf32, #tpu.memory_space<vmem>>
        %dma_start3A_309 = tpu.memref_squeeze %dma_start3A_308 : memref<1x1x128x32xf32, #tpu.memory_space<vmem>> -> memref<128x32xf32, #tpu.memory_space<vmem>>
        %dma_start3A_310 = arith.constant 0 : i32
        %dma_start3A_311 = tpu.memref_slice %arg7[%dma_start3A_304, %dma_start3A_305, %dma_start3A_310] : memref<2x4x128xi32, #tpu.memory_space<vmem>> -> memref<1x1x128xi32, #tpu.memory_space<vmem>>
        %dma_start3A_312 = tpu.memref_squeeze %dma_start3A_311 : memref<1x1x128xi32, #tpu.memory_space<vmem>> -> memref<128xi32, #tpu.memory_space<vmem>>
        %dma_start3A_313 = arith.constant 0 : i32
        %dma_start3A_314 = arith.constant 0 : i32
        %dma_start3A_315 = tpu.memref_slice %arg9[%dma_start3A_313, %dma_start3A_314] : memref<10016x32xf32, #tpu.memory_space<vmem_shared>> -> memref<10016x32xf32, #tpu.memory_space<vmem_shared>>
        tpu.enqueue_indirect_dma source(%dma_start3A_309 : memref<128x32xf32, #tpu.memory_space<vmem>>) target(%dma_start3A_315 : memref<10016x32xf32, #tpu.memory_space<vmem_shared>>) offsets(%dma_start3A_312 : memref<128xi32, #tpu.memory_space<vmem>>) semaphore(%arg28 : memref<!tpu.dma_semaphore, #tpu.memory_space<semaphore_mem>>) {add = true}
        %dma_wait3A_316 = arith.constant 1 : i32
        %dma_wait3A_317 = arith.constant 0 : i32
        %dma_wait3A_318 = arith.constant 1 : i32
        %dma_wait3A_319 = arith.constant 0 : i32
        %dma_wait3A_320 = arith.constant 0 : i32
        %dma_wait3A_321 = arith.constant 0 : i32
        %dma_wait3A_322 = tpu.memref_slice %arg8[%dma_wait3A_316, %dma_wait3A_317, %dma_wait3A_320, %dma_wait3A_321] : memref<2x4x128x32xf32, #tpu.memory_space<vmem>> -> memref<1x1x128x32xf32, #tpu.memory_space<vmem>>
        %dma_wait3A_323 = tpu.memref_squeeze %dma_wait3A_322 : memref<1x1x128x32xf32, #tpu.memory_space<vmem>> -> memref<128x32xf32, #tpu.memory_space<vmem>>
        %dma_wait3A_324 = arith.constant 0 : i32
        %dma_wait3A_325 = tpu.memref_slice %arg7[%dma_wait3A_318, %dma_wait3A_319, %dma_wait3A_324] : memref<2x4x128xi32, #tpu.memory_space<vmem>> -> memref<1x1x128xi32, #tpu.memory_space<vmem>>
        %dma_wait3A_326 = tpu.memref_squeeze %dma_wait3A_325 : memref<1x1x128xi32, #tpu.memory_space<vmem>> -> memref<128xi32, #tpu.memory_space<vmem>>
        %dma_wait3A_327 = arith.constant 0 : i32
        %dma_wait3A_328 = arith.constant 0 : i32
        %dma_wait3A_329 = tpu.memref_slice %arg9[%dma_wait3A_327, %dma_wait3A_328] : memref<10016x32xf32, #tpu.memory_space<vmem_shared>> -> memref<10016x32xf32, #tpu.memory_space<vmem_shared>>
        tpu.wait_indirect_dma semaphore(%arg25 : memref<!tpu.dma_semaphore, #tpu.memory_space<semaphore_mem>>) src(%dma_wait3A_323 : memref<128x32xf32, #tpu.memory_space<vmem>>) dst(%dma_wait3A_329 : memref<10016x32xf32, #tpu.memory_space<vmem_shared>>)
        %dma_wait3A_330 = arith.constant 1 : i32
        %dma_wait3A_331 = arith.constant 1 : i32
        %dma_wait3A_332 = arith.constant 1 : i32
        %dma_wait3A_333 = arith.constant 1 : i32
        %dma_wait3A_334 = arith.constant 0 : i32
        %dma_wait3A_335 = arith.constant 0 : i32
        %dma_wait3A_336 = tpu.memref_slice %arg8[%dma_wait3A_330, %dma_wait3A_331, %dma_wait3A_334, %dma_wait3A_335] : memref<2x4x128x32xf32, #tpu.memory_space<vmem>> -> memref<1x1x128x32xf32, #tpu.memory_space<vmem>>
        %dma_wait3A_337 = tpu.memref_squeeze %dma_wait3A_336 : memref<1x1x128x32xf32, #tpu.memory_space<vmem>> -> memref<128x32xf32, #tpu.memory_space<vmem>>
        %dma_wait3A_338 = arith.constant 0 : i32
        %dma_wait3A_339 = tpu.memref_slice %arg7[%dma_wait3A_332, %dma_wait3A_333, %dma_wait3A_338] : memref<2x4x128xi32, #tpu.memory_space<vmem>> -> memref<1x1x128xi32, #tpu.memory_space<vmem>>
        %dma_wait3A_340 = tpu.memref_squeeze %dma_wait3A_339 : memref<1x1x128xi32, #tpu.memory_space<vmem>> -> memref<128xi32, #tpu.memory_space<vmem>>
        %dma_wait3A_341 = arith.constant 0 : i32
        %dma_wait3A_342 = arith.constant 0 : i32
        %dma_wait3A_343 = tpu.memref_slice %arg9[%dma_wait3A_341, %dma_wait3A_342] : memref<10016x32xf32, #tpu.memory_space<vmem_shared>> -> memref<10016x32xf32, #tpu.memory_space<vmem_shared>>
        tpu.wait_indirect_dma semaphore(%arg26 : memref<!tpu.dma_semaphore, #tpu.memory_space<semaphore_mem>>) src(%dma_wait3A_337 : memref<128x32xf32, #tpu.memory_space<vmem>>) dst(%dma_wait3A_343 : memref<10016x32xf32, #tpu.memory_space<vmem_shared>>)
        %dma_wait3A_344 = arith.constant 1 : i32
        %dma_wait3A_345 = arith.constant 2 : i32
        %dma_wait3A_346 = arith.constant 1 : i32
        %dma_wait3A_347 = arith.constant 2 : i32
        %dma_wait3A_348 = arith.constant 0 : i32
        %dma_wait3A_349 = arith.constant 0 : i32
        %dma_wait3A_350 = tpu.memref_slice %arg8[%dma_wait3A_344, %dma_wait3A_345, %dma_wait3A_348, %dma_wait3A_349] : memref<2x4x128x32xf32, #tpu.memory_space<vmem>> -> memref<1x1x128x32xf32, #tpu.memory_space<vmem>>
        %dma_wait3A_351 = tpu.memref_squeeze %dma_wait3A_350 : memref<1x1x128x32xf32, #tpu.memory_space<vmem>> -> memref<128x32xf32, #tpu.memory_space<vmem>>
        %dma_wait3A_352 = arith.constant 0 : i32
        %dma_wait3A_353 = tpu.memref_slice %arg7[%dma_wait3A_346, %dma_wait3A_347, %dma_wait3A_352] : memref<2x4x128xi32, #tpu.memory_space<vmem>> -> memref<1x1x128xi32, #tpu.memory_space<vmem>>
        %dma_wait3A_354 = tpu.memref_squeeze %dma_wait3A_353 : memref<1x1x128xi32, #tpu.memory_space<vmem>> -> memref<128xi32, #tpu.memory_space<vmem>>
        %dma_wait3A_355 = arith.constant 0 : i32
        %dma_wait3A_356 = arith.constant 0 : i32
        %dma_wait3A_357 = tpu.memref_slice %arg9[%dma_wait3A_355, %dma_wait3A_356] : memref<10016x32xf32, #tpu.memory_space<vmem_shared>> -> memref<10016x32xf32, #tpu.memory_space<vmem_shared>>
        tpu.wait_indirect_dma semaphore(%arg27 : memref<!tpu.dma_semaphore, #tpu.memory_space<semaphore_mem>>) src(%dma_wait3A_351 : memref<128x32xf32, #tpu.memory_space<vmem>>) dst(%dma_wait3A_357 : memref<10016x32xf32, #tpu.memory_space<vmem_shared>>)
        %dma_wait3A_358 = arith.constant 1 : i32
        %dma_wait3A_359 = arith.constant 3 : i32
        %dma_wait3A_360 = arith.constant 1 : i32
        %dma_wait3A_361 = arith.constant 3 : i32
        %dma_wait3A_362 = arith.constant 0 : i32
        %dma_wait3A_363 = arith.constant 0 : i32
        %dma_wait3A_364 = tpu.memref_slice %arg8[%dma_wait3A_358, %dma_wait3A_359, %dma_wait3A_362, %dma_wait3A_363] : memref<2x4x128x32xf32, #tpu.memory_space<vmem>> -> memref<1x1x128x32xf32, #tpu.memory_space<vmem>>
        %dma_wait3A_365 = tpu.memref_squeeze %dma_wait3A_364 : memref<1x1x128x32xf32, #tpu.memory_space<vmem>> -> memref<128x32xf32, #tpu.memory_space<vmem>>
        %dma_wait3A_366 = arith.constant 0 : i32
        %dma_wait3A_367 = tpu.memref_slice %arg7[%dma_wait3A_360, %dma_wait3A_361, %dma_wait3A_366] : memref<2x4x128xi32, #tpu.memory_space<vmem>> -> memref<1x1x128xi32, #tpu.memory_space<vmem>>
        %dma_wait3A_368 = tpu.memref_squeeze %dma_wait3A_367 : memref<1x1x128xi32, #tpu.memory_space<vmem>> -> memref<128xi32, #tpu.memory_space<vmem>>
        %dma_wait3A_369 = arith.constant 0 : i32
        %dma_wait3A_370 = arith.constant 0 : i32
        %dma_wait3A_371 = tpu.memref_slice %arg9[%dma_wait3A_369, %dma_wait3A_370] : memref<10016x32xf32, #tpu.memory_space<vmem_shared>> -> memref<10016x32xf32, #tpu.memory_space<vmem_shared>>
        tpu.wait_indirect_dma semaphore(%arg28 : memref<!tpu.dma_semaphore, #tpu.memory_space<semaphore_mem>>) src(%dma_wait3A_365 : memref<128x32xf32, #tpu.memory_space<vmem>>) dst(%dma_wait3A_371 : memref<10016x32xf32, #tpu.memory_space<vmem_shared>>)
      } else {
      }
      %convert_element_type3A_111 = arith.extui %lt3A_107 : i1 to i32
      %cond3A_112 = arith.constant 0 : i32
      %cond3A_113 = arith.cmpi ne, %convert_element_type3A_111, %cond3A_112 : i32
      %cond3A_114 = scf.if %cond3A_113 -> (i32) {
        %sc_fetch_and_add3A_120 = arith.constant 1 : i32
        %sc_fetch_and_add3A_121 = arith.constant 0 : i32
        %sc_fetch_and_add3A_122 = arith.constant 0 : i32
        %sc_fetch_and_add3A_123 = tpu.fetch_and_add_sync %arg10[%sc_fetch_and_add3A_121], %sc_fetch_and_add3A_120, %sc_fetch_and_add3A_122 : memref<1xi32, #tpu.memory_space<smem>>, i32 -> i32
        scf.yield %sc_fetch_and_add3A_123 : i32
      } else {
        scf.yield %while3A_93 : i32
      }
      %lt3A_115 = arith.cmpi slt, %cond3A_114, %select_n3A : i32
      %and3A_116 = arith.andi %lt3A_107, %lt3A_115 : i1
      %convert_element_type3A_117 = arith.extui %and3A_116 : i1 to i32
      %cond3A_118 = arith.constant 0 : i32
      %cond3A_119 = arith.cmpi ne, %convert_element_type3A_117, %cond3A_118 : i32
      scf.if %cond3A_119 {
        %add3A_120 = arith.addi %select_n3A_6, %cond3A_114 : i32
        %mul3A_121 = arith.constant 4 : i32
        %mul3A_122 = arith.muli %add3A_120, %mul3A_121 : i32
        %dma_start3A = arith.constant 1 : i32
        %dma_start3A_123 = arith.constant 0 : i32
        %dma_start3A_124 = arith.constant 0 : i32
        %dma_start3A_125 = tpu.memref_slice %arg6[%dma_start3A, %dma_start3A_123, %dma_start3A_124] : memref<2x4x128xi32, #tpu.memory_space<vmem>> -> memref<1x4x128xi32, #tpu.memory_space<vmem>>
        %dma_start3A_126 = tpu.memref_squeeze %dma_start3A_125 : memref<1x4x128xi32, #tpu.memory_space<vmem>> -> memref<4x128xi32, #tpu.memory_space<vmem>>
        %dma_start3A_127 = arith.constant 0 : i32
        %dma_start3A_128 = tpu.memref_slice %arg3[%mul3A_122, %dma_start3A_127] : memref<2560x128xi32, #tpu.memory_space<hbm>> -> memref<4x128xi32, #tpu.memory_space<hbm>>
        %dma_start3A_129 = arith.constant 0 : i32
        %dma_start3A_130 = arith.constant 0 : i32
        %dma_start3A_131 = tpu.memref_slice %arg6[%dma_start3A, %dma_start3A_129, %dma_start3A_130] : memref<2x4x128xi32, #tpu.memory_space<vmem>> -> memref<1x4x128xi32, #tpu.memory_space<vmem>>
        %dma_start3A_132 = tpu.memref_squeeze %dma_start3A_131 : memref<1x4x128xi32, #tpu.memory_space<vmem>> -> memref<4x128xi32, #tpu.memory_space<vmem>>
        %dma_start3A_133 = arith.constant 0 : i32
        %dma_start3A_134 = tpu.memref_slice %arg3[%mul3A_122, %dma_start3A_133] : memref<2560x128xi32, #tpu.memory_space<hbm>> -> memref<4x128xi32, #tpu.memory_space<hbm>>
        tpu.enqueue_dma source(%dma_start3A_134 : memref<4x128xi32, #tpu.memory_space<hbm>>) target(%dma_start3A_132 : memref<4x128xi32, #tpu.memory_space<vmem>>) target_semaphore(%arg12 : memref<!tpu.dma_semaphore, #tpu.memory_space<semaphore_mem>>)
        %dma_start3A_135 = arith.constant 1 : i32
        %dma_start3A_136 = arith.constant 0 : i32
        %dma_start3A_137 = arith.constant 0 : i32
        %dma_start3A_138 = tpu.memref_slice %arg7[%dma_start3A_135, %dma_start3A_136, %dma_start3A_137] : memref<2x4x128xi32, #tpu.memory_space<vmem>> -> memref<1x4x128xi32, #tpu.memory_space<vmem>>
        %dma_start3A_139 = tpu.memref_squeeze %dma_start3A_138 : memref<1x4x128xi32, #tpu.memory_space<vmem>> -> memref<4x128xi32, #tpu.memory_space<vmem>>
        %dma_start3A_140 = arith.constant 0 : i32
        %dma_start3A_141 = tpu.memref_slice %arg4[%mul3A_122, %dma_start3A_140] : memref<2560x128xi32, #tpu.memory_space<hbm>> -> memref<4x128xi32, #tpu.memory_space<hbm>>
        %dma_start3A_142 = arith.constant 0 : i32
        %dma_start3A_143 = arith.constant 0 : i32
        %dma_start3A_144 = tpu.memref_slice %arg7[%dma_start3A_135, %dma_start3A_142, %dma_start3A_143] : memref<2x4x128xi32, #tpu.memory_space<vmem>> -> memref<1x4x128xi32, #tpu.memory_space<vmem>>
        %dma_start3A_145 = tpu.memref_squeeze %dma_start3A_144 : memref<1x4x128xi32, #tpu.memory_space<vmem>> -> memref<4x128xi32, #tpu.memory_space<vmem>>
        %dma_start3A_146 = arith.constant 0 : i32
        %dma_start3A_147 = tpu.memref_slice %arg4[%mul3A_122, %dma_start3A_146] : memref<2560x128xi32, #tpu.memory_space<hbm>> -> memref<4x128xi32, #tpu.memory_space<hbm>>
        tpu.enqueue_dma source(%dma_start3A_147 : memref<4x128xi32, #tpu.memory_space<hbm>>) target(%dma_start3A_145 : memref<4x128xi32, #tpu.memory_space<vmem>>) target_semaphore(%arg12 : memref<!tpu.dma_semaphore, #tpu.memory_space<semaphore_mem>>)
      } else {
      }
      scf.yield %cond3A_101, %cond3A_114 : i32, i32
    }
    "tpu.trace_stop"() : () -> ()
    "tpu.trace_start"() <{level = 10 : i32, message = "endbar"}> : () -> ()
    %barrier3A_86 = arith.constant 0 : index
    tpu.barrier barrier_id(%barrier3A_86)
    "tpu.trace_stop"() : () -> ()
    "tpu.trace_start"() <{level = 10 : i32, message = "copyout"}> : () -> ()
    %mul3A_87 = arith.constant 625 : i32
    %mul3A_88 = arith.muli %arg1, %mul3A_87 : i32
    %mul3A_89 = arith.constant 625 : i32
    %mul3A_90 = arith.muli %arg1, %mul3A_89 : i32
    "tpu.region"() ({
      %run_scoped3A_91 = tpu.sem_alloc : memref<!tpu.dma_semaphore, #tpu.memory_space<semaphore_mem>>
      %dma_start3A = arith.constant 0 : i32
      %dma_start3A_92 = tpu.memref_slice %arg5[%arg0, %mul3A_90, %dma_start3A] : memref<2x10000x32xf32, #tpu.memory_space<hbm>> -> memref<1x625x32xf32, #tpu.memory_space<hbm>>
      %dma_start3A_93 = tpu.memref_squeeze %dma_start3A_92 : memref<1x625x32xf32, #tpu.memory_space<hbm>> -> memref<625x32xf32, #tpu.memory_space<hbm>>
      %dma_start3A_94 = arith.constant 0 : i32
      %dma_start3A_95 = tpu.memref_slice %arg9[%mul3A_88, %dma_start3A_94] : memref<10016x32xf32, #tpu.memory_space<vmem_shared>> -> memref<625x32xf32, #tpu.memory_space<vmem_shared>>
      tpu.enqueue_dma source(%dma_start3A_95 : memref<625x32xf32, #tpu.memory_space<vmem_shared>>) target(%dma_start3A_93 : memref<625x32xf32, #tpu.memory_space<hbm>>) target_semaphore(%run_scoped3A_91 : memref<!tpu.dma_semaphore, #tpu.memory_space<semaphore_mem>>)
      %dma_wait3A = arith.constant 0 : i32
      %dma_wait3A_96 = tpu.memref_slice %arg5[%arg0, %mul3A_90, %dma_wait3A] : memref<2x10000x32xf32, #tpu.memory_space<hbm>> -> memref<1x625x32xf32, #tpu.memory_space<hbm>>
      %dma_wait3A_97 = tpu.memref_squeeze %dma_wait3A_96 : memref<1x625x32xf32, #tpu.memory_space<hbm>> -> memref<625x32xf32, #tpu.memory_space<hbm>>
      %dma_wait3A_98 = arith.constant 0 : i32
      %dma_wait3A_99 = tpu.memref_slice %arg9[%mul3A_88, %dma_wait3A_98] : memref<10016x32xf32, #tpu.memory_space<vmem_shared>> -> memref<625x32xf32, #tpu.memory_space<vmem_shared>>
      tpu.wait_dma2 semaphore(%run_scoped3A_91 : memref<!tpu.dma_semaphore, #tpu.memory_space<semaphore_mem>>) src(%dma_wait3A_99 : memref<625x32xf32, #tpu.memory_space<vmem_shared>>) dst(%dma_wait3A_97 : memref<625x32xf32, #tpu.memory_space<hbm>>)
      tpu.yield
    }) : () -> ()
    "tpu.trace_stop"() : () -> ()
    return
  }
}

module attributes {stable_mosaic.version = 14 : i64} {
  func.func @body(%arg0: memref<2x10000xf32, #tpu.memory_space<vmem>>, %arg1: memref<1x10000xf32, #tpu.memory_space<vmem>>) attributes {dimension_semantics = [], scalar_prefetch = 0 : i64, scratch_operands = 0 : i64, tpu.core_type = #tpu.core_type<tc>} {
    %get3A = arith.constant 0 : index
    %get3A_0 = arith.constant 0 : index
    %get3A_1 = vector.load %arg0[%get3A, %get3A_0] : memref<2x10000xf32, #tpu.memory_space<vmem>>, vector<1x10000xf32>
    %add3A = arith.constant 1.000000e+00 : f32
    %add3A_2 = vector.broadcast %add3A : f32 to vector<1x10000xf32>
    %add3A_3 = arith.addf %add3A_2, %get3A_1 : vector<1x10000xf32>
    %get3A_4 = arith.constant 1 : index
    %get3A_5 = arith.constant 0 : index
    %get3A_6 = vector.load %arg0[%get3A_4, %get3A_5] : memref<2x10000xf32, #tpu.memory_space<vmem>>, vector<1x10000xf32>
    %add3A_7 = arith.addf %add3A_3, %get3A_6 : vector<1x10000xf32>
    %rsqrt3A = math.rsqrt %add3A_7 : vector<1x10000xf32>
    %swap3A = arith.constant 0 : index
    %swap3A_8 = arith.constant 0 : index
    %swap3A_9 = vector.load %arg1[%swap3A, %swap3A_8] : memref<1x10000xf32, #tpu.memory_space<vmem>>, vector<1x10000xf32>
    tpu.vector_store %arg1[%swap3A, %swap3A_8], %rsqrt3A {strides = array<i32>} : memref<1x10000xf32, #tpu.memory_space<vmem>>, vector<1x10000xf32>,
    return
  }
}

module attributes {stable_mosaic.version = 14 : i64} {
  func.func @body(%arg0: i32, %arg1: memref<2000x128xf32, #tpu.memory_space<vmem>>, %arg2: memref<128x64xf32, #tpu.memory_space<vmem>>, %arg3: memref<2000x1xf32, #tpu.memory_space<vmem>>, %arg4: memref<2000x64xf32, #tpu.memory_space<vmem>>) attributes {dimension_semantics = [#tpu.dimension_semantics<arbitrary>], iteration_bounds = array<i64: 5>, scalar_prefetch = 0 : i64, scratch_operands = 0 : i64, tpu.core_type = #tpu.core_type<tc>, window_params = [{transform_indices = @transform_0, window_bounds = array<i64: 2000, 128>}, {pipeline_mode = #tpu.pipeline_mode<synchronous>, transform_indices = @transform_1, window_bounds = array<i64: 128, 64>}, {transform_indices = @transform_2, window_bounds = array<i64: 2000, 1>}, {transform_indices = @transform_3, window_bounds = array<i64: 2000, 64>}]} {
    %get3A = arith.constant 0 : index
    %get3A_0 = arith.constant 0 : index
    %get3A_1 = vector.load %arg3[%get3A, %get3A_0] : memref<2000x1xf32, #tpu.memory_space<vmem>>, vector<2000x1xf32>
    %get3A_2 = arith.constant 0 : index
    %get3A_3 = arith.constant 0 : index
    %get3A_4 = vector.load %arg1[%get3A_2, %get3A_3] : memref<2000x128xf32, #tpu.memory_space<vmem>>, vector<2000x128xf32>
    %get3A_5 = arith.constant 0 : index
    %get3A_6 = arith.constant 0 : index
    %get3A_7 = vector.load %arg2[%get3A_5, %get3A_6] : memref<128x64xf32, #tpu.memory_space<vmem>>, vector<128x64xf32>
    %dot_general3A = arith.constant dense<0.000000e+00> : vector<2000x64xf32>
    %dot_general3A_8 = tpu.matmul %get3A_4, %get3A_7, %dot_general3A {dimension_numbers = #tpu.dot_dimension_numbers<[1], [0], [0], [1], [0, 0, 1, 1], [], []>, transpose_lhs_hint = false} : vector<2000x128xf32>, vector<128x64xf32>, vector<2000x64xf32> -> vector<2000x64xf32>
    %mul3A = vector.broadcast %get3A_1 : vector<2000x1xf32> to vector<2000x64xf32>
    %mul3A_9 = arith.mulf %mul3A, %dot_general3A_8 : vector<2000x64xf32>
    %swap3A = arith.constant 0 : index
    %swap3A_10 = arith.constant 0 : index
    %swap3A_11 = vector.load %arg4[%swap3A, %swap3A_10] : memref<2000x64xf32, #tpu.memory_space<vmem>>, vector<2000x64xf32>
    tpu.vector_store %arg4[%swap3A, %swap3A_10], %mul3A_9 {strides = array<i32>} : memref<2000x64xf32, #tpu.memory_space<vmem>>, vector<2000x64xf32>,
    return
  }
  func.func @transform_0(%arg0: i32) -> (i32, i32) {
    %c0_i32 = arith.constant 0 : i32
    %c0_i32_0 = arith.constant 0 : i32
    return %arg0, %c0_i32 : i32, i32
  }
  func.func @transform_1(%arg0: i32) -> (i32, i32) {
    %c0_i32 = arith.constant 0 : i32
    %c0_i32_0 = arith.constant 0 : i32
    %c0_i32_1 = arith.constant 0 : i32
    return %c0_i32, %c0_i32_0 : i32, i32
  }
  func.func @transform_2(%arg0: i32) -> (i32, i32) {
    %c0_i32 = arith.constant 0 : i32
    %c0_i32_0 = arith.constant 0 : i32
    return %arg0, %c0_i32 : i32, i32
  }
  func.func @transform_3(%arg0: i32) -> (i32, i32) {
    %c0_i32 = arith.constant 0 : i32
    %c0_i32_0 = arith.constant 0 : i32
    return %arg0, %c0_i32 : i32, i32
  }
}

module attributes {stable_mosaic.version = 14 : i64} {
  func.func @body(%arg0: i32, %arg1: memref<2x2000x64xf32, #tpu.memory_space<vmem>>, %arg2: memref<2000x64xf32, #tpu.memory_space<vmem>>, %arg3: memref<2000x1xf32, #tpu.memory_space<vmem>>, %arg4: memref<1x64xf32, #tpu.memory_space<vmem>>, %arg5: memref<64x32xf32, #tpu.memory_space<vmem>>, %arg6: memref<2000x32xf32, #tpu.memory_space<vmem>>) attributes {dimension_semantics = [#tpu.dimension_semantics<arbitrary>], iteration_bounds = array<i64: 5>, scalar_prefetch = 0 : i64, scratch_operands = 0 : i64, tpu.core_type = #tpu.core_type<tc>, window_params = [{transform_indices = @transform_0, window_bounds = array<i64: 2, 2000, 64>}, {transform_indices = @transform_1, window_bounds = array<i64: 2000, 64>}, {transform_indices = @transform_2, window_bounds = array<i64: 2000, 1>}, {pipeline_mode = #tpu.pipeline_mode<synchronous>, transform_indices = @transform_3, window_bounds = array<i64: 1, 64>}, {pipeline_mode = #tpu.pipeline_mode<synchronous>, transform_indices = @transform_4, window_bounds = array<i64: 64, 32>}, {transform_indices = @transform_5, window_bounds = array<i64: 2000, 32>}]} {
    %get3A = arith.constant 0 : index
    %get3A_0 = arith.constant 0 : index
    %get3A_1 = arith.constant 0 : index
    %get3A_2 = vector.load %arg1[%get3A, %get3A_0, %get3A_1] : memref<2x2000x64xf32, #tpu.memory_space<vmem>>, vector<1x2000x64xf32>
    %get3A_3 = vector.shape_cast %get3A_2 : vector<1x2000x64xf32> to vector<2000x64xf32>
    %get3A_4 = arith.constant 1 : index
    %get3A_5 = arith.constant 0 : index
    %get3A_6 = arith.constant 0 : index
    %get3A_7 = vector.load %arg1[%get3A_4, %get3A_5, %get3A_6] : memref<2x2000x64xf32, #tpu.memory_space<vmem>>, vector<1x2000x64xf32>
    %get3A_8 = vector.shape_cast %get3A_7 : vector<1x2000x64xf32> to vector<2000x64xf32>
    %add3A = arith.addf %get3A_3, %get3A_8 : vector<2000x64xf32>
    %get3A_9 = arith.constant 0 : index
    %get3A_10 = arith.constant 0 : index
    %get3A_11 = vector.load %arg2[%get3A_9, %get3A_10] : memref<2000x64xf32, #tpu.memory_space<vmem>>, vector<2000x64xf32>
    %add3A_12 = arith.addf %add3A, %get3A_11 : vector<2000x64xf32>
    %get3A_13 = arith.constant 0 : index
    %get3A_14 = arith.constant 0 : index
    %get3A_15 = vector.load %arg3[%get3A_13, %get3A_14] : memref<2000x1xf32, #tpu.memory_space<vmem>>, vector<2000x1xf32>
    %mul3A = vector.broadcast %get3A_15 : vector<2000x1xf32> to vector<2000x64xf32>
    %mul3A_16 = arith.mulf %mul3A, %add3A_12 : vector<2000x64xf32>
    %get3A_17 = arith.constant 0 : index
    %get3A_18 = arith.constant 0 : index
    %get3A_19 = vector.load %arg4[%get3A_17, %get3A_18] : memref<1x64xf32, #tpu.memory_space<vmem>>, vector<1x64xf32>
    %add3A_20 = vector.broadcast %get3A_19 : vector<1x64xf32> to vector<2000x64xf32>
    %add3A_21 = arith.addf %mul3A_16, %add3A_20 : vector<2000x64xf32>
    %max3A = arith.constant 0.000000e+00 : f32
    %max3A_22 = vector.broadcast %max3A : f32 to vector<2000x64xf32>
    %max3A_23 = arith.maximumf %add3A_21, %max3A_22 : vector<2000x64xf32>
    %get3A_24 = arith.constant 0 : index
    %get3A_25 = arith.constant 0 : index
    %get3A_26 = vector.load %arg3[%get3A_24, %get3A_25] : memref<2000x1xf32, #tpu.memory_space<vmem>>, vector<2000x1xf32>
    %get3A_27 = arith.constant 0 : index
    %get3A_28 = arith.constant 0 : index
    %get3A_29 = vector.load %arg5[%get3A_27, %get3A_28] : memref<64x32xf32, #tpu.memory_space<vmem>>, vector<64x32xf32>
    %dot_general3A = arith.constant dense<0.000000e+00> : vector<2000x32xf32>
    %dot_general3A_30 = tpu.matmul %max3A_23, %get3A_29, %dot_general3A {dimension_numbers = #tpu.dot_dimension_numbers<[1], [0], [0], [1], [0, 0, 1, 1], [], []>, transpose_lhs_hint = false} : vector<2000x64xf32>, vector<64x32xf32>, vector<2000x32xf32> -> vector<2000x32xf32>
    %mul3A_31 = vector.broadcast %get3A_26 : vector<2000x1xf32> to vector<2000x32xf32>
    %mul3A_32 = arith.mulf %mul3A_31, %dot_general3A_30 : vector<2000x32xf32>
    %swap3A = arith.constant 0 : index
    %swap3A_33 = arith.constant 0 : index
    %swap3A_34 = vector.load %arg6[%swap3A, %swap3A_33] : memref<2000x32xf32, #tpu.memory_space<vmem>>, vector<2000x32xf32>
    tpu.vector_store %arg6[%swap3A, %swap3A_33], %mul3A_32 {strides = array<i32>} : memref<2000x32xf32, #tpu.memory_space<vmem>>, vector<2000x32xf32>,
    return
  }
  func.func @transform_0(%arg0: i32) -> (i32, i32, i32) {
    %c0_i32 = arith.constant 0 : i32
    %c0_i32_0 = arith.constant 0 : i32
    %c0_i32_1 = arith.constant 0 : i32
    return %c0_i32, %arg0, %c0_i32_0 : i32, i32, i32
  }
  func.func @transform_1(%arg0: i32) -> (i32, i32) {
    %c0_i32 = arith.constant 0 : i32
    %c0_i32_0 = arith.constant 0 : i32
    return %arg0, %c0_i32 : i32, i32
  }
  func.func @transform_2(%arg0: i32) -> (i32, i32) {
    %c0_i32 = arith.constant 0 : i32
    %c0_i32_0 = arith.constant 0 : i32
    return %arg0, %c0_i32 : i32, i32
  }
  func.func @transform_3(%arg0: i32) -> (i32, i32) {
    %c0_i32 = arith.constant 0 : i32
    %c0_i32_0 = arith.constant 0 : i32
    %c0_i32_1 = arith.constant 0 : i32
    return %c0_i32, %c0_i32_0 : i32, i32
  }
  func.func @transform_4(%arg0: i32) -> (i32, i32) {
    %c0_i32 = arith.constant 0 : i32
    %c0_i32_0 = arith.constant 0 : i32
    %c0_i32_1 = arith.constant 0 : i32
    return %c0_i32, %c0_i32_0 : i32, i32
  }
  func.func @transform_5(%arg0: i32) -> (i32, i32) {
    %c0_i32 = arith.constant 0 : i32
    %c0_i32_0 = arith.constant 0 : i32
    return %arg0, %c0_i32 : i32, i32
  }
}

module attributes {stable_mosaic.version = 14 : i64} {
  func.func @body(%arg0: i32, %arg1: memref<2x2000x32xf32, #tpu.memory_space<vmem>>, %arg2: memref<2000x32xf32, #tpu.memory_space<vmem>>, %arg3: memref<2000x1xf32, #tpu.memory_space<vmem>>, %arg4: memref<1x32xf32, #tpu.memory_space<vmem>>, %arg5: memref<2000x32xf32, #tpu.memory_space<vmem>>) attributes {dimension_semantics = [#tpu.dimension_semantics<arbitrary>], iteration_bounds = array<i64: 5>, scalar_prefetch = 0 : i64, scratch_operands = 0 : i64, tpu.core_type = #tpu.core_type<tc>, window_params = [{transform_indices = @transform_0, window_bounds = array<i64: 2, 2000, 32>}, {transform_indices = @transform_1, window_bounds = array<i64: 2000, 32>}, {transform_indices = @transform_2, window_bounds = array<i64: 2000, 1>}, {pipeline_mode = #tpu.pipeline_mode<synchronous>, transform_indices = @transform_3, window_bounds = array<i64: 1, 32>}, {transform_indices = @transform_4, window_bounds = array<i64: 2000, 32>}]} {
    %get3A = arith.constant 0 : index
    %get3A_0 = arith.constant 0 : index
    %get3A_1 = vector.load %arg3[%get3A, %get3A_0] : memref<2000x1xf32, #tpu.memory_space<vmem>>, vector<2000x1xf32>
    %get3A_2 = arith.constant 0 : index
    %get3A_3 = arith.constant 0 : index
    %get3A_4 = arith.constant 0 : index
    %get3A_5 = vector.load %arg1[%get3A_2, %get3A_3, %get3A_4] : memref<2x2000x32xf32, #tpu.memory_space<vmem>>, vector<1x2000x32xf32>
    %get3A_6 = vector.shape_cast %get3A_5 : vector<1x2000x32xf32> to vector<2000x32xf32>
    %get3A_7 = arith.constant 1 : index
    %get3A_8 = arith.constant 0 : index
    %get3A_9 = arith.constant 0 : index
    %get3A_10 = vector.load %arg1[%get3A_7, %get3A_8, %get3A_9] : memref<2x2000x32xf32, #tpu.memory_space<vmem>>, vector<1x2000x32xf32>
    %get3A_11 = vector.shape_cast %get3A_10 : vector<1x2000x32xf32> to vector<2000x32xf32>
    %add3A = arith.addf %get3A_6, %get3A_11 : vector<2000x32xf32>
    %get3A_12 = arith.constant 0 : index
    %get3A_13 = arith.constant 0 : index
    %get3A_14 = vector.load %arg2[%get3A_12, %get3A_13] : memref<2000x32xf32, #tpu.memory_space<vmem>>, vector<2000x32xf32>
    %add3A_15 = arith.addf %add3A, %get3A_14 : vector<2000x32xf32>
    %mul3A = vector.broadcast %get3A_1 : vector<2000x1xf32> to vector<2000x32xf32>
    %mul3A_16 = arith.mulf %mul3A, %add3A_15 : vector<2000x32xf32>
    %get3A_17 = arith.constant 0 : index
    %get3A_18 = arith.constant 0 : index
    %get3A_19 = vector.load %arg4[%get3A_17, %get3A_18] : memref<1x32xf32, #tpu.memory_space<vmem>>, vector<1x32xf32>
    %add3A_20 = vector.broadcast %get3A_19 : vector<1x32xf32> to vector<2000x32xf32>
    %add3A_21 = arith.addf %mul3A_16, %add3A_20 : vector<2000x32xf32>
    %swap3A = arith.constant 0 : index
    %swap3A_22 = arith.constant 0 : index
    %swap3A_23 = vector.load %arg5[%swap3A, %swap3A_22] : memref<2000x32xf32, #tpu.memory_space<vmem>>, vector<2000x32xf32>
    tpu.vector_store %arg5[%swap3A, %swap3A_22], %add3A_21 {strides = array<i32>} : memref<2000x32xf32, #tpu.memory_space<vmem>>, vector<2000x32xf32>,
    return
  }
  func.func @transform_0(%arg0: i32) -> (i32, i32, i32) {
    %c0_i32 = arith.constant 0 : i32
    %c0_i32_0 = arith.constant 0 : i32
    %c0_i32_1 = arith.constant 0 : i32
    return %c0_i32, %arg0, %c0_i32_0 : i32, i32, i32
  }
  func.func @transform_1(%arg0: i32) -> (i32, i32) {
    %c0_i32 = arith.constant 0 : i32
    %c0_i32_0 = arith.constant 0 : i32
    return %arg0, %c0_i32 : i32, i32
  }
  func.func @transform_2(%arg0: i32) -> (i32, i32) {
    %c0_i32 = arith.constant 0 : i32
    %c0_i32_0 = arith.constant 0 : i32
    return %arg0, %c0_i32 : i32, i32
  }
  func.func @transform_3(%arg0: i32) -> (i32, i32) {
    %c0_i32 = arith.constant 0 : i32
    %c0_i32_0 = arith.constant 0 : i32
    %c0_i32_1 = arith.constant 0 : i32
    return %c0_i32, %c0_i32_0 : i32, i32
  }
  func.func @transform_4(%arg0: i32) -> (i32, i32) {
    %c0_i32 = arith.constant 0 : i32
    %c0_i32_0 = arith.constant 0 : i32
    return %arg0, %c0_i32 : i32, i32
  }
}

</mosaic_0001>

<sc_bundles>
// kernel: kernel.12.cloned.1.call-start
scs
__scs_entry_jumppad:
0x0: {  	(pc) =	sbr.rel $0x88, $3  }
0x1: {  	(tag) =	ssettag $0x0;
	lr =	simm.s32 $0x1  }
0x2: {  	[smem:$0x3F9B] =	sst lr;
	_ =	strace $0xD0000000  }
0x3: {  	_ = 	snop  }
0x4: {  	_ = 	snop  }
0x5: {  	_ = 	snop  }
0x6: {  	_ = 	snop  }
0x7: {  	_ = 	snop  }
__scs_overlays_trampoline_lowered:
0x8: {  	[smem:$0x3FAA] =	sst s0  }
0x9: {  	[smem:$0x3FAB] =	sst s1  }
0xa: {  	[smem:$0x3FAC] =	sst s2  }
0xb: {  	[smem:$0x3FAD] =	sst s3  }
0xc: {  	[smem:$0x3FAE] =	sst s4  }
0xd: {  	[smem:$0x3FAF] =	sst s5  }
0xe: {  	[smem:$0x3FB0] =	sst s6  }
0xf: {  	[smem:$0x3FB1] =	sst s7  }
0x10: {  	[smem:$0x3FB2] =	sst s8  }
0x11: {  	[smem:$0x3FB3] =	sst s9;
	s0 =	simm.s32 @!p0 $0x0  }
0x12: {  	s1 =	sld [smem:$0x3F99];
	s0 =	simm.s32 @p0 $0x1  }
0x13: {  	[smem:$0x3FB4] =	sst s0;
	s0 =	simm.s32 @!p1 $0x0  }
0x14: {  	s2 =	sld [smem:$0x3F98];
	s0 =	simm.s32 @p1 $0x1  }
0x15: {  	[smem:$0x3FB5] =	sst s0;
	s0 =	simm.s32 @!p2 $0x0  }
0x16: {  	s3 =	sld [smem:$0x3FDB];
	s0 =	simm.s32 @p2 $0x1  }
0x17: {  	s4 =	simm.s32 $0x1BF5;
	[smem:$0x3FB7] =	sst s0  }
0x18: {  	s0 =	sld [smem:$0x3F9A];
	_ =	swait.ge [sflag:s4], $0x0  }
0x19: {  	s7 =	sld [smem:$0x3F9B]  }
0x1a: {  	s8 =	sadd.s32 $0xFFFFE003, lr  }
0x1b: {  	s9 =	sadd.s32 $0xFFFFFEF7, lr;
	s5 =	simm.s32 $0xFFFFFFFF;
	p2 =	slt.u32 s8, $0xFFFFF086  }
0x1c: {  	p1 =	slt.u32 s9, $0xF7A;
	s5 =	simm.s32 @!p2 $0x0  }
0x1d: {  	s5 =	simm.s32 @p1 $0x1;
	p0 =	seq.s32 s7, s2  }
0x1e: {  	s7 =	smul.u32 @!p0 $0xF7A, s2;
	p2 =	seq.s32 @!p0 s5, $0x0  }
0x1f: {  	s9 =	smul.u32 $0xF7A, s1;
	s8 =	simm.s32 @!p0 $0x1BF5;
	p2 =	por !p2, p0  }
0x20: {  	[sflag:s8] =	ssyncset.s32 @!p0 $0xFFFFF086;
	s6 =	sadd.s32 @!p0 s3, s7;
	s7 =	simm.s32 @!p0 $0x108  }
0x21: {  	s3 =	sadd.s32 s3, s9;
	s6 =	sadd.s32 @!p0 $0x88, s6;
	s7 =	simm.s32 @p2 $0x1082  }
0x22: {  	[simem:s7], [sflag:s8] =	dma.local @!p0 [hbm:s6], $0xF7A  }
0x23: {  	s9 =	sor.u32 $0xD0000000, s2;
	s6 =	simm.s32 $0x108;
	_ =	swait.ge @!p0 [sflag:s8], $0x0  }
0x24: {  	s3 =	sadd.s32 $0x88, s3;
	s6 =	simm.s32 @!p1 $0x1082;
	[sflag:s4] =	ssyncset.s32 $0xFFFFF086  }
0x25: {  	[simem:s6], [sflag:s4] =	dma.local [hbm:s3], $0xF7A  }
0x26: {  	[smem:$0x3F9B] =	sst s1;
	(tag) =	ssettag s2;
	_ =	strace s9  }
0x27: {  	s1 =	sld [smem:$0x3FAB]  }
0x28: {  	s2 =	sld [smem:$0x3FAC]  }
0x29: {  	s4 =	sld [smem:$0x3FAE]  }
0x2a: {  	p0 =	seq.s32 s5, $0x0;
	s5 =	sld [smem:$0x3FAF]  }
0x2b: {  	s6 =	sld [smem:$0x3FB0]  }
0x2c: {  	s7 =	sld [smem:$0x3FB1]  }
0x2d: {  	s3 =	simm.s32 $0x108;
	s8 =	sld [smem:$0x3FB2]  }
0x2e: {  	s3 =	simm.s32 @!p0 $0x1082;
	s9 =	sld [smem:$0x3FB3]  }
0x2f: {  	lr =	sadd.s32 s0, s3;
	s0 =	sld [smem:$0x3FAA]  }
0x30: {  	s3 =	sld [smem:$0x3FAD]  }
0x31: {  	[smem:$0x3FB6] =	sst s10  }
0x32: {  	s10 =	sld [smem:$0x3FB4];
	_ =	sdelay $0x3  }
0x33: {  	p0 =	seq.s32 s10, $0x1;
	s10 =	sld [smem:$0x3FB6];
	_ =	sdelay $0x3  }
0x34: {  	[smem:$0x3FB6] =	sst s10  }
0x35: {  	s10 =	sld [smem:$0x3FB5];
	_ =	sdelay $0x3  }
0x36: {  	p1 =	seq.s32 s10, $0x1;
	s10 =	sld [smem:$0x3FB6];
	_ =	sdelay $0x3  }
0x37: {  	[smem:$0x3FB6] =	sst s10  }
0x38: {  	s10 =	sld [smem:$0x3FB7]  }
0x39: {  	_ = 	snop;
	(pc) =	sbr.ind lr, $3  }
0x3a: {  	_ = 	snop  }
0x3b: {  	_ = 	snop  }
0x3c: {  	p2 =	seq.s32 s10, $0x1;
	s10 =	sld [smem:$0x3FB6]  }
0x3d: {  	_ =	shalt  }
0x3e: {  	_ =	shalt  }
0x3f: {  	_ =	shalt  }
0x40: {  	_ =	shalt  }
0x41: {  	_ =	shalt  }
0x42: {  	_ =	shalt  }
0x43: {  	_ =	shalt  }
0x44: {  	_ =	shalt  }
0x45: {  	_ =	shalt  }
0x46: {  	_ =	shalt  }
0x47: {  	_ =	shalt  }
0x48: {  	_ =	shalt  }
0x49: {  	_ =	shalt  }
0x4a: {  	_ =	shalt  }
0x4b: {  	_ =	shalt  }
0x4c: {  	_ =	shalt  }
0x4d: {  	_ =	shalt  }
0x4e: {  	_ =	shalt  }
0x4f: {  	_ =	shalt  }
0x50: {  	_ =	shalt  }
0x51: {  	_ =	shalt  }
0x52: {  	_ =	shalt  }
0x53: {  	_ =	shalt  }
0x54: {  	_ =	shalt  }
0x55: {  	_ =	shalt  }
0x56: {  	_ =	shalt  }
0x57: {  	_ =	shalt  }
0x58: {  	_ =	shalt  }
0x59: {  	_ =	shalt  }
0x5a: {  	_ =	shalt  }
0x5b: {  	_ =	shalt  }
0x5c: {  	_ =	shalt  }
0x5d: {  	_ =	shalt  }
0x5e: {  	_ =	shalt  }
0x5f: {  	_ =	shalt  }
0x60: {  	_ =	shalt  }
0x61: {  	_ =	shalt  }
0x62: {  	_ =	shalt  }
0x63: {  	_ =	shalt  }
0x64: {  	_ =	shalt  }
0x65: {  	_ =	shalt  }
0x66: {  	_ =	shalt  }
0x67: {  	_ =	shalt  }
0x68: {  	_ =	shalt  }
0x69: {  	_ =	shalt  }
0x6a: {  	_ =	shalt  }
0x6b: {  	_ =	shalt  }
0x6c: {  	_ =	shalt  }
0x6d: {  	_ =	shalt  }
0x6e: {  	_ =	shalt  }
0x6f: {  	_ =	shalt  }
0x70: {  	_ =	shalt  }
0x71: {  	_ =	shalt  }
0x72: {  	_ =	shalt  }
0x73: {  	_ =	shalt  }
0x74: {  	_ =	shalt  }
0x75: {  	_ =	shalt  }
0x76: {  	_ =	shalt  }
0x77: {  	_ =	shalt  }
0x78: {  	_ =	shalt  }
0x79: {  	_ =	shalt  }
0x7a: {  	_ =	shalt  }
0x7b: {  	_ =	shalt  }
0x7c: {  	_ =	shalt  }
0x7d: {  	_ =	shalt  }
0x7e: {  	_ =	shalt  }
0x7f: {  	_ =	shalt  }
0x80: {  	_ =	shalt  }
0x81: {  	_ =	shalt  }
0x82: {  	_ =	shalt  }
0x83: {  	_ =	shalt  }
0x84: {  	_ =	shalt  }
0x85: {  	_ =	shalt  }
0x86: {  	_ =	shalt  }
0x87: {  	_ =	shalt  }
.Lfunc_end0:
.L_simem_size_0:
called_computation.1_lowered:
.L_overlay_start_0:
0x88: {  	s2 =	sld [smem:$0x3FD9]  }
0x89: {  	s3 =	sld [smem:$0x3FFE];
	_ =	sdelay $0x1  }
0x8a: {  	s1 =	srdreg.scid  }
0x8b: {  	s0 =	sand.u32 $0x1, s1  }
0x8c: {  	s16 =	sshll.u32 s0, $0xA;
	s2 =	sadd.s32 s3, s2  }
0x8d: {  	s2 =	sadd.s32 s2, s16  }
0x8e: {  	[smem:$0x3FC2] =	sst s2  }
0x8f: {  	_ = 	snop  }
0x90: {  	(tm) =	ssettm $0x1  }
0x91: {  	s17 =	sld [smem:$0x3FFB];
	_ =	sdelay $0x3  }
0x92: {  	_ =	strace s17  }
0x93: {  	s2 =	sld [smem:$0x3FFC];
	_ =	sdelay $0x3  }
0x94: {  	_ =	strace s2  }
0x95: {  	s2 =	sld [smem:$0x3FFD];
	_ =	sdelay $0x3  }
0x96: {  	_ =	strace s2  }
0x97: {  	_ =	strace $0x8FFFFFFF  }
0x98: {  	s18 =	sld [smem:$0x3FDB];
	_ =	sdelay $0x1  }
0x99: {  	s19 =	simm.s32 $_scs_section_size  }
0x9a: {  	s4 =	simm.s32 $_size__tile_overlayer_lowered;
	s5 =	simm.s32 $_tile_overlayer_lowered  }
0x9b: {  	s22 =	simm.s32 $0x1BFF;
	s21 =	sshll.u32 s5, $0x1;
	s2 =	sadd.s32 s19, s18  }
0x9c: {  	s6 =	simm.s32 $0x0;
	s20 =	sshll.u32 s4, $0x1;
	s4 =	sadd.s32 s21, s2  }
0x9d: {  	[timem:s6], [sflag:s22] =	dma.local [hbm:s4], s20  }
0x9e: {  	_ =	swait.ge [sflag:s22], s20  }
0x9f: {  	s3 =	ssub.s32 $0x0, s20;
	[sflag:s22] =	ssyncset.done $0x0  }
0xa0: {  	[sflag:s22] =	ssyncadd.s32 s3;
	_ =	sdelay $0x1  }
0xa1: {  	s23 =	simm.s32 $0x1B8B  }
0xa2: {  	_ =	swait.ge [sflag:s23], $0x1  }
0xa3: {  	[sflag:s23] =	ssyncset.done $0x0  }
0xa4: {  	s25 =	simm.s32 $0x1B8E;
	s24 =	sld [smem:$0x3FFE];
	[sflag:s23] =	ssyncadd.s32 $0xFFFFFFFF  }
0xa5: {  	s26 =	simm.s32 $execute0_lowered;
	[smem:$0x3FD2] =	sst s25  }
0xa6: {  	s4 =	sshll.u32 s26, $0x1;
	_ =	strace $0x80000049;
	[dreg:$0x1] =	wrdreg $0xFFFFFFFF  }
0xa7: {  	s28 =	simm.s32 $_size_execute0_lowered;
	s2 =	sadd.s32 s2, s4;
	[dreg:$0x0] =	wrdreg $0x0  }
0xa8: {  	s4 =	sshll.u32 s28, $0x1;
	[dreg:$0x2] =	wrdreg s2  }
0xa9: {  	[dreg:$0x3] =	wrdreg s4  }
0xaa: {  	[dreg:$0x4] =	wrdreg $0xC0  }
0xab: {  	_ =	task [dreg:s6], $0x5FFFF  }
0xac: {  	[dreg:$0x1] =	wrdreg $0xFFFFFFFF  }
0xad: {  	[dreg:$0x0] =	wrdreg $0x60  }
0xae: {  	[dreg:$0x2] =	wrdreg s24  }
0xaf: {  	[dreg:$0x3] =	wrdreg $0x108000  }
0xb0: {  	[dreg:$0x4] =	wrdreg $0x9  }
0xb1: {  	_ =	task.clear_ibuf [dreg:s6], $0x5FFFF;
	_ =	strace $0x90000049  }
0xb2: {  	s29 =	simm.s32 $0x9;
	_ =	strace $0x80000050  }
0xb3: {  	_ =	swait.ge [sflag:s29], $0x1  }
0xb4: {  	[sflag:s29] =	ssyncadd.s32 $0xFFFFFFFF  }
0xb5: {  	_ =	strace $0x90000050  }
0xb6: {  	_ =	sfence  }
0xb7: {  	s30 =	sld [smem:$0x0];
	_ =	sdelay $0x2  }
0xb8: {  	s31 =	sshll.u32 s1, $0xD;
	s1 =	sshrl.u32 s1, $0x2  }
0xb9: {  	s3 =	sand.u32 $0x4000, s31;
	s1 =	sadd.s32 s1, s30  }
0xba: {  	s0 =	sor.u32 s3, s0;
	s1 =	sshll.u32 s1, $0x11  }
0xbb: {  	s0 =	sor.u32 s1, s0  }
0xbc: {  	s0 =	sadd.s32 $0x8F2B, s0  }
0xbd: {  	[sflag:s0] =	ssyncadd.remote.s32 $0x1  }
0xbe: {  	_ =	sfence.sel $0xFFFF  }
0xbf: {  	[dreg:$0x0] =	wrdreg $0xFFFFFFFF;
	(pc) =	sbr.abs _section_cstart, $3  }
0xc0: {  	[dreg:$0x1] =	wrdreg $0xFFFFFFFF  }
0xc1: {  	_ =	task.clear_ibuf [dreg:s6], $0x2FFFF;
	_ =	strace $0x9FFFFFFF  }
0xc2: {  	(tm) =	ssettm $0x7FFFFFFF  }
0xc3: {  	_ =	shalt  }
tec
execute0_lowered:
.L_overlay_start_1:
0x0: {  	(tag) =	ssettag $0x1  }
0x1: {  	s0 =	rddreg [dreg:$0x0]  }
0x2: {  	s1 =	rddreg [dreg:$0x1];
	s2 =	srdreg.scid;
	s20 =	simm.s32 $0x0  }
0x3: {  	s13 =	stileid.u32;
	s18 =	simm.s32 $0x15;
	s14 =	simm.s32 $0xB  }
0x4: {  	s15 =	simm.s32 $0xC;
	s16 =	simm.s32 $0xD;
	s31 =	simm.s32 $0x8  }
0x5: {  	s28 =	simm.s32 $0x9;
	s19 =	simm.s32 $0xF;
	s17 =	simm.s32 $0x12  }
0x6: {  	s3 =	sand.u32 $0x1, s2;
	[smem:$0x7FF] =	sst s20;
	s9 =	smul.u32 $0x9C40, s13  }
0x7: {  	s4 =	sadd.s32 $0x15400, s0;
	s5 =	sadd.s32 $0xB400, s0;
	s11 =	smul.u32 $0x27200, s13  }
0x8: {  	s6 =	sadd.s32 $0x1400, s0;
	s20 =	simm.s32 $0x10;
	s7 =	smul.u32 $0x9C400, s3  }
0x9: {  	_ =	strace $0x8000004A;
	s8 =	ssub.s32 $0x2, s3;
	s12 =	ssub.s32 $0x0, s3  }
0xa: {  	p0 =	seq.s32 s3, $0x0;
	s10 =	sshrl.u32 s8, $0x1;
	s21 =	sshrl.u32 s11, $0x2  }
0xb: {  	s26 =	sadd.s32 s9, s1;
	s11 =	simm.s32 $0xA;
	s7 =	sadd.s32 s9, s7  }
0xc: {  	s10 =	ssub.s32 s8, s10;
	s8 =	sand.u32 $0x1F3, s12;
	s22 =	sadd.s32 s21, s1  }
0xd: {  	s9 =	simm.s32 $0x2;
	s3 =	sadd.s32 $0x2000, s22;
	[dreg:$0x3] =	wrdreg s22  }
0xe: {  	s21 =	simm.s32 $0x11;
	s23 =	sadd.s32 $0x4000, s22;
	[dreg:$0x4] =	wrdreg s3  }
0xf: {  	s7 =	sshrl.u32 s7, $0x3;
	s24 =	sadd.s32 $0x6000, s22;
	[dreg:$0x5] =	wrdreg s23  }
0x10: {  	s2 =	sadd.s32 $0x8000, s22;
	s29 =	smax.u32 s10, $0x1;
	[dreg:$0x6] =	wrdreg s24  }
0x11: {  	s10 =	simm.s32 $0x0;
	s22 =	simm.s32 $0x7;
	[dreg:$0x7] =	wrdreg s2  }
0x12: {  	s0 =	sadd.s32 s7, s0;
	s7 =	simm.s32 $0x1F3;
	[dreg:$0x9] =	wrdreg s29  }
.Ltmp0:
0x13: {  	s24 =	simm.s32 $0x1;
	s23 =	simm.s32 $0x16;
	(pc) =	sbr.rel .LBB2_1-.Ltmp0, $4  }
0x14: {  	s2 =	simm.s32 $0x0;
	s7 =	simm.s32 @!p0 $0x8D;
	s0 =	sadd.s32 $0x28E00, s0  }
0x15: {  	s25 =	sshrl.u32 s7, $0x1;
	[dreg:$0x8] =	wrdreg s0;
	s0 =	sshrl.u32 s26, $0x3  }
0x16: {  	p0 =	sne.s32 s13, $0x0;
	s30 =	sadd.s32 $0x2, s25;
	[dreg:$0xb] =	wrdreg s0  }
0x17: {  	v0 =	vimm.f32 $0.0e+00;
	s26 =	simm.s32 $0x80;
	s25 =	simm.s32 $0xE;
	[dreg:$0xa] =	wrdreg s30  }
.LBB2_9:
0x18: {  	_ =	strace $0x9000004D  }
0x19: {  	_ =	strace $0x8000004E  }
0x1a: {  	[bflag:$0x0] =	sbarrier.arrive $0xFFFF  }
0x1b: {  	_ =	strace $0x9000004E  }
0x1c: {  	s0 =	stileid.u32;
	_ =	strace $0x8000004F  }
0x1d: {  	s0 =	sshll.u32 s0, $0x6;
	s2 =	rddreg [dreg:$0x8]  }
0x1e: {  	s0 =	sor.u32 $0x1C15, s0;
	s3 =	rddreg [dreg:$0xb]  }
0x1f: {  	[hbm:s2], [sflag:s0] =	dma.local [spmem:s3], $0x1388  }
0x20: {  	_ =	swait.ge [sflag:s18], $0x1388  }
0x21: {  	s29 =	rddreg [dreg:$0xc]  }
0x22: {  	s30 =	rddreg [dreg:$0x9];
	s2 =	sadd.s32 $0x1, s29  }
0x23: {  	p1 =	sne.s32 s2, s30  }
.Ltmp1:
0x24: {  	_ = 	snop;
	(pc) =	sbr.rel @!p1 .LBB2_10-.Ltmp1, $4  }
0x25: {  	_ = 	snop  }
0x26: {  	[sflag:s18] =	ssyncset.done $0x0  }
0x27: {  	[sflag:s18] =	ssyncadd.s32 $0xFFFFEC78  }
0x28: {  	_ =	strace $0x9000004F  }
.LBB2_1:
0x29: {  	[dreg:$0xc] =	wrdreg s2;
	s3 =	simm.s32 @!p0 $0x0  }
0x2a: {  	[smem:$0x0] =	sst @!p0 s3  }
0x2b: {  	s13 =	simm.s32 $0x100;
	s3 =	simm.s32 $0x0;
	_ =	strace $0x8000004B  }
.LBB2_2:
0x2c: {  	p1 =	sne.s32 s13, $0x1FF00;
	[tilespmem:s3+$0x830] =	vst v0;
	s29 =	smov.u32 s13;
	s13 =	sadd.s32 $0x100, s13  }
.Ltmp2:
0x2d: {  	[tilespmem:s3+$0x820] =	vst v0;
	(pc) =	sbr.rel @p1 .LBB2_2-.Ltmp2, $3  }
0x2e: {  	[tilespmem:s3+$0x800] =	vst v0  }
0x2f: {  	[tilespmem:s3+$0x810] =	vst v0;
	_ =	sdelay $0x1  }
0x30: {  	s3 =	sshra.s32 s29, $0x2  }
0x31: {  	[tilespmem:s3+$0x830] =	vst v0  }
0x32: {  	[tilespmem:s3+$0x820] =	vst v0  }
0x33: {  	[tilespmem:s3+$0x800] =	vst v0  }
0x34: {  	[tilespmem:s3+$0x810] =	vst v0  }
0x35: {  	_ =	strace $0x9000004B  }
0x36: {  	_ =	strace $0x8000004C  }
0x37: {  	s2 =	simm.s32 $0x800;
	s0 =	rddreg [dreg:$0x3]  }
0x38: {  	[spmem:s0] =	stream.linear.scatter [tilespmem:s2], [sflag:$0x15], $0x2000, $0x200038;
	[tilespmem:$0x1A480] =	vst v63  }
0x39: {  	_ =	swait.ge [sflag:s18], $0x2000  }
0x3a: {  	[sflag:s18] =	ssyncset.done $0x0  }
0x3b: {  	s30 =	simm.s32 $0x2800;
	s13 =	rddreg [dreg:$0x4];
	[sflag:s18] =	ssyncadd.s32 $0xFFFFE000  }
0x3c: {  	[spmem:s13] =	stream.linear.scatter [tilespmem:s30], [sflag:$0x15], $0x2000, $0x200038;
	[tilespmem:$0x1A480] =	vst v63  }
0x3d: {  	_ =	swait.ge [sflag:s18], $0x2000  }
0x3e: {  	[sflag:s18] =	ssyncset.done $0x0  }
0x3f: {  	s12 =	simm.s32 $0x4800;
	s3 =	rddreg [dreg:$0x5];
	[sflag:s18] =	ssyncadd.s32 $0xFFFFE000  }
0x40: {  	[spmem:s3] =	stream.linear.scatter [tilespmem:s12], [sflag:$0x15], $0x2000, $0x200038;
	[tilespmem:$0x1A480] =	vst v63  }
0x41: {  	_ =	swait.ge [sflag:s18], $0x2000  }
0x42: {  	[sflag:s18] =	ssyncset.done $0x0  }
0x43: {  	s30 =	simm.s32 $0x6800;
	s13 =	rddreg [dreg:$0x6];
	[sflag:s18] =	ssyncadd.s32 $0xFFFFE000  }
0x44: {  	[spmem:s13] =	stream.linear.scatter [tilespmem:s30], [sflag:$0x15], $0x2000, $0x200038;
	[tilespmem:$0x1A480] =	vst v63  }
0x45: {  	_ =	swait.ge [sflag:s18], $0x2000  }
0x46: {  	[sflag:s18] =	ssyncset.done $0x0  }
0x47: {  	s3 =	rddreg [dreg:$0x7];
	[sflag:s18] =	ssyncadd.s32 $0xFFFFE000  }
0x48: {  	[spmem:s3] =	stream.linear.scatter [tilespmem:s2], [sflag:$0x15], $0x1C80, $0x200038;
	[tilespmem:$0x1A480] =	vst v63  }
0x49: {  	_ =	swait.ge [sflag:s18], $0x1C80  }
0x4a: {  	[sflag:s18] =	ssyncset.done $0x0  }
0x4b: {  	[sflag:s18] =	ssyncadd.s32 $0xFFFFE380  }
0x4c: {  	_ =	strace $0x9000004C  }
0x4d: {  	[bflag:$0x0] =	sbarrier.arrive $0xFFFF  }
0x4e: {  	s12 =	simm.s32 $0x13;
	_ =	strace $0x8000004D  }
0x4f: {  	[sflag:s12] =	ssyncset.done $0x0  }
0x50: {  	[smem:s10], [sflag:$0x13] =	smem.add.s32 $0x1  }
0x51: {  	_ =	swait.done [sflag:s12]  }
0x52: {  	s3 =	ssyncread [sflag:$0x13];
	_ =	sdelay $0x2  }
0x53: {  	p1 =	sge.s32 s3, s7  }
0x54: {  	s13 =	sadd.s32 @!p1 s8, s3  }
0x55: {  	s13 =	sshll.u32 @!p1 s13, $0x6  }
0x56: {  	[sflag:s12] =	ssyncset.s32 $0x0;
	s13 =	sand.u32 @!p1 $0x1FFFFFC0, s13  }
0x57: {  	[sflag:s12] =	ssyncset.done $0x0;
	s0 =	simm.s32 @!p1 $0x0;
	s29 =	sadd.s32 @!p1 s5, s13  }
0x58: {  	[tilespmem:s0], [sflag:$0x1] =	stream.linear.gather @!p1 [hbm4b:s29+s0], $0x200, $0x200038;
	[tilespmem:$0x1A480] =	vst v63  }
0x59: {  	s30 =	simm.s32 $0x14;
	s13 =	sadd.s32 @!p1 s6, s13;
	s29 =	simm.s32 @!p1 $0x400  }
0x5a: {  	[tilespmem:s29], [sflag:$0x1] =	stream.linear.gather @!p1 [hbm4b:s13+s0], $0x200, $0x200038;
	[tilespmem:$0x1A480] =	vst v63  }
0x5b: {  	[sflag:s30] =	ssyncset.done $0x0  }
0x5c: {  	[smem:s10], [sflag:$0x14] =	smem.add.s32 $0x1  }
0x5d: {  	_ =	swait.done [sflag:s30]  }
0x5e: {  	s13 =	ssyncread [sflag:$0x14];
	_ =	sdelay $0x2  }
0x5f: {  	p1 =	sge.s32 s13, s7  }
0x60: {  	s29 =	sadd.s32 @!p1 s8, s13  }
0x61: {  	[sflag:s30] =	ssyncset.s32 $0x0;
	s29 =	sshll.u32 @!p1 s29, $0x6  }
0x62: {  	[sflag:s30] =	ssyncset.done $0x0;
	s0 =	simm.s32 @!p1 $0x0;
	s29 =	sand.u32 @!p1 $0x1FFFFFC0, s29  }
.Ltmp3:
0x63: {  	s2 =	simm.s32 @!p1 $0x200;
	s12 =	sadd.s32 @!p1 s5, s29;
	(pc) =	sbr.rel .LBB2_4-.Ltmp3, $4  }
0x64: {  	[tilespmem:s2], [sflag:$0x2] =	stream.linear.gather @!p1 [hbm4b:s12+s0], $0x200, $0x200038;
	[tilespmem:$0x1A480] =	vst v63  }
0x65: {  	s2 =	sadd.s32 @!p1 s6, s29;
	s29 =	simm.s32 @!p1 $0x600  }
0x66: {  	[tilespmem:s29], [sflag:$0x2] =	stream.linear.gather @!p1 [hbm4b:s2+s0], $0x200, $0x200038;
	[tilespmem:$0x1A480] =	vst v63  }
0x67: {  	s29 =	rddreg [dreg:$0xa]  }
.LBB2_8:
0x68: {  	s29 =	sadd.s32 $0xFFFFFFFF, s29  }
0x69: {  	p1 =	sne.s32 s29, $0x0  }
.Ltmp4:
0x6a: {  	_ = 	snop;
	(pc) =	sbr.rel @!p1 .LBB2_9-.Ltmp4, $1  }
0x6b: {  	_ =	sdelay $0x3  }
.LBB2_4:
0x6c: {  	p1 =	sge.s32 s3, s7  }
.Ltmp5:
0x6d: {  	_ = 	snop;
	(pc) =	sbr.rel @p1 .LBB2_6-.Ltmp5, $1  }
0x6e: {  	_ =	sdelay $0x3  }
0x6f: {  	_ =	swait.ge [sflag:s24], $0x200  }
0x70: {  	[sflag:s24] =	ssyncset.done $0x0  }
0x71: {  	[sflag:s24] =	ssyncadd.s32 $0xFFFFFE00  }
0x72: {  	_ =	swait.ge [sflag:s24], $0x200  }
0x73: {  	[sflag:s24] =	ssyncset.done $0x0  }
0x74: {  	s0 =	simm.s32 $0x800;
	[sflag:s24] =	ssyncadd.s32 $0xFFFFFE00  }
0x75: {  	[tilespmem:s0], [sflag:$0x3] =	stream.indirect.gather [hbm4b:s4+s26], $0x40, s10, s26, $0x2000b8;
	[tilespmem:$0x1A480] =	vst v63  }
0x76: {  	s2 =	simm.s32 $0x2800  }
0x77: {  	[tilespmem:s2], [sflag:$0x4] =	stream.indirect.gather [hbm4b:s4+s26], $0x40, s26, s26, $0x2000b8;
	[tilespmem:$0x1A480] =	vst v63  }
0x78: {  	s3 =	simm.s32 $0x4800;
	s30 =	simm.s32 $0x100  }
0x79: {  	[tilespmem:s3], [sflag:$0x5] =	stream.indirect.gather [hbm4b:s4+s26], $0x40, s30, s26, $0x2000b8;
	[tilespmem:$0x1A480] =	vst v63  }
0x7a: {  	s12 =	simm.s32 $0x180;
	s30 =	simm.s32 $0x6800  }
0x7b: {  	[tilespmem:s30], [sflag:$0x6] =	stream.indirect.gather [hbm4b:s4+s26], $0x40, s12, s26, $0x2000b8;
	[tilespmem:$0x1A480] =	vst v63  }
0x7c: {  	s12 =	simm.s32 $0x3  }
0x7d: {  	_ =	swait.ge [sflag:s12], $0x2000  }
0x7e: {  	[sflag:s12] =	ssyncset.done $0x0  }
0x7f: {  	[sflag:s12] =	ssyncadd.s32 $0xFFFFE000;
	s12 =	simm.s32 $0x400  }
0x80: {  	[spmem:s1] =	stream.indirect.scatter.add.f32 [tilespmem:s0], [sflag:$0xB], $0x40, s12, s26, $0x2000b8;
	[tilespmem:$0x1A480] =	vst v63  }
0x81: {  	s12 =	simm.s32 $0x4  }
0x82: {  	_ =	swait.ge [sflag:s12], $0x2000  }
0x83: {  	[sflag:s12] =	ssyncset.done $0x0  }
0x84: {  	[sflag:s12] =	ssyncadd.s32 $0xFFFFE000;
	s12 =	simm.s32 $0x480  }
0x85: {  	[spmem:s1] =	stream.indirect.scatter.add.f32 [tilespmem:s2], [sflag:$0xC], $0x40, s12, s26, $0x2000b8;
	[tilespmem:$0x1A480] =	vst v63  }
0x86: {  	s12 =	simm.s32 $0x5  }
0x87: {  	_ =	swait.ge [sflag:s12], $0x2000  }
0x88: {  	[sflag:s12] =	ssyncset.done $0x0  }
0x89: {  	s2 =	simm.s32 $0x500;
	[sflag:s12] =	ssyncadd.s32 $0xFFFFE000  }
0x8a: {  	[spmem:s1] =	stream.indirect.scatter.add.f32 [tilespmem:s3], [sflag:$0xD], $0x40, s2, s26, $0x2000b8;
	[tilespmem:$0x1A480] =	vst v63  }
0x8b: {  	s3 =	simm.s32 $0x6  }
0x8c: {  	_ =	swait.ge [sflag:s3], $0x2000  }
0x8d: {  	[sflag:s3] =	ssyncset.done $0x0  }
0x8e: {  	s12 =	simm.s32 $0x580;
	[sflag:s3] =	ssyncadd.s32 $0xFFFFE000  }
0x8f: {  	[spmem:s1] =	stream.indirect.scatter.add.f32 [tilespmem:s30], [sflag:$0xE], $0x40, s12, s26, $0x2000b8;
	[tilespmem:$0x1A480] =	vst v63  }
0x90: {  	_ =	swait.ge [sflag:s14], $0x2000  }
0x91: {  	[sflag:s14] =	ssyncset.done $0x0  }
0x92: {  	[sflag:s14] =	ssyncadd.s32 $0xFFFFE000  }
0x93: {  	_ =	swait.ge [sflag:s15], $0x2000  }
0x94: {  	[sflag:s15] =	ssyncset.done $0x0  }
0x95: {  	[sflag:s15] =	ssyncadd.s32 $0xFFFFE000  }
0x96: {  	_ =	swait.ge [sflag:s16], $0x2000  }
0x97: {  	[sflag:s16] =	ssyncset.done $0x0  }
0x98: {  	[sflag:s16] =	ssyncadd.s32 $0xFFFFE000  }
0x99: {  	_ =	swait.ge [sflag:s25], $0x2000  }
0x9a: {  	[sflag:s25] =	ssyncset.done $0x0  }
0x9b: {  	[sflag:s25] =	ssyncadd.s32 $0xFFFFE000  }
0x9c: {  	[sflag:s18] =	ssyncset.done $0x0  }
0x9d: {  	[smem:s10], [sflag:$0x15] =	smem.add.s32 $0x1  }
0x9e: {  	_ =	swait.done [sflag:s18]  }
0x9f: {  	s3 =	ssyncread [sflag:$0x15];
	_ =	sdelay $0x2  }
0xa0: {  	p1 =	sge.s32 s3, s7  }
0xa1: {  	s2 =	sadd.s32 @!p1 s8, s3  }
0xa2: {  	s2 =	sshll.u32 @!p1 s2, $0x6  }
0xa3: {  	[sflag:s18] =	ssyncset.s32 $0x0;
	s2 =	sand.u32 @!p1 $0x1FFFFFC0, s2  }
0xa4: {  	[sflag:s18] =	ssyncset.done $0x0;
	s0 =	simm.s32 @!p1 $0x0;
	s30 =	sadd.s32 @!p1 s5, s2  }
0xa5: {  	[tilespmem:s0], [sflag:$0x1] =	stream.linear.gather @!p1 [hbm4b:s30+s0], $0x200, $0x200038;
	[tilespmem:$0x1A480] =	vst v63  }
0xa6: {  	s2 =	sadd.s32 @!p1 s6, s2;
	s30 =	simm.s32 @!p1 $0x400  }
0xa7: {  	[tilespmem:s30], [sflag:$0x1] =	stream.linear.gather @!p1 [hbm4b:s2+s0], $0x200, $0x200038;
	[tilespmem:$0x1A480] =	vst v63  }
.LBB2_6:
0xa8: {  	p1 =	sge.s32 s13, s7  }
.Ltmp6:
0xa9: {  	_ = 	snop;
	(pc) =	sbr.rel @p1 .LBB2_8-.Ltmp6, $1  }
0xaa: {  	_ =	sdelay $0x3  }
0xab: {  	_ =	swait.ge [sflag:s9], $0x200  }
0xac: {  	[sflag:s9] =	ssyncset.done $0x0  }
0xad: {  	[sflag:s9] =	ssyncadd.s32 $0xFFFFFE00  }
0xae: {  	_ =	swait.ge [sflag:s9], $0x200  }
0xaf: {  	[sflag:s9] =	ssyncset.done $0x0  }
0xb0: {  	s0 =	simm.s32 $0x200;
	s2 =	simm.s32 $0x8800;
	[sflag:s9] =	ssyncadd.s32 $0xFFFFFE00  }
0xb1: {  	[tilespmem:s2], [sflag:$0x7] =	stream.indirect.gather [hbm4b:s4+s26], $0x40, s0, s26, $0x2000b8;
	[tilespmem:$0x1A480] =	vst v63  }
0xb2: {  	s13 =	simm.s32 $0x280;
	s12 =	simm.s32 $0xA800  }
0xb3: {  	[tilespmem:s12], [sflag:$0x8] =	stream.indirect.gather [hbm4b:s4+s26], $0x40, s13, s26, $0x2000b8;
	[tilespmem:$0x1A480] =	vst v63  }
0xb4: {  	s30 =	simm.s32 $0x300;
	s13 =	simm.s32 $0xC800  }
0xb5: {  	[tilespmem:s13], [sflag:$0x9] =	stream.indirect.gather [hbm4b:s4+s26], $0x40, s30, s26, $0x2000b8;
	[tilespmem:$0x1A480] =	vst v63  }
0xb6: {  	s0 =	simm.s32 $0x380;
	s30 =	simm.s32 $0xE800  }
0xb7: {  	[tilespmem:s30], [sflag:$0xA] =	stream.indirect.gather [hbm4b:s4+s26], $0x40, s0, s26, $0x2000b8;
	[tilespmem:$0x1A480] =	vst v63  }
0xb8: {  	_ =	swait.ge [sflag:s22], $0x2000  }
0xb9: {  	[sflag:s22] =	ssyncset.done $0x0  }
0xba: {  	s0 =	simm.s32 $0x600;
	[sflag:s22] =	ssyncadd.s32 $0xFFFFE000  }
0xbb: {  	[spmem:s1] =	stream.indirect.scatter.add.f32 [tilespmem:s2], [sflag:$0xF], $0x40, s0, s26, $0x2000b8;
	[tilespmem:$0x1A480] =	vst v63  }
0xbc: {  	_ =	swait.ge [sflag:s31], $0x2000  }
0xbd: {  	[sflag:s31] =	ssyncset.done $0x0  }
0xbe: {  	s2 =	simm.s32 $0x680;
	[sflag:s31] =	ssyncadd.s32 $0xFFFFE000  }
0xbf: {  	[spmem:s1] =	stream.indirect.scatter.add.f32 [tilespmem:s12], [sflag:$0x10], $0x40, s2, s26, $0x2000b8;
	[tilespmem:$0x1A480] =	vst v63  }
0xc0: {  	_ =	swait.ge [sflag:s28], $0x2000  }
0xc1: {  	[sflag:s28] =	ssyncset.done $0x0  }
0xc2: {  	s12 =	simm.s32 $0x700;
	[sflag:s28] =	ssyncadd.s32 $0xFFFFE000  }
0xc3: {  	[spmem:s1] =	stream.indirect.scatter.add.f32 [tilespmem:s13], [sflag:$0x11], $0x40, s12, s26, $0x2000b8;
	[tilespmem:$0x1A480] =	vst v63  }
0xc4: {  	_ =	swait.ge [sflag:s11], $0x2000  }
0xc5: {  	[sflag:s11] =	ssyncset.done $0x0  }
0xc6: {  	s13 =	simm.s32 $0x780;
	[sflag:s11] =	ssyncadd.s32 $0xFFFFE000  }
0xc7: {  	[spmem:s1] =	stream.indirect.scatter.add.f32 [tilespmem:s30], [sflag:$0x12], $0x40, s13, s26, $0x2000b8;
	[tilespmem:$0x1A480] =	vst v63  }
0xc8: {  	_ =	swait.ge [sflag:s19], $0x2000  }
0xc9: {  	[sflag:s19] =	ssyncset.done $0x0  }
0xca: {  	[sflag:s19] =	ssyncadd.s32 $0xFFFFE000  }
0xcb: {  	_ =	swait.ge [sflag:s20], $0x2000  }
0xcc: {  	[sflag:s20] =	ssyncset.done $0x0  }
0xcd: {  	[sflag:s20] =	ssyncadd.s32 $0xFFFFE000  }
0xce: {  	_ =	swait.ge [sflag:s21], $0x2000  }
0xcf: {  	[sflag:s21] =	ssyncset.done $0x0  }
0xd0: {  	[sflag:s21] =	ssyncadd.s32 $0xFFFFE000  }
0xd1: {  	_ =	swait.ge [sflag:s17], $0x2000  }
0xd2: {  	[sflag:s17] =	ssyncset.done $0x0  }
0xd3: {  	[sflag:s17] =	ssyncadd.s32 $0xFFFFE000  }
0xd4: {  	[sflag:s23] =	ssyncset.done $0x0  }
0xd5: {  	[smem:s10], [sflag:$0x16] =	smem.add.s32 $0x1  }
0xd6: {  	_ =	swait.done [sflag:s23]  }
0xd7: {  	s13 =	ssyncread [sflag:$0x16];
	_ =	sdelay $0x2  }
0xd8: {  	p1 =	sge.s32 s13, s7  }
0xd9: {  	s0 =	sadd.s32 @!p1 s8, s13  }
0xda: {  	[sflag:s23] =	ssyncset.s32 $0x0;
	s0 =	sshll.u32 @!p1 s0, $0x6  }
.Ltmp7:
0xdb: {  	[sflag:s23] =	ssyncset.done $0x0;
	s0 =	sand.u32 @!p1 $0x1FFFFFC0, s0;
	(pc) =	sbr.rel .LBB2_8-.Ltmp7, $4  }
0xdc: {  	s30 =	simm.s32 @!p1 $0x0;
	s10 =	simm.s32 @!p1 $0x200;
	s2 =	sadd.s32 @!p1 s5, s0  }
0xdd: {  	[tilespmem:s10], [sflag:$0x2] =	stream.linear.gather @!p1 [hbm4b:s2+s30], $0x200, $0x200038;
	[tilespmem:$0x1A480] =	vst v63  }
0xde: {  	s0 =	sadd.s32 @!p1 s6, s0;
	s10 =	simm.s32 $0x0;
	s2 =	simm.s32 @!p1 $0x600  }
0xdf: {  	[tilespmem:s2], [sflag:$0x2] =	stream.linear.gather @!p1 [hbm4b:s0+s30], $0x200, $0x200038;
	[tilespmem:$0x1A480] =	vst v63  }
.LBB2_10:
0xe0: {  	_ =	sfence.sel $0x180000  }
0xe1: {  	[bflag:$0x0] =	sbarrier.arrive $0xFFFF  }
0xe2: {  	_ =	strace $0x9000004A  }
0xe3: {  	[bflag:$0x2] =	sbarrier.arrive $0xFFFF  }
0xe4: {  	s0 =	rddreg [dreg:$0x2]  }
0xe5: {  	s0 =	sadd.s32 @!p0 $0x100000, s0  }
0xe6: {  	[sflag:s0] =	ssyncadd.tile.s32 @!p0 $0x1;
	_ =	shalt  }
.Lfunc_end2:
_tile_overlayer_lowered:
.L_overlay_start_2:
0xe7: {  	(tag) =	ssettag $0x2  }
0xe8: {  	s0 =	rddreg [dreg:$0x0];
	s2 =	stileid.u32  }
0xe9: {  	s1 =	rddreg [dreg:$0x1];
	p0 =	sne.s32 s2, $0x0  }
0xea: {  	s3 =	rddreg [dreg:$0x2];
	[bflag:$0x3] =	sbarrier.arrive $0xFFFF;
	s2 =	simm.s32 @!p0 $0x1C13  }
0xeb: {  	[timem:s3], [sflag:s2] =	dma.local @!p0 [hbm:s0], s1  }
0xec: {  	s0 =	simm.s32 @!p0 $0x13  }
0xed: {  	_ =	swait.ge @!p0 [sflag:s0], s1  }
0xee: {  	s1 =	ssub.s32 @!p0 $0x0, s1;
	[sflag:s0] =	ssyncset.done @!p0 $0x0  }
0xef: {  	[sflag:s0] =	ssyncadd.s32 @!p0 s1  }
0xf0: {  	[bflag:$0x3] =	sbarrier.arrive $0xFFFF  }
0xf1: {  	_ =	shalt  }

// kernel: kernel.15.cloned.1.call-start
scs
__scs_entry_jumppad:
0x0: {  	(pc) =	sbr.rel $0x88, $3  }
0x1: {  	(tag) =	ssettag $0x0;
	lr =	simm.s32 $0x1  }
0x2: {  	[smem:$0x3F9B] =	sst lr;
	_ =	strace $0xD0000000  }
0x3: {  	_ = 	snop  }
0x4: {  	_ = 	snop  }
0x5: {  	_ = 	snop  }
0x6: {  	_ = 	snop  }
0x7: {  	_ = 	snop  }
__scs_overlays_trampoline_lowered:
0x8: {  	[smem:$0x3FAA] =	sst s0  }
0x9: {  	[smem:$0x3FAB] =	sst s1  }
0xa: {  	[smem:$0x3FAC] =	sst s2  }
0xb: {  	[smem:$0x3FAD] =	sst s3  }
0xc: {  	[smem:$0x3FAE] =	sst s4  }
0xd: {  	[smem:$0x3FAF] =	sst s5  }
0xe: {  	[smem:$0x3FB0] =	sst s6  }
0xf: {  	[smem:$0x3FB1] =	sst s7  }
0x10: {  	[smem:$0x3FB2] =	sst s8  }
0x11: {  	[smem:$0x3FB3] =	sst s9;
	s0 =	simm.s32 @!p0 $0x0  }
0x12: {  	s1 =	sld [smem:$0x3F99];
	s0 =	simm.s32 @p0 $0x1  }
0x13: {  	[smem:$0x3FB4] =	sst s0;
	s0 =	simm.s32 @!p1 $0x0  }
0x14: {  	s2 =	sld [smem:$0x3F98];
	s0 =	simm.s32 @p1 $0x1  }
0x15: {  	[smem:$0x3FB5] =	sst s0;
	s0 =	simm.s32 @!p2 $0x0  }
0x16: {  	s3 =	sld [smem:$0x3FDB];
	s0 =	simm.s32 @p2 $0x1  }
0x17: {  	s4 =	simm.s32 $0x1BF5;
	[smem:$0x3FB7] =	sst s0  }
0x18: {  	s0 =	sld [smem:$0x3F9A];
	_ =	swait.ge [sflag:s4], $0x0  }
0x19: {  	s7 =	sld [smem:$0x3F9B]  }
0x1a: {  	s8 =	sadd.s32 $0xFFFFE003, lr  }
0x1b: {  	s9 =	sadd.s32 $0xFFFFFEF7, lr;
	s5 =	simm.s32 $0xFFFFFFFF;
	p2 =	slt.u32 s8, $0xFFFFF086  }
0x1c: {  	p1 =	slt.u32 s9, $0xF7A;
	s5 =	simm.s32 @!p2 $0x0  }
0x1d: {  	s5 =	simm.s32 @p1 $0x1;
	p0 =	seq.s32 s7, s2  }
0x1e: {  	s7 =	smul.u32 @!p0 $0xF7A, s2;
	p2 =	seq.s32 @!p0 s5, $0x0  }
0x1f: {  	s9 =	smul.u32 $0xF7A, s1;
	s8 =	simm.s32 @!p0 $0x1BF5;
	p2 =	por !p2, p0  }
0x20: {  	[sflag:s8] =	ssyncset.s32 @!p0 $0xFFFFF086;
	s6 =	sadd.s32 @!p0 s3, s7;
	s7 =	simm.s32 @!p0 $0x108  }
0x21: {  	s3 =	sadd.s32 s3, s9;
	s6 =	sadd.s32 @!p0 $0x88, s6;
	s7 =	simm.s32 @p2 $0x1082  }
0x22: {  	[simem:s7], [sflag:s8] =	dma.local @!p0 [hbm:s6], $0xF7A  }
0x23: {  	s9 =	sor.u32 $0xD0000000, s2;
	s6 =	simm.s32 $0x108;
	_ =	swait.ge @!p0 [sflag:s8], $0x0  }
0x24: {  	s3 =	sadd.s32 $0x88, s3;
	s6 =	simm.s32 @!p1 $0x1082;
	[sflag:s4] =	ssyncset.s32 $0xFFFFF086  }
0x25: {  	[simem:s6], [sflag:s4] =	dma.local [hbm:s3], $0xF7A  }
0x26: {  	[smem:$0x3F9B] =	sst s1;
	(tag) =	ssettag s2;
	_ =	strace s9  }
0x27: {  	s1 =	sld [smem:$0x3FAB]  }
0x28: {  	s2 =	sld [smem:$0x3FAC]  }
0x29: {  	s4 =	sld [smem:$0x3FAE]  }
0x2a: {  	p0 =	seq.s32 s5, $0x0;
	s5 =	sld [smem:$0x3FAF]  }
0x2b: {  	s6 =	sld [smem:$0x3FB0]  }
0x2c: {  	s7 =	sld [smem:$0x3FB1]  }
0x2d: {  	s3 =	simm.s32 $0x108;
	s8 =	sld [smem:$0x3FB2]  }
0x2e: {  	s3 =	simm.s32 @!p0 $0x1082;
	s9 =	sld [smem:$0x3FB3]  }
0x2f: {  	lr =	sadd.s32 s0, s3;
	s0 =	sld [smem:$0x3FAA]  }
0x30: {  	s3 =	sld [smem:$0x3FAD]  }
0x31: {  	[smem:$0x3FB6] =	sst s10  }
0x32: {  	s10 =	sld [smem:$0x3FB4];
	_ =	sdelay $0x3  }
0x33: {  	p0 =	seq.s32 s10, $0x1;
	s10 =	sld [smem:$0x3FB6];
	_ =	sdelay $0x3  }
0x34: {  	[smem:$0x3FB6] =	sst s10  }
0x35: {  	s10 =	sld [smem:$0x3FB5];
	_ =	sdelay $0x3  }
0x36: {  	p1 =	seq.s32 s10, $0x1;
	s10 =	sld [smem:$0x3FB6];
	_ =	sdelay $0x3  }
0x37: {  	[smem:$0x3FB6] =	sst s10  }
0x38: {  	s10 =	sld [smem:$0x3FB7]  }
0x39: {  	_ = 	snop;
	(pc) =	sbr.ind lr, $3  }
0x3a: {  	_ = 	snop  }
0x3b: {  	_ = 	snop  }
0x3c: {  	p2 =	seq.s32 s10, $0x1;
	s10 =	sld [smem:$0x3FB6]  }
0x3d: {  	_ =	shalt  }
0x3e: {  	_ =	shalt  }
0x3f: {  	_ =	shalt  }
0x40: {  	_ =	shalt  }
0x41: {  	_ =	shalt  }
0x42: {  	_ =	shalt  }
0x43: {  	_ =	shalt  }
0x44: {  	_ =	shalt  }
0x45: {  	_ =	shalt  }
0x46: {  	_ =	shalt  }
0x47: {  	_ =	shalt  }
0x48: {  	_ =	shalt  }
0x49: {  	_ =	shalt  }
0x4a: {  	_ =	shalt  }
0x4b: {  	_ =	shalt  }
0x4c: {  	_ =	shalt  }
0x4d: {  	_ =	shalt  }
0x4e: {  	_ =	shalt  }
0x4f: {  	_ =	shalt  }
0x50: {  	_ =	shalt  }
0x51: {  	_ =	shalt  }
0x52: {  	_ =	shalt  }
0x53: {  	_ =	shalt  }
0x54: {  	_ =	shalt  }
0x55: {  	_ =	shalt  }
0x56: {  	_ =	shalt  }
0x57: {  	_ =	shalt  }
0x58: {  	_ =	shalt  }
0x59: {  	_ =	shalt  }
0x5a: {  	_ =	shalt  }
0x5b: {  	_ =	shalt  }
0x5c: {  	_ =	shalt  }
0x5d: {  	_ =	shalt  }
0x5e: {  	_ =	shalt  }
0x5f: {  	_ =	shalt  }
0x60: {  	_ =	shalt  }
0x61: {  	_ =	shalt  }
0x62: {  	_ =	shalt  }
0x63: {  	_ =	shalt  }
0x64: {  	_ =	shalt  }
0x65: {  	_ =	shalt  }
0x66: {  	_ =	shalt  }
0x67: {  	_ =	shalt  }
0x68: {  	_ =	shalt  }
0x69: {  	_ =	shalt  }
0x6a: {  	_ =	shalt  }
0x6b: {  	_ =	shalt  }
0x6c: {  	_ =	shalt  }
0x6d: {  	_ =	shalt  }
0x6e: {  	_ =	shalt  }
0x6f: {  	_ =	shalt  }
0x70: {  	_ =	shalt  }
0x71: {  	_ =	shalt  }
0x72: {  	_ =	shalt  }
0x73: {  	_ =	shalt  }
0x74: {  	_ =	shalt  }
0x75: {  	_ =	shalt  }
0x76: {  	_ =	shalt  }
0x77: {  	_ =	shalt  }
0x78: {  	_ =	shalt  }
0x79: {  	_ =	shalt  }
0x7a: {  	_ =	shalt  }
0x7b: {  	_ =	shalt  }
0x7c: {  	_ =	shalt  }
0x7d: {  	_ =	shalt  }
0x7e: {  	_ =	shalt  }
0x7f: {  	_ =	shalt  }
0x80: {  	_ =	shalt  }
0x81: {  	_ =	shalt  }
0x82: {  	_ =	shalt  }
0x83: {  	_ =	shalt  }
0x84: {  	_ =	shalt  }
0x85: {  	_ =	shalt  }
0x86: {  	_ =	shalt  }
0x87: {  	_ =	shalt  }
.Lfunc_end0:
.L_simem_size_0:
called_computation.2_lowered:
.L_overlay_start_0:
0x88: {  	s2 =	sld [smem:$0x3FD9]  }
0x89: {  	s3 =	sld [smem:$0x3FFE];
	_ =	sdelay $0x1  }
0x8a: {  	s1 =	srdreg.scid  }
0x8b: {  	s0 =	sand.u32 $0x1, s1  }
0x8c: {  	s17 =	sshll.u32 s0, $0xA;
	s2 =	sadd.s32 s3, s2  }
0x8d: {  	s2 =	sadd.s32 s2, s17  }
0x8e: {  	[smem:$0x3FC2] =	sst s2  }
0x8f: {  	_ = 	snop  }
0x90: {  	s2 =	sld [smem:$0x3FD0];
	(tm) =	ssettm $0x1  }
0x91: {  	s18 =	sld [smem:$0x3FFB];
	_ =	sdelay $0x3  }
0x92: {  	_ =	strace s18  }
0x93: {  	s3 =	sld [smem:$0x3FFC];
	_ =	sdelay $0x3  }
0x94: {  	_ =	strace s3  }
0x95: {  	s3 =	sld [smem:$0x3FFD];
	_ =	sdelay $0x3  }
0x96: {  	_ =	strace s3  }
0x97: {  	_ =	strace $0x8FFFFFFF  }
0x98: {  	s19 =	sld [smem:$0x3FDB];
	_ =	sdelay $0x1  }
0x99: {  	s4 =	simm.s32 $_scs_section_size  }
0x9a: {  	s5 =	simm.s32 $_size__tile_overlayer_lowered;
	s6 =	simm.s32 $_tile_overlayer_lowered  }
0x9b: {  	s22 =	simm.s32 $0x1BFF;
	s21 =	sshll.u32 s6, $0x1;
	s3 =	sadd.s32 s4, s19  }
0x9c: {  	s7 =	simm.s32 $0x0;
	s20 =	sshll.u32 s5, $0x1;
	s5 =	sadd.s32 s21, s3  }
0x9d: {  	[timem:s7], [sflag:s22] =	dma.local [hbm:s5], s20  }
0x9e: {  	_ =	swait.ge [sflag:s22], s20  }
0x9f: {  	s4 =	ssub.s32 $0x0, s20;
	[sflag:s22] =	ssyncset.done $0x0  }
0xa0: {  	[sflag:s22] =	ssyncadd.s32 s4;
	_ =	sdelay $0x1  }
0xa1: {  	s23 =	simm.s32 $0x1B8B  }
0xa2: {  	_ =	swait.ge [sflag:s23], $0x1  }
0xa3: {  	[sflag:s23] =	ssyncset.done $0x0  }
0xa4: {  	s25 =	simm.s32 $0x1B8E;
	s24 =	sld [smem:$0x3FFE];
	[sflag:s23] =	ssyncadd.s32 $0xFFFFFFFF  }
0xa5: {  	s26 =	simm.s32 $execute0_lowered;
	[smem:$0x3FD2] =	sst s25  }
0xa6: {  	s5 =	sshll.u32 s26, $0x1;
	_ =	strace $0x80000051;
	[dreg:$0x1] =	wrdreg $0xFFFFFFFF  }
0xa7: {  	s28 =	simm.s32 $_size_execute0_lowered;
	s3 =	sadd.s32 s3, s5;
	[dreg:$0x0] =	wrdreg $0x0  }
0xa8: {  	s5 =	sshll.u32 s28, $0x1;
	[dreg:$0x2] =	wrdreg s3  }
0xa9: {  	[dreg:$0x3] =	wrdreg s5  }
0xaa: {  	[dreg:$0x4] =	wrdreg $0xC0  }
0xab: {  	_ =	task [dreg:s7], $0x5FFFF  }
0xac: {  	[dreg:$0x1] =	wrdreg $0xFFFFFFFF  }
0xad: {  	[dreg:$0x0] =	wrdreg $0x60  }
0xae: {  	[dreg:$0x2] =	wrdreg s2  }
0xaf: {  	[dreg:$0x3] =	wrdreg s24  }
0xb0: {  	[dreg:$0x4] =	wrdreg $0x88000  }
0xb1: {  	[dreg:$0x5] =	wrdreg $0x9  }
0xb2: {  	_ =	task.clear_ibuf [dreg:s7], $0x6FFFF;
	_ =	strace $0x90000051  }
0xb3: {  	s29 =	simm.s32 $0x9;
	_ =	strace $0x80000058  }
0xb4: {  	_ =	swait.ge [sflag:s29], $0x1  }
0xb5: {  	[sflag:s29] =	ssyncadd.s32 $0xFFFFFFFF  }
0xb6: {  	_ =	strace $0x90000058  }
0xb7: {  	_ =	sfence  }
0xb8: {  	s30 =	sld [smem:$0x0];
	_ =	sdelay $0x2  }
0xb9: {  	s31 =	sshll.u32 s1, $0xD;
	s1 =	sshrl.u32 s1, $0x2  }
0xba: {  	s3 =	sand.u32 $0x4000, s31;
	s1 =	sadd.s32 s1, s30  }
0xbb: {  	s0 =	sor.u32 s3, s0;
	s1 =	sshll.u32 s1, $0x11  }
0xbc: {  	s0 =	sor.u32 s1, s0  }
0xbd: {  	s0 =	sadd.s32 $0x8F2B, s0  }
0xbe: {  	[sflag:s0] =	ssyncadd.remote.s32 $0x1  }
0xbf: {  	_ =	sfence.sel $0xFFFF  }
0xc0: {  	[dreg:$0x0] =	wrdreg $0xFFFFFFFF;
	(pc) =	sbr.abs _section_cstart, $3  }
0xc1: {  	[dreg:$0x1] =	wrdreg $0xFFFFFFFF  }
0xc2: {  	_ =	task.clear_ibuf [dreg:s7], $0x2FFFF;
	_ =	strace $0x9FFFFFFF  }
0xc3: {  	(tm) =	ssettm $0x7FFFFFFF  }
tec
execute0_lowered:
.L_overlay_start_1:
0x0: {  	(tag) =	ssettag $0x1  }
0x1: {  	s1 =	rddreg [dreg:$0x0]  }
0x2: {  	s0 =	rddreg [dreg:$0x1]  }
0x3: {  	s2 =	rddreg [dreg:$0x2];
	s3 =	srdreg.scid  }
0x4: {  	s20 =	simm.s32 $0x0;
	s13 =	stileid.u32;
	s18 =	simm.s32 $0x15  }
0x5: {  	s14 =	simm.s32 $0xB;
	s15 =	simm.s32 $0xC;
	s16 =	simm.s32 $0xD  }
0x6: {  	s31 =	simm.s32 $0x8;
	s28 =	simm.s32 $0x9;
	s19 =	simm.s32 $0xF  }
0x7: {  	s17 =	simm.s32 $0x12;
	s4 =	sand.u32 $0x1, s3;
	s9 =	smul.u32 $0x4E20, s13  }
0x8: {  	[smem:$0x7FF] =	sst s20;
	s5 =	sadd.s32 $0xB400, s0;
	s11 =	smul.u32 $0x13900, s13  }
0x9: {  	s6 =	sadd.s32 $0x1400, s0;
	s20 =	simm.s32 $0x10;
	s7 =	smul.u32 $0x4E200, s4  }
0xa: {  	_ =	strace $0x80000052;
	s8 =	ssub.s32 $0x2, s4;
	s12 =	ssub.s32 $0x0, s4  }
0xb: {  	p0 =	seq.s32 s4, $0x0;
	s10 =	sshrl.u32 s8, $0x1;
	s21 =	sshrl.u32 s11, $0x2  }
0xc: {  	s26 =	sadd.s32 s9, s2;
	s11 =	simm.s32 $0xA;
	s7 =	sadd.s32 s9, s7  }
0xd: {  	s10 =	ssub.s32 s8, s10;
	s8 =	sand.u32 $0x1DA, s12;
	s22 =	sadd.s32 s21, s2  }
0xe: {  	s9 =	simm.s32 $0x2;
	s4 =	sadd.s32 $0x1000, s22;
	[dreg:$0x4] =	wrdreg s22  }
0xf: {  	s21 =	simm.s32 $0x11;
	s23 =	sadd.s32 $0x2000, s22;
	[dreg:$0x5] =	wrdreg s4  }
0x10: {  	s7 =	sshrl.u32 s7, $0x3;
	s24 =	sadd.s32 $0x3000, s22;
	[dreg:$0x6] =	wrdreg s23  }
0x11: {  	s3 =	sadd.s32 $0x4000, s22;
	s29 =	smax.u32 s10, $0x1;
	[dreg:$0x7] =	wrdreg s24  }
0x12: {  	s10 =	simm.s32 $0x0;
	s22 =	simm.s32 $0x7;
	[dreg:$0x8] =	wrdreg s3  }
0x13: {  	s0 =	sadd.s32 s7, s0;
	s7 =	simm.s32 $0x1DA;
	[dreg:$0xa] =	wrdreg s29  }
.Ltmp0:
0x14: {  	s24 =	simm.s32 $0x1;
	s23 =	simm.s32 $0x16;
	(pc) =	sbr.rel .LBB2_1-.Ltmp0, $4  }
0x15: {  	s3 =	simm.s32 $0x0;
	s7 =	simm.s32 @!p0 $0xA6;
	s0 =	sadd.s32 $0x15400, s0  }
0x16: {  	s25 =	sshrl.u32 s7, $0x1;
	[dreg:$0x9] =	wrdreg s0;
	s0 =	sshrl.u32 s26, $0x3  }
0x17: {  	p0 =	sne.s32 s13, $0x0;
	s30 =	sadd.s32 $0x2, s25;
	[dreg:$0xc] =	wrdreg s0  }
0x18: {  	v0 =	vimm.f32 $0.0e+00;
	s26 =	simm.s32 $0x80;
	s25 =	simm.s32 $0xE;
	[dreg:$0xb] =	wrdreg s30  }
.LBB2_9:
0x19: {  	_ =	strace $0x90000055  }
0x1a: {  	_ =	strace $0x80000056  }
0x1b: {  	[bflag:$0x0] =	sbarrier.arrive $0xFFFF  }
0x1c: {  	_ =	strace $0x90000056  }
0x1d: {  	s0 =	stileid.u32;
	_ =	strace $0x80000057  }
0x1e: {  	s0 =	sshll.u32 s0, $0x6;
	s3 =	rddreg [dreg:$0x9]  }
0x1f: {  	s0 =	sor.u32 $0x1C15, s0;
	s4 =	rddreg [dreg:$0xc]  }
0x20: {  	[hbm:s3], [sflag:s0] =	dma.local [spmem:s4], $0x9C4  }
0x21: {  	_ =	swait.ge [sflag:s18], $0x9C4  }
0x22: {  	s29 =	rddreg [dreg:$0xd]  }
0x23: {  	s30 =	rddreg [dreg:$0xa];
	s3 =	sadd.s32 $0x1, s29  }
0x24: {  	p1 =	sne.s32 s3, s30  }
.Ltmp1:
0x25: {  	_ = 	snop;
	(pc) =	sbr.rel @!p1 .LBB2_10-.Ltmp1, $4  }
0x26: {  	_ = 	snop  }
0x27: {  	[sflag:s18] =	ssyncset.done $0x0  }
0x28: {  	[sflag:s18] =	ssyncadd.s32 $0xFFFFF63C  }
0x29: {  	_ =	strace $0x90000057  }
.LBB2_1:
0x2a: {  	[dreg:$0xd] =	wrdreg s3;
	s4 =	simm.s32 @!p0 $0x0  }
0x2b: {  	[smem:$0x0] =	sst @!p0 s4  }
0x2c: {  	s13 =	simm.s32 $0x0;
	s4 =	simm.s32 $0x80;
	_ =	strace $0x80000053  }
.LBB2_2:
0x2d: {  	p1 =	sne.s32 s4, $0xFF80;
	[tilespmem:s13+$0x800] =	vst v0;
	s29 =	smov.u32 s4;
	s4 =	sadd.s32 $0x80, s4  }
.Ltmp2:
0x2e: {  	[tilespmem:s13+$0x810] =	vst v0;
	(pc) =	sbr.rel @p1 .LBB2_2-.Ltmp2, $2  }
0x2f: {  	_ =	sdelay $0x2  }
0x30: {  	s13 =	sshra.s32 s29, $0x2  }
0x31: {  	[tilespmem:s13+$0x800] =	vst v0  }
0x32: {  	[tilespmem:s13+$0x810] =	vst v0  }
0x33: {  	_ =	strace $0x90000053  }
0x34: {  	_ =	strace $0x80000054  }
0x35: {  	s3 =	simm.s32 $0x800;
	s0 =	rddreg [dreg:$0x4]  }
0x36: {  	[spmem:s0] =	stream.linear.scatter [tilespmem:s3], [sflag:$0x15], $0x1000, $0x200038;
	[tilespmem:$0xD640] =	vst v63  }
0x37: {  	_ =	swait.ge [sflag:s18], $0x1000  }
0x38: {  	[sflag:s18] =	ssyncset.done $0x0  }
0x39: {  	s4 =	simm.s32 $0x1800;
	s30 =	rddreg [dreg:$0x5];
	[sflag:s18] =	ssyncadd.s32 $0xFFFFF000  }
0x3a: {  	[spmem:s30] =	stream.linear.scatter [tilespmem:s4], [sflag:$0x15], $0x1000, $0x200038;
	[tilespmem:$0xD640] =	vst v63  }
0x3b: {  	_ =	swait.ge [sflag:s18], $0x1000  }
0x3c: {  	[sflag:s18] =	ssyncset.done $0x0  }
0x3d: {  	s12 =	simm.s32 $0x2800;
	s4 =	rddreg [dreg:$0x6];
	[sflag:s18] =	ssyncadd.s32 $0xFFFFF000  }
0x3e: {  	[spmem:s4] =	stream.linear.scatter [tilespmem:s12], [sflag:$0x15], $0x1000, $0x200038;
	[tilespmem:$0xD640] =	vst v63  }
0x3f: {  	_ =	swait.ge [sflag:s18], $0x1000  }
0x40: {  	[sflag:s18] =	ssyncset.done $0x0  }
0x41: {  	s30 =	simm.s32 $0x3800;
	s13 =	rddreg [dreg:$0x7];
	[sflag:s18] =	ssyncadd.s32 $0xFFFFF000  }
0x42: {  	[spmem:s13] =	stream.linear.scatter [tilespmem:s30], [sflag:$0x15], $0x1000, $0x200038;
	[tilespmem:$0xD640] =	vst v63  }
0x43: {  	_ =	swait.ge [sflag:s18], $0x1000  }
0x44: {  	[sflag:s18] =	ssyncset.done $0x0  }
0x45: {  	s4 =	rddreg [dreg:$0x8];
	[sflag:s18] =	ssyncadd.s32 $0xFFFFF000  }
0x46: {  	[spmem:s4] =	stream.linear.scatter [tilespmem:s3], [sflag:$0x15], $0xE40, $0x200038;
	[tilespmem:$0xD640] =	vst v63  }
0x47: {  	_ =	swait.ge [sflag:s18], $0xE40  }
0x48: {  	[sflag:s18] =	ssyncset.done $0x0  }
0x49: {  	[sflag:s18] =	ssyncadd.s32 $0xFFFFF1C0  }
0x4a: {  	_ =	strace $0x90000054  }
0x4b: {  	[bflag:$0x0] =	sbarrier.arrive $0xFFFF  }
0x4c: {  	s12 =	simm.s32 $0x13;
	_ =	strace $0x80000055  }
0x4d: {  	[sflag:s12] =	ssyncset.done $0x0  }
0x4e: {  	[smem:s10], [sflag:$0x13] =	smem.add.s32 $0x1  }
0x4f: {  	_ =	swait.done [sflag:s12]  }
0x50: {  	s4 =	ssyncread [sflag:$0x13];
	_ =	sdelay $0x2  }
0x51: {  	p1 =	sge.s32 s4, s7  }
0x52: {  	s13 =	sadd.s32 @!p1 s8, s4  }
0x53: {  	s13 =	sshll.u32 @!p1 s13, $0x6  }
0x54: {  	[sflag:s12] =	ssyncset.s32 $0x0;
	s13 =	sand.u32 @!p1 $0x1FFFFFC0, s13  }
0x55: {  	[sflag:s12] =	ssyncset.done $0x0;
	s0 =	simm.s32 @!p1 $0x0;
	s29 =	sadd.s32 @!p1 s5, s13  }
0x56: {  	[tilespmem:s0], [sflag:$0x1] =	stream.linear.gather @!p1 [hbm4b:s29+s0], $0x200, $0x200038;
	[tilespmem:$0xD640] =	vst v63  }
0x57: {  	s30 =	simm.s32 $0x14;
	s13 =	sadd.s32 @!p1 s6, s13;
	s29 =	simm.s32 @!p1 $0x400  }
0x58: {  	[tilespmem:s29], [sflag:$0x1] =	stream.linear.gather @!p1 [hbm4b:s13+s0], $0x200, $0x200038;
	[tilespmem:$0xD640] =	vst v63  }
0x59: {  	[sflag:s30] =	ssyncset.done $0x0  }
0x5a: {  	[smem:s10], [sflag:$0x14] =	smem.add.s32 $0x1  }
0x5b: {  	_ =	swait.done [sflag:s30]  }
0x5c: {  	s13 =	ssyncread [sflag:$0x14];
	_ =	sdelay $0x2  }
0x5d: {  	p1 =	sge.s32 s13, s7  }
0x5e: {  	s29 =	sadd.s32 @!p1 s8, s13  }
0x5f: {  	[sflag:s30] =	ssyncset.s32 $0x0;
	s29 =	sshll.u32 @!p1 s29, $0x6  }
0x60: {  	[sflag:s30] =	ssyncset.done $0x0;
	s0 =	simm.s32 @!p1 $0x0;
	s29 =	sand.u32 @!p1 $0x1FFFFFC0, s29  }
.Ltmp3:
0x61: {  	s3 =	simm.s32 @!p1 $0x200;
	s12 =	sadd.s32 @!p1 s5, s29;
	(pc) =	sbr.rel .LBB2_4-.Ltmp3, $4  }
0x62: {  	[tilespmem:s3], [sflag:$0x2] =	stream.linear.gather @!p1 [hbm4b:s12+s0], $0x200, $0x200038;
	[tilespmem:$0xD640] =	vst v63  }
0x63: {  	s3 =	sadd.s32 @!p1 s6, s29;
	s29 =	simm.s32 @!p1 $0x600  }
0x64: {  	[tilespmem:s29], [sflag:$0x2] =	stream.linear.gather @!p1 [hbm4b:s3+s0], $0x200, $0x200038;
	[tilespmem:$0xD640] =	vst v63  }
0x65: {  	s29 =	rddreg [dreg:$0xb]  }
.LBB2_8:
0x66: {  	s29 =	sadd.s32 $0xFFFFFFFF, s29  }
0x67: {  	p1 =	sne.s32 s29, $0x0  }
.Ltmp4:
0x68: {  	_ = 	snop;
	(pc) =	sbr.rel @!p1 .LBB2_9-.Ltmp4, $1  }
0x69: {  	_ =	sdelay $0x3  }
.LBB2_4:
0x6a: {  	p1 =	sge.s32 s4, s7  }
.Ltmp5:
0x6b: {  	_ = 	snop;
	(pc) =	sbr.rel @p1 .LBB2_6-.Ltmp5, $1  }
0x6c: {  	_ =	sdelay $0x3  }
0x6d: {  	_ =	swait.ge [sflag:s24], $0x200  }
0x6e: {  	[sflag:s24] =	ssyncset.done $0x0  }
0x6f: {  	[sflag:s24] =	ssyncadd.s32 $0xFFFFFE00  }
0x70: {  	_ =	swait.ge [sflag:s24], $0x200  }
0x71: {  	[sflag:s24] =	ssyncset.done $0x0  }
0x72: {  	s0 =	simm.s32 $0x800;
	[sflag:s24] =	ssyncadd.s32 $0xFFFFFE00  }
0x73: {  	[tilespmem:s0], [sflag:$0x3] =	stream.indirect.gather [hbm4b:s1+s26], $0x20, s10, s26, $0x2000b8;
	[tilespmem:$0xD640] =	vst v63  }
0x74: {  	s3 =	simm.s32 $0x1800  }
0x75: {  	[tilespmem:s3], [sflag:$0x4] =	stream.indirect.gather [hbm4b:s1+s26], $0x20, s26, s26, $0x2000b8;
	[tilespmem:$0xD640] =	vst v63  }
0x76: {  	s4 =	simm.s32 $0x2800;
	s30 =	simm.s32 $0x100  }
0x77: {  	[tilespmem:s4], [sflag:$0x5] =	stream.indirect.gather [hbm4b:s1+s26], $0x20, s30, s26, $0x2000b8;
	[tilespmem:$0xD640] =	vst v63  }
0x78: {  	s12 =	simm.s32 $0x180;
	s30 =	simm.s32 $0x3800  }
0x79: {  	[tilespmem:s30], [sflag:$0x6] =	stream.indirect.gather [hbm4b:s1+s26], $0x20, s12, s26, $0x2000b8;
	[tilespmem:$0xD640] =	vst v63  }
0x7a: {  	s12 =	simm.s32 $0x3  }
0x7b: {  	_ =	swait.ge [sflag:s12], $0x1000  }
0x7c: {  	[sflag:s12] =	ssyncset.done $0x0  }
0x7d: {  	[sflag:s12] =	ssyncadd.s32 $0xFFFFF000;
	s12 =	simm.s32 $0x400  }
0x7e: {  	[spmem:s2] =	stream.indirect.scatter.add.f32 [tilespmem:s0], [sflag:$0xB], $0x20, s12, s26, $0x2000b8;
	[tilespmem:$0xD640] =	vst v63  }
0x7f: {  	s12 =	simm.s32 $0x4  }
0x80: {  	_ =	swait.ge [sflag:s12], $0x1000  }
0x81: {  	[sflag:s12] =	ssyncset.done $0x0  }
0x82: {  	[sflag:s12] =	ssyncadd.s32 $0xFFFFF000;
	s12 =	simm.s32 $0x480  }
0x83: {  	[spmem:s2] =	stream.indirect.scatter.add.f32 [tilespmem:s3], [sflag:$0xC], $0x20, s12, s26, $0x2000b8;
	[tilespmem:$0xD640] =	vst v63  }
0x84: {  	s12 =	simm.s32 $0x5  }
0x85: {  	_ =	swait.ge [sflag:s12], $0x1000  }
0x86: {  	[sflag:s12] =	ssyncset.done $0x0  }
0x87: {  	s3 =	simm.s32 $0x500;
	[sflag:s12] =	ssyncadd.s32 $0xFFFFF000  }
0x88: {  	[spmem:s2] =	stream.indirect.scatter.add.f32 [tilespmem:s4], [sflag:$0xD], $0x20, s3, s26, $0x2000b8;
	[tilespmem:$0xD640] =	vst v63  }
0x89: {  	s4 =	simm.s32 $0x6  }
0x8a: {  	_ =	swait.ge [sflag:s4], $0x1000  }
0x8b: {  	[sflag:s4] =	ssyncset.done $0x0  }
0x8c: {  	s12 =	simm.s32 $0x580;
	[sflag:s4] =	ssyncadd.s32 $0xFFFFF000  }
0x8d: {  	[spmem:s2] =	stream.indirect.scatter.add.f32 [tilespmem:s30], [sflag:$0xE], $0x20, s12, s26, $0x2000b8;
	[tilespmem:$0xD640] =	vst v63  }
0x8e: {  	_ =	swait.ge [sflag:s14], $0x1000  }
0x8f: {  	[sflag:s14] =	ssyncset.done $0x0  }
0x90: {  	[sflag:s14] =	ssyncadd.s32 $0xFFFFF000  }
0x91: {  	_ =	swait.ge [sflag:s15], $0x1000  }
0x92: {  	[sflag:s15] =	ssyncset.done $0x0  }
0x93: {  	[sflag:s15] =	ssyncadd.s32 $0xFFFFF000  }
0x94: {  	_ =	swait.ge [sflag:s16], $0x1000  }
0x95: {  	[sflag:s16] =	ssyncset.done $0x0  }
0x96: {  	[sflag:s16] =	ssyncadd.s32 $0xFFFFF000  }
0x97: {  	_ =	swait.ge [sflag:s25], $0x1000  }
0x98: {  	[sflag:s25] =	ssyncset.done $0x0  }
0x99: {  	[sflag:s25] =	ssyncadd.s32 $0xFFFFF000  }
0x9a: {  	[sflag:s18] =	ssyncset.done $0x0  }
0x9b: {  	[smem:s10], [sflag:$0x15] =	smem.add.s32 $0x1  }
0x9c: {  	_ =	swait.done [sflag:s18]  }
0x9d: {  	s4 =	ssyncread [sflag:$0x15];
	_ =	sdelay $0x2  }
0x9e: {  	p1 =	sge.s32 s4, s7  }
0x9f: {  	s3 =	sadd.s32 @!p1 s8, s4  }
0xa0: {  	s3 =	sshll.u32 @!p1 s3, $0x6  }
0xa1: {  	[sflag:s18] =	ssyncset.s32 $0x0;
	s3 =	sand.u32 @!p1 $0x1FFFFFC0, s3  }
0xa2: {  	[sflag:s18] =	ssyncset.done $0x0;
	s0 =	simm.s32 @!p1 $0x0;
	s30 =	sadd.s32 @!p1 s5, s3  }
0xa3: {  	[tilespmem:s0], [sflag:$0x1] =	stream.linear.gather @!p1 [hbm4b:s30+s0], $0x200, $0x200038;
	[tilespmem:$0xD640] =	vst v63  }
0xa4: {  	s3 =	sadd.s32 @!p1 s6, s3;
	s30 =	simm.s32 @!p1 $0x400  }
0xa5: {  	[tilespmem:s30], [sflag:$0x1] =	stream.linear.gather @!p1 [hbm4b:s3+s0], $0x200, $0x200038;
	[tilespmem:$0xD640] =	vst v63  }
.LBB2_6:
0xa6: {  	p1 =	sge.s32 s13, s7  }
.Ltmp6:
0xa7: {  	_ = 	snop;
	(pc) =	sbr.rel @p1 .LBB2_8-.Ltmp6, $1  }
0xa8: {  	_ =	sdelay $0x3  }
0xa9: {  	_ =	swait.ge [sflag:s9], $0x200  }
0xaa: {  	[sflag:s9] =	ssyncset.done $0x0  }
0xab: {  	[sflag:s9] =	ssyncadd.s32 $0xFFFFFE00  }
0xac: {  	_ =	swait.ge [sflag:s9], $0x200  }
0xad: {  	[sflag:s9] =	ssyncset.done $0x0  }
0xae: {  	s0 =	simm.s32 $0x200;
	s3 =	simm.s32 $0x4800;
	[sflag:s9] =	ssyncadd.s32 $0xFFFFFE00  }
0xaf: {  	[tilespmem:s3], [sflag:$0x7] =	stream.indirect.gather [hbm4b:s1+s26], $0x20, s0, s26, $0x2000b8;
	[tilespmem:$0xD640] =	vst v63  }
0xb0: {  	s13 =	simm.s32 $0x280;
	s12 =	simm.s32 $0x5800  }
0xb1: {  	[tilespmem:s12], [sflag:$0x8] =	stream.indirect.gather [hbm4b:s1+s26], $0x20, s13, s26, $0x2000b8;
	[tilespmem:$0xD640] =	vst v63  }
0xb2: {  	s30 =	simm.s32 $0x300;
	s13 =	simm.s32 $0x6800  }
0xb3: {  	[tilespmem:s13], [sflag:$0x9] =	stream.indirect.gather [hbm4b:s1+s26], $0x20, s30, s26, $0x2000b8;
	[tilespmem:$0xD640] =	vst v63  }
0xb4: {  	s0 =	simm.s32 $0x380;
	s30 =	simm.s32 $0x7800  }
0xb5: {  	[tilespmem:s30], [sflag:$0xA] =	stream.indirect.gather [hbm4b:s1+s26], $0x20, s0, s26, $0x2000b8;
	[tilespmem:$0xD640] =	vst v63  }
0xb6: {  	_ =	swait.ge [sflag:s22], $0x1000  }
0xb7: {  	[sflag:s22] =	ssyncset.done $0x0  }
0xb8: {  	s0 =	simm.s32 $0x600;
	[sflag:s22] =	ssyncadd.s32 $0xFFFFF000  }
0xb9: {  	[spmem:s2] =	stream.indirect.scatter.add.f32 [tilespmem:s3], [sflag:$0xF], $0x20, s0, s26, $0x2000b8;
	[tilespmem:$0xD640] =	vst v63  }
0xba: {  	_ =	swait.ge [sflag:s31], $0x1000  }
0xbb: {  	[sflag:s31] =	ssyncset.done $0x0  }
0xbc: {  	s3 =	simm.s32 $0x680;
	[sflag:s31] =	ssyncadd.s32 $0xFFFFF000  }
0xbd: {  	[spmem:s2] =	stream.indirect.scatter.add.f32 [tilespmem:s12], [sflag:$0x10], $0x20, s3, s26, $0x2000b8;
	[tilespmem:$0xD640] =	vst v63  }
0xbe: {  	_ =	swait.ge [sflag:s28], $0x1000  }
0xbf: {  	[sflag:s28] =	ssyncset.done $0x0  }
0xc0: {  	s12 =	simm.s32 $0x700;
	[sflag:s28] =	ssyncadd.s32 $0xFFFFF000  }
0xc1: {  	[spmem:s2] =	stream.indirect.scatter.add.f32 [tilespmem:s13], [sflag:$0x11], $0x20, s12, s26, $0x2000b8;
	[tilespmem:$0xD640] =	vst v63  }
0xc2: {  	_ =	swait.ge [sflag:s11], $0x1000  }
0xc3: {  	[sflag:s11] =	ssyncset.done $0x0  }
0xc4: {  	s13 =	simm.s32 $0x780;
	[sflag:s11] =	ssyncadd.s32 $0xFFFFF000  }
0xc5: {  	[spmem:s2] =	stream.indirect.scatter.add.f32 [tilespmem:s30], [sflag:$0x12], $0x20, s13, s26, $0x2000b8;
	[tilespmem:$0xD640] =	vst v63  }
0xc6: {  	_ =	swait.ge [sflag:s19], $0x1000  }
0xc7: {  	[sflag:s19] =	ssyncset.done $0x0  }
0xc8: {  	[sflag:s19] =	ssyncadd.s32 $0xFFFFF000  }
0xc9: {  	_ =	swait.ge [sflag:s20], $0x1000  }
0xca: {  	[sflag:s20] =	ssyncset.done $0x0  }
0xcb: {  	[sflag:s20] =	ssyncadd.s32 $0xFFFFF000  }
0xcc: {  	_ =	swait.ge [sflag:s21], $0x1000  }
0xcd: {  	[sflag:s21] =	ssyncset.done $0x0  }
0xce: {  	[sflag:s21] =	ssyncadd.s32 $0xFFFFF000  }
0xcf: {  	_ =	swait.ge [sflag:s17], $0x1000  }
0xd0: {  	[sflag:s17] =	ssyncset.done $0x0  }
0xd1: {  	[sflag:s17] =	ssyncadd.s32 $0xFFFFF000  }
0xd2: {  	[sflag:s23] =	ssyncset.done $0x0  }
0xd3: {  	[smem:s10], [sflag:$0x16] =	smem.add.s32 $0x1  }
0xd4: {  	_ =	swait.done [sflag:s23]  }
0xd5: {  	s13 =	ssyncread [sflag:$0x16];
	_ =	sdelay $0x2  }
0xd6: {  	p1 =	sge.s32 s13, s7  }
0xd7: {  	s0 =	sadd.s32 @!p1 s8, s13  }
0xd8: {  	[sflag:s23] =	ssyncset.s32 $0x0;
	s0 =	sshll.u32 @!p1 s0, $0x6  }
.Ltmp7:
0xd9: {  	[sflag:s23] =	ssyncset.done $0x0;
	s0 =	sand.u32 @!p1 $0x1FFFFFC0, s0;
	(pc) =	sbr.rel .LBB2_8-.Ltmp7, $4  }
0xda: {  	s30 =	simm.s32 @!p1 $0x0;
	s10 =	simm.s32 @!p1 $0x200;
	s3 =	sadd.s32 @!p1 s5, s0  }
0xdb: {  	[tilespmem:s10], [sflag:$0x2] =	stream.linear.gather @!p1 [hbm4b:s3+s30], $0x200, $0x200038;
	[tilespmem:$0xD640] =	vst v63  }
0xdc: {  	s0 =	sadd.s32 @!p1 s6, s0;
	s10 =	simm.s32 $0x0;
	s3 =	simm.s32 @!p1 $0x600  }
0xdd: {  	[tilespmem:s3], [sflag:$0x2] =	stream.linear.gather @!p1 [hbm4b:s0+s30], $0x200, $0x200038;
	[tilespmem:$0xD640] =	vst v63  }
.LBB2_10:
0xde: {  	_ =	sfence.sel $0x180000  }
0xdf: {  	[bflag:$0x0] =	sbarrier.arrive $0xFFFF  }
0xe0: {  	_ =	strace $0x90000052  }
0xe1: {  	[bflag:$0x2] =	sbarrier.arrive $0xFFFF  }
0xe2: {  	s0 =	rddreg [dreg:$0x3]  }
0xe3: {  	s0 =	sadd.s32 @!p0 $0x100000, s0  }
0xe4: {  	[sflag:s0] =	ssyncadd.tile.s32 @!p0 $0x1;
	_ =	shalt  }
.Lfunc_end2:
_tile_overlayer_lowered:
.L_overlay_start_2:
0xe5: {  	(tag) =	ssettag $0x2  }
0xe6: {  	s0 =	rddreg [dreg:$0x0];
	s2 =	stileid.u32  }
0xe7: {  	s1 =	rddreg [dreg:$0x1];
	p0 =	sne.s32 s2, $0x0  }
0xe8: {  	s3 =	rddreg [dreg:$0x2];
	[bflag:$0x3] =	sbarrier.arrive $0xFFFF;
	s2 =	simm.s32 @!p0 $0x1C13  }
0xe9: {  	[timem:s3], [sflag:s2] =	dma.local @!p0 [hbm:s0], s1  }
0xea: {  	s0 =	simm.s32 @!p0 $0x13  }
0xeb: {  	_ =	swait.ge @!p0 [sflag:s0], s1  }
0xec: {  	s1 =	ssub.s32 @!p0 $0x0, s1;
	[sflag:s0] =	ssyncset.done @!p0 $0x0  }
0xed: {  	[sflag:s0] =	ssyncadd.s32 @!p0 s1  }
0xee: {  	[bflag:$0x3] =	sbarrier.arrive $0xFFFF  }
0xef: {  	_ =	shalt  }

// kernel: kernel.9.cloned.1.call-start
scs
__scs_entry_jumppad:
0x0: {  	(pc) =	sbr.rel $0x88, $3  }
0x1: {  	(tag) =	ssettag $0x0;
	lr =	simm.s32 $0x1  }
0x2: {  	[smem:$0x3F9B] =	sst lr;
	_ =	strace $0xD0000000  }
0x3: {  	_ = 	snop  }
0x4: {  	_ = 	snop  }
0x5: {  	_ = 	snop  }
0x6: {  	_ = 	snop  }
0x7: {  	_ = 	snop  }
__scs_overlays_trampoline_lowered:
0x8: {  	[smem:$0x3FAA] =	sst s0  }
0x9: {  	[smem:$0x3FAB] =	sst s1  }
0xa: {  	[smem:$0x3FAC] =	sst s2  }
0xb: {  	[smem:$0x3FAD] =	sst s3  }
0xc: {  	[smem:$0x3FAE] =	sst s4  }
0xd: {  	[smem:$0x3FAF] =	sst s5  }
0xe: {  	[smem:$0x3FB0] =	sst s6  }
0xf: {  	[smem:$0x3FB1] =	sst s7  }
0x10: {  	[smem:$0x3FB2] =	sst s8  }
0x11: {  	[smem:$0x3FB3] =	sst s9;
	s0 =	simm.s32 @!p0 $0x0  }
0x12: {  	s1 =	sld [smem:$0x3F99];
	s0 =	simm.s32 @p0 $0x1  }
0x13: {  	[smem:$0x3FB4] =	sst s0;
	s0 =	simm.s32 @!p1 $0x0  }
0x14: {  	s2 =	sld [smem:$0x3F98];
	s0 =	simm.s32 @p1 $0x1  }
0x15: {  	[smem:$0x3FB5] =	sst s0;
	s0 =	simm.s32 @!p2 $0x0  }
0x16: {  	s3 =	sld [smem:$0x3FDB];
	s0 =	simm.s32 @p2 $0x1  }
0x17: {  	s4 =	simm.s32 $0x1BF5;
	[smem:$0x3FB7] =	sst s0  }
0x18: {  	s0 =	sld [smem:$0x3F9A];
	_ =	swait.ge [sflag:s4], $0x0  }
0x19: {  	s7 =	sld [smem:$0x3F9B]  }
0x1a: {  	s8 =	sadd.s32 $0xFFFFE003, lr  }
0x1b: {  	s9 =	sadd.s32 $0xFFFFFEF7, lr;
	s5 =	simm.s32 $0xFFFFFFFF;
	p2 =	slt.u32 s8, $0xFFFFF086  }
0x1c: {  	p1 =	slt.u32 s9, $0xF7A;
	s5 =	simm.s32 @!p2 $0x0  }
0x1d: {  	s5 =	simm.s32 @p1 $0x1;
	p0 =	seq.s32 s7, s2  }
0x1e: {  	s7 =	smul.u32 @!p0 $0xF7A, s2;
	p2 =	seq.s32 @!p0 s5, $0x0  }
0x1f: {  	s9 =	smul.u32 $0xF7A, s1;
	s8 =	simm.s32 @!p0 $0x1BF5;
	p2 =	por !p2, p0  }
0x20: {  	[sflag:s8] =	ssyncset.s32 @!p0 $0xFFFFF086;
	s6 =	sadd.s32 @!p0 s3, s7;
	s7 =	simm.s32 @!p0 $0x108  }
0x21: {  	s3 =	sadd.s32 s3, s9;
	s6 =	sadd.s32 @!p0 $0x88, s6;
	s7 =	simm.s32 @p2 $0x1082  }
0x22: {  	[simem:s7], [sflag:s8] =	dma.local @!p0 [hbm:s6], $0xF7A  }
0x23: {  	s9 =	sor.u32 $0xD0000000, s2;
	s6 =	simm.s32 $0x108;
	_ =	swait.ge @!p0 [sflag:s8], $0x0  }
0x24: {  	s3 =	sadd.s32 $0x88, s3;
	s6 =	simm.s32 @!p1 $0x1082;
	[sflag:s4] =	ssyncset.s32 $0xFFFFF086  }
0x25: {  	[simem:s6], [sflag:s4] =	dma.local [hbm:s3], $0xF7A  }
0x26: {  	[smem:$0x3F9B] =	sst s1;
	(tag) =	ssettag s2;
	_ =	strace s9  }
0x27: {  	s1 =	sld [smem:$0x3FAB]  }
0x28: {  	s2 =	sld [smem:$0x3FAC]  }
0x29: {  	s4 =	sld [smem:$0x3FAE]  }
0x2a: {  	p0 =	seq.s32 s5, $0x0;
	s5 =	sld [smem:$0x3FAF]  }
0x2b: {  	s6 =	sld [smem:$0x3FB0]  }
0x2c: {  	s7 =	sld [smem:$0x3FB1]  }
0x2d: {  	s3 =	simm.s32 $0x108;
	s8 =	sld [smem:$0x3FB2]  }
0x2e: {  	s3 =	simm.s32 @!p0 $0x1082;
	s9 =	sld [smem:$0x3FB3]  }
0x2f: {  	lr =	sadd.s32 s0, s3;
	s0 =	sld [smem:$0x3FAA]  }
0x30: {  	s3 =	sld [smem:$0x3FAD]  }
0x31: {  	[smem:$0x3FB6] =	sst s10  }
0x32: {  	s10 =	sld [smem:$0x3FB4];
	_ =	sdelay $0x3  }
0x33: {  	p0 =	seq.s32 s10, $0x1;
	s10 =	sld [smem:$0x3FB6];
	_ =	sdelay $0x3  }
0x34: {  	[smem:$0x3FB6] =	sst s10  }
0x35: {  	s10 =	sld [smem:$0x3FB5];
	_ =	sdelay $0x3  }
0x36: {  	p1 =	seq.s32 s10, $0x1;
	s10 =	sld [smem:$0x3FB6];
	_ =	sdelay $0x3  }
0x37: {  	[smem:$0x3FB6] =	sst s10  }
0x38: {  	s10 =	sld [smem:$0x3FB7]  }
0x39: {  	_ = 	snop;
	(pc) =	sbr.ind lr, $3  }
0x3a: {  	_ = 	snop  }
0x3b: {  	_ = 	snop  }
0x3c: {  	p2 =	seq.s32 s10, $0x1;
	s10 =	sld [smem:$0x3FB6]  }
0x3d: {  	_ =	shalt  }
0x3e: {  	_ =	shalt  }
0x3f: {  	_ =	shalt  }
0x40: {  	_ =	shalt  }
0x41: {  	_ =	shalt  }
0x42: {  	_ =	shalt  }
0x43: {  	_ =	shalt  }
0x44: {  	_ =	shalt  }
0x45: {  	_ =	shalt  }
0x46: {  	_ =	shalt  }
0x47: {  	_ =	shalt  }
0x48: {  	_ =	shalt  }
0x49: {  	_ =	shalt  }
0x4a: {  	_ =	shalt  }
0x4b: {  	_ =	shalt  }
0x4c: {  	_ =	shalt  }
0x4d: {  	_ =	shalt  }
0x4e: {  	_ =	shalt  }
0x4f: {  	_ =	shalt  }
0x50: {  	_ =	shalt  }
0x51: {  	_ =	shalt  }
0x52: {  	_ =	shalt  }
0x53: {  	_ =	shalt  }
0x54: {  	_ =	shalt  }
0x55: {  	_ =	shalt  }
0x56: {  	_ =	shalt  }
0x57: {  	_ =	shalt  }
0x58: {  	_ =	shalt  }
0x59: {  	_ =	shalt  }
0x5a: {  	_ =	shalt  }
0x5b: {  	_ =	shalt  }
0x5c: {  	_ =	shalt  }
0x5d: {  	_ =	shalt  }
0x5e: {  	_ =	shalt  }
0x5f: {  	_ =	shalt  }
0x60: {  	_ =	shalt  }
0x61: {  	_ =	shalt  }
0x62: {  	_ =	shalt  }
0x63: {  	_ =	shalt  }
0x64: {  	_ =	shalt  }
0x65: {  	_ =	shalt  }
0x66: {  	_ =	shalt  }
0x67: {  	_ =	shalt  }
0x68: {  	_ =	shalt  }
0x69: {  	_ =	shalt  }
0x6a: {  	_ =	shalt  }
0x6b: {  	_ =	shalt  }
0x6c: {  	_ =	shalt  }
0x6d: {  	_ =	shalt  }
0x6e: {  	_ =	shalt  }
0x6f: {  	_ =	shalt  }
0x70: {  	_ =	shalt  }
0x71: {  	_ =	shalt  }
0x72: {  	_ =	shalt  }
0x73: {  	_ =	shalt  }
0x74: {  	_ =	shalt  }
0x75: {  	_ =	shalt  }
0x76: {  	_ =	shalt  }
0x77: {  	_ =	shalt  }
0x78: {  	_ =	shalt  }
0x79: {  	_ =	shalt  }
0x7a: {  	_ =	shalt  }
0x7b: {  	_ =	shalt  }
0x7c: {  	_ =	shalt  }
0x7d: {  	_ =	shalt  }
0x7e: {  	_ =	shalt  }
0x7f: {  	_ =	shalt  }
0x80: {  	_ =	shalt  }
0x81: {  	_ =	shalt  }
0x82: {  	_ =	shalt  }
0x83: {  	_ =	shalt  }
0x84: {  	_ =	shalt  }
0x85: {  	_ =	shalt  }
0x86: {  	_ =	shalt  }
0x87: {  	_ =	shalt  }
.Lfunc_end0:
.L_simem_size_0:
called_computation_lowered:
.L_overlay_start_0:
0x88: {  	s2 =	sld [smem:$0x3FD9]  }
0x89: {  	s3 =	sld [smem:$0x3FFE];
	_ =	sdelay $0x1  }
0x8a: {  	s1 =	srdreg.scid  }
0x8b: {  	s0 =	sand.u32 $0x1, s1  }
0x8c: {  	s17 =	sshll.u32 s0, $0xA;
	s2 =	sadd.s32 s3, s2  }
0x8d: {  	s2 =	sadd.s32 s2, s17  }
0x8e: {  	[smem:$0x3FC2] =	sst s2  }
0x8f: {  	_ = 	snop  }
0x90: {  	s2 =	sld [smem:$0x3FD0];
	(tm) =	ssettm $0x1  }
0x91: {  	s18 =	sld [smem:$0x3FFB];
	_ =	sdelay $0x3  }
0x92: {  	_ =	strace s18  }
0x93: {  	s3 =	sld [smem:$0x3FFC];
	_ =	sdelay $0x3  }
0x94: {  	_ =	strace s3  }
0x95: {  	s3 =	sld [smem:$0x3FFD];
	_ =	sdelay $0x3  }
0x96: {  	_ =	strace s3  }
0x97: {  	_ =	strace $0x8FFFFFFF  }
0x98: {  	s19 =	sld [smem:$0x3FDB];
	_ =	sdelay $0x1  }
0x99: {  	s4 =	simm.s32 $_scs_section_size  }
0x9a: {  	s5 =	simm.s32 $_size__tile_overlayer_lowered;
	s6 =	simm.s32 $_tile_overlayer_lowered  }
0x9b: {  	s22 =	simm.s32 $0x1BFF;
	s21 =	sshll.u32 s6, $0x1;
	s3 =	sadd.s32 s4, s19  }
0x9c: {  	s7 =	simm.s32 $0x0;
	s20 =	sshll.u32 s5, $0x1;
	s5 =	sadd.s32 s21, s3  }
0x9d: {  	[timem:s7], [sflag:s22] =	dma.local [hbm:s5], s20  }
0x9e: {  	_ =	swait.ge [sflag:s22], s20  }
0x9f: {  	s4 =	ssub.s32 $0x0, s20;
	[sflag:s22] =	ssyncset.done $0x0  }
0xa0: {  	[sflag:s22] =	ssyncadd.s32 s4;
	_ =	sdelay $0x1  }
0xa1: {  	s23 =	simm.s32 $0x1B8B  }
0xa2: {  	_ =	swait.ge [sflag:s23], $0x1  }
0xa3: {  	[sflag:s23] =	ssyncset.done $0x0  }
0xa4: {  	s25 =	simm.s32 $0x1B8E;
	s24 =	sld [smem:$0x3FFE];
	[sflag:s23] =	ssyncadd.s32 $0xFFFFFFFF  }
0xa5: {  	s26 =	simm.s32 $execute0_lowered;
	[smem:$0x3FD2] =	sst s25  }
0xa6: {  	s5 =	sshll.u32 s26, $0x1;
	_ =	strace $0x80000046;
	[dreg:$0x1] =	wrdreg $0xFFFFFFFF  }
0xa7: {  	s28 =	simm.s32 $_size_execute0_lowered;
	s3 =	sadd.s32 s3, s5;
	[dreg:$0x0] =	wrdreg $0x0  }
0xa8: {  	s5 =	sshll.u32 s28, $0x1;
	[dreg:$0x2] =	wrdreg s3  }
0xa9: {  	[dreg:$0x3] =	wrdreg s5  }
0xaa: {  	[dreg:$0x4] =	wrdreg $0xC0  }
0xab: {  	_ =	task [dreg:s7], $0x5FFFF  }
0xac: {  	[dreg:$0x1] =	wrdreg $0xFFFFFFFF  }
0xad: {  	[dreg:$0x0] =	wrdreg $0x60  }
0xae: {  	[dreg:$0x2] =	wrdreg s24  }
0xaf: {  	[dreg:$0x3] =	wrdreg s2  }
0xb0: {  	[dreg:$0x4] =	wrdreg $0x65A00  }
0xb1: {  	[dreg:$0x5] =	wrdreg $0x9  }
0xb2: {  	_ =	task.clear_ibuf [dreg:s7], $0x6FFFF;
	_ =	strace $0x90000046  }
0xb3: {  	s29 =	simm.s32 $0x9;
	_ =	strace $0x80000048  }
0xb4: {  	_ =	swait.ge [sflag:s29], $0x1  }
0xb5: {  	[sflag:s29] =	ssyncadd.s32 $0xFFFFFFFF  }
0xb6: {  	_ =	strace $0x90000048  }
0xb7: {  	_ =	sfence  }
0xb8: {  	s30 =	sld [smem:$0x0];
	_ =	sdelay $0x2  }
0xb9: {  	s31 =	sshll.u32 s1, $0xD;
	s1 =	sshrl.u32 s1, $0x2  }
0xba: {  	s3 =	sand.u32 $0x4000, s31;
	s1 =	sadd.s32 s1, s30  }
0xbb: {  	s0 =	sor.u32 s3, s0;
	s1 =	sshll.u32 s1, $0x11  }
0xbc: {  	s0 =	sor.u32 s1, s0  }
0xbd: {  	s0 =	sadd.s32 $0x8F2B, s0  }
0xbe: {  	[sflag:s0] =	ssyncadd.remote.s32 $0x1  }
0xbf: {  	_ =	sfence.sel $0xFFFF  }
0xc0: {  	[dreg:$0x0] =	wrdreg $0xFFFFFFFF;
	(pc) =	sbr.abs _section_cstart, $3  }
0xc1: {  	[dreg:$0x1] =	wrdreg $0xFFFFFFFF  }
0xc2: {  	_ =	task.clear_ibuf [dreg:s7], $0x2FFFF;
	_ =	strace $0x9FFFFFFF  }
0xc3: {  	(tm) =	ssettm $0x7FFFFFFF  }
tec
execute0_lowered:
.L_overlay_start_1:
0x0: {  	(tag) =	ssettag $0x1  }
0x1: {  	s3 =	rddreg [dreg:$0x0]  }
0x2: {  	s5 =	rddreg [dreg:$0x1]  }
0x3: {  	s1 =	rddreg [dreg:$0x2]  }
0x4: {  	s0 =	rddreg [dreg:$0x3]  }
0x5: {  	s2 =	simm.s32 $0x0;
	s4 =	srdreg.scid;
	s7 =	stileid.u32  }
0x6: {  	s12 =	simm.s32 $0x180;
	s13 =	simm.s32 $0x2;
	s14 =	simm.s32 $0x3  }
0x7: {  	s15 =	simm.s32 $0x4;
	s16 =	simm.s32 $0x5;
	s18 =	simm.s32 $0x0  }
0x8: {  	[smem:$0x7FF] =	sst s2;
	s8 =	sand.u32 $0x1, s4;
	s29 =	smul.u32 $0x1200, s7  }
0x9: {  	s6 =	sadd.s32 $0x1400, s3;
	s9 =	smul.u32 $0x7C0, s7;
	p0 =	sne.s32 s7, $0x0  }
0xa: {  	s7 =	simm.s32 $0x3E80;
	s30 =	ssub.s32 $0x2, s8;
	s11 =	smul.u32 $0x4E2, s8  }
0xb: {  	_ =	strace $0x80000047;
	p1 =	sne.s32 s8, $0x0;
	s8 =	simm.s32 $0x6  }
0xc: {  	s17 =	sshrl.u32 @!p0 s1, $0x3;
	s10 =	sshrl.u32 s30, $0x1;
	s4 =	sshrl.u32 s29, $0x3  }
0xd: {  	s10 =	ssub.s32 s30, s10;
	s31 =	sadd.s32 s6, s4;
	s4 =	sadd.s32 s6, s9  }
0xe: {  	s5 =	sadd.s32 s5, s11;
	s9 =	simm.s32 $0x80;
	s11 =	simm.s32 $0x100  }
0xf: {  	v0 =	vimm.f32 $1.000000000e+00;
	v1 =	vimm.f32 $0.0e+00;
	s3 =	sadd.s32 $0x7C00, s31;
	s6 =	smax.u32 s10, $0x1;
	s10 =	simm.s32 $0x3E00  }
.LBB2_1:
0x10: {  	s19 =	simm.s32 @p1 $0x0  }
0x11: {  	[tilespmem:s19], [sflag:$0x1] =	stream.linear.gather @p1 [hbm4b:s3+s19], $0x1200, $0x38;
	[tilespmem:$0x6818] =	vst v63  }
0x12: {  	s19 =	simm.s32 @!p1 $0x0  }
0x13: {  	[tilespmem:s19], [sflag:$0x1] =	stream.linear.gather @!p1 [hbm4b:s4+s19], $0x3E00, $0x38;
	[tilespmem:$0x6818] =	vst v63  }
0x14: {  	[tilespmem:$0x3E00] =	vst v0  }
0x15: {  	[tilespmem:$0x3E10] =	vst v0  }
0x16: {  	[tilespmem:$0x3E20] =	vst v0  }
.Ltmp0:
0x17: {  	[tilespmem:$0x3E30] =	vst v0;
	(pc) =	sbr.rel @p0 .LBB2_5-.Ltmp0, $4  }
0x18: {  	[tilespmem:$0x3E40] =	vst v0  }
0x19: {  	[tilespmem:$0x3E50] =	vst v0  }
0x1a: {  	[tilespmem:$0x3E60] =	vst v0  }
0x1b: {  	[tilespmem:$0x3E70] =	vst v0  }
0x1c: {  	s19 =	simm.s32 $0x40;
	s20 =	simm.s32 $0x0  }
.LBB2_3:
0x1d: {  	p2 =	sne.s32 s19, $0x9C40;
	[tilespmem:s20+$0x3E80] =	vst v1;
	s20 =	smov.u32 s19;
	s19 =	sadd.s32 $0x40, s19  }
.Ltmp1:
0x1e: {  	(pc) =	sbr.rel @p2 .LBB2_3-.Ltmp1, $2  }
0x1f: {  	_ =	sdelay $0x2  }
0x20: {  	s20 =	sshra.s32 s20, $0x2  }
0x21: {  	[tilespmem:s20+$0x3E80] =	vst v1  }
0x22: {  	[spmem:s1] =	stream.linear.scatter [tilespmem:s7], [sflag:$0x6], $0x2720, $0x38;
	[tilespmem:$0x6818] =	vst v63  }
0x23: {  	_ =	swait.ge [sflag:s8], $0x2720  }
0x24: {  	[sflag:s8] =	ssyncset.done $0x0  }
0x25: {  	[sflag:s8] =	ssyncadd.s32 $0xFFFFD8E0  }
.LBB2_5:
0x26: {  	s19 =	simm.s32 @p1 $0x1  }
0x27: {  	_ =	swait.ge @p1 [sflag:s19], $0x1200  }
0x28: {  	[sflag:s19] =	ssyncset.done @p1 $0x0  }
0x29: {  	[sflag:s19] =	ssyncadd.s32 @p1 $0xFFFFEE00;
	s19 =	simm.s32 @!p1 $0x1  }
0x2a: {  	_ =	swait.ge @!p1 [sflag:s19], $0x3E00  }
0x2b: {  	[sflag:s19] =	ssyncset.done @!p1 $0x0  }
0x2c: {  	[sflag:s19] =	ssyncadd.s32 @!p1 $0xFFFFC200  }
0x2d: {  	[bflag:$0x0] =	sbarrier.arrive $0xFFFF  }
0x2e: {  	[spmem:s1] =	stream.indirect.scatter.add.f32 [tilespmem:s10], [sflag:$0x2], $0x1, s2, s9, $0xb8;
	[tilespmem:$0x6818] =	vst v63  }
0x2f: {  	_ = 	snop  }
0x30: {  	[spmem:s1] =	stream.indirect.scatter.add.f32 [tilespmem:s10], [sflag:$0x3], $0x1, s9, s9, $0xb8;
	[tilespmem:$0x6818] =	vst v63  }
0x31: {  	_ = 	snop  }
0x32: {  	[spmem:s1] =	stream.indirect.scatter.add.f32 [tilespmem:s10], [sflag:$0x4], $0x1, s11, s9, $0xb8;
	[tilespmem:$0x6818] =	vst v63  }
0x33: {  	_ = 	snop  }
0x34: {  	[spmem:s1] =	stream.indirect.scatter.add.f32 [tilespmem:s10], [sflag:$0x5], $0x1, s12, s9, $0xb8;
	[tilespmem:$0x6818] =	vst v63  }
0x35: {  	_ =	swait.ge [sflag:s13], $0x80  }
0x36: {  	[sflag:s13] =	ssyncset.done $0x0  }
0x37: {  	s30 =	simm.s32 $0x200;
	[sflag:s13] =	ssyncadd.s32 $0xFFFFFF80  }
0x38: {  	[spmem:s1] =	stream.indirect.scatter.add.f32 [tilespmem:s10], [sflag:$0x2], $0x1, s30, s9, $0xb8;
	[tilespmem:$0x6818] =	vst v63  }
0x39: {  	_ =	swait.ge [sflag:s14], $0x80  }
0x3a: {  	s19 =	simm.s32 @!p1 $0x1F;
	[sflag:s14] =	ssyncset.done $0x0  }
0x3b: {  	s31 =	simm.s32 $0x280;
	s19 =	simm.s32 @p1 $0x9;
	[sflag:s14] =	ssyncadd.s32 $0xFFFFFF80  }
0x3c: {  	[spmem:s1] =	stream.indirect.scatter.add.f32 [tilespmem:s10], [sflag:$0x3], $0x1, s31, s9, $0xb8;
	[tilespmem:$0x6818] =	vst v63  }
0x3d: {  	s19 =	sadd.s32 $0xFFFFFFFF, s19;
	_ =	swait.ge [sflag:s15], $0x80  }
0x3e: {  	p2 =	sne.s32 s19, $0x1;
	[sflag:s15] =	ssyncset.done $0x0  }
.Ltmp2:
0x3f: {  	s20 =	simm.s32 $0x300;
	[sflag:s15] =	ssyncadd.s32 $0xFFFFFF80;
	(pc) =	sbr.rel @!p2 .LBB2_7-.Ltmp2, $4  }
0x40: {  	[spmem:s1] =	stream.indirect.scatter.add.f32 [tilespmem:s10], [sflag:$0x4], $0x1, s20, s9, $0xb8;
	[tilespmem:$0x6818] =	vst v63  }
0x41: {  	_ =	swait.ge [sflag:s16], $0x80  }
0x42: {  	s21 =	simm.s32 $0x380;
	[sflag:s16] =	ssyncset.done $0x0  }
0x43: {  	s19 =	sadd.s32 $0xFFFFFFFF, s19;
	s20 =	simm.s32 $0x580;
	[sflag:s16] =	ssyncadd.s32 $0xFFFFFF80  }
.LBB2_6:
0x44: {  	[spmem:s1] =	stream.indirect.scatter.add.f32 [tilespmem:s10], [sflag:$0x5], $0x1, s21, s9, $0xb8;
	[tilespmem:$0x6818] =	vst v63  }
0x45: {  	p2 =	sne.s32 s19, $0x1;
	s19 =	sadd.s32 $0xFFFFFFFF, s19;
	_ =	swait.ge [sflag:s13], $0x80  }
0x46: {  	s21 =	smov.u32 s20;
	[sflag:s13] =	ssyncset.done $0x0  }
0x47: {  	s22 =	sadd.s32 $0xFFFFFE80, s20;
	[sflag:s13] =	ssyncadd.s32 $0xFFFFFF80  }
0x48: {  	[spmem:s1] =	stream.indirect.scatter.add.f32 [tilespmem:s10], [sflag:$0x2], $0x1, s22, s9, $0xb8;
	[tilespmem:$0x6818] =	vst v63  }
0x49: {  	_ =	swait.ge [sflag:s14], $0x80  }
0x4a: {  	[sflag:s14] =	ssyncset.done $0x0  }
0x4b: {  	s22 =	sadd.s32 $0xFFFFFF00, s20;
	[sflag:s14] =	ssyncadd.s32 $0xFFFFFF80  }
0x4c: {  	[spmem:s1] =	stream.indirect.scatter.add.f32 [tilespmem:s10], [sflag:$0x3], $0x1, s22, s9, $0xb8;
	[tilespmem:$0x6818] =	vst v63  }
0x4d: {  	_ =	swait.ge [sflag:s15], $0x80  }
0x4e: {  	[sflag:s15] =	ssyncset.done $0x0  }
.Ltmp3:
0x4f: {  	s22 =	sadd.s32 $0xFFFFFF80, s20;
	[sflag:s15] =	ssyncadd.s32 $0xFFFFFF80;
	(pc) =	sbr.rel @p2 .LBB2_6-.Ltmp3, $4  }
0x50: {  	[spmem:s1] =	stream.indirect.scatter.add.f32 [tilespmem:s10], [sflag:$0x4], $0x1, s22, s9, $0xb8;
	[tilespmem:$0x6818] =	vst v63  }
0x51: {  	_ =	swait.ge [sflag:s16], $0x80  }
0x52: {  	[sflag:s16] =	ssyncset.done $0x0  }
0x53: {  	s20 =	sadd.s32 $0x200, s20;
	[sflag:s16] =	ssyncadd.s32 $0xFFFFFF80  }
.LBB2_7:
0x54: {  	[spmem:s1] =	stream.indirect.scatter.add.f32 [tilespmem:s10], [sflag:$0x5], $0x1, s21, s9, $0xb8;
	[tilespmem:$0x6818] =	vst v63  }
0x55: {  	_ =	swait.ge [sflag:s13], $0x80  }
0x56: {  	[sflag:s13] =	ssyncset.done $0x0  }
0x57: {  	[sflag:s13] =	ssyncadd.s32 $0xFFFFFF80  }
0x58: {  	_ =	swait.ge [sflag:s14], $0x80  }
0x59: {  	[sflag:s14] =	ssyncset.done $0x0  }
0x5a: {  	[sflag:s14] =	ssyncadd.s32 $0xFFFFFF80  }
0x5b: {  	_ =	swait.ge [sflag:s15], $0x80  }
0x5c: {  	[sflag:s15] =	ssyncset.done $0x0  }
0x5d: {  	[sflag:s15] =	ssyncadd.s32 $0xFFFFFF80  }
0x5e: {  	_ =	swait.ge [sflag:s16], $0x80  }
0x5f: {  	[sflag:s16] =	ssyncset.done $0x0  }
0x60: {  	s18 =	sadd.s32 $0x1, s18;
	[sflag:s16] =	ssyncadd.s32 $0xFFFFFF80  }
0x61: {  	s19 =	simm.s32 @!p0 $0x1C06;
	p2 =	sne.s32 s18, s6;
	[bflag:$0x0] =	sbarrier.arrive $0xFFFF  }
0x62: {  	[hbm:s5], [sflag:s19] =	dma.local @!p0 [spmem:s17], $0x4E2  }
.Ltmp4:
0x63: {  	_ = 	snop;
	(pc) =	sbr.rel @p2 .LBB2_1-.Ltmp4, $4  }
0x64: {  	s19 =	simm.s32 @!p0 $0x6  }
0x65: {  	_ =	swait.ge @!p0 [sflag:s19], $0x4E2  }
0x66: {  	[sflag:s19] =	ssyncset.done @!p0 $0x0  }
0x67: {  	[sflag:s19] =	ssyncadd.s32 @!p0 $0xFFFFFB1E  }
0x68: {  	_ =	sfence.sel $0x180000  }
0x69: {  	[bflag:$0x0] =	sbarrier.arrive $0xFFFF  }
0x6a: {  	_ =	strace $0x90000047  }
0x6b: {  	s0 =	sadd.s32 @!p0 $0x100000, s0;
	[bflag:$0x2] =	sbarrier.arrive $0xFFFF  }
0x6c: {  	[sflag:s0] =	ssyncadd.tile.s32 @!p0 $0x1;
	_ =	shalt  }
.Lfunc_end2:
_tile_overlayer_lowered:
.L_overlay_start_2:
0x6d: {  	(tag) =	ssettag $0x2  }
0x6e: {  	s0 =	rddreg [dreg:$0x0];
	s2 =	stileid.u32  }
0x6f: {  	s1 =	rddreg [dreg:$0x1];
	p0 =	sne.s32 s2, $0x0  }
0x70: {  	s3 =	rddreg [dreg:$0x2];
	[bflag:$0x3] =	sbarrier.arrive $0xFFFF;
	s2 =	simm.s32 @!p0 $0x1C06  }
0x71: {  	[timem:s3], [sflag:s2] =	dma.local @!p0 [hbm:s0], s1  }
0x72: {  	s0 =	simm.s32 @!p0 $0x6  }
0x73: {  	_ =	swait.ge @!p0 [sflag:s0], s1  }
0x74: {  	s1 =	ssub.s32 @!p0 $0x0, s1;
	[sflag:s0] =	ssyncset.done @!p0 $0x0  }
0x75: {  	[sflag:s0] =	ssyncadd.s32 @!p0 s1  }
0x76: {  	[bflag:$0x3] =	sbarrier.arrive $0xFFFF  }
0x77: {  	_ =	shalt  }

</sc_bundles>
